<compile_context>
chip_gen: v7x
topology: tpu7x:2x2x1
jax: 0.10.2.dev20260603
libtpu: 0.0.44.dev20260713+nightly
codegen_flags: <defaults>
</compile_context>

<pallas_src>
import jax
import jax.numpy as jnp
import numpy as np
from jax import lax
from jax.experimental import pallas as pl
from jax.experimental.pallas import tpu as pltpu
from jax.experimental.pallas import tpu_sc as plsc

N = 8192
D = 3072
NUM_GROUP = 8
ROWS = 64
COLS = 128

_U32 = np.uint32


def _tf_rounds(x0, x1, rots):
    for r in rots:
        x0 = (x0 + x1).astype(_U32)
        x1 = ((x1 << _U32(r)) | (x1 >> _U32(32 - r))).astype(_U32)
        x1 = x0 ^ x1
    return x0, x1


def _tf2x32(k1, k2, x0, x1):
    R0, R1 = (13, 15, 26, 6), (17, 29, 16, 24)
    ks = [_U32(k1), _U32(k2), _U32(k1) ^ _U32(k2) ^ _U32(0x1BD11BDA)]
    x0 = (x0 + ks[0]).astype(_U32)
    x1 = (x1 + ks[1]).astype(_U32)
    for i, rots in enumerate((R0, R1, R0, R1, R0)):
        x0, x1 = _tf_rounds(x0, x1, rots)
        x0 = (x0 + ks[(i + 1) % 3]).astype(_U32)
        x1 = (x1 + ks[(i + 2) % 3] + _U32(i + 1)).astype(_U32)
    return x0, x1


def _fixed_permutation(seed, n):
    with np.errstate(over="ignore"):
        key = (_U32(0), _U32(seed))
        x = np.arange(n)
        for _ in range(2):
            b1, b2 = _tf2x32(key[0], key[1], np.zeros(2, _U32), np.arange(2, dtype=_U32))
            key, sub = (b1[0], b2[0]), (b1[1], b2[1])
            s1, s2 = _tf2x32(sub[0], sub[1], np.zeros(n, _U32), np.arange(n, dtype=_U32))
            x = x[np.argsort(s1 ^ s2, kind="stable")]
    return x


_PERM = _fixed_permutation(1, N)
_INVP = np.argsort(_PERM).astype(np.int32)


def _pos_body(grp_ref, pos_ref):
    grp = grp_ref[...]
    rU = lax.broadcasted_iota(jnp.int32, (COLS, COLS), 0)
    cU = lax.broadcasted_iota(jnp.int32, (COLS, COLS), 1)
    U = (rU <= cU).astype(jnp.float32)
    rL = lax.broadcasted_iota(jnp.int32, (ROWS, ROWS), 0)
    cL = lax.broadcasted_iota(jnp.int32, (ROWS, ROWS), 1)
    Ls = (cL < rL).astype(jnp.float32)

    pos = jnp.zeros((ROWS, COLS), jnp.float32)
    offset = jnp.float32(0.0)
    for g in range(NUM_GROUP):
        m = (grp == g).astype(jnp.float32)
        R = jnp.dot(m, U, preferred_element_type=jnp.float32)
        T = R[:, COLS - 1 :]
        S = jnp.dot(Ls, T, preferred_element_type=jnp.float32)
        incl = R + S
        pos = pos + m * (offset + incl - 1.0)
        offset = offset + jnp.sum(m)
    pos_ref[...] = pos.astype(jnp.int32)


def _compute_pos(grp2d):
    return pl.pallas_call(
        _pos_body,
        out_shape=jax.ShapeDtypeStruct((ROWS, COLS), jnp.int32),
    )(grp2d)


_NC = 2
_NS = 16
_NW = _NC * _NS
_RPW = N // _NW
_CH = 8
_NCHUNK = _RPW // _CH
_NBUF = 4
_LA = 2


def _small_body(
    pos_hbm, tgt_hbm, grp_hbm, invp_hbm,
    otgt_hbm, obit_hbm, ooth_hbm, oc_hbm,
    posb, destw, tgtb, bitb, othb, iotab,
    sem_g, sem_sm,
):
    wid = lax.axis_index("s") * _NC + lax.axis_index("c")
    ebase = wid * _RPW

    h_pos = pltpu.async_copy(pos_hbm.at[pl.ds(ebase, _RPW)], posb, sem_g)
    h_tgt = pltpu.async_copy(tgt_hbm.at[pl.ds(ebase, _RPW)], tgtb, sem_g)
    h_grp = pltpu.async_copy(grp_hbm.at[pl.ds(ebase, _RPW)], othb, sem_g)
    h_pos.wait()
    h_tgt.wait()
    h_grp.wait()

    ghs = [
        pltpu.async_copy(
            invp_hbm.at[posb.at[pl.ds(r * 128, 128)]], destw.at[r], sem_g
        )
        for r in range(2)
    ]
    for j in range(_RPW // 16):
        g = othb[pl.ds(j * 16, 16)]
        bitb[pl.ds(j * 16, 16)] = ((g >> 2) & 1).astype(jnp.float32)
    for j in range(_RPW // 16):
        g = othb[pl.ds(j * 16, 16)]
        othb[pl.ds(j * 16, 16)] = g & 3
    lane = lax.iota(jnp.int32, 16)
    for j in range(_RPW // 16):
        iotab[pl.ds(j * 16, 16)] = lane + (ebase + j * 16)
    for h in ghs:
        h.wait()

    shs = []
    for r in range(2):
        idx = destw.at[r]
        sl = pl.ds(r * 128, 128)
        shs.append(pltpu.async_copy(tgtb.at[sl], otgt_hbm.at[idx], sem_sm))
        shs.append(pltpu.async_copy(bitb.at[sl], obit_hbm.at[idx], sem_sm))
        shs.append(pltpu.async_copy(othb.at[sl], ooth_hbm.at[idx], sem_sm))
        shs.append(pltpu.async_copy(iotab.at[sl], oc_hbm.at[idx], sem_sm))
    for h in shs:
        h.wait()


def _small(pos, tgt, grp, invp):
    f = pl.kernel(
        _small_body,
        out_type=[
            jax.ShapeDtypeStruct((N,), jnp.int32),
            jax.ShapeDtypeStruct((N,), jnp.float32),
            jax.ShapeDtypeStruct((N,), jnp.int32),
            jax.ShapeDtypeStruct((N,), jnp.int32),
        ],
        mesh=plsc.VectorSubcoreMesh(core_axis_name="c", subcore_axis_name="s"),
        scratch_types=[
            pltpu.VMEM((_RPW,), jnp.int32),
            pltpu.VMEM((2, 128), jnp.int32),
            pltpu.VMEM((_RPW,), jnp.int32),
            pltpu.VMEM((_RPW,), jnp.float32),
            pltpu.VMEM((_RPW,), jnp.int32),
            pltpu.VMEM((_RPW,), jnp.int32),
            pltpu.SemaphoreType.DMA,
            pltpu.SemaphoreType.DMA,
        ],
    )
    return f(pos, tgt, grp, invp)


def _img_body(
    img_hbm, c_hbm,
    oimg_hbm,
    cb, buf0, buf1, buf2, buf3,
    sem_ld, sem_st,
):
    wid = lax.axis_index("s") * _NC + lax.axis_index("c")
    ebase = wid * _RPW
    bufs = [buf0, buf1, buf2, buf3]

    pltpu.sync_copy(c_hbm.at[pl.ds(ebase, _RPW)], cb)

    lds = {}
    sts = [None] * _NBUF
    for t in range(_NCHUNK + _LA):
        if t < _NCHUNK:
            b = t % _NBUF
            if sts[b] is not None:
                sts[b].wait()
            lds[t] = pltpu.async_copy(
                img_hbm.at[cb.at[pl.ds(t * _CH, _CH)]], bufs[b], sem_ld
            )
        if t >= _LA:
            tt = t - _LA
            bb = tt % _NBUF
            lds[tt].wait()
            sts[bb] = pltpu.async_copy(
                bufs[bb], oimg_hbm.at[pl.ds(ebase + tt * _CH, _CH)], sem_st
            )
    for b in range(_NBUF):
        if sts[b] is not None:
            sts[b].wait()


def _imgmove(img, c):
    f = pl.kernel(
        _img_body,
        out_type=jax.ShapeDtypeStruct((N, D), jnp.float32),
        mesh=plsc.VectorSubcoreMesh(core_axis_name="c", subcore_axis_name="s"),
        scratch_types=[
            pltpu.VMEM((_RPW,), jnp.int32),
            pltpu.VMEM((_CH, D), jnp.float32),
            pltpu.VMEM((_CH, D), jnp.float32),
            pltpu.VMEM((_CH, D), jnp.float32),
            pltpu.VMEM((_CH, D), jnp.float32),
            pltpu.SemaphoreType.DMA,
            pltpu.SemaphoreType.DMA,
        ],
    )
    return f(img, c)


def kernel(batch_image, batch_target, batch_group):
    img = batch_image.reshape(N, D)
    pos = _compute_pos(batch_group.reshape(ROWS, COLS)).reshape(N)
    invp = jnp.asarray(_INVP)
    otgt, obit, ooth, c = _small(pos, batch_target, batch_group, invp)
    oimg = _imgmove(img, c)
    return (
        oimg.reshape(N, 3, 32, 32),
        otgt,
        obit[:, None],
        ooth[:, None],
    )

# --- scband reference (transcript-rebuilt; emitter-appended) ---
"""Pipeline reference for scband-image-in-turn-12378095747652 (READ-ONLY COPY).

The authoritative reference and input builder live on the scoring server;
editing this copy changes nothing except your own understanding.
"""

import jax, jax.numpy as jnp
import numpy as np

NUM_GROUP = 8
NUM_SA = 3  # int(log2(NUM_GROUP))


def setup_inputs(seed: int = 0) -> dict:
    key = jax.random.key(seed)
    k1, k2, k3 = jax.random.split(key, 3)
    batch_image = jax.random.normal(k1, (8192, 3, 32, 32), dtype=jnp.float32)
    batch_target = jax.random.randint(k2, (8192,), 0, 1000, dtype=jnp.int32)
    batch_group = jax.random.randint(k3, (8192,), 0, NUM_GROUP, dtype=jnp.int32)
    return {"batch_image": batch_image, "batch_target": batch_target, "batch_group": batch_group}


def reference(batch_image, batch_target, batch_group):
    # self._steps starts at 0 -> iter = 0 (first call)
    it = 0 % NUM_SA
    p = NUM_SA - 1 - it  # bit position (from LSB) selected by gb[it]
    bit = (batch_group >> p) & 1
    low = batch_group & ((1 << p) - 1)
    high = batch_group >> (p + 1)
    others = ((high << p) | low).astype(jnp.int32)
    sort_key = bit * NUM_GROUP + batch_group
    order = jnp.argsort(sort_key, stable=True)
    image = batch_image[order]
    target = batch_target[order]
    group = bit[order].astype(jnp.float32)[:, None]
    group_others = others[order][:, None]
    # torch.randperm shuffle -> deterministic jax permutation with fixed key
    perm = jax.random.permutation(jax.random.key(1), image.shape[0])
    return (image[perm], target[perm], group[perm], group_others[perm])

if __name__ == "__main__":
    import jax
    _d = setup_inputs()
    print(jax.jit(kernel)(*tuple(_d.values())))

</pallas_src>

<mosaic_0001>
#map = affine_map<(d0, d1) -> (0)>
module attributes {stable_mosaic.version = 14 : i64} {
  func.func @_small_body(%arg0: i32, %arg1: i32, %arg2: memref<8192xi32, #tpu.memory_space<hbm>>, %arg3: memref<8192xi32, #tpu.memory_space<hbm>>, %arg4: memref<8192xi32, #tpu.memory_space<hbm>>, %arg5: memref<8192xi32, #tpu.memory_space<hbm>>, %arg6: memref<8192xi32, #tpu.memory_space<hbm>>, %arg7: memref<8192xf32, #tpu.memory_space<hbm>>, %arg8: memref<8192xi32, #tpu.memory_space<hbm>>, %arg9: memref<8192xi32, #tpu.memory_space<hbm>>, %arg10: memref<256xi32, #tpu.memory_space<vmem>>, %arg11: memref<2x128xi32, #tpu.memory_space<vmem>>, %arg12: memref<256xi32, #tpu.memory_space<vmem>>, %arg13: memref<256xf32, #tpu.memory_space<vmem>>, %arg14: memref<256xi32, #tpu.memory_space<vmem>>, %arg15: memref<256xi32, #tpu.memory_space<vmem>>, %arg16: memref<!tpu.dma_semaphore, #tpu.memory_space<semaphore_mem>>, %arg17: memref<!tpu.dma_semaphore, #tpu.memory_space<semaphore_mem>>) attributes {dimension_semantics = [#tpu.dimension_semantics<core_parallel>, #tpu.dimension_semantics<subcore_parallel>], iteration_bounds = array<i64: 2, 16>, scalar_prefetch = 0 : i64, scratch_operands = 8 : i64, tpu.core_type = #tpu.core_type<sc_vector_subcore>, window_params = [{transform_indices = #map}, {transform_indices = #map}, {transform_indices = #map}, {transform_indices = #map}, {transform_indices = #map}, {transform_indices = #map}, {transform_indices = #map}, {transform_indices = #map}]} {
    %mul3A = arith.constant 2 : i32
    %mul3A_0 = arith.muli %arg1, %mul3A : i32
    %add3A = arith.addi %mul3A_0, %arg0 : i32
    %mul3A_1 = arith.constant 256 : i32
    %mul3A_2 = arith.muli %add3A, %mul3A_1 : i32
    %dma_start3A = tpu.memref_slice %arg2[%mul3A_2] : memref<8192xi32, #tpu.memory_space<hbm>> -> memref<256xi32, #tpu.memory_space<hbm>>
    %dma_start3A_3 = tpu.memref_slice %arg2[%mul3A_2] : memref<8192xi32, #tpu.memory_space<hbm>> -> memref<256xi32, #tpu.memory_space<hbm>>
    tpu.enqueue_dma source(%dma_start3A_3 : memref<256xi32, #tpu.memory_space<hbm>>) target(%arg10 : memref<256xi32, #tpu.memory_space<vmem>>) target_semaphore(%arg16 : memref<!tpu.dma_semaphore, #tpu.memory_space<semaphore_mem>>)
    %dma_start3A_4 = tpu.memref_slice %arg3[%mul3A_2] : memref<8192xi32, #tpu.memory_space<hbm>> -> memref<256xi32, #tpu.memory_space<hbm>>
    %dma_start3A_5 = tpu.memref_slice %arg3[%mul3A_2] : memref<8192xi32, #tpu.memory_space<hbm>> -> memref<256xi32, #tpu.memory_space<hbm>>
    tpu.enqueue_dma source(%dma_start3A_5 : memref<256xi32, #tpu.memory_space<hbm>>) target(%arg12 : memref<256xi32, #tpu.memory_space<vmem>>) target_semaphore(%arg16 : memref<!tpu.dma_semaphore, #tpu.memory_space<semaphore_mem>>)
    %dma_start3A_6 = tpu.memref_slice %arg4[%mul3A_2] : memref<8192xi32, #tpu.memory_space<hbm>> -> memref<256xi32, #tpu.memory_space<hbm>>
    %dma_start3A_7 = tpu.memref_slice %arg4[%mul3A_2] : memref<8192xi32, #tpu.memory_space<hbm>> -> memref<256xi32, #tpu.memory_space<hbm>>
    tpu.enqueue_dma source(%dma_start3A_7 : memref<256xi32, #tpu.memory_space<hbm>>) target(%arg14 : memref<256xi32, #tpu.memory_space<vmem>>) target_semaphore(%arg16 : memref<!tpu.dma_semaphore, #tpu.memory_space<semaphore_mem>>)
    %dma_wait3A = tpu.memref_slice %arg2[%mul3A_2] : memref<8192xi32, #tpu.memory_space<hbm>> -> memref<256xi32, #tpu.memory_space<hbm>>
    %dma_wait3A_8 = tpu.memref_slice %arg2[%mul3A_2] : memref<8192xi32, #tpu.memory_space<hbm>> -> memref<256xi32, #tpu.memory_space<hbm>>
    tpu.wait_dma2 semaphore(%arg16 : memref<!tpu.dma_semaphore, #tpu.memory_space<semaphore_mem>>) src(%dma_wait3A_8 : memref<256xi32, #tpu.memory_space<hbm>>) dst(%arg10 : memref<256xi32, #tpu.memory_space<vmem>>)
    %dma_wait3A_9 = tpu.memref_slice %arg3[%mul3A_2] : memref<8192xi32, #tpu.memory_space<hbm>> -> memref<256xi32, #tpu.memory_space<hbm>>
    %dma_wait3A_10 = tpu.memref_slice %arg3[%mul3A_2] : memref<8192xi32, #tpu.memory_space<hbm>> -> memref<256xi32, #tpu.memory_space<hbm>>
    tpu.wait_dma2 semaphore(%arg16 : memref<!tpu.dma_semaphore, #tpu.memory_space<semaphore_mem>>) src(%dma_wait3A_10 : memref<256xi32, #tpu.memory_space<hbm>>) dst(%arg12 : memref<256xi32, #tpu.memory_space<vmem>>)
    %dma_wait3A_11 = tpu.memref_slice %arg4[%mul3A_2] : memref<8192xi32, #tpu.memory_space<hbm>> -> memref<256xi32, #tpu.memory_space<hbm>>
    %dma_wait3A_12 = tpu.memref_slice %arg4[%mul3A_2] : memref<8192xi32, #tpu.memory_space<hbm>> -> memref<256xi32, #tpu.memory_space<hbm>>
    tpu.wait_dma2 semaphore(%arg16 : memref<!tpu.dma_semaphore, #tpu.memory_space<semaphore_mem>>) src(%dma_wait3A_12 : memref<256xi32, #tpu.memory_space<hbm>>) dst(%arg14 : memref<256xi32, #tpu.memory_space<vmem>>)
    %dma_start3A_13 = arith.constant 0 : i32
    %dma_start3A_14 = arith.constant 0 : i32
    %dma_start3A_15 = tpu.memref_slice %arg11[%dma_start3A_13, %dma_start3A_14] : memref<2x128xi32, #tpu.memory_space<vmem>> -> memref<1x128xi32, #tpu.memory_space<vmem>>
    %dma_start3A_16 = tpu.memref_squeeze %dma_start3A_15 : memref<1x128xi32, #tpu.memory_space<vmem>> -> memref<128xi32, #tpu.memory_space<vmem>>
    %dma_start3A_17 = arith.constant 0 : i32
    %dma_start3A_18 = tpu.memref_slice %arg10[%dma_start3A_17] : memref<256xi32, #tpu.memory_space<vmem>> -> memref<128xi32, #tpu.memory_space<vmem>>
    %dma_start3A_19 = arith.constant 0 : i32
    %dma_start3A_20 = tpu.memref_slice %arg5[%dma_start3A_19] : memref<8192xi32, #tpu.memory_space<hbm>> -> memref<8192xi32, #tpu.memory_space<hbm>>
    tpu.enqueue_indirect_dma source(%dma_start3A_20 : memref<8192xi32, #tpu.memory_space<hbm>>) target(%dma_start3A_16 : memref<128xi32, #tpu.memory_space<vmem>>) offsets(%dma_start3A_18 : memref<128xi32, #tpu.memory_space<vmem>>) semaphore(%arg16 : memref<!tpu.dma_semaphore, #tpu.memory_space<semaphore_mem>>)
    %dma_start3A_21 = arith.constant 1 : i32
    %dma_start3A_22 = arith.constant 0 : i32
    %dma_start3A_23 = tpu.memref_slice %arg11[%dma_start3A_21, %dma_start3A_22] : memref<2x128xi32, #tpu.memory_space<vmem>> -> memref<1x128xi32, #tpu.memory_space<vmem>>
    %dma_start3A_24 = tpu.memref_squeeze %dma_start3A_23 : memref<1x128xi32, #tpu.memory_space<vmem>> -> memref<128xi32, #tpu.memory_space<vmem>>
    %dma_start3A_25 = arith.constant 128 : i32
    %dma_start3A_26 = tpu.memref_slice %arg10[%dma_start3A_25] : memref<256xi32, #tpu.memory_space<vmem>> -> memref<128xi32, #tpu.memory_space<vmem>>
    %dma_start3A_27 = arith.constant 0 : i32
    %dma_start3A_28 = tpu.memref_slice %arg5[%dma_start3A_27] : memref<8192xi32, #tpu.memory_space<hbm>> -> memref<8192xi32, #tpu.memory_space<hbm>>
    tpu.enqueue_indirect_dma source(%dma_start3A_28 : memref<8192xi32, #tpu.memory_space<hbm>>) target(%dma_start3A_24 : memref<128xi32, #tpu.memory_space<vmem>>) offsets(%dma_start3A_26 : memref<128xi32, #tpu.memory_space<vmem>>) semaphore(%arg16 : memref<!tpu.dma_semaphore, #tpu.memory_space<semaphore_mem>>)
    %get3A = arith.constant 0 : index
    %get3A_29 = tpu.vector_load %arg14[%get3A] {strides = array<i32>} : memref<256xi32, #tpu.memory_space<vmem>>, vector<16xi32>,
    %get3A_30 = vector.shape_cast %get3A_29 : vector<16xi32> to vector<16xi32>
    %shift_right_arithmetic3A = arith.constant 2 : i32
    %shift_right_arithmetic3A_31 = vector.broadcast %shift_right_arithmetic3A : i32 to vector<16xi32>
    %shift_right_arithmetic3A_32 = arith.shrsi %get3A_30, %shift_right_arithmetic3A_31 : vector<16xi32>
    %and3A = arith.constant 1 : i32
    %and3A_33 = vector.broadcast %and3A : i32 to vector<16xi32>
    %and3A_34 = arith.andi %shift_right_arithmetic3A_32, %and3A_33 : vector<16xi32>
    %convert_element_type3A = arith.sitofp %and3A_34 : vector<16xi32> to vector<16xf32>
    %swap3A = arith.constant 0 : index
    %swap3A_35 = tpu.vector_load %arg13[%swap3A] {strides = array<i32>} : memref<256xf32, #tpu.memory_space<vmem>>, vector<16xf32>,
    %swap3A_36 = vector.shape_cast %swap3A_35 : vector<16xf32> to vector<16xf32>
    %swap3A_37 = vector.shape_cast %convert_element_type3A : vector<16xf32> to vector<16xf32>
    tpu.vector_store %arg13[%swap3A], %swap3A_37 {strides = array<i32>} : memref<256xf32, #tpu.memory_space<vmem>>, vector<16xf32>,
    %get3A_38 = arith.constant 16 : index
    %get3A_39 = tpu.vector_load %arg14[%get3A_38] {strides = array<i32>} : memref<256xi32, #tpu.memory_space<vmem>>, vector<16xi32>,
    %get3A_40 = vector.shape_cast %get3A_39 : vector<16xi32> to vector<16xi32>
    %shift_right_arithmetic3A_41 = arith.constant 2 : i32
    %shift_right_arithmetic3A_42 = vector.broadcast %shift_right_arithmetic3A_41 : i32 to vector<16xi32>
    %shift_right_arithmetic3A_43 = arith.shrsi %get3A_40, %shift_right_arithmetic3A_42 : vector<16xi32>
    %and3A_44 = arith.constant 1 : i32
    %and3A_45 = vector.broadcast %and3A_44 : i32 to vector<16xi32>
    %and3A_46 = arith.andi %shift_right_arithmetic3A_43, %and3A_45 : vector<16xi32>
    %convert_element_type3A_47 = arith.sitofp %and3A_46 : vector<16xi32> to vector<16xf32>
    %swap3A_48 = arith.constant 16 : index
    %swap3A_49 = tpu.vector_load %arg13[%swap3A_48] {strides = array<i32>} : memref<256xf32, #tpu.memory_space<vmem>>, vector<16xf32>,
    %swap3A_50 = vector.shape_cast %swap3A_49 : vector<16xf32> to vector<16xf32>
    %swap3A_51 = vector.shape_cast %convert_element_type3A_47 : vector<16xf32> to vector<16xf32>
    tpu.vector_store %arg13[%swap3A_48], %swap3A_51 {strides = array<i32>} : memref<256xf32, #tpu.memory_space<vmem>>, vector<16xf32>,
    %get3A_52 = arith.constant 32 : index
    %get3A_53 = tpu.vector_load %arg14[%get3A_52] {strides = array<i32>} : memref<256xi32, #tpu.memory_space<vmem>>, vector<16xi32>,
    %get3A_54 = vector.shape_cast %get3A_53 : vector<16xi32> to vector<16xi32>
    %shift_right_arithmetic3A_55 = arith.constant 2 : i32
    %shift_right_arithmetic3A_56 = vector.broadcast %shift_right_arithmetic3A_55 : i32 to vector<16xi32>
    %shift_right_arithmetic3A_57 = arith.shrsi %get3A_54, %shift_right_arithmetic3A_56 : vector<16xi32>
    %and3A_58 = arith.constant 1 : i32
    %and3A_59 = vector.broadcast %and3A_58 : i32 to vector<16xi32>
    %and3A_60 = arith.andi %shift_right_arithmetic3A_57, %and3A_59 : vector<16xi32>
    %convert_element_type3A_61 = arith.sitofp %and3A_60 : vector<16xi32> to vector<16xf32>
    %swap3A_62 = arith.constant 32 : index
    %swap3A_63 = tpu.vector_load %arg13[%swap3A_62] {strides = array<i32>} : memref<256xf32, #tpu.memory_space<vmem>>, vector<16xf32>,
    %swap3A_64 = vector.shape_cast %swap3A_63 : vector<16xf32> to vector<16xf32>
    %swap3A_65 = vector.shape_cast %convert_element_type3A_61 : vector<16xf32> to vector<16xf32>
    tpu.vector_store %arg13[%swap3A_62], %swap3A_65 {strides = array<i32>} : memref<256xf32, #tpu.memory_space<vmem>>, vector<16xf32>,
    %get3A_66 = arith.constant 48 : index
    %get3A_67 = tpu.vector_load %arg14[%get3A_66] {strides = array<i32>} : memref<256xi32, #tpu.memory_space<vmem>>, vector<16xi32>,
    %get3A_68 = vector.shape_cast %get3A_67 : vector<16xi32> to vector<16xi32>
    %shift_right_arithmetic3A_69 = arith.constant 2 : i32
    %shift_right_arithmetic3A_70 = vector.broadcast %shift_right_arithmetic3A_69 : i32 to vector<16xi32>
    %shift_right_arithmetic3A_71 = arith.shrsi %get3A_68, %shift_right_arithmetic3A_70 : vector<16xi32>
    %and3A_72 = arith.constant 1 : i32
    %and3A_73 = vector.broadcast %and3A_72 : i32 to vector<16xi32>
    %and3A_74 = arith.andi %shift_right_arithmetic3A_71, %and3A_73 : vector<16xi32>
    %convert_element_type3A_75 = arith.sitofp %and3A_74 : vector<16xi32> to vector<16xf32>
    %swap3A_76 = arith.constant 48 : index
    %swap3A_77 = tpu.vector_load %arg13[%swap3A_76] {strides = array<i32>} : memref<256xf32, #tpu.memory_space<vmem>>, vector<16xf32>,
    %swap3A_78 = vector.shape_cast %swap3A_77 : vector<16xf32> to vector<16xf32>
    %swap3A_79 = vector.shape_cast %convert_element_type3A_75 : vector<16xf32> to vector<16xf32>
    tpu.vector_store %arg13[%swap3A_76], %swap3A_79 {strides = array<i32>} : memref<256xf32, #tpu.memory_space<vmem>>, vector<16xf32>,
    %get3A_80 = arith.constant 64 : index
    %get3A_81 = tpu.vector_load %arg14[%get3A_80] {strides = array<i32>} : memref<256xi32, #tpu.memory_space<vmem>>, vector<16xi32>,
    %get3A_82 = vector.shape_cast %get3A_81 : vector<16xi32> to vector<16xi32>
    %shift_right_arithmetic3A_83 = arith.constant 2 : i32
    %shift_right_arithmetic3A_84 = vector.broadcast %shift_right_arithmetic3A_83 : i32 to vector<16xi32>
    %shift_right_arithmetic3A_85 = arith.shrsi %get3A_82, %shift_right_arithmetic3A_84 : vector<16xi32>
    %and3A_86 = arith.constant 1 : i32
    %and3A_87 = vector.broadcast %and3A_86 : i32 to vector<16xi32>
    %and3A_88 = arith.andi %shift_right_arithmetic3A_85, %and3A_87 : vector<16xi32>
    %convert_element_type3A_89 = arith.sitofp %and3A_88 : vector<16xi32> to vector<16xf32>
    %swap3A_90 = arith.constant 64 : index
    %swap3A_91 = tpu.vector_load %arg13[%swap3A_90] {strides = array<i32>} : memref<256xf32, #tpu.memory_space<vmem>>, vector<16xf32>,
    %swap3A_92 = vector.shape_cast %swap3A_91 : vector<16xf32> to vector<16xf32>
    %swap3A_93 = vector.shape_cast %convert_element_type3A_89 : vector<16xf32> to vector<16xf32>
    tpu.vector_store %arg13[%swap3A_90], %swap3A_93 {strides = array<i32>} : memref<256xf32, #tpu.memory_space<vmem>>, vector<16xf32>,
    %get3A_94 = arith.constant 80 : index
    %get3A_95 = tpu.vector_load %arg14[%get3A_94] {strides = array<i32>} : memref<256xi32, #tpu.memory_space<vmem>>, vector<16xi32>,
    %get3A_96 = vector.shape_cast %get3A_95 : vector<16xi32> to vector<16xi32>
    %shift_right_arithmetic3A_97 = arith.constant 2 : i32
    %shift_right_arithmetic3A_98 = vector.broadcast %shift_right_arithmetic3A_97 : i32 to vector<16xi32>
    %shift_right_arithmetic3A_99 = arith.shrsi %get3A_96, %shift_right_arithmetic3A_98 : vector<16xi32>
    %and3A_100 = arith.constant 1 : i32
    %and3A_101 = vector.broadcast %and3A_100 : i32 to vector<16xi32>
    %and3A_102 = arith.andi %shift_right_arithmetic3A_99, %and3A_101 : vector<16xi32>
    %convert_element_type3A_103 = arith.sitofp %and3A_102 : vector<16xi32> to vector<16xf32>
    %swap3A_104 = arith.constant 80 : index
    %swap3A_105 = tpu.vector_load %arg13[%swap3A_104] {strides = array<i32>} : memref<256xf32, #tpu.memory_space<vmem>>, vector<16xf32>,
    %swap3A_106 = vector.shape_cast %swap3A_105 : vector<16xf32> to vector<16xf32>
    %swap3A_107 = vector.shape_cast %convert_element_type3A_103 : vector<16xf32> to vector<16xf32>
    tpu.vector_store %arg13[%swap3A_104], %swap3A_107 {strides = array<i32>} : memref<256xf32, #tpu.memory_space<vmem>>, vector<16xf32>,
    %get3A_108 = arith.constant 96 : index
    %get3A_109 = tpu.vector_load %arg14[%get3A_108] {strides = array<i32>} : memref<256xi32, #tpu.memory_space<vmem>>, vector<16xi32>,
    %get3A_110 = vector.shape_cast %get3A_109 : vector<16xi32> to vector<16xi32>
    %shift_right_arithmetic3A_111 = arith.constant 2 : i32
    %shift_right_arithmetic3A_112 = vector.broadcast %shift_right_arithmetic3A_111 : i32 to vector<16xi32>
    %shift_right_arithmetic3A_113 = arith.shrsi %get3A_110, %shift_right_arithmetic3A_112 : vector<16xi32>
    %and3A_114 = arith.constant 1 : i32
    %and3A_115 = vector.broadcast %and3A_114 : i32 to vector<16xi32>
    %and3A_116 = arith.andi %shift_right_arithmetic3A_113, %and3A_115 : vector<16xi32>
    %convert_element_type3A_117 = arith.sitofp %and3A_116 : vector<16xi32> to vector<16xf32>
    %swap3A_118 = arith.constant 96 : index
    %swap3A_119 = tpu.vector_load %arg13[%swap3A_118] {strides = array<i32>} : memref<256xf32, #tpu.memory_space<vmem>>, vector<16xf32>,
    %swap3A_120 = vector.shape_cast %swap3A_119 : vector<16xf32> to vector<16xf32>
    %swap3A_121 = vector.shape_cast %convert_element_type3A_117 : vector<16xf32> to vector<16xf32>
    tpu.vector_store %arg13[%swap3A_118], %swap3A_121 {strides = array<i32>} : memref<256xf32, #tpu.memory_space<vmem>>, vector<16xf32>,
    %get3A_122 = arith.constant 112 : index
    %get3A_123 = tpu.vector_load %arg14[%get3A_122] {strides = array<i32>} : memref<256xi32, #tpu.memory_space<vmem>>, vector<16xi32>,
    %get3A_124 = vector.shape_cast %get3A_123 : vector<16xi32> to vector<16xi32>
    %shift_right_arithmetic3A_125 = arith.constant 2 : i32
    %shift_right_arithmetic3A_126 = vector.broadcast %shift_right_arithmetic3A_125 : i32 to vector<16xi32>
    %shift_right_arithmetic3A_127 = arith.shrsi %get3A_124, %shift_right_arithmetic3A_126 : vector<16xi32>
    %and3A_128 = arith.constant 1 : i32
    %and3A_129 = vector.broadcast %and3A_128 : i32 to vector<16xi32>
    %and3A_130 = arith.andi %shift_right_arithmetic3A_127, %and3A_129 : vector<16xi32>
    %convert_element_type3A_131 = arith.sitofp %and3A_130 : vector<16xi32> to vector<16xf32>
    %swap3A_132 = arith.constant 112 : index
    %swap3A_133 = tpu.vector_load %arg13[%swap3A_132] {strides = array<i32>} : memref<256xf32, #tpu.memory_space<vmem>>, vector<16xf32>,
    %swap3A_134 = vector.shape_cast %swap3A_133 : vector<16xf32> to vector<16xf32>
    %swap3A_135 = vector.shape_cast %convert_element_type3A_131 : vector<16xf32> to vector<16xf32>
    tpu.vector_store %arg13[%swap3A_132], %swap3A_135 {strides = array<i32>} : memref<256xf32, #tpu.memory_space<vmem>>, vector<16xf32>,
    %get3A_136 = arith.constant 128 : index
    %get3A_137 = tpu.vector_load %arg14[%get3A_136] {strides = array<i32>} : memref<256xi32, #tpu.memory_space<vmem>>, vector<16xi32>,
    %get3A_138 = vector.shape_cast %get3A_137 : vector<16xi32> to vector<16xi32>
    %shift_right_arithmetic3A_139 = arith.constant 2 : i32
    %shift_right_arithmetic3A_140 = vector.broadcast %shift_right_arithmetic3A_139 : i32 to vector<16xi32>
    %shift_right_arithmetic3A_141 = arith.shrsi %get3A_138, %shift_right_arithmetic3A_140 : vector<16xi32>
    %and3A_142 = arith.constant 1 : i32
    %and3A_143 = vector.broadcast %and3A_142 : i32 to vector<16xi32>
    %and3A_144 = arith.andi %shift_right_arithmetic3A_141, %and3A_143 : vector<16xi32>
    %convert_element_type3A_145 = arith.sitofp %and3A_144 : vector<16xi32> to vector<16xf32>
    %swap3A_146 = arith.constant 128 : index
    %swap3A_147 = tpu.vector_load %arg13[%swap3A_146] {strides = array<i32>} : memref<256xf32, #tpu.memory_space<vmem>>, vector<16xf32>,
    %swap3A_148 = vector.shape_cast %swap3A_147 : vector<16xf32> to vector<16xf32>
    %swap3A_149 = vector.shape_cast %convert_element_type3A_145 : vector<16xf32> to vector<16xf32>
    tpu.vector_store %arg13[%swap3A_146], %swap3A_149 {strides = array<i32>} : memref<256xf32, #tpu.memory_space<vmem>>, vector<16xf32>,
    %get3A_150 = arith.constant 144 : index
    %get3A_151 = tpu.vector_load %arg14[%get3A_150] {strides = array<i32>} : memref<256xi32, #tpu.memory_space<vmem>>, vector<16xi32>,
    %get3A_152 = vector.shape_cast %get3A_151 : vector<16xi32> to vector<16xi32>
    %shift_right_arithmetic3A_153 = arith.constant 2 : i32
    %shift_right_arithmetic3A_154 = vector.broadcast %shift_right_arithmetic3A_153 : i32 to vector<16xi32>
    %shift_right_arithmetic3A_155 = arith.shrsi %get3A_152, %shift_right_arithmetic3A_154 : vector<16xi32>
    %and3A_156 = arith.constant 1 : i32
    %and3A_157 = vector.broadcast %and3A_156 : i32 to vector<16xi32>
    %and3A_158 = arith.andi %shift_right_arithmetic3A_155, %and3A_157 : vector<16xi32>
    %convert_element_type3A_159 = arith.sitofp %and3A_158 : vector<16xi32> to vector<16xf32>
    %swap3A_160 = arith.constant 144 : index
    %swap3A_161 = tpu.vector_load %arg13[%swap3A_160] {strides = array<i32>} : memref<256xf32, #tpu.memory_space<vmem>>, vector<16xf32>,
    %swap3A_162 = vector.shape_cast %swap3A_161 : vector<16xf32> to vector<16xf32>
    %swap3A_163 = vector.shape_cast %convert_element_type3A_159 : vector<16xf32> to vector<16xf32>
    tpu.vector_store %arg13[%swap3A_160], %swap3A_163 {strides = array<i32>} : memref<256xf32, #tpu.memory_space<vmem>>, vector<16xf32>,
    %get3A_164 = arith.constant 160 : index
    %get3A_165 = tpu.vector_load %arg14[%get3A_164] {strides = array<i32>} : memref<256xi32, #tpu.memory_space<vmem>>, vector<16xi32>,
    %get3A_166 = vector.shape_cast %get3A_165 : vector<16xi32> to vector<16xi32>
    %shift_right_arithmetic3A_167 = arith.constant 2 : i32
    %shift_right_arithmetic3A_168 = vector.broadcast %shift_right_arithmetic3A_167 : i32 to vector<16xi32>
    %shift_right_arithmetic3A_169 = arith.shrsi %get3A_166, %shift_right_arithmetic3A_168 : vector<16xi32>
    %and3A_170 = arith.constant 1 : i32
    %and3A_171 = vector.broadcast %and3A_170 : i32 to vector<16xi32>
    %and3A_172 = arith.andi %shift_right_arithmetic3A_169, %and3A_171 : vector<16xi32>
    %convert_element_type3A_173 = arith.sitofp %and3A_172 : vector<16xi32> to vector<16xf32>
    %swap3A_174 = arith.constant 160 : index
    %swap3A_175 = tpu.vector_load %arg13[%swap3A_174] {strides = array<i32>} : memref<256xf32, #tpu.memory_space<vmem>>, vector<16xf32>,
    %swap3A_176 = vector.shape_cast %swap3A_175 : vector<16xf32> to vector<16xf32>
    %swap3A_177 = vector.shape_cast %convert_element_type3A_173 : vector<16xf32> to vector<16xf32>
    tpu.vector_store %arg13[%swap3A_174], %swap3A_177 {strides = array<i32>} : memref<256xf32, #tpu.memory_space<vmem>>, vector<16xf32>,
    %get3A_178 = arith.constant 176 : index
    %get3A_179 = tpu.vector_load %arg14[%get3A_178] {strides = array<i32>} : memref<256xi32, #tpu.memory_space<vmem>>, vector<16xi32>,
    %get3A_180 = vector.shape_cast %get3A_179 : vector<16xi32> to vector<16xi32>
    %shift_right_arithmetic3A_181 = arith.constant 2 : i32
    %shift_right_arithmetic3A_182 = vector.broadcast %shift_right_arithmetic3A_181 : i32 to vector<16xi32>
    %shift_right_arithmetic3A_183 = arith.shrsi %get3A_180, %shift_right_arithmetic3A_182 : vector<16xi32>
    %and3A_184 = arith.constant 1 : i32
    %and3A_185 = vector.broadcast %and3A_184 : i32 to vector<16xi32>
    %and3A_186 = arith.andi %shift_right_arithmetic3A_183, %and3A_185 : vector<16xi32>
    %convert_element_type3A_187 = arith.sitofp %and3A_186 : vector<16xi32> to vector<16xf32>
    %swap3A_188 = arith.constant 176 : index
    %swap3A_189 = tpu.vector_load %arg13[%swap3A_188] {strides = array<i32>} : memref<256xf32, #tpu.memory_space<vmem>>, vector<16xf32>,
    %swap3A_190 = vector.shape_cast %swap3A_189 : vector<16xf32> to vector<16xf32>
    %swap3A_191 = vector.shape_cast %convert_element_type3A_187 : vector<16xf32> to vector<16xf32>
    tpu.vector_store %arg13[%swap3A_188], %swap3A_191 {strides = array<i32>} : memref<256xf32, #tpu.memory_space<vmem>>, vector<16xf32>,
    %get3A_192 = arith.constant 192 : index
    %get3A_193 = tpu.vector_load %arg14[%get3A_192] {strides = array<i32>} : memref<256xi32, #tpu.memory_space<vmem>>, vector<16xi32>,
    %get3A_194 = vector.shape_cast %get3A_193 : vector<16xi32> to vector<16xi32>
    %shift_right_arithmetic3A_195 = arith.constant 2 : i32
    %shift_right_arithmetic3A_196 = vector.broadcast %shift_right_arithmetic3A_195 : i32 to vector<16xi32>
    %shift_right_arithmetic3A_197 = arith.shrsi %get3A_194, %shift_right_arithmetic3A_196 : vector<16xi32>
    %and3A_198 = arith.constant 1 : i32
    %and3A_199 = vector.broadcast %and3A_198 : i32 to vector<16xi32>
    %and3A_200 = arith.andi %shift_right_arithmetic3A_197, %and3A_199 : vector<16xi32>
    %convert_element_type3A_201 = arith.sitofp %and3A_200 : vector<16xi32> to vector<16xf32>
    %swap3A_202 = arith.constant 192 : index
    %swap3A_203 = tpu.vector_load %arg13[%swap3A_202] {strides = array<i32>} : memref<256xf32, #tpu.memory_space<vmem>>, vector<16xf32>,
    %swap3A_204 = vector.shape_cast %swap3A_203 : vector<16xf32> to vector<16xf32>
    %swap3A_205 = vector.shape_cast %convert_element_type3A_201 : vector<16xf32> to vector<16xf32>
    tpu.vector_store %arg13[%swap3A_202], %swap3A_205 {strides = array<i32>} : memref<256xf32, #tpu.memory_space<vmem>>, vector<16xf32>,
    %get3A_206 = arith.constant 208 : index
    %get3A_207 = tpu.vector_load %arg14[%get3A_206] {strides = array<i32>} : memref<256xi32, #tpu.memory_space<vmem>>, vector<16xi32>,
    %get3A_208 = vector.shape_cast %get3A_207 : vector<16xi32> to vector<16xi32>
    %shift_right_arithmetic3A_209 = arith.constant 2 : i32
    %shift_right_arithmetic3A_210 = vector.broadcast %shift_right_arithmetic3A_209 : i32 to vector<16xi32>
    %shift_right_arithmetic3A_211 = arith.shrsi %get3A_208, %shift_right_arithmetic3A_210 : vector<16xi32>
    %and3A_212 = arith.constant 1 : i32
    %and3A_213 = vector.broadcast %and3A_212 : i32 to vector<16xi32>
    %and3A_214 = arith.andi %shift_right_arithmetic3A_211, %and3A_213 : vector<16xi32>
    %convert_element_type3A_215 = arith.sitofp %and3A_214 : vector<16xi32> to vector<16xf32>
    %swap3A_216 = arith.constant 208 : index
    %swap3A_217 = tpu.vector_load %arg13[%swap3A_216] {strides = array<i32>} : memref<256xf32, #tpu.memory_space<vmem>>, vector<16xf32>,
    %swap3A_218 = vector.shape_cast %swap3A_217 : vector<16xf32> to vector<16xf32>
    %swap3A_219 = vector.shape_cast %convert_element_type3A_215 : vector<16xf32> to vector<16xf32>
    tpu.vector_store %arg13[%swap3A_216], %swap3A_219 {strides = array<i32>} : memref<256xf32, #tpu.memory_space<vmem>>, vector<16xf32>,
    %get3A_220 = arith.constant 224 : index
    %get3A_221 = tpu.vector_load %arg14[%get3A_220] {strides = array<i32>} : memref<256xi32, #tpu.memory_space<vmem>>, vector<16xi32>,
    %get3A_222 = vector.shape_cast %get3A_221 : vector<16xi32> to vector<16xi32>
    %shift_right_arithmetic3A_223 = arith.constant 2 : i32
    %shift_right_arithmetic3A_224 = vector.broadcast %shift_right_arithmetic3A_223 : i32 to vector<16xi32>
    %shift_right_arithmetic3A_225 = arith.shrsi %get3A_222, %shift_right_arithmetic3A_224 : vector<16xi32>
    %and3A_226 = arith.constant 1 : i32
    %and3A_227 = vector.broadcast %and3A_226 : i32 to vector<16xi32>
    %and3A_228 = arith.andi %shift_right_arithmetic3A_225, %and3A_227 : vector<16xi32>
    %convert_element_type3A_229 = arith.sitofp %and3A_228 : vector<16xi32> to vector<16xf32>
    %swap3A_230 = arith.constant 224 : index
    %swap3A_231 = tpu.vector_load %arg13[%swap3A_230] {strides = array<i32>} : memref<256xf32, #tpu.memory_space<vmem>>, vector<16xf32>,
    %swap3A_232 = vector.shape_cast %swap3A_231 : vector<16xf32> to vector<16xf32>
    %swap3A_233 = vector.shape_cast %convert_element_type3A_229 : vector<16xf32> to vector<16xf32>
    tpu.vector_store %arg13[%swap3A_230], %swap3A_233 {strides = array<i32>} : memref<256xf32, #tpu.memory_space<vmem>>, vector<16xf32>,
    %get3A_234 = arith.constant 240 : index
    %get3A_235 = tpu.vector_load %arg14[%get3A_234] {strides = array<i32>} : memref<256xi32, #tpu.memory_space<vmem>>, vector<16xi32>,
    %get3A_236 = vector.shape_cast %get3A_235 : vector<16xi32> to vector<16xi32>
    %shift_right_arithmetic3A_237 = arith.constant 2 : i32
    %shift_right_arithmetic3A_238 = vector.broadcast %shift_right_arithmetic3A_237 : i32 to vector<16xi32>
    %shift_right_arithmetic3A_239 = arith.shrsi %get3A_236, %shift_right_arithmetic3A_238 : vector<16xi32>
    %and3A_240 = arith.constant 1 : i32
    %and3A_241 = vector.broadcast %and3A_240 : i32 to vector<16xi32>
    %and3A_242 = arith.andi %shift_right_arithmetic3A_239, %and3A_241 : vector<16xi32>
    %convert_element_type3A_243 = arith.sitofp %and3A_242 : vector<16xi32> to vector<16xf32>
    %swap3A_244 = arith.constant 240 : index
    %swap3A_245 = tpu.vector_load %arg13[%swap3A_244] {strides = array<i32>} : memref<256xf32, #tpu.memory_space<vmem>>, vector<16xf32>,
    %swap3A_246 = vector.shape_cast %swap3A_245 : vector<16xf32> to vector<16xf32>
    %swap3A_247 = vector.shape_cast %convert_element_type3A_243 : vector<16xf32> to vector<16xf32>
    tpu.vector_store %arg13[%swap3A_244], %swap3A_247 {strides = array<i32>} : memref<256xf32, #tpu.memory_space<vmem>>, vector<16xf32>,
    %get3A_248 = arith.constant 0 : index
    %get3A_249 = tpu.vector_load %arg14[%get3A_248] {strides = array<i32>} : memref<256xi32, #tpu.memory_space<vmem>>, vector<16xi32>,
    %get3A_250 = vector.shape_cast %get3A_249 : vector<16xi32> to vector<16xi32>
    %and3A_251 = arith.constant 3 : i32
    %and3A_252 = vector.broadcast %and3A_251 : i32 to vector<16xi32>
    %and3A_253 = arith.andi %get3A_250, %and3A_252 : vector<16xi32>
    %swap3A_254 = arith.constant 0 : index
    %swap3A_255 = tpu.vector_load %arg14[%swap3A_254] {strides = array<i32>} : memref<256xi32, #tpu.memory_space<vmem>>, vector<16xi32>,
    %swap3A_256 = vector.shape_cast %swap3A_255 : vector<16xi32> to vector<16xi32>
    %swap3A_257 = vector.shape_cast %and3A_253 : vector<16xi32> to vector<16xi32>
    tpu.vector_store %arg14[%swap3A_254], %swap3A_257 {strides = array<i32>} : memref<256xi32, #tpu.memory_space<vmem>>, vector<16xi32>,
    %get3A_258 = arith.constant 16 : index
    %get3A_259 = tpu.vector_load %arg14[%get3A_258] {strides = array<i32>} : memref<256xi32, #tpu.memory_space<vmem>>, vector<16xi32>,
    %get3A_260 = vector.shape_cast %get3A_259 : vector<16xi32> to vector<16xi32>
    %and3A_261 = arith.constant 3 : i32
    %and3A_262 = vector.broadcast %and3A_261 : i32 to vector<16xi32>
    %and3A_263 = arith.andi %get3A_260, %and3A_262 : vector<16xi32>
    %swap3A_264 = arith.constant 16 : index
    %swap3A_265 = tpu.vector_load %arg14[%swap3A_264] {strides = array<i32>} : memref<256xi32, #tpu.memory_space<vmem>>, vector<16xi32>,
    %swap3A_266 = vector.shape_cast %swap3A_265 : vector<16xi32> to vector<16xi32>
    %swap3A_267 = vector.shape_cast %and3A_263 : vector<16xi32> to vector<16xi32>
    tpu.vector_store %arg14[%swap3A_264], %swap3A_267 {strides = array<i32>} : memref<256xi32, #tpu.memory_space<vmem>>, vector<16xi32>,
    %get3A_268 = arith.constant 32 : index
    %get3A_269 = tpu.vector_load %arg14[%get3A_268] {strides = array<i32>} : memref<256xi32, #tpu.memory_space<vmem>>, vector<16xi32>,
    %get3A_270 = vector.shape_cast %get3A_269 : vector<16xi32> to vector<16xi32>
    %and3A_271 = arith.constant 3 : i32
    %and3A_272 = vector.broadcast %and3A_271 : i32 to vector<16xi32>
    %and3A_273 = arith.andi %get3A_270, %and3A_272 : vector<16xi32>
    %swap3A_274 = arith.constant 32 : index
    %swap3A_275 = tpu.vector_load %arg14[%swap3A_274] {strides = array<i32>} : memref<256xi32, #tpu.memory_space<vmem>>, vector<16xi32>,
    %swap3A_276 = vector.shape_cast %swap3A_275 : vector<16xi32> to vector<16xi32>
    %swap3A_277 = vector.shape_cast %and3A_273 : vector<16xi32> to vector<16xi32>
    tpu.vector_store %arg14[%swap3A_274], %swap3A_277 {strides = array<i32>} : memref<256xi32, #tpu.memory_space<vmem>>, vector<16xi32>,
    %get3A_278 = arith.constant 48 : index
    %get3A_279 = tpu.vector_load %arg14[%get3A_278] {strides = array<i32>} : memref<256xi32, #tpu.memory_space<vmem>>, vector<16xi32>,
    %get3A_280 = vector.shape_cast %get3A_279 : vector<16xi32> to vector<16xi32>
    %and3A_281 = arith.constant 3 : i32
    %and3A_282 = vector.broadcast %and3A_281 : i32 to vector<16xi32>
    %and3A_283 = arith.andi %get3A_280, %and3A_282 : vector<16xi32>
    %swap3A_284 = arith.constant 48 : index
    %swap3A_285 = tpu.vector_load %arg14[%swap3A_284] {strides = array<i32>} : memref<256xi32, #tpu.memory_space<vmem>>, vector<16xi32>,
    %swap3A_286 = vector.shape_cast %swap3A_285 : vector<16xi32> to vector<16xi32>
    %swap3A_287 = vector.shape_cast %and3A_283 : vector<16xi32> to vector<16xi32>
    tpu.vector_store %arg14[%swap3A_284], %swap3A_287 {strides = array<i32>} : memref<256xi32, #tpu.memory_space<vmem>>, vector<16xi32>,
    %get3A_288 = arith.constant 64 : index
    %get3A_289 = tpu.vector_load %arg14[%get3A_288] {strides = array<i32>} : memref<256xi32, #tpu.memory_space<vmem>>, vector<16xi32>,
    %get3A_290 = vector.shape_cast %get3A_289 : vector<16xi32> to vector<16xi32>
    %and3A_291 = arith.constant 3 : i32
    %and3A_292 = vector.broadcast %and3A_291 : i32 to vector<16xi32>
    %and3A_293 = arith.andi %get3A_290, %and3A_292 : vector<16xi32>
    %swap3A_294 = arith.constant 64 : index
    %swap3A_295 = tpu.vector_load %arg14[%swap3A_294] {strides = array<i32>} : memref<256xi32, #tpu.memory_space<vmem>>, vector<16xi32>,
    %swap3A_296 = vector.shape_cast %swap3A_295 : vector<16xi32> to vector<16xi32>
    %swap3A_297 = vector.shape_cast %and3A_293 : vector<16xi32> to vector<16xi32>
    tpu.vector_store %arg14[%swap3A_294], %swap3A_297 {strides = array<i32>} : memref<256xi32, #tpu.memory_space<vmem>>, vector<16xi32>,
    %get3A_298 = arith.constant 80 : index
    %get3A_299 = tpu.vector_load %arg14[%get3A_298] {strides = array<i32>} : memref<256xi32, #tpu.memory_space<vmem>>, vector<16xi32>,
    %get3A_300 = vector.shape_cast %get3A_299 : vector<16xi32> to vector<16xi32>
    %and3A_301 = arith.constant 3 : i32
    %and3A_302 = vector.broadcast %and3A_301 : i32 to vector<16xi32>
    %and3A_303 = arith.andi %get3A_300, %and3A_302 : vector<16xi32>
    %swap3A_304 = arith.constant 80 : index
    %swap3A_305 = tpu.vector_load %arg14[%swap3A_304] {strides = array<i32>} : memref<256xi32, #tpu.memory_space<vmem>>, vector<16xi32>,
    %swap3A_306 = vector.shape_cast %swap3A_305 : vector<16xi32> to vector<16xi32>
    %swap3A_307 = vector.shape_cast %and3A_303 : vector<16xi32> to vector<16xi32>
    tpu.vector_store %arg14[%swap3A_304], %swap3A_307 {strides = array<i32>} : memref<256xi32, #tpu.memory_space<vmem>>, vector<16xi32>,
    %get3A_308 = arith.constant 96 : index
    %get3A_309 = tpu.vector_load %arg14[%get3A_308] {strides = array<i32>} : memref<256xi32, #tpu.memory_space<vmem>>, vector<16xi32>,
    %get3A_310 = vector.shape_cast %get3A_309 : vector<16xi32> to vector<16xi32>
    %and3A_311 = arith.constant 3 : i32
    %and3A_312 = vector.broadcast %and3A_311 : i32 to vector<16xi32>
    %and3A_313 = arith.andi %get3A_310, %and3A_312 : vector<16xi32>
    %swap3A_314 = arith.constant 96 : index
    %swap3A_315 = tpu.vector_load %arg14[%swap3A_314] {strides = array<i32>} : memref<256xi32, #tpu.memory_space<vmem>>, vector<16xi32>,
    %swap3A_316 = vector.shape_cast %swap3A_315 : vector<16xi32> to vector<16xi32>
    %swap3A_317 = vector.shape_cast %and3A_313 : vector<16xi32> to vector<16xi32>
    tpu.vector_store %arg14[%swap3A_314], %swap3A_317 {strides = array<i32>} : memref<256xi32, #tpu.memory_space<vmem>>, vector<16xi32>,
    %get3A_318 = arith.constant 112 : index
    %get3A_319 = tpu.vector_load %arg14[%get3A_318] {strides = array<i32>} : memref<256xi32, #tpu.memory_space<vmem>>, vector<16xi32>,
    %get3A_320 = vector.shape_cast %get3A_319 : vector<16xi32> to vector<16xi32>
    %and3A_321 = arith.constant 3 : i32
    %and3A_322 = vector.broadcast %and3A_321 : i32 to vector<16xi32>
    %and3A_323 = arith.andi %get3A_320, %and3A_322 : vector<16xi32>
    %swap3A_324 = arith.constant 112 : index
    %swap3A_325 = tpu.vector_load %arg14[%swap3A_324] {strides = array<i32>} : memref<256xi32, #tpu.memory_space<vmem>>, vector<16xi32>,
    %swap3A_326 = vector.shape_cast %swap3A_325 : vector<16xi32> to vector<16xi32>
    %swap3A_327 = vector.shape_cast %and3A_323 : vector<16xi32> to vector<16xi32>
    tpu.vector_store %arg14[%swap3A_324], %swap3A_327 {strides = array<i32>} : memref<256xi32, #tpu.memory_space<vmem>>, vector<16xi32>,
    %get3A_328 = arith.constant 128 : index
    %get3A_329 = tpu.vector_load %arg14[%get3A_328] {strides = array<i32>} : memref<256xi32, #tpu.memory_space<vmem>>, vector<16xi32>,
    %get3A_330 = vector.shape_cast %get3A_329 : vector<16xi32> to vector<16xi32>
    %and3A_331 = arith.constant 3 : i32
    %and3A_332 = vector.broadcast %and3A_331 : i32 to vector<16xi32>
    %and3A_333 = arith.andi %get3A_330, %and3A_332 : vector<16xi32>
    %swap3A_334 = arith.constant 128 : index
    %swap3A_335 = tpu.vector_load %arg14[%swap3A_334] {strides = array<i32>} : memref<256xi32, #tpu.memory_space<vmem>>, vector<16xi32>,
    %swap3A_336 = vector.shape_cast %swap3A_335 : vector<16xi32> to vector<16xi32>
    %swap3A_337 = vector.shape_cast %and3A_333 : vector<16xi32> to vector<16xi32>
    tpu.vector_store %arg14[%swap3A_334], %swap3A_337 {strides = array<i32>} : memref<256xi32, #tpu.memory_space<vmem>>, vector<16xi32>,
    %get3A_338 = arith.constant 144 : index
    %get3A_339 = tpu.vector_load %arg14[%get3A_338] {strides = array<i32>} : memref<256xi32, #tpu.memory_space<vmem>>, vector<16xi32>,
    %get3A_340 = vector.shape_cast %get3A_339 : vector<16xi32> to vector<16xi32>
    %and3A_341 = arith.constant 3 : i32
    %and3A_342 = vector.broadcast %and3A_341 : i32 to vector<16xi32>
    %and3A_343 = arith.andi %get3A_340, %and3A_342 : vector<16xi32>
    %swap3A_344 = arith.constant 144 : index
    %swap3A_345 = tpu.vector_load %arg14[%swap3A_344] {strides = array<i32>} : memref<256xi32, #tpu.memory_space<vmem>>, vector<16xi32>,
    %swap3A_346 = vector.shape_cast %swap3A_345 : vector<16xi32> to vector<16xi32>
    %swap3A_347 = vector.shape_cast %and3A_343 : vector<16xi32> to vector<16xi32>
    tpu.vector_store %arg14[%swap3A_344], %swap3A_347 {strides = array<i32>} : memref<256xi32, #tpu.memory_space<vmem>>, vector<16xi32>,
    %get3A_348 = arith.constant 160 : index
    %get3A_349 = tpu.vector_load %arg14[%get3A_348] {strides = array<i32>} : memref<256xi32, #tpu.memory_space<vmem>>, vector<16xi32>,
    %get3A_350 = vector.shape_cast %get3A_349 : vector<16xi32> to vector<16xi32>
    %and3A_351 = arith.constant 3 : i32
    %and3A_352 = vector.broadcast %and3A_351 : i32 to vector<16xi32>
    %and3A_353 = arith.andi %get3A_350, %and3A_352 : vector<16xi32>
    %swap3A_354 = arith.constant 160 : index
    %swap3A_355 = tpu.vector_load %arg14[%swap3A_354] {strides = array<i32>} : memref<256xi32, #tpu.memory_space<vmem>>, vector<16xi32>,
    %swap3A_356 = vector.shape_cast %swap3A_355 : vector<16xi32> to vector<16xi32>
    %swap3A_357 = vector.shape_cast %and3A_353 : vector<16xi32> to vector<16xi32>
    tpu.vector_store %arg14[%swap3A_354], %swap3A_357 {strides = array<i32>} : memref<256xi32, #tpu.memory_space<vmem>>, vector<16xi32>,
    %get3A_358 = arith.constant 176 : index
    %get3A_359 = tpu.vector_load %arg14[%get3A_358] {strides = array<i32>} : memref<256xi32, #tpu.memory_space<vmem>>, vector<16xi32>,
    %get3A_360 = vector.shape_cast %get3A_359 : vector<16xi32> to vector<16xi32>
    %and3A_361 = arith.constant 3 : i32
    %and3A_362 = vector.broadcast %and3A_361 : i32 to vector<16xi32>
    %and3A_363 = arith.andi %get3A_360, %and3A_362 : vector<16xi32>
    %swap3A_364 = arith.constant 176 : index
    %swap3A_365 = tpu.vector_load %arg14[%swap3A_364] {strides = array<i32>} : memref<256xi32, #tpu.memory_space<vmem>>, vector<16xi32>,
    %swap3A_366 = vector.shape_cast %swap3A_365 : vector<16xi32> to vector<16xi32>
    %swap3A_367 = vector.shape_cast %and3A_363 : vector<16xi32> to vector<16xi32>
    tpu.vector_store %arg14[%swap3A_364], %swap3A_367 {strides = array<i32>} : memref<256xi32, #tpu.memory_space<vmem>>, vector<16xi32>,
    %get3A_368 = arith.constant 192 : index
    %get3A_369 = tpu.vector_load %arg14[%get3A_368] {strides = array<i32>} : memref<256xi32, #tpu.memory_space<vmem>>, vector<16xi32>,
    %get3A_370 = vector.shape_cast %get3A_369 : vector<16xi32> to vector<16xi32>
    %and3A_371 = arith.constant 3 : i32
    %and3A_372 = vector.broadcast %and3A_371 : i32 to vector<16xi32>
    %and3A_373 = arith.andi %get3A_370, %and3A_372 : vector<16xi32>
    %swap3A_374 = arith.constant 192 : index
    %swap3A_375 = tpu.vector_load %arg14[%swap3A_374] {strides = array<i32>} : memref<256xi32, #tpu.memory_space<vmem>>, vector<16xi32>,
    %swap3A_376 = vector.shape_cast %swap3A_375 : vector<16xi32> to vector<16xi32>
    %swap3A_377 = vector.shape_cast %and3A_373 : vector<16xi32> to vector<16xi32>
    tpu.vector_store %arg14[%swap3A_374], %swap3A_377 {strides = array<i32>} : memref<256xi32, #tpu.memory_space<vmem>>, vector<16xi32>,
    %get3A_378 = arith.constant 208 : index
    %get3A_379 = tpu.vector_load %arg14[%get3A_378] {strides = array<i32>} : memref<256xi32, #tpu.memory_space<vmem>>, vector<16xi32>,
    %get3A_380 = vector.shape_cast %get3A_379 : vector<16xi32> to vector<16xi32>
    %and3A_381 = arith.constant 3 : i32
    %and3A_382 = vector.broadcast %and3A_381 : i32 to vector<16xi32>
    %and3A_383 = arith.andi %get3A_380, %and3A_382 : vector<16xi32>
    %swap3A_384 = arith.constant 208 : index
    %swap3A_385 = tpu.vector_load %arg14[%swap3A_384] {strides = array<i32>} : memref<256xi32, #tpu.memory_space<vmem>>, vector<16xi32>,
    %swap3A_386 = vector.shape_cast %swap3A_385 : vector<16xi32> to vector<16xi32>
    %swap3A_387 = vector.shape_cast %and3A_383 : vector<16xi32> to vector<16xi32>
    tpu.vector_store %arg14[%swap3A_384], %swap3A_387 {strides = array<i32>} : memref<256xi32, #tpu.memory_space<vmem>>, vector<16xi32>,
    %get3A_388 = arith.constant 224 : index
    %get3A_389 = tpu.vector_load %arg14[%get3A_388] {strides = array<i32>} : memref<256xi32, #tpu.memory_space<vmem>>, vector<16xi32>,
    %get3A_390 = vector.shape_cast %get3A_389 : vector<16xi32> to vector<16xi32>
    %and3A_391 = arith.constant 3 : i32
    %and3A_392 = vector.broadcast %and3A_391 : i32 to vector<16xi32>
    %and3A_393 = arith.andi %get3A_390, %and3A_392 : vector<16xi32>
    %swap3A_394 = arith.constant 224 : index
    %swap3A_395 = tpu.vector_load %arg14[%swap3A_394] {strides = array<i32>} : memref<256xi32, #tpu.memory_space<vmem>>, vector<16xi32>,
    %swap3A_396 = vector.shape_cast %swap3A_395 : vector<16xi32> to vector<16xi32>
    %swap3A_397 = vector.shape_cast %and3A_393 : vector<16xi32> to vector<16xi32>
    tpu.vector_store %arg14[%swap3A_394], %swap3A_397 {strides = array<i32>} : memref<256xi32, #tpu.memory_space<vmem>>, vector<16xi32>,
    %get3A_398 = arith.constant 240 : index
    %get3A_399 = tpu.vector_load %arg14[%get3A_398] {strides = array<i32>} : memref<256xi32, #tpu.memory_space<vmem>>, vector<16xi32>,
    %get3A_400 = vector.shape_cast %get3A_399 : vector<16xi32> to vector<16xi32>
    %and3A_401 = arith.constant 3 : i32
    %and3A_402 = vector.broadcast %and3A_401 : i32 to vector<16xi32>
    %and3A_403 = arith.andi %get3A_400, %and3A_402 : vector<16xi32>
    %swap3A_404 = arith.constant 240 : index
    %swap3A_405 = tpu.vector_load %arg14[%swap3A_404] {strides = array<i32>} : memref<256xi32, #tpu.memory_space<vmem>>, vector<16xi32>,
    %swap3A_406 = vector.shape_cast %swap3A_405 : vector<16xi32> to vector<16xi32>
    %swap3A_407 = vector.shape_cast %and3A_403 : vector<16xi32> to vector<16xi32>
    tpu.vector_store %arg14[%swap3A_404], %swap3A_407 {strides = array<i32>} : memref<256xi32, #tpu.memory_space<vmem>>, vector<16xi32>,
    %iota3A = tpu.iota {dimensions = array<i32: 0>} : vector<16xi32>
    %add3A_408 = arith.constant 0 : i32
    %add3A_409 = arith.addi %mul3A_2, %add3A_408 : i32
    %add3A_410 = vector.broadcast %add3A_409 : i32 to vector<16xi32>
    %add3A_411 = arith.addi %iota3A, %add3A_410 : vector<16xi32>
    %swap3A_412 = arith.constant 0 : index
    %swap3A_413 = tpu.vector_load %arg15[%swap3A_412] {strides = array<i32>} : memref<256xi32, #tpu.memory_space<vmem>>, vector<16xi32>,
    %swap3A_414 = vector.shape_cast %swap3A_413 : vector<16xi32> to vector<16xi32>
    %swap3A_415 = vector.shape_cast %add3A_411 : vector<16xi32> to vector<16xi32>
    tpu.vector_store %arg15[%swap3A_412], %swap3A_415 {strides = array<i32>} : memref<256xi32, #tpu.memory_space<vmem>>, vector<16xi32>,
    %add3A_416 = arith.constant 16 : i32
    %add3A_417 = arith.addi %mul3A_2, %add3A_416 : i32
    %add3A_418 = vector.broadcast %add3A_417 : i32 to vector<16xi32>
    %add3A_419 = arith.addi %iota3A, %add3A_418 : vector<16xi32>
    %swap3A_420 = arith.constant 16 : index
    %swap3A_421 = tpu.vector_load %arg15[%swap3A_420] {strides = array<i32>} : memref<256xi32, #tpu.memory_space<vmem>>, vector<16xi32>,
    %swap3A_422 = vector.shape_cast %swap3A_421 : vector<16xi32> to vector<16xi32>
    %swap3A_423 = vector.shape_cast %add3A_419 : vector<16xi32> to vector<16xi32>
    tpu.vector_store %arg15[%swap3A_420], %swap3A_423 {strides = array<i32>} : memref<256xi32, #tpu.memory_space<vmem>>, vector<16xi32>,
    %add3A_424 = arith.constant 32 : i32
    %add3A_425 = arith.addi %mul3A_2, %add3A_424 : i32
    %add3A_426 = vector.broadcast %add3A_425 : i32 to vector<16xi32>
    %add3A_427 = arith.addi %iota3A, %add3A_426 : vector<16xi32>
    %swap3A_428 = arith.constant 32 : index
    %swap3A_429 = tpu.vector_load %arg15[%swap3A_428] {strides = array<i32>} : memref<256xi32, #tpu.memory_space<vmem>>, vector<16xi32>,
    %swap3A_430 = vector.shape_cast %swap3A_429 : vector<16xi32> to vector<16xi32>
    %swap3A_431 = vector.shape_cast %add3A_427 : vector<16xi32> to vector<16xi32>
    tpu.vector_store %arg15[%swap3A_428], %swap3A_431 {strides = array<i32>} : memref<256xi32, #tpu.memory_space<vmem>>, vector<16xi32>,
    %add3A_432 = arith.constant 48 : i32
    %add3A_433 = arith.addi %mul3A_2, %add3A_432 : i32
    %add3A_434 = vector.broadcast %add3A_433 : i32 to vector<16xi32>
    %add3A_435 = arith.addi %iota3A, %add3A_434 : vector<16xi32>
    %swap3A_436 = arith.constant 48 : index
    %swap3A_437 = tpu.vector_load %arg15[%swap3A_436] {strides = array<i32>} : memref<256xi32, #tpu.memory_space<vmem>>, vector<16xi32>,
    %swap3A_438 = vector.shape_cast %swap3A_437 : vector<16xi32> to vector<16xi32>
    %swap3A_439 = vector.shape_cast %add3A_435 : vector<16xi32> to vector<16xi32>
    tpu.vector_store %arg15[%swap3A_436], %swap3A_439 {strides = array<i32>} : memref<256xi32, #tpu.memory_space<vmem>>, vector<16xi32>,
    %add3A_440 = arith.constant 64 : i32
    %add3A_441 = arith.addi %mul3A_2, %add3A_440 : i32
    %add3A_442 = vector.broadcast %add3A_441 : i32 to vector<16xi32>
    %add3A_443 = arith.addi %iota3A, %add3A_442 : vector<16xi32>
    %swap3A_444 = arith.constant 64 : index
    %swap3A_445 = tpu.vector_load %arg15[%swap3A_444] {strides = array<i32>} : memref<256xi32, #tpu.memory_space<vmem>>, vector<16xi32>,
    %swap3A_446 = vector.shape_cast %swap3A_445 : vector<16xi32> to vector<16xi32>
    %swap3A_447 = vector.shape_cast %add3A_443 : vector<16xi32> to vector<16xi32>
    tpu.vector_store %arg15[%swap3A_444], %swap3A_447 {strides = array<i32>} : memref<256xi32, #tpu.memory_space<vmem>>, vector<16xi32>,
    %add3A_448 = arith.constant 80 : i32
    %add3A_449 = arith.addi %mul3A_2, %add3A_448 : i32
    %add3A_450 = vector.broadcast %add3A_449 : i32 to vector<16xi32>
    %add3A_451 = arith.addi %iota3A, %add3A_450 : vector<16xi32>
    %swap3A_452 = arith.constant 80 : index
    %swap3A_453 = tpu.vector_load %arg15[%swap3A_452] {strides = array<i32>} : memref<256xi32, #tpu.memory_space<vmem>>, vector<16xi32>,
    %swap3A_454 = vector.shape_cast %swap3A_453 : vector<16xi32> to vector<16xi32>
    %swap3A_455 = vector.shape_cast %add3A_451 : vector<16xi32> to vector<16xi32>
    tpu.vector_store %arg15[%swap3A_452], %swap3A_455 {strides = array<i32>} : memref<256xi32, #tpu.memory_space<vmem>>, vector<16xi32>,
    %add3A_456 = arith.constant 96 : i32
    %add3A_457 = arith.addi %mul3A_2, %add3A_456 : i32
    %add3A_458 = vector.broadcast %add3A_457 : i32 to vector<16xi32>
    %add3A_459 = arith.addi %iota3A, %add3A_458 : vector<16xi32>
    %swap3A_460 = arith.constant 96 : index
    %swap3A_461 = tpu.vector_load %arg15[%swap3A_460] {strides = array<i32>} : memref<256xi32, #tpu.memory_space<vmem>>, vector<16xi32>,
    %swap3A_462 = vector.shape_cast %swap3A_461 : vector<16xi32> to vector<16xi32>
    %swap3A_463 = vector.shape_cast %add3A_459 : vector<16xi32> to vector<16xi32>
    tpu.vector_store %arg15[%swap3A_460], %swap3A_463 {strides = array<i32>} : memref<256xi32, #tpu.memory_space<vmem>>, vector<16xi32>,
    %add3A_464 = arith.constant 112 : i32
    %add3A_465 = arith.addi %mul3A_2, %add3A_464 : i32
    %add3A_466 = vector.broadcast %add3A_465 : i32 to vector<16xi32>
    %add3A_467 = arith.addi %iota3A, %add3A_466 : vector<16xi32>
    %swap3A_468 = arith.constant 112 : index
    %swap3A_469 = tpu.vector_load %arg15[%swap3A_468] {strides = array<i32>} : memref<256xi32, #tpu.memory_space<vmem>>, vector<16xi32>,
    %swap3A_470 = vector.shape_cast %swap3A_469 : vector<16xi32> to vector<16xi32>
    %swap3A_471 = vector.shape_cast %add3A_467 : vector<16xi32> to vector<16xi32>
    tpu.vector_store %arg15[%swap3A_468], %swap3A_471 {strides = array<i32>} : memref<256xi32, #tpu.memory_space<vmem>>, vector<16xi32>,
    %add3A_472 = arith.constant 128 : i32
    %add3A_473 = arith.addi %mul3A_2, %add3A_472 : i32
    %add3A_474 = vector.broadcast %add3A_473 : i32 to vector<16xi32>
    %add3A_475 = arith.addi %iota3A, %add3A_474 : vector<16xi32>
    %swap3A_476 = arith.constant 128 : index
    %swap3A_477 = tpu.vector_load %arg15[%swap3A_476] {strides = array<i32>} : memref<256xi32, #tpu.memory_space<vmem>>, vector<16xi32>,
    %swap3A_478 = vector.shape_cast %swap3A_477 : vector<16xi32> to vector<16xi32>
    %swap3A_479 = vector.shape_cast %add3A_475 : vector<16xi32> to vector<16xi32>
    tpu.vector_store %arg15[%swap3A_476], %swap3A_479 {strides = array<i32>} : memref<256xi32, #tpu.memory_space<vmem>>, vector<16xi32>,
    %add3A_480 = arith.constant 144 : i32
    %add3A_481 = arith.addi %mul3A_2, %add3A_480 : i32
    %add3A_482 = vector.broadcast %add3A_481 : i32 to vector<16xi32>
    %add3A_483 = arith.addi %iota3A, %add3A_482 : vector<16xi32>
    %swap3A_484 = arith.constant 144 : index
    %swap3A_485 = tpu.vector_load %arg15[%swap3A_484] {strides = array<i32>} : memref<256xi32, #tpu.memory_space<vmem>>, vector<16xi32>,
    %swap3A_486 = vector.shape_cast %swap3A_485 : vector<16xi32> to vector<16xi32>
    %swap3A_487 = vector.shape_cast %add3A_483 : vector<16xi32> to vector<16xi32>
    tpu.vector_store %arg15[%swap3A_484], %swap3A_487 {strides = array<i32>} : memref<256xi32, #tpu.memory_space<vmem>>, vector<16xi32>,
    %add3A_488 = arith.constant 160 : i32
    %add3A_489 = arith.addi %mul3A_2, %add3A_488 : i32
    %add3A_490 = vector.broadcast %add3A_489 : i32 to vector<16xi32>
    %add3A_491 = arith.addi %iota3A, %add3A_490 : vector<16xi32>
    %swap3A_492 = arith.constant 160 : index
    %swap3A_493 = tpu.vector_load %arg15[%swap3A_492] {strides = array<i32>} : memref<256xi32, #tpu.memory_space<vmem>>, vector<16xi32>,
    %swap3A_494 = vector.shape_cast %swap3A_493 : vector<16xi32> to vector<16xi32>
    %swap3A_495 = vector.shape_cast %add3A_491 : vector<16xi32> to vector<16xi32>
    tpu.vector_store %arg15[%swap3A_492], %swap3A_495 {strides = array<i32>} : memref<256xi32, #tpu.memory_space<vmem>>, vector<16xi32>,
    %add3A_496 = arith.constant 176 : i32
    %add3A_497 = arith.addi %mul3A_2, %add3A_496 : i32
    %add3A_498 = vector.broadcast %add3A_497 : i32 to vector<16xi32>
    %add3A_499 = arith.addi %iota3A, %add3A_498 : vector<16xi32>
    %swap3A_500 = arith.constant 176 : index
    %swap3A_501 = tpu.vector_load %arg15[%swap3A_500] {strides = array<i32>} : memref<256xi32, #tpu.memory_space<vmem>>, vector<16xi32>,
    %swap3A_502 = vector.shape_cast %swap3A_501 : vector<16xi32> to vector<16xi32>
    %swap3A_503 = vector.shape_cast %add3A_499 : vector<16xi32> to vector<16xi32>
    tpu.vector_store %arg15[%swap3A_500], %swap3A_503 {strides = array<i32>} : memref<256xi32, #tpu.memory_space<vmem>>, vector<16xi32>,
    %add3A_504 = arith.constant 192 : i32
    %add3A_505 = arith.addi %mul3A_2, %add3A_504 : i32
    %add3A_506 = vector.broadcast %add3A_505 : i32 to vector<16xi32>
    %add3A_507 = arith.addi %iota3A, %add3A_506 : vector<16xi32>
    %swap3A_508 = arith.constant 192 : index
    %swap3A_509 = tpu.vector_load %arg15[%swap3A_508] {strides = array<i32>} : memref<256xi32, #tpu.memory_space<vmem>>, vector<16xi32>,
    %swap3A_510 = vector.shape_cast %swap3A_509 : vector<16xi32> to vector<16xi32>
    %swap3A_511 = vector.shape_cast %add3A_507 : vector<16xi32> to vector<16xi32>
    tpu.vector_store %arg15[%swap3A_508], %swap3A_511 {strides = array<i32>} : memref<256xi32, #tpu.memory_space<vmem>>, vector<16xi32>,
    %add3A_512 = arith.constant 208 : i32
    %add3A_513 = arith.addi %mul3A_2, %add3A_512 : i32
    %add3A_514 = vector.broadcast %add3A_513 : i32 to vector<16xi32>
    %add3A_515 = arith.addi %iota3A, %add3A_514 : vector<16xi32>
    %swap3A_516 = arith.constant 208 : index
    %swap3A_517 = tpu.vector_load %arg15[%swap3A_516] {strides = array<i32>} : memref<256xi32, #tpu.memory_space<vmem>>, vector<16xi32>,
    %swap3A_518 = vector.shape_cast %swap3A_517 : vector<16xi32> to vector<16xi32>
    %swap3A_519 = vector.shape_cast %add3A_515 : vector<16xi32> to vector<16xi32>
    tpu.vector_store %arg15[%swap3A_516], %swap3A_519 {strides = array<i32>} : memref<256xi32, #tpu.memory_space<vmem>>, vector<16xi32>,
    %add3A_520 = arith.constant 224 : i32
    %add3A_521 = arith.addi %mul3A_2, %add3A_520 : i32
    %add3A_522 = vector.broadcast %add3A_521 : i32 to vector<16xi32>
    %add3A_523 = arith.addi %iota3A, %add3A_522 : vector<16xi32>
    %swap3A_524 = arith.constant 224 : index
    %swap3A_525 = tpu.vector_load %arg15[%swap3A_524] {strides = array<i32>} : memref<256xi32, #tpu.memory_space<vmem>>, vector<16xi32>,
    %swap3A_526 = vector.shape_cast %swap3A_525 : vector<16xi32> to vector<16xi32>
    %swap3A_527 = vector.shape_cast %add3A_523 : vector<16xi32> to vector<16xi32>
    tpu.vector_store %arg15[%swap3A_524], %swap3A_527 {strides = array<i32>} : memref<256xi32, #tpu.memory_space<vmem>>, vector<16xi32>,
    %add3A_528 = arith.constant 240 : i32
    %add3A_529 = arith.addi %mul3A_2, %add3A_528 : i32
    %add3A_530 = vector.broadcast %add3A_529 : i32 to vector<16xi32>
    %add3A_531 = arith.addi %iota3A, %add3A_530 : vector<16xi32>
    %swap3A_532 = arith.constant 240 : index
    %swap3A_533 = tpu.vector_load %arg15[%swap3A_532] {strides = array<i32>} : memref<256xi32, #tpu.memory_space<vmem>>, vector<16xi32>,
    %swap3A_534 = vector.shape_cast %swap3A_533 : vector<16xi32> to vector<16xi32>
    %swap3A_535 = vector.shape_cast %add3A_531 : vector<16xi32> to vector<16xi32>
    tpu.vector_store %arg15[%swap3A_532], %swap3A_535 {strides = array<i32>} : memref<256xi32, #tpu.memory_space<vmem>>, vector<16xi32>,
    %dma_wait3A_536 = arith.constant 0 : i32
    %dma_wait3A_537 = arith.constant 0 : i32
    %dma_wait3A_538 = tpu.memref_slice %arg11[%dma_wait3A_536, %dma_wait3A_537] : memref<2x128xi32, #tpu.memory_space<vmem>> -> memref<1x128xi32, #tpu.memory_space<vmem>>
    %dma_wait3A_539 = tpu.memref_squeeze %dma_wait3A_538 : memref<1x128xi32, #tpu.memory_space<vmem>> -> memref<128xi32, #tpu.memory_space<vmem>>
    %dma_wait3A_540 = arith.constant 0 : i32
    %dma_wait3A_541 = tpu.memref_slice %arg10[%dma_wait3A_540] : memref<256xi32, #tpu.memory_space<vmem>> -> memref<128xi32, #tpu.memory_space<vmem>>
    %dma_wait3A_542 = arith.constant 0 : i32
    %dma_wait3A_543 = tpu.memref_slice %arg5[%dma_wait3A_542] : memref<8192xi32, #tpu.memory_space<hbm>> -> memref<8192xi32, #tpu.memory_space<hbm>>
    tpu.wait_indirect_dma semaphore(%arg16 : memref<!tpu.dma_semaphore, #tpu.memory_space<semaphore_mem>>) src(%dma_wait3A_543 : memref<8192xi32, #tpu.memory_space<hbm>>) dst(%dma_wait3A_539 : memref<128xi32, #tpu.memory_space<vmem>>)
    %dma_wait3A_544 = arith.constant 1 : i32
    %dma_wait3A_545 = arith.constant 0 : i32
    %dma_wait3A_546 = tpu.memref_slice %arg11[%dma_wait3A_544, %dma_wait3A_545] : memref<2x128xi32, #tpu.memory_space<vmem>> -> memref<1x128xi32, #tpu.memory_space<vmem>>
    %dma_wait3A_547 = tpu.memref_squeeze %dma_wait3A_546 : memref<1x128xi32, #tpu.memory_space<vmem>> -> memref<128xi32, #tpu.memory_space<vmem>>
    %dma_wait3A_548 = arith.constant 128 : i32
    %dma_wait3A_549 = tpu.memref_slice %arg10[%dma_wait3A_548] : memref<256xi32, #tpu.memory_space<vmem>> -> memref<128xi32, #tpu.memory_space<vmem>>
    %dma_wait3A_550 = arith.constant 0 : i32
    %dma_wait3A_551 = tpu.memref_slice %arg5[%dma_wait3A_550] : memref<8192xi32, #tpu.memory_space<hbm>> -> memref<8192xi32, #tpu.memory_space<hbm>>
    tpu.wait_indirect_dma semaphore(%arg16 : memref<!tpu.dma_semaphore, #tpu.memory_space<semaphore_mem>>) src(%dma_wait3A_551 : memref<8192xi32, #tpu.memory_space<hbm>>) dst(%dma_wait3A_547 : memref<128xi32, #tpu.memory_space<vmem>>)
    %dma_start3A_552 = arith.constant 0 : i32
    %dma_start3A_553 = arith.constant 0 : i32
    %dma_start3A_554 = tpu.memref_slice %arg12[%dma_start3A_553] : memref<256xi32, #tpu.memory_space<vmem>> -> memref<128xi32, #tpu.memory_space<vmem>>
    %dma_start3A_555 = arith.constant 0 : i32
    %dma_start3A_556 = tpu.memref_slice %arg11[%dma_start3A_552, %dma_start3A_555] : memref<2x128xi32, #tpu.memory_space<vmem>> -> memref<1x128xi32, #tpu.memory_space<vmem>>
    %dma_start3A_557 = tpu.memref_squeeze %dma_start3A_556 : memref<1x128xi32, #tpu.memory_space<vmem>> -> memref<128xi32, #tpu.memory_space<vmem>>
    %dma_start3A_558 = arith.constant 0 : i32
    %dma_start3A_559 = tpu.memref_slice %arg6[%dma_start3A_558] : memref<8192xi32, #tpu.memory_space<hbm>> -> memref<8192xi32, #tpu.memory_space<hbm>>
    tpu.enqueue_indirect_dma source(%dma_start3A_554 : memref<128xi32, #tpu.memory_space<vmem>>) target(%dma_start3A_559 : memref<8192xi32, #tpu.memory_space<hbm>>) offsets(%dma_start3A_557 : memref<128xi32, #tpu.memory_space<vmem>>) semaphore(%arg17 : memref<!tpu.dma_semaphore, #tpu.memory_space<semaphore_mem>>)
    %dma_start3A_560 = arith.constant 0 : i32
    %dma_start3A_561 = arith.constant 0 : i32
    %dma_start3A_562 = tpu.memref_slice %arg13[%dma_start3A_561] : memref<256xf32, #tpu.memory_space<vmem>> -> memref<128xf32, #tpu.memory_space<vmem>>
    %dma_start3A_563 = arith.constant 0 : i32
    %dma_start3A_564 = tpu.memref_slice %arg11[%dma_start3A_560, %dma_start3A_563] : memref<2x128xi32, #tpu.memory_space<vmem>> -> memref<1x128xi32, #tpu.memory_space<vmem>>
    %dma_start3A_565 = tpu.memref_squeeze %dma_start3A_564 : memref<1x128xi32, #tpu.memory_space<vmem>> -> memref<128xi32, #tpu.memory_space<vmem>>
    %dma_start3A_566 = arith.constant 0 : i32
    %dma_start3A_567 = tpu.memref_slice %arg7[%dma_start3A_566] : memref<8192xf32, #tpu.memory_space<hbm>> -> memref<8192xf32, #tpu.memory_space<hbm>>
    tpu.enqueue_indirect_dma source(%dma_start3A_562 : memref<128xf32, #tpu.memory_space<vmem>>) target(%dma_start3A_567 : memref<8192xf32, #tpu.memory_space<hbm>>) offsets(%dma_start3A_565 : memref<128xi32, #tpu.memory_space<vmem>>) semaphore(%arg17 : memref<!tpu.dma_semaphore, #tpu.memory_space<semaphore_mem>>)
    %dma_start3A_568 = arith.constant 0 : i32
    %dma_start3A_569 = arith.constant 0 : i32
    %dma_start3A_570 = tpu.memref_slice %arg14[%dma_start3A_569] : memref<256xi32, #tpu.memory_space<vmem>> -> memref<128xi32, #tpu.memory_space<vmem>>
    %dma_start3A_571 = arith.constant 0 : i32
    %dma_start3A_572 = tpu.memref_slice %arg11[%dma_start3A_568, %dma_start3A_571] : memref<2x128xi32, #tpu.memory_space<vmem>> -> memref<1x128xi32, #tpu.memory_space<vmem>>
    %dma_start3A_573 = tpu.memref_squeeze %dma_start3A_572 : memref<1x128xi32, #tpu.memory_space<vmem>> -> memref<128xi32, #tpu.memory_space<vmem>>
    %dma_start3A_574 = arith.constant 0 : i32
    %dma_start3A_575 = tpu.memref_slice %arg8[%dma_start3A_574] : memref<8192xi32, #tpu.memory_space<hbm>> -> memref<8192xi32, #tpu.memory_space<hbm>>
    tpu.enqueue_indirect_dma source(%dma_start3A_570 : memref<128xi32, #tpu.memory_space<vmem>>) target(%dma_start3A_575 : memref<8192xi32, #tpu.memory_space<hbm>>) offsets(%dma_start3A_573 : memref<128xi32, #tpu.memory_space<vmem>>) semaphore(%arg17 : memref<!tpu.dma_semaphore, #tpu.memory_space<semaphore_mem>>)
    %dma_start3A_576 = arith.constant 0 : i32
    %dma_start3A_577 = arith.constant 0 : i32
    %dma_start3A_578 = tpu.memref_slice %arg15[%dma_start3A_577] : memref<256xi32, #tpu.memory_space<vmem>> -> memref<128xi32, #tpu.memory_space<vmem>>
    %dma_start3A_579 = arith.constant 0 : i32
    %dma_start3A_580 = tpu.memref_slice %arg11[%dma_start3A_576, %dma_start3A_579] : memref<2x128xi32, #tpu.memory_space<vmem>> -> memref<1x128xi32, #tpu.memory_space<vmem>>
    %dma_start3A_581 = tpu.memref_squeeze %dma_start3A_580 : memref<1x128xi32, #tpu.memory_space<vmem>> -> memref<128xi32, #tpu.memory_space<vmem>>
    %dma_start3A_582 = arith.constant 0 : i32
    %dma_start3A_583 = tpu.memref_slice %arg9[%dma_start3A_582] : memref<8192xi32, #tpu.memory_space<hbm>> -> memref<8192xi32, #tpu.memory_space<hbm>>
    tpu.enqueue_indirect_dma source(%dma_start3A_578 : memref<128xi32, #tpu.memory_space<vmem>>) target(%dma_start3A_583 : memref<8192xi32, #tpu.memory_space<hbm>>) offsets(%dma_start3A_581 : memref<128xi32, #tpu.memory_space<vmem>>) semaphore(%arg17 : memref<!tpu.dma_semaphore, #tpu.memory_space<semaphore_mem>>)
    %dma_start3A_584 = arith.constant 1 : i32
    %dma_start3A_585 = arith.constant 128 : i32
    %dma_start3A_586 = tpu.memref_slice %arg12[%dma_start3A_585] : memref<256xi32, #tpu.memory_space<vmem>> -> memref<128xi32, #tpu.memory_space<vmem>>
    %dma_start3A_587 = arith.constant 0 : i32
    %dma_start3A_588 = tpu.memref_slice %arg11[%dma_start3A_584, %dma_start3A_587] : memref<2x128xi32, #tpu.memory_space<vmem>> -> memref<1x128xi32, #tpu.memory_space<vmem>>
    %dma_start3A_589 = tpu.memref_squeeze %dma_start3A_588 : memref<1x128xi32, #tpu.memory_space<vmem>> -> memref<128xi32, #tpu.memory_space<vmem>>
    %dma_start3A_590 = arith.constant 0 : i32
    %dma_start3A_591 = tpu.memref_slice %arg6[%dma_start3A_590] : memref<8192xi32, #tpu.memory_space<hbm>> -> memref<8192xi32, #tpu.memory_space<hbm>>
    tpu.enqueue_indirect_dma source(%dma_start3A_586 : memref<128xi32, #tpu.memory_space<vmem>>) target(%dma_start3A_591 : memref<8192xi32, #tpu.memory_space<hbm>>) offsets(%dma_start3A_589 : memref<128xi32, #tpu.memory_space<vmem>>) semaphore(%arg17 : memref<!tpu.dma_semaphore, #tpu.memory_space<semaphore_mem>>)
    %dma_start3A_592 = arith.constant 1 : i32
    %dma_start3A_593 = arith.constant 128 : i32
    %dma_start3A_594 = tpu.memref_slice %arg13[%dma_start3A_593] : memref<256xf32, #tpu.memory_space<vmem>> -> memref<128xf32, #tpu.memory_space<vmem>>
    %dma_start3A_595 = arith.constant 0 : i32
    %dma_start3A_596 = tpu.memref_slice %arg11[%dma_start3A_592, %dma_start3A_595] : memref<2x128xi32, #tpu.memory_space<vmem>> -> memref<1x128xi32, #tpu.memory_space<vmem>>
    %dma_start3A_597 = tpu.memref_squeeze %dma_start3A_596 : memref<1x128xi32, #tpu.memory_space<vmem>> -> memref<128xi32, #tpu.memory_space<vmem>>
    %dma_start3A_598 = arith.constant 0 : i32
    %dma_start3A_599 = tpu.memref_slice %arg7[%dma_start3A_598] : memref<8192xf32, #tpu.memory_space<hbm>> -> memref<8192xf32, #tpu.memory_space<hbm>>
    tpu.enqueue_indirect_dma source(%dma_start3A_594 : memref<128xf32, #tpu.memory_space<vmem>>) target(%dma_start3A_599 : memref<8192xf32, #tpu.memory_space<hbm>>) offsets(%dma_start3A_597 : memref<128xi32, #tpu.memory_space<vmem>>) semaphore(%arg17 : memref<!tpu.dma_semaphore, #tpu.memory_space<semaphore_mem>>)
    %dma_start3A_600 = arith.constant 1 : i32
    %dma_start3A_601 = arith.constant 128 : i32
    %dma_start3A_602 = tpu.memref_slice %arg14[%dma_start3A_601] : memref<256xi32, #tpu.memory_space<vmem>> -> memref<128xi32, #tpu.memory_space<vmem>>
    %dma_start3A_603 = arith.constant 0 : i32
    %dma_start3A_604 = tpu.memref_slice %arg11[%dma_start3A_600, %dma_start3A_603] : memref<2x128xi32, #tpu.memory_space<vmem>> -> memref<1x128xi32, #tpu.memory_space<vmem>>
    %dma_start3A_605 = tpu.memref_squeeze %dma_start3A_604 : memref<1x128xi32, #tpu.memory_space<vmem>> -> memref<128xi32, #tpu.memory_space<vmem>>
    %dma_start3A_606 = arith.constant 0 : i32
    %dma_start3A_607 = tpu.memref_slice %arg8[%dma_start3A_606] : memref<8192xi32, #tpu.memory_space<hbm>> -> memref<8192xi32, #tpu.memory_space<hbm>>
    tpu.enqueue_indirect_dma source(%dma_start3A_602 : memref<128xi32, #tpu.memory_space<vmem>>) target(%dma_start3A_607 : memref<8192xi32, #tpu.memory_space<hbm>>) offsets(%dma_start3A_605 : memref<128xi32, #tpu.memory_space<vmem>>) semaphore(%arg17 : memref<!tpu.dma_semaphore, #tpu.memory_space<semaphore_mem>>)
    %dma_start3A_608 = arith.constant 1 : i32
    %dma_start3A_609 = arith.constant 128 : i32
    %dma_start3A_610 = tpu.memref_slice %arg15[%dma_start3A_609] : memref<256xi32, #tpu.memory_space<vmem>> -> memref<128xi32, #tpu.memory_space<vmem>>
    %dma_start3A_611 = arith.constant 0 : i32
    %dma_start3A_612 = tpu.memref_slice %arg11[%dma_start3A_608, %dma_start3A_611] : memref<2x128xi32, #tpu.memory_space<vmem>> -> memref<1x128xi32, #tpu.memory_space<vmem>>
    %dma_start3A_613 = tpu.memref_squeeze %dma_start3A_612 : memref<1x128xi32, #tpu.memory_space<vmem>> -> memref<128xi32, #tpu.memory_space<vmem>>
    %dma_start3A_614 = arith.constant 0 : i32
    %dma_start3A_615 = tpu.memref_slice %arg9[%dma_start3A_614] : memref<8192xi32, #tpu.memory_space<hbm>> -> memref<8192xi32, #tpu.memory_space<hbm>>
    tpu.enqueue_indirect_dma source(%dma_start3A_610 : memref<128xi32, #tpu.memory_space<vmem>>) target(%dma_start3A_615 : memref<8192xi32, #tpu.memory_space<hbm>>) offsets(%dma_start3A_613 : memref<128xi32, #tpu.memory_space<vmem>>) semaphore(%arg17 : memref<!tpu.dma_semaphore, #tpu.memory_space<semaphore_mem>>)
    %dma_wait3A_616 = arith.constant 0 : i32
    %dma_wait3A_617 = arith.constant 0 : i32
    %dma_wait3A_618 = tpu.memref_slice %arg12[%dma_wait3A_617] : memref<256xi32, #tpu.memory_space<vmem>> -> memref<128xi32, #tpu.memory_space<vmem>>
    %dma_wait3A_619 = arith.constant 0 : i32
    %dma_wait3A_620 = tpu.memref_slice %arg11[%dma_wait3A_616, %dma_wait3A_619] : memref<2x128xi32, #tpu.memory_space<vmem>> -> memref<1x128xi32, #tpu.memory_space<vmem>>
    %dma_wait3A_621 = tpu.memref_squeeze %dma_wait3A_620 : memref<1x128xi32, #tpu.memory_space<vmem>> -> memref<128xi32, #tpu.memory_space<vmem>>
    %dma_wait3A_622 = arith.constant 0 : i32
    %dma_wait3A_623 = tpu.memref_slice %arg6[%dma_wait3A_622] : memref<8192xi32, #tpu.memory_space<hbm>> -> memref<8192xi32, #tpu.memory_space<hbm>>
    tpu.wait_indirect_dma semaphore(%arg17 : memref<!tpu.dma_semaphore, #tpu.memory_space<semaphore_mem>>) src(%dma_wait3A_618 : memref<128xi32, #tpu.memory_space<vmem>>) dst(%dma_wait3A_623 : memref<8192xi32, #tpu.memory_space<hbm>>)
    %dma_wait3A_624 = arith.constant 0 : i32
    %dma_wait3A_625 = arith.constant 0 : i32
    %dma_wait3A_626 = tpu.memref_slice %arg13[%dma_wait3A_625] : memref<256xf32, #tpu.memory_space<vmem>> -> memref<128xf32, #tpu.memory_space<vmem>>
    %dma_wait3A_627 = arith.constant 0 : i32
    %dma_wait3A_628 = tpu.memref_slice %arg11[%dma_wait3A_624, %dma_wait3A_627] : memref<2x128xi32, #tpu.memory_space<vmem>> -> memref<1x128xi32, #tpu.memory_space<vmem>>
    %dma_wait3A_629 = tpu.memref_squeeze %dma_wait3A_628 : memref<1x128xi32, #tpu.memory_space<vmem>> -> memref<128xi32, #tpu.memory_space<vmem>>
    %dma_wait3A_630 = arith.constant 0 : i32
    %dma_wait3A_631 = tpu.memref_slice %arg7[%dma_wait3A_630] : memref<8192xf32, #tpu.memory_space<hbm>> -> memref<8192xf32, #tpu.memory_space<hbm>>
    tpu.wait_indirect_dma semaphore(%arg17 : memref<!tpu.dma_semaphore, #tpu.memory_space<semaphore_mem>>) src(%dma_wait3A_626 : memref<128xf32, #tpu.memory_space<vmem>>) dst(%dma_wait3A_631 : memref<8192xf32, #tpu.memory_space<hbm>>)
    %dma_wait3A_632 = arith.constant 0 : i32
    %dma_wait3A_633 = arith.constant 0 : i32
    %dma_wait3A_634 = tpu.memref_slice %arg14[%dma_wait3A_633] : memref<256xi32, #tpu.memory_space<vmem>> -> memref<128xi32, #tpu.memory_space<vmem>>
    %dma_wait3A_635 = arith.constant 0 : i32
    %dma_wait3A_636 = tpu.memref_slice %arg11[%dma_wait3A_632, %dma_wait3A_635] : memref<2x128xi32, #tpu.memory_space<vmem>> -> memref<1x128xi32, #tpu.memory_space<vmem>>
    %dma_wait3A_637 = tpu.memref_squeeze %dma_wait3A_636 : memref<1x128xi32, #tpu.memory_space<vmem>> -> memref<128xi32, #tpu.memory_space<vmem>>
    %dma_wait3A_638 = arith.constant 0 : i32
    %dma_wait3A_639 = tpu.memref_slice %arg8[%dma_wait3A_638] : memref<8192xi32, #tpu.memory_space<hbm>> -> memref<8192xi32, #tpu.memory_space<hbm>>
    tpu.wait_indirect_dma semaphore(%arg17 : memref<!tpu.dma_semaphore, #tpu.memory_space<semaphore_mem>>) src(%dma_wait3A_634 : memref<128xi32, #tpu.memory_space<vmem>>) dst(%dma_wait3A_639 : memref<8192xi32, #tpu.memory_space<hbm>>)
    %dma_wait3A_640 = arith.constant 0 : i32
    %dma_wait3A_641 = arith.constant 0 : i32
    %dma_wait3A_642 = tpu.memref_slice %arg15[%dma_wait3A_641] : memref<256xi32, #tpu.memory_space<vmem>> -> memref<128xi32, #tpu.memory_space<vmem>>
    %dma_wait3A_643 = arith.constant 0 : i32
    %dma_wait3A_644 = tpu.memref_slice %arg11[%dma_wait3A_640, %dma_wait3A_643] : memref<2x128xi32, #tpu.memory_space<vmem>> -> memref<1x128xi32, #tpu.memory_space<vmem>>
    %dma_wait3A_645 = tpu.memref_squeeze %dma_wait3A_644 : memref<1x128xi32, #tpu.memory_space<vmem>> -> memref<128xi32, #tpu.memory_space<vmem>>
    %dma_wait3A_646 = arith.constant 0 : i32
    %dma_wait3A_647 = tpu.memref_slice %arg9[%dma_wait3A_646] : memref<8192xi32, #tpu.memory_space<hbm>> -> memref<8192xi32, #tpu.memory_space<hbm>>
    tpu.wait_indirect_dma semaphore(%arg17 : memref<!tpu.dma_semaphore, #tpu.memory_space<semaphore_mem>>) src(%dma_wait3A_642 : memref<128xi32, #tpu.memory_space<vmem>>) dst(%dma_wait3A_647 : memref<8192xi32, #tpu.memory_space<hbm>>)
    %dma_wait3A_648 = arith.constant 1 : i32
    %dma_wait3A_649 = arith.constant 128 : i32
    %dma_wait3A_650 = tpu.memref_slice %arg12[%dma_wait3A_649] : memref<256xi32, #tpu.memory_space<vmem>> -> memref<128xi32, #tpu.memory_space<vmem>>
    %dma_wait3A_651 = arith.constant 0 : i32
    %dma_wait3A_652 = tpu.memref_slice %arg11[%dma_wait3A_648, %dma_wait3A_651] : memref<2x128xi32, #tpu.memory_space<vmem>> -> memref<1x128xi32, #tpu.memory_space<vmem>>
    %dma_wait3A_653 = tpu.memref_squeeze %dma_wait3A_652 : memref<1x128xi32, #tpu.memory_space<vmem>> -> memref<128xi32, #tpu.memory_space<vmem>>
    %dma_wait3A_654 = arith.constant 0 : i32
    %dma_wait3A_655 = tpu.memref_slice %arg6[%dma_wait3A_654] : memref<8192xi32, #tpu.memory_space<hbm>> -> memref<8192xi32, #tpu.memory_space<hbm>>
    tpu.wait_indirect_dma semaphore(%arg17 : memref<!tpu.dma_semaphore, #tpu.memory_space<semaphore_mem>>) src(%dma_wait3A_650 : memref<128xi32, #tpu.memory_space<vmem>>) dst(%dma_wait3A_655 : memref<8192xi32, #tpu.memory_space<hbm>>)
    %dma_wait3A_656 = arith.constant 1 : i32
    %dma_wait3A_657 = arith.constant 128 : i32
    %dma_wait3A_658 = tpu.memref_slice %arg13[%dma_wait3A_657] : memref<256xf32, #tpu.memory_space<vmem>> -> memref<128xf32, #tpu.memory_space<vmem>>
    %dma_wait3A_659 = arith.constant 0 : i32
    %dma_wait3A_660 = tpu.memref_slice %arg11[%dma_wait3A_656, %dma_wait3A_659] : memref<2x128xi32, #tpu.memory_space<vmem>> -> memref<1x128xi32, #tpu.memory_space<vmem>>
    %dma_wait3A_661 = tpu.memref_squeeze %dma_wait3A_660 : memref<1x128xi32, #tpu.memory_space<vmem>> -> memref<128xi32, #tpu.memory_space<vmem>>
    %dma_wait3A_662 = arith.constant 0 : i32
    %dma_wait3A_663 = tpu.memref_slice %arg7[%dma_wait3A_662] : memref<8192xf32, #tpu.memory_space<hbm>> -> memref<8192xf32, #tpu.memory_space<hbm>>
    tpu.wait_indirect_dma semaphore(%arg17 : memref<!tpu.dma_semaphore, #tpu.memory_space<semaphore_mem>>) src(%dma_wait3A_658 : memref<128xf32, #tpu.memory_space<vmem>>) dst(%dma_wait3A_663 : memref<8192xf32, #tpu.memory_space<hbm>>)
    %dma_wait3A_664 = arith.constant 1 : i32
    %dma_wait3A_665 = arith.constant 128 : i32
    %dma_wait3A_666 = tpu.memref_slice %arg14[%dma_wait3A_665] : memref<256xi32, #tpu.memory_space<vmem>> -> memref<128xi32, #tpu.memory_space<vmem>>
    %dma_wait3A_667 = arith.constant 0 : i32
    %dma_wait3A_668 = tpu.memref_slice %arg11[%dma_wait3A_664, %dma_wait3A_667] : memref<2x128xi32, #tpu.memory_space<vmem>> -> memref<1x128xi32, #tpu.memory_space<vmem>>
    %dma_wait3A_669 = tpu.memref_squeeze %dma_wait3A_668 : memref<1x128xi32, #tpu.memory_space<vmem>> -> memref<128xi32, #tpu.memory_space<vmem>>
    %dma_wait3A_670 = arith.constant 0 : i32
    %dma_wait3A_671 = tpu.memref_slice %arg8[%dma_wait3A_670] : memref<8192xi32, #tpu.memory_space<hbm>> -> memref<8192xi32, #tpu.memory_space<hbm>>
    tpu.wait_indirect_dma semaphore(%arg17 : memref<!tpu.dma_semaphore, #tpu.memory_space<semaphore_mem>>) src(%dma_wait3A_666 : memref<128xi32, #tpu.memory_space<vmem>>) dst(%dma_wait3A_671 : memref<8192xi32, #tpu.memory_space<hbm>>)
    %dma_wait3A_672 = arith.constant 1 : i32
    %dma_wait3A_673 = arith.constant 128 : i32
    %dma_wait3A_674 = tpu.memref_slice %arg15[%dma_wait3A_673] : memref<256xi32, #tpu.memory_space<vmem>> -> memref<128xi32, #tpu.memory_space<vmem>>
    %dma_wait3A_675 = arith.constant 0 : i32
    %dma_wait3A_676 = tpu.memref_slice %arg11[%dma_wait3A_672, %dma_wait3A_675] : memref<2x128xi32, #tpu.memory_space<vmem>> -> memref<1x128xi32, #tpu.memory_space<vmem>>
    %dma_wait3A_677 = tpu.memref_squeeze %dma_wait3A_676 : memref<1x128xi32, #tpu.memory_space<vmem>> -> memref<128xi32, #tpu.memory_space<vmem>>
    %dma_wait3A_678 = arith.constant 0 : i32
    %dma_wait3A_679 = tpu.memref_slice %arg9[%dma_wait3A_678] : memref<8192xi32, #tpu.memory_space<hbm>> -> memref<8192xi32, #tpu.memory_space<hbm>>
    tpu.wait_indirect_dma semaphore(%arg17 : memref<!tpu.dma_semaphore, #tpu.memory_space<semaphore_mem>>) src(%dma_wait3A_674 : memref<128xi32, #tpu.memory_space<vmem>>) dst(%dma_wait3A_679 : memref<8192xi32, #tpu.memory_space<hbm>>)
    return
  }
}

#map = affine_map<(d0, d1) -> (0, 0)>
#map1 = affine_map<(d0, d1) -> (0)>
module attributes {stable_mosaic.version = 14 : i64} {
  func.func @_img_body(%arg0: i32, %arg1: i32, %arg2: memref<8192x3072xf32, #tpu.memory_space<hbm>>, %arg3: memref<8192xi32, #tpu.memory_space<hbm>>, %arg4: memref<8192x3072xf32, #tpu.memory_space<hbm>>, %arg5: memref<256xi32, #tpu.memory_space<vmem>>, %arg6: memref<8x3072xf32, #tpu.memory_space<vmem>>, %arg7: memref<8x3072xf32, #tpu.memory_space<vmem>>, %arg8: memref<8x3072xf32, #tpu.memory_space<vmem>>, %arg9: memref<8x3072xf32, #tpu.memory_space<vmem>>, %arg10: memref<!tpu.dma_semaphore, #tpu.memory_space<semaphore_mem>>, %arg11: memref<!tpu.dma_semaphore, #tpu.memory_space<semaphore_mem>>) attributes {dimension_semantics = [#tpu.dimension_semantics<core_parallel>, #tpu.dimension_semantics<subcore_parallel>], iteration_bounds = array<i64: 2, 16>, scalar_prefetch = 0 : i64, scratch_operands = 7 : i64, tpu.core_type = #tpu.core_type<sc_vector_subcore>, window_params = [{transform_indices = #map}, {transform_indices = #map1}, {transform_indices = #map}]} {
    %mul3A = arith.constant 2 : i32
    %mul3A_0 = arith.muli %arg1, %mul3A : i32
    %add3A = arith.addi %mul3A_0, %arg0 : i32
    %mul3A_1 = arith.constant 256 : i32
    %mul3A_2 = arith.muli %add3A, %mul3A_1 : i32
    "tpu.region"() ({
      %run_scoped3A = tpu.sem_alloc : memref<!tpu.dma_semaphore, #tpu.memory_space<semaphore_mem>>
      %dma_start3A_641 = tpu.memref_slice %arg3[%mul3A_2] : memref<8192xi32, #tpu.memory_space<hbm>> -> memref<256xi32, #tpu.memory_space<hbm>>
      %dma_start3A_642 = tpu.memref_slice %arg3[%mul3A_2] : memref<8192xi32, #tpu.memory_space<hbm>> -> memref<256xi32, #tpu.memory_space<hbm>>
      tpu.enqueue_dma source(%dma_start3A_642 : memref<256xi32, #tpu.memory_space<hbm>>) target(%arg5 : memref<256xi32, #tpu.memory_space<vmem>>) target_semaphore(%run_scoped3A : memref<!tpu.dma_semaphore, #tpu.memory_space<semaphore_mem>>)
      %dma_wait3A_643 = tpu.memref_slice %arg3[%mul3A_2] : memref<8192xi32, #tpu.memory_space<hbm>> -> memref<256xi32, #tpu.memory_space<hbm>>
      %dma_wait3A_644 = tpu.memref_slice %arg3[%mul3A_2] : memref<8192xi32, #tpu.memory_space<hbm>> -> memref<256xi32, #tpu.memory_space<hbm>>
      tpu.wait_dma2 semaphore(%run_scoped3A : memref<!tpu.dma_semaphore, #tpu.memory_space<semaphore_mem>>) src(%dma_wait3A_644 : memref<256xi32, #tpu.memory_space<hbm>>) dst(%arg5 : memref<256xi32, #tpu.memory_space<vmem>>)
      tpu.yield
    }) : () -> ()
    %dma_start3A = arith.constant 0 : i32
    %dma_start3A_3 = tpu.memref_slice %arg5[%dma_start3A] : memref<256xi32, #tpu.memory_space<vmem>> -> memref<8xi32, #tpu.memory_space<vmem>>
    %dma_start3A_4 = arith.constant 0 : i32
    %dma_start3A_5 = arith.constant 0 : i32
    %dma_start3A_6 = tpu.memref_slice %arg2[%dma_start3A_4, %dma_start3A_5] : memref<8192x3072xf32, #tpu.memory_space<hbm>> -> memref<8192x3072xf32, #tpu.memory_space<hbm>>
    tpu.enqueue_indirect_dma source(%dma_start3A_6 : memref<8192x3072xf32, #tpu.memory_space<hbm>>) target(%arg6 : memref<8x3072xf32, #tpu.memory_space<vmem>>) offsets(%dma_start3A_3 : memref<8xi32, #tpu.memory_space<vmem>>) semaphore(%arg10 : memref<!tpu.dma_semaphore, #tpu.memory_space<semaphore_mem>>)
    %dma_start3A_7 = arith.constant 8 : i32
    %dma_start3A_8 = tpu.memref_slice %arg5[%dma_start3A_7] : memref<256xi32, #tpu.memory_space<vmem>> -> memref<8xi32, #tpu.memory_space<vmem>>
    %dma_start3A_9 = arith.constant 0 : i32
    %dma_start3A_10 = arith.constant 0 : i32
    %dma_start3A_11 = tpu.memref_slice %arg2[%dma_start3A_9, %dma_start3A_10] : memref<8192x3072xf32, #tpu.memory_space<hbm>> -> memref<8192x3072xf32, #tpu.memory_space<hbm>>
    tpu.enqueue_indirect_dma source(%dma_start3A_11 : memref<8192x3072xf32, #tpu.memory_space<hbm>>) target(%arg7 : memref<8x3072xf32, #tpu.memory_space<vmem>>) offsets(%dma_start3A_8 : memref<8xi32, #tpu.memory_space<vmem>>) semaphore(%arg10 : memref<!tpu.dma_semaphore, #tpu.memory_space<semaphore_mem>>)
    %dma_start3A_12 = arith.constant 16 : i32
    %dma_start3A_13 = tpu.memref_slice %arg5[%dma_start3A_12] : memref<256xi32, #tpu.memory_space<vmem>> -> memref<8xi32, #tpu.memory_space<vmem>>
    %dma_start3A_14 = arith.constant 0 : i32
    %dma_start3A_15 = arith.constant 0 : i32
    %dma_start3A_16 = tpu.memref_slice %arg2[%dma_start3A_14, %dma_start3A_15] : memref<8192x3072xf32, #tpu.memory_space<hbm>> -> memref<8192x3072xf32, #tpu.memory_space<hbm>>
    tpu.enqueue_indirect_dma source(%dma_start3A_16 : memref<8192x3072xf32, #tpu.memory_space<hbm>>) target(%arg8 : memref<8x3072xf32, #tpu.memory_space<vmem>>) offsets(%dma_start3A_13 : memref<8xi32, #tpu.memory_space<vmem>>) semaphore(%arg10 : memref<!tpu.dma_semaphore, #tpu.memory_space<semaphore_mem>>)
    %dma_wait3A = arith.constant 0 : i32
    %dma_wait3A_17 = tpu.memref_slice %arg5[%dma_wait3A] : memref<256xi32, #tpu.memory_space<vmem>> -> memref<8xi32, #tpu.memory_space<vmem>>
    %dma_wait3A_18 = arith.constant 0 : i32
    %dma_wait3A_19 = arith.constant 0 : i32
    %dma_wait3A_20 = tpu.memref_slice %arg2[%dma_wait3A_18, %dma_wait3A_19] : memref<8192x3072xf32, #tpu.memory_space<hbm>> -> memref<8192x3072xf32, #tpu.memory_space<hbm>>
    tpu.wait_indirect_dma semaphore(%arg10 : memref<!tpu.dma_semaphore, #tpu.memory_space<semaphore_mem>>) src(%dma_wait3A_20 : memref<8192x3072xf32, #tpu.memory_space<hbm>>) dst(%arg6 : memref<8x3072xf32, #tpu.memory_space<vmem>>)
    %add3A_21 = arith.constant 0 : i32
    %add3A_22 = arith.addi %mul3A_2, %add3A_21 : i32
    %dma_start3A_23 = arith.constant 0 : i32
    %dma_start3A_24 = tpu.memref_slice %arg4[%add3A_22, %dma_start3A_23] : memref<8192x3072xf32, #tpu.memory_space<hbm>> -> memref<8x3072xf32, #tpu.memory_space<hbm>>
    %dma_start3A_25 = arith.constant 0 : i32
    %dma_start3A_26 = tpu.memref_slice %arg4[%add3A_22, %dma_start3A_25] : memref<8192x3072xf32, #tpu.memory_space<hbm>> -> memref<8x3072xf32, #tpu.memory_space<hbm>>
    tpu.enqueue_dma source(%arg6 : memref<8x3072xf32, #tpu.memory_space<vmem>>) target(%dma_start3A_26 : memref<8x3072xf32, #tpu.memory_space<hbm>>) target_semaphore(%arg11 : memref<!tpu.dma_semaphore, #tpu.memory_space<semaphore_mem>>)
    %dma_start3A_27 = arith.constant 24 : i32
    %dma_start3A_28 = tpu.memref_slice %arg5[%dma_start3A_27] : memref<256xi32, #tpu.memory_space<vmem>> -> memref<8xi32, #tpu.memory_space<vmem>>
    %dma_start3A_29 = arith.constant 0 : i32
    %dma_start3A_30 = arith.constant 0 : i32
    %dma_start3A_31 = tpu.memref_slice %arg2[%dma_start3A_29, %dma_start3A_30] : memref<8192x3072xf32, #tpu.memory_space<hbm>> -> memref<8192x3072xf32, #tpu.memory_space<hbm>>
    tpu.enqueue_indirect_dma source(%dma_start3A_31 : memref<8192x3072xf32, #tpu.memory_space<hbm>>) target(%arg9 : memref<8x3072xf32, #tpu.memory_space<vmem>>) offsets(%dma_start3A_28 : memref<8xi32, #tpu.memory_space<vmem>>) semaphore(%arg10 : memref<!tpu.dma_semaphore, #tpu.memory_space<semaphore_mem>>)
    %dma_wait3A_32 = arith.constant 8 : i32
    %dma_wait3A_33 = tpu.memref_slice %arg5[%dma_wait3A_32] : memref<256xi32, #tpu.memory_space<vmem>> -> memref<8xi32, #tpu.memory_space<vmem>>
    %dma_wait3A_34 = arith.constant 0 : i32
    %dma_wait3A_35 = arith.constant 0 : i32
    %dma_wait3A_36 = tpu.memref_slice %arg2[%dma_wait3A_34, %dma_wait3A_35] : memref<8192x3072xf32, #tpu.memory_space<hbm>> -> memref<8192x3072xf32, #tpu.memory_space<hbm>>
    tpu.wait_indirect_dma semaphore(%arg10 : memref<!tpu.dma_semaphore, #tpu.memory_space<semaphore_mem>>) src(%dma_wait3A_36 : memref<8192x3072xf32, #tpu.memory_space<hbm>>) dst(%arg7 : memref<8x3072xf32, #tpu.memory_space<vmem>>)
    %add3A_37 = arith.constant 8 : i32
    %add3A_38 = arith.addi %mul3A_2, %add3A_37 : i32
    %dma_start3A_39 = arith.constant 0 : i32
    %dma_start3A_40 = tpu.memref_slice %arg4[%add3A_38, %dma_start3A_39] : memref<8192x3072xf32, #tpu.memory_space<hbm>> -> memref<8x3072xf32, #tpu.memory_space<hbm>>
    %dma_start3A_41 = arith.constant 0 : i32
    %dma_start3A_42 = tpu.memref_slice %arg4[%add3A_38, %dma_start3A_41] : memref<8192x3072xf32, #tpu.memory_space<hbm>> -> memref<8x3072xf32, #tpu.memory_space<hbm>>
    tpu.enqueue_dma source(%arg7 : memref<8x3072xf32, #tpu.memory_space<vmem>>) target(%dma_start3A_42 : memref<8x3072xf32, #tpu.memory_space<hbm>>) target_semaphore(%arg11 : memref<!tpu.dma_semaphore, #tpu.memory_space<semaphore_mem>>)
    %dma_wait3A_43 = arith.constant 0 : i32
    %dma_wait3A_44 = tpu.memref_slice %arg4[%add3A_22, %dma_wait3A_43] : memref<8192x3072xf32, #tpu.memory_space<hbm>> -> memref<8x3072xf32, #tpu.memory_space<hbm>>
    %dma_wait3A_45 = arith.constant 0 : i32
    %dma_wait3A_46 = tpu.memref_slice %arg4[%add3A_22, %dma_wait3A_45] : memref<8192x3072xf32, #tpu.memory_space<hbm>> -> memref<8x3072xf32, #tpu.memory_space<hbm>>
    tpu.wait_dma2 semaphore(%arg11 : memref<!tpu.dma_semaphore, #tpu.memory_space<semaphore_mem>>) src(%arg6 : memref<8x3072xf32, #tpu.memory_space<vmem>>) dst(%dma_wait3A_46 : memref<8x3072xf32, #tpu.memory_space<hbm>>)
    %dma_start3A_47 = arith.constant 32 : i32
    %dma_start3A_48 = tpu.memref_slice %arg5[%dma_start3A_47] : memref<256xi32, #tpu.memory_space<vmem>> -> memref<8xi32, #tpu.memory_space<vmem>>
    %dma_start3A_49 = arith.constant 0 : i32
    %dma_start3A_50 = arith.constant 0 : i32
    %dma_start3A_51 = tpu.memref_slice %arg2[%dma_start3A_49, %dma_start3A_50] : memref<8192x3072xf32, #tpu.memory_space<hbm>> -> memref<8192x3072xf32, #tpu.memory_space<hbm>>
    tpu.enqueue_indirect_dma source(%dma_start3A_51 : memref<8192x3072xf32, #tpu.memory_space<hbm>>) target(%arg6 : memref<8x3072xf32, #tpu.memory_space<vmem>>) offsets(%dma_start3A_48 : memref<8xi32, #tpu.memory_space<vmem>>) semaphore(%arg10 : memref<!tpu.dma_semaphore, #tpu.memory_space<semaphore_mem>>)
    %dma_wait3A_52 = arith.constant 16 : i32
    %dma_wait3A_53 = tpu.memref_slice %arg5[%dma_wait3A_52] : memref<256xi32, #tpu.memory_space<vmem>> -> memref<8xi32, #tpu.memory_space<vmem>>
    %dma_wait3A_54 = arith.constant 0 : i32
    %dma_wait3A_55 = arith.constant 0 : i32
    %dma_wait3A_56 = tpu.memref_slice %arg2[%dma_wait3A_54, %dma_wait3A_55] : memref<8192x3072xf32, #tpu.memory_space<hbm>> -> memref<8192x3072xf32, #tpu.memory_space<hbm>>
    tpu.wait_indirect_dma semaphore(%arg10 : memref<!tpu.dma_semaphore, #tpu.memory_space<semaphore_mem>>) src(%dma_wait3A_56 : memref<8192x3072xf32, #tpu.memory_space<hbm>>) dst(%arg8 : memref<8x3072xf32, #tpu.memory_space<vmem>>)
    %add3A_57 = arith.constant 16 : i32
    %add3A_58 = arith.addi %mul3A_2, %add3A_57 : i32
    %dma_start3A_59 = arith.constant 0 : i32
    %dma_start3A_60 = tpu.memref_slice %arg4[%add3A_58, %dma_start3A_59] : memref<8192x3072xf32, #tpu.memory_space<hbm>> -> memref<8x3072xf32, #tpu.memory_space<hbm>>
    %dma_start3A_61 = arith.constant 0 : i32
    %dma_start3A_62 = tpu.memref_slice %arg4[%add3A_58, %dma_start3A_61] : memref<8192x3072xf32, #tpu.memory_space<hbm>> -> memref<8x3072xf32, #tpu.memory_space<hbm>>
    tpu.enqueue_dma source(%arg8 : memref<8x3072xf32, #tpu.memory_space<vmem>>) target(%dma_start3A_62 : memref<8x3072xf32, #tpu.memory_space<hbm>>) target_semaphore(%arg11 : memref<!tpu.dma_semaphore, #tpu.memory_space<semaphore_mem>>)
    %dma_wait3A_63 = arith.constant 0 : i32
    %dma_wait3A_64 = tpu.memref_slice %arg4[%add3A_38, %dma_wait3A_63] : memref<8192x3072xf32, #tpu.memory_space<hbm>> -> memref<8x3072xf32, #tpu.memory_space<hbm>>
    %dma_wait3A_65 = arith.constant 0 : i32
    %dma_wait3A_66 = tpu.memref_slice %arg4[%add3A_38, %dma_wait3A_65] : memref<8192x3072xf32, #tpu.memory_space<hbm>> -> memref<8x3072xf32, #tpu.memory_space<hbm>>
    tpu.wait_dma2 semaphore(%arg11 : memref<!tpu.dma_semaphore, #tpu.memory_space<semaphore_mem>>) src(%arg7 : memref<8x3072xf32, #tpu.memory_space<vmem>>) dst(%dma_wait3A_66 : memref<8x3072xf32, #tpu.memory_space<hbm>>)
    %dma_start3A_67 = arith.constant 40 : i32
    %dma_start3A_68 = tpu.memref_slice %arg5[%dma_start3A_67] : memref<256xi32, #tpu.memory_space<vmem>> -> memref<8xi32, #tpu.memory_space<vmem>>
    %dma_start3A_69 = arith.constant 0 : i32
    %dma_start3A_70 = arith.constant 0 : i32
    %dma_start3A_71 = tpu.memref_slice %arg2[%dma_start3A_69, %dma_start3A_70] : memref<8192x3072xf32, #tpu.memory_space<hbm>> -> memref<8192x3072xf32, #tpu.memory_space<hbm>>
    tpu.enqueue_indirect_dma source(%dma_start3A_71 : memref<8192x3072xf32, #tpu.memory_space<hbm>>) target(%arg7 : memref<8x3072xf32, #tpu.memory_space<vmem>>) offsets(%dma_start3A_68 : memref<8xi32, #tpu.memory_space<vmem>>) semaphore(%arg10 : memref<!tpu.dma_semaphore, #tpu.memory_space<semaphore_mem>>)
    %dma_wait3A_72 = arith.constant 24 : i32
    %dma_wait3A_73 = tpu.memref_slice %arg5[%dma_wait3A_72] : memref<256xi32, #tpu.memory_space<vmem>> -> memref<8xi32, #tpu.memory_space<vmem>>
    %dma_wait3A_74 = arith.constant 0 : i32
    %dma_wait3A_75 = arith.constant 0 : i32
    %dma_wait3A_76 = tpu.memref_slice %arg2[%dma_wait3A_74, %dma_wait3A_75] : memref<8192x3072xf32, #tpu.memory_space<hbm>> -> memref<8192x3072xf32, #tpu.memory_space<hbm>>
    tpu.wait_indirect_dma semaphore(%arg10 : memref<!tpu.dma_semaphore, #tpu.memory_space<semaphore_mem>>) src(%dma_wait3A_76 : memref<8192x3072xf32, #tpu.memory_space<hbm>>) dst(%arg9 : memref<8x3072xf32, #tpu.memory_space<vmem>>)
    %add3A_77 = arith.constant 24 : i32
    %add3A_78 = arith.addi %mul3A_2, %add3A_77 : i32
    %dma_start3A_79 = arith.constant 0 : i32
    %dma_start3A_80 = tpu.memref_slice %arg4[%add3A_78, %dma_start3A_79] : memref<8192x3072xf32, #tpu.memory_space<hbm>> -> memref<8x3072xf32, #tpu.memory_space<hbm>>
    %dma_start3A_81 = arith.constant 0 : i32
    %dma_start3A_82 = tpu.memref_slice %arg4[%add3A_78, %dma_start3A_81] : memref<8192x3072xf32, #tpu.memory_space<hbm>> -> memref<8x3072xf32, #tpu.memory_space<hbm>>
    tpu.enqueue_dma source(%arg9 : memref<8x3072xf32, #tpu.memory_space<vmem>>) target(%dma_start3A_82 : memref<8x3072xf32, #tpu.memory_space<hbm>>) target_semaphore(%arg11 : memref<!tpu.dma_semaphore, #tpu.memory_space<semaphore_mem>>)
    %dma_wait3A_83 = arith.constant 0 : i32
    %dma_wait3A_84 = tpu.memref_slice %arg4[%add3A_58, %dma_wait3A_83] : memref<8192x3072xf32, #tpu.memory_space<hbm>> -> memref<8x3072xf32, #tpu.memory_space<hbm>>
    %dma_wait3A_85 = arith.constant 0 : i32
    %dma_wait3A_86 = tpu.memref_slice %arg4[%add3A_58, %dma_wait3A_85] : memref<8192x3072xf32, #tpu.memory_space<hbm>> -> memref<8x3072xf32, #tpu.memory_space<hbm>>
    tpu.wait_dma2 semaphore(%arg11 : memref<!tpu.dma_semaphore, #tpu.memory_space<semaphore_mem>>) src(%arg8 : memref<8x3072xf32, #tpu.memory_space<vmem>>) dst(%dma_wait3A_86 : memref<8x3072xf32, #tpu.memory_space<hbm>>)
    %dma_start3A_87 = arith.constant 48 : i32
    %dma_start3A_88 = tpu.memref_slice %arg5[%dma_start3A_87] : memref<256xi32, #tpu.memory_space<vmem>> -> memref<8xi32, #tpu.memory_space<vmem>>
    %dma_start3A_89 = arith.constant 0 : i32
    %dma_start3A_90 = arith.constant 0 : i32
    %dma_start3A_91 = tpu.memref_slice %arg2[%dma_start3A_89, %dma_start3A_90] : memref<8192x3072xf32, #tpu.memory_space<hbm>> -> memref<8192x3072xf32, #tpu.memory_space<hbm>>
    tpu.enqueue_indirect_dma source(%dma_start3A_91 : memref<8192x3072xf32, #tpu.memory_space<hbm>>) target(%arg8 : memref<8x3072xf32, #tpu.memory_space<vmem>>) offsets(%dma_start3A_88 : memref<8xi32, #tpu.memory_space<vmem>>) semaphore(%arg10 : memref<!tpu.dma_semaphore, #tpu.memory_space<semaphore_mem>>)
    %dma_wait3A_92 = arith.constant 32 : i32
    %dma_wait3A_93 = tpu.memref_slice %arg5[%dma_wait3A_92] : memref<256xi32, #tpu.memory_space<vmem>> -> memref<8xi32, #tpu.memory_space<vmem>>
    %dma_wait3A_94 = arith.constant 0 : i32
    %dma_wait3A_95 = arith.constant 0 : i32
    %dma_wait3A_96 = tpu.memref_slice %arg2[%dma_wait3A_94, %dma_wait3A_95] : memref<8192x3072xf32, #tpu.memory_space<hbm>> -> memref<8192x3072xf32, #tpu.memory_space<hbm>>
    tpu.wait_indirect_dma semaphore(%arg10 : memref<!tpu.dma_semaphore, #tpu.memory_space<semaphore_mem>>) src(%dma_wait3A_96 : memref<8192x3072xf32, #tpu.memory_space<hbm>>) dst(%arg6 : memref<8x3072xf32, #tpu.memory_space<vmem>>)
    %add3A_97 = arith.constant 32 : i32
    %add3A_98 = arith.addi %mul3A_2, %add3A_97 : i32
    %dma_start3A_99 = arith.constant 0 : i32
    %dma_start3A_100 = tpu.memref_slice %arg4[%add3A_98, %dma_start3A_99] : memref<8192x3072xf32, #tpu.memory_space<hbm>> -> memref<8x3072xf32, #tpu.memory_space<hbm>>
    %dma_start3A_101 = arith.constant 0 : i32
    %dma_start3A_102 = tpu.memref_slice %arg4[%add3A_98, %dma_start3A_101] : memref<8192x3072xf32, #tpu.memory_space<hbm>> -> memref<8x3072xf32, #tpu.memory_space<hbm>>
    tpu.enqueue_dma source(%arg6 : memref<8x3072xf32, #tpu.memory_space<vmem>>) target(%dma_start3A_102 : memref<8x3072xf32, #tpu.memory_space<hbm>>) target_semaphore(%arg11 : memref<!tpu.dma_semaphore, #tpu.memory_space<semaphore_mem>>)
    %dma_wait3A_103 = arith.constant 0 : i32
    %dma_wait3A_104 = tpu.memref_slice %arg4[%add3A_78, %dma_wait3A_103] : memref<8192x3072xf32, #tpu.memory_space<hbm>> -> memref<8x3072xf32, #tpu.memory_space<hbm>>
    %dma_wait3A_105 = arith.constant 0 : i32
    %dma_wait3A_106 = tpu.memref_slice %arg4[%add3A_78, %dma_wait3A_105] : memref<8192x3072xf32, #tpu.memory_space<hbm>> -> memref<8x3072xf32, #tpu.memory_space<hbm>>
    tpu.wait_dma2 semaphore(%arg11 : memref<!tpu.dma_semaphore, #tpu.memory_space<semaphore_mem>>) src(%arg9 : memref<8x3072xf32, #tpu.memory_space<vmem>>) dst(%dma_wait3A_106 : memref<8x3072xf32, #tpu.memory_space<hbm>>)
    %dma_start3A_107 = arith.constant 56 : i32
    %dma_start3A_108 = tpu.memref_slice %arg5[%dma_start3A_107] : memref<256xi32, #tpu.memory_space<vmem>> -> memref<8xi32, #tpu.memory_space<vmem>>
    %dma_start3A_109 = arith.constant 0 : i32
    %dma_start3A_110 = arith.constant 0 : i32
    %dma_start3A_111 = tpu.memref_slice %arg2[%dma_start3A_109, %dma_start3A_110] : memref<8192x3072xf32, #tpu.memory_space<hbm>> -> memref<8192x3072xf32, #tpu.memory_space<hbm>>
    tpu.enqueue_indirect_dma source(%dma_start3A_111 : memref<8192x3072xf32, #tpu.memory_space<hbm>>) target(%arg9 : memref<8x3072xf32, #tpu.memory_space<vmem>>) offsets(%dma_start3A_108 : memref<8xi32, #tpu.memory_space<vmem>>) semaphore(%arg10 : memref<!tpu.dma_semaphore, #tpu.memory_space<semaphore_mem>>)
    %dma_wait3A_112 = arith.constant 40 : i32
    %dma_wait3A_113 = tpu.memref_slice %arg5[%dma_wait3A_112] : memref<256xi32, #tpu.memory_space<vmem>> -> memref<8xi32, #tpu.memory_space<vmem>>
    %dma_wait3A_114 = arith.constant 0 : i32
    %dma_wait3A_115 = arith.constant 0 : i32
    %dma_wait3A_116 = tpu.memref_slice %arg2[%dma_wait3A_114, %dma_wait3A_115] : memref<8192x3072xf32, #tpu.memory_space<hbm>> -> memref<8192x3072xf32, #tpu.memory_space<hbm>>
    tpu.wait_indirect_dma semaphore(%arg10 : memref<!tpu.dma_semaphore, #tpu.memory_space<semaphore_mem>>) src(%dma_wait3A_116 : memref<8192x3072xf32, #tpu.memory_space<hbm>>) dst(%arg7 : memref<8x3072xf32, #tpu.memory_space<vmem>>)
    %add3A_117 = arith.constant 40 : i32
    %add3A_118 = arith.addi %mul3A_2, %add3A_117 : i32
    %dma_start3A_119 = arith.constant 0 : i32
    %dma_start3A_120 = tpu.memref_slice %arg4[%add3A_118, %dma_start3A_119] : memref<8192x3072xf32, #tpu.memory_space<hbm>> -> memref<8x3072xf32, #tpu.memory_space<hbm>>
    %dma_start3A_121 = arith.constant 0 : i32
    %dma_start3A_122 = tpu.memref_slice %arg4[%add3A_118, %dma_start3A_121] : memref<8192x3072xf32, #tpu.memory_space<hbm>> -> memref<8x3072xf32, #tpu.memory_space<hbm>>
    tpu.enqueue_dma source(%arg7 : memref<8x3072xf32, #tpu.memory_space<vmem>>) target(%dma_start3A_122 : memref<8x3072xf32, #tpu.memory_space<hbm>>) target_semaphore(%arg11 : memref<!tpu.dma_semaphore, #tpu.memory_space<semaphore_mem>>)
    %dma_wait3A_123 = arith.constant 0 : i32
    %dma_wait3A_124 = tpu.memref_slice %arg4[%add3A_98, %dma_wait3A_123] : memref<8192x3072xf32, #tpu.memory_space<hbm>> -> memref<8x3072xf32, #tpu.memory_space<hbm>>
    %dma_wait3A_125 = arith.constant 0 : i32
    %dma_wait3A_126 = tpu.memref_slice %arg4[%add3A_98, %dma_wait3A_125] : memref<8192x3072xf32, #tpu.memory_space<hbm>> -> memref<8x3072xf32, #tpu.memory_space<hbm>>
    tpu.wait_dma2 semaphore(%arg11 : memref<!tpu.dma_semaphore, #tpu.memory_space<semaphore_mem>>) src(%arg6 : memref<8x3072xf32, #tpu.memory_space<vmem>>) dst(%dma_wait3A_126 : memref<8x3072xf32, #tpu.memory_space<hbm>>)
    %dma_start3A_127 = arith.constant 64 : i32
    %dma_start3A_128 = tpu.memref_slice %arg5[%dma_start3A_127] : memref<256xi32, #tpu.memory_space<vmem>> -> memref<8xi32, #tpu.memory_space<vmem>>
    %dma_start3A_129 = arith.constant 0 : i32
    %dma_start3A_130 = arith.constant 0 : i32
    %dma_start3A_131 = tpu.memref_slice %arg2[%dma_start3A_129, %dma_start3A_130] : memref<8192x3072xf32, #tpu.memory_space<hbm>> -> memref<8192x3072xf32, #tpu.memory_space<hbm>>
    tpu.enqueue_indirect_dma source(%dma_start3A_131 : memref<8192x3072xf32, #tpu.memory_space<hbm>>) target(%arg6 : memref<8x3072xf32, #tpu.memory_space<vmem>>) offsets(%dma_start3A_128 : memref<8xi32, #tpu.memory_space<vmem>>) semaphore(%arg10 : memref<!tpu.dma_semaphore, #tpu.memory_space<semaphore_mem>>)
    %dma_wait3A_132 = arith.constant 48 : i32
    %dma_wait3A_133 = tpu.memref_slice %arg5[%dma_wait3A_132] : memref<256xi32, #tpu.memory_space<vmem>> -> memref<8xi32, #tpu.memory_space<vmem>>
    %dma_wait3A_134 = arith.constant 0 : i32
    %dma_wait3A_135 = arith.constant 0 : i32
    %dma_wait3A_136 = tpu.memref_slice %arg2[%dma_wait3A_134, %dma_wait3A_135] : memref<8192x3072xf32, #tpu.memory_space<hbm>> -> memref<8192x3072xf32, #tpu.memory_space<hbm>>
    tpu.wait_indirect_dma semaphore(%arg10 : memref<!tpu.dma_semaphore, #tpu.memory_space<semaphore_mem>>) src(%dma_wait3A_136 : memref<8192x3072xf32, #tpu.memory_space<hbm>>) dst(%arg8 : memref<8x3072xf32, #tpu.memory_space<vmem>>)
    %add3A_137 = arith.constant 48 : i32
    %add3A_138 = arith.addi %mul3A_2, %add3A_137 : i32
    %dma_start3A_139 = arith.constant 0 : i32
    %dma_start3A_140 = tpu.memref_slice %arg4[%add3A_138, %dma_start3A_139] : memref<8192x3072xf32, #tpu.memory_space<hbm>> -> memref<8x3072xf32, #tpu.memory_space<hbm>>
    %dma_start3A_141 = arith.constant 0 : i32
    %dma_start3A_142 = tpu.memref_slice %arg4[%add3A_138, %dma_start3A_141] : memref<8192x3072xf32, #tpu.memory_space<hbm>> -> memref<8x3072xf32, #tpu.memory_space<hbm>>
    tpu.enqueue_dma source(%arg8 : memref<8x3072xf32, #tpu.memory_space<vmem>>) target(%dma_start3A_142 : memref<8x3072xf32, #tpu.memory_space<hbm>>) target_semaphore(%arg11 : memref<!tpu.dma_semaphore, #tpu.memory_space<semaphore_mem>>)
    %dma_wait3A_143 = arith.constant 0 : i32
    %dma_wait3A_144 = tpu.memref_slice %arg4[%add3A_118, %dma_wait3A_143] : memref<8192x3072xf32, #tpu.memory_space<hbm>> -> memref<8x3072xf32, #tpu.memory_space<hbm>>
    %dma_wait3A_145 = arith.constant 0 : i32
    %dma_wait3A_146 = tpu.memref_slice %arg4[%add3A_118, %dma_wait3A_145] : memref<8192x3072xf32, #tpu.memory_space<hbm>> -> memref<8x3072xf32, #tpu.memory_space<hbm>>
    tpu.wait_dma2 semaphore(%arg11 : memref<!tpu.dma_semaphore, #tpu.memory_space<semaphore_mem>>) src(%arg7 : memref<8x3072xf32, #tpu.memory_space<vmem>>) dst(%dma_wait3A_146 : memref<8x3072xf32, #tpu.memory_space<hbm>>)
    %dma_start3A_147 = arith.constant 72 : i32
    %dma_start3A_148 = tpu.memref_slice %arg5[%dma_start3A_147] : memref<256xi32, #tpu.memory_space<vmem>> -> memref<8xi32, #tpu.memory_space<vmem>>
    %dma_start3A_149 = arith.constant 0 : i32
    %dma_start3A_150 = arith.constant 0 : i32
    %dma_start3A_151 = tpu.memref_slice %arg2[%dma_start3A_149, %dma_start3A_150] : memref<8192x3072xf32, #tpu.memory_space<hbm>> -> memref<8192x3072xf32, #tpu.memory_space<hbm>>
    tpu.enqueue_indirect_dma source(%dma_start3A_151 : memref<8192x3072xf32, #tpu.memory_space<hbm>>) target(%arg7 : memref<8x3072xf32, #tpu.memory_space<vmem>>) offsets(%dma_start3A_148 : memref<8xi32, #tpu.memory_space<vmem>>) semaphore(%arg10 : memref<!tpu.dma_semaphore, #tpu.memory_space<semaphore_mem>>)
    %dma_wait3A_152 = arith.constant 56 : i32
    %dma_wait3A_153 = tpu.memref_slice %arg5[%dma_wait3A_152] : memref<256xi32, #tpu.memory_space<vmem>> -> memref<8xi32, #tpu.memory_space<vmem>>
    %dma_wait3A_154 = arith.constant 0 : i32
    %dma_wait3A_155 = arith.constant 0 : i32
    %dma_wait3A_156 = tpu.memref_slice %arg2[%dma_wait3A_154, %dma_wait3A_155] : memref<8192x3072xf32, #tpu.memory_space<hbm>> -> memref<8192x3072xf32, #tpu.memory_space<hbm>>
    tpu.wait_indirect_dma semaphore(%arg10 : memref<!tpu.dma_semaphore, #tpu.memory_space<semaphore_mem>>) src(%dma_wait3A_156 : memref<8192x3072xf32, #tpu.memory_space<hbm>>) dst(%arg9 : memref<8x3072xf32, #tpu.memory_space<vmem>>)
    %add3A_157 = arith.constant 56 : i32
    %add3A_158 = arith.addi %mul3A_2, %add3A_157 : i32
    %dma_start3A_159 = arith.constant 0 : i32
    %dma_start3A_160 = tpu.memref_slice %arg4[%add3A_158, %dma_start3A_159] : memref<8192x3072xf32, #tpu.memory_space<hbm>> -> memref<8x3072xf32, #tpu.memory_space<hbm>>
    %dma_start3A_161 = arith.constant 0 : i32
    %dma_start3A_162 = tpu.memref_slice %arg4[%add3A_158, %dma_start3A_161] : memref<8192x3072xf32, #tpu.memory_space<hbm>> -> memref<8x3072xf32, #tpu.memory_space<hbm>>
    tpu.enqueue_dma source(%arg9 : memref<8x3072xf32, #tpu.memory_space<vmem>>) target(%dma_start3A_162 : memref<8x3072xf32, #tpu.memory_space<hbm>>) target_semaphore(%arg11 : memref<!tpu.dma_semaphore, #tpu.memory_space<semaphore_mem>>)
    %dma_wait3A_163 = arith.constant 0 : i32
    %dma_wait3A_164 = tpu.memref_slice %arg4[%add3A_138, %dma_wait3A_163] : memref<8192x3072xf32, #tpu.memory_space<hbm>> -> memref<8x3072xf32, #tpu.memory_space<hbm>>
    %dma_wait3A_165 = arith.constant 0 : i32
    %dma_wait3A_166 = tpu.memref_slice %arg4[%add3A_138, %dma_wait3A_165] : memref<8192x3072xf32, #tpu.memory_space<hbm>> -> memref<8x3072xf32, #tpu.memory_space<hbm>>
    tpu.wait_dma2 semaphore(%arg11 : memref<!tpu.dma_semaphore, #tpu.memory_space<semaphore_mem>>) src(%arg8 : memref<8x3072xf32, #tpu.memory_space<vmem>>) dst(%dma_wait3A_166 : memref<8x3072xf32, #tpu.memory_space<hbm>>)
    %dma_start3A_167 = arith.constant 80 : i32
    %dma_start3A_168 = tpu.memref_slice %arg5[%dma_start3A_167] : memref<256xi32, #tpu.memory_space<vmem>> -> memref<8xi32, #tpu.memory_space<vmem>>
    %dma_start3A_169 = arith.constant 0 : i32
    %dma_start3A_170 = arith.constant 0 : i32
    %dma_start3A_171 = tpu.memref_slice %arg2[%dma_start3A_169, %dma_start3A_170] : memref<8192x3072xf32, #tpu.memory_space<hbm>> -> memref<8192x3072xf32, #tpu.memory_space<hbm>>
    tpu.enqueue_indirect_dma source(%dma_start3A_171 : memref<8192x3072xf32, #tpu.memory_space<hbm>>) target(%arg8 : memref<8x3072xf32, #tpu.memory_space<vmem>>) offsets(%dma_start3A_168 : memref<8xi32, #tpu.memory_space<vmem>>) semaphore(%arg10 : memref<!tpu.dma_semaphore, #tpu.memory_space<semaphore_mem>>)
    %dma_wait3A_172 = arith.constant 64 : i32
    %dma_wait3A_173 = tpu.memref_slice %arg5[%dma_wait3A_172] : memref<256xi32, #tpu.memory_space<vmem>> -> memref<8xi32, #tpu.memory_space<vmem>>
    %dma_wait3A_174 = arith.constant 0 : i32
    %dma_wait3A_175 = arith.constant 0 : i32
    %dma_wait3A_176 = tpu.memref_slice %arg2[%dma_wait3A_174, %dma_wait3A_175] : memref<8192x3072xf32, #tpu.memory_space<hbm>> -> memref<8192x3072xf32, #tpu.memory_space<hbm>>
    tpu.wait_indirect_dma semaphore(%arg10 : memref<!tpu.dma_semaphore, #tpu.memory_space<semaphore_mem>>) src(%dma_wait3A_176 : memref<8192x3072xf32, #tpu.memory_space<hbm>>) dst(%arg6 : memref<8x3072xf32, #tpu.memory_space<vmem>>)
    %add3A_177 = arith.constant 64 : i32
    %add3A_178 = arith.addi %mul3A_2, %add3A_177 : i32
    %dma_start3A_179 = arith.constant 0 : i32
    %dma_start3A_180 = tpu.memref_slice %arg4[%add3A_178, %dma_start3A_179] : memref<8192x3072xf32, #tpu.memory_space<hbm>> -> memref<8x3072xf32, #tpu.memory_space<hbm>>
    %dma_start3A_181 = arith.constant 0 : i32
    %dma_start3A_182 = tpu.memref_slice %arg4[%add3A_178, %dma_start3A_181] : memref<8192x3072xf32, #tpu.memory_space<hbm>> -> memref<8x3072xf32, #tpu.memory_space<hbm>>
    tpu.enqueue_dma source(%arg6 : memref<8x3072xf32, #tpu.memory_space<vmem>>) target(%dma_start3A_182 : memref<8x3072xf32, #tpu.memory_space<hbm>>) target_semaphore(%arg11 : memref<!tpu.dma_semaphore, #tpu.memory_space<semaphore_mem>>)
    %dma_wait3A_183 = arith.constant 0 : i32
    %dma_wait3A_184 = tpu.memref_slice %arg4[%add3A_158, %dma_wait3A_183] : memref<8192x3072xf32, #tpu.memory_space<hbm>> -> memref<8x3072xf32, #tpu.memory_space<hbm>>
    %dma_wait3A_185 = arith.constant 0 : i32
    %dma_wait3A_186 = tpu.memref_slice %arg4[%add3A_158, %dma_wait3A_185] : memref<8192x3072xf32, #tpu.memory_space<hbm>> -> memref<8x3072xf32, #tpu.memory_space<hbm>>
    tpu.wait_dma2 semaphore(%arg11 : memref<!tpu.dma_semaphore, #tpu.memory_space<semaphore_mem>>) src(%arg9 : memref<8x3072xf32, #tpu.memory_space<vmem>>) dst(%dma_wait3A_186 : memref<8x3072xf32, #tpu.memory_space<hbm>>)
    %dma_start3A_187 = arith.constant 88 : i32
    %dma_start3A_188 = tpu.memref_slice %arg5[%dma_start3A_187] : memref<256xi32, #tpu.memory_space<vmem>> -> memref<8xi32, #tpu.memory_space<vmem>>
    %dma_start3A_189 = arith.constant 0 : i32
    %dma_start3A_190 = arith.constant 0 : i32
    %dma_start3A_191 = tpu.memref_slice %arg2[%dma_start3A_189, %dma_start3A_190] : memref<8192x3072xf32, #tpu.memory_space<hbm>> -> memref<8192x3072xf32, #tpu.memory_space<hbm>>
    tpu.enqueue_indirect_dma source(%dma_start3A_191 : memref<8192x3072xf32, #tpu.memory_space<hbm>>) target(%arg9 : memref<8x3072xf32, #tpu.memory_space<vmem>>) offsets(%dma_start3A_188 : memref<8xi32, #tpu.memory_space<vmem>>) semaphore(%arg10 : memref<!tpu.dma_semaphore, #tpu.memory_space<semaphore_mem>>)
    %dma_wait3A_192 = arith.constant 72 : i32
    %dma_wait3A_193 = tpu.memref_slice %arg5[%dma_wait3A_192] : memref<256xi32, #tpu.memory_space<vmem>> -> memref<8xi32, #tpu.memory_space<vmem>>
    %dma_wait3A_194 = arith.constant 0 : i32
    %dma_wait3A_195 = arith.constant 0 : i32
    %dma_wait3A_196 = tpu.memref_slice %arg2[%dma_wait3A_194, %dma_wait3A_195] : memref<8192x3072xf32, #tpu.memory_space<hbm>> -> memref<8192x3072xf32, #tpu.memory_space<hbm>>
    tpu.wait_indirect_dma semaphore(%arg10 : memref<!tpu.dma_semaphore, #tpu.memory_space<semaphore_mem>>) src(%dma_wait3A_196 : memref<8192x3072xf32, #tpu.memory_space<hbm>>) dst(%arg7 : memref<8x3072xf32, #tpu.memory_space<vmem>>)
    %add3A_197 = arith.constant 72 : i32
    %add3A_198 = arith.addi %mul3A_2, %add3A_197 : i32
    %dma_start3A_199 = arith.constant 0 : i32
    %dma_start3A_200 = tpu.memref_slice %arg4[%add3A_198, %dma_start3A_199] : memref<8192x3072xf32, #tpu.memory_space<hbm>> -> memref<8x3072xf32, #tpu.memory_space<hbm>>
    %dma_start3A_201 = arith.constant 0 : i32
    %dma_start3A_202 = tpu.memref_slice %arg4[%add3A_198, %dma_start3A_201] : memref<8192x3072xf32, #tpu.memory_space<hbm>> -> memref<8x3072xf32, #tpu.memory_space<hbm>>
    tpu.enqueue_dma source(%arg7 : memref<8x3072xf32, #tpu.memory_space<vmem>>) target(%dma_start3A_202 : memref<8x3072xf32, #tpu.memory_space<hbm>>) target_semaphore(%arg11 : memref<!tpu.dma_semaphore, #tpu.memory_space<semaphore_mem>>)
    %dma_wait3A_203 = arith.constant 0 : i32
    %dma_wait3A_204 = tpu.memref_slice %arg4[%add3A_178, %dma_wait3A_203] : memref<8192x3072xf32, #tpu.memory_space<hbm>> -> memref<8x3072xf32, #tpu.memory_space<hbm>>
    %dma_wait3A_205 = arith.constant 0 : i32
    %dma_wait3A_206 = tpu.memref_slice %arg4[%add3A_178, %dma_wait3A_205] : memref<8192x3072xf32, #tpu.memory_space<hbm>> -> memref<8x3072xf32, #tpu.memory_space<hbm>>
    tpu.wait_dma2 semaphore(%arg11 : memref<!tpu.dma_semaphore, #tpu.memory_space<semaphore_mem>>) src(%arg6 : memref<8x3072xf32, #tpu.memory_space<vmem>>) dst(%dma_wait3A_206 : memref<8x3072xf32, #tpu.memory_space<hbm>>)
    %dma_start3A_207 = arith.constant 96 : i32
    %dma_start3A_208 = tpu.memref_slice %arg5[%dma_start3A_207] : memref<256xi32, #tpu.memory_space<vmem>> -> memref<8xi32, #tpu.memory_space<vmem>>
    %dma_start3A_209 = arith.constant 0 : i32
    %dma_start3A_210 = arith.constant 0 : i32
    %dma_start3A_211 = tpu.memref_slice %arg2[%dma_start3A_209, %dma_start3A_210] : memref<8192x3072xf32, #tpu.memory_space<hbm>> -> memref<8192x3072xf32, #tpu.memory_space<hbm>>
    tpu.enqueue_indirect_dma source(%dma_start3A_211 : memref<8192x3072xf32, #tpu.memory_space<hbm>>) target(%arg6 : memref<8x3072xf32, #tpu.memory_space<vmem>>) offsets(%dma_start3A_208 : memref<8xi32, #tpu.memory_space<vmem>>) semaphore(%arg10 : memref<!tpu.dma_semaphore, #tpu.memory_space<semaphore_mem>>)
    %dma_wait3A_212 = arith.constant 80 : i32
    %dma_wait3A_213 = tpu.memref_slice %arg5[%dma_wait3A_212] : memref<256xi32, #tpu.memory_space<vmem>> -> memref<8xi32, #tpu.memory_space<vmem>>
    %dma_wait3A_214 = arith.constant 0 : i32
    %dma_wait3A_215 = arith.constant 0 : i32
    %dma_wait3A_216 = tpu.memref_slice %arg2[%dma_wait3A_214, %dma_wait3A_215] : memref<8192x3072xf32, #tpu.memory_space<hbm>> -> memref<8192x3072xf32, #tpu.memory_space<hbm>>
    tpu.wait_indirect_dma semaphore(%arg10 : memref<!tpu.dma_semaphore, #tpu.memory_space<semaphore_mem>>) src(%dma_wait3A_216 : memref<8192x3072xf32, #tpu.memory_space<hbm>>) dst(%arg8 : memref<8x3072xf32, #tpu.memory_space<vmem>>)
    %add3A_217 = arith.constant 80 : i32
    %add3A_218 = arith.addi %mul3A_2, %add3A_217 : i32
    %dma_start3A_219 = arith.constant 0 : i32
    %dma_start3A_220 = tpu.memref_slice %arg4[%add3A_218, %dma_start3A_219] : memref<8192x3072xf32, #tpu.memory_space<hbm>> -> memref<8x3072xf32, #tpu.memory_space<hbm>>
    %dma_start3A_221 = arith.constant 0 : i32
    %dma_start3A_222 = tpu.memref_slice %arg4[%add3A_218, %dma_start3A_221] : memref<8192x3072xf32, #tpu.memory_space<hbm>> -> memref<8x3072xf32, #tpu.memory_space<hbm>>
    tpu.enqueue_dma source(%arg8 : memref<8x3072xf32, #tpu.memory_space<vmem>>) target(%dma_start3A_222 : memref<8x3072xf32, #tpu.memory_space<hbm>>) target_semaphore(%arg11 : memref<!tpu.dma_semaphore, #tpu.memory_space<semaphore_mem>>)
    %dma_wait3A_223 = arith.constant 0 : i32
    %dma_wait3A_224 = tpu.memref_slice %arg4[%add3A_198, %dma_wait3A_223] : memref<8192x3072xf32, #tpu.memory_space<hbm>> -> memref<8x3072xf32, #tpu.memory_space<hbm>>
    %dma_wait3A_225 = arith.constant 0 : i32
    %dma_wait3A_226 = tpu.memref_slice %arg4[%add3A_198, %dma_wait3A_225] : memref<8192x3072xf32, #tpu.memory_space<hbm>> -> memref<8x3072xf32, #tpu.memory_space<hbm>>
    tpu.wait_dma2 semaphore(%arg11 : memref<!tpu.dma_semaphore, #tpu.memory_space<semaphore_mem>>) src(%arg7 : memref<8x3072xf32, #tpu.memory_space<vmem>>) dst(%dma_wait3A_226 : memref<8x3072xf32, #tpu.memory_space<hbm>>)
    %dma_start3A_227 = arith.constant 104 : i32
    %dma_start3A_228 = tpu.memref_slice %arg5[%dma_start3A_227] : memref<256xi32, #tpu.memory_space<vmem>> -> memref<8xi32, #tpu.memory_space<vmem>>
    %dma_start3A_229 = arith.constant 0 : i32
    %dma_start3A_230 = arith.constant 0 : i32
    %dma_start3A_231 = tpu.memref_slice %arg2[%dma_start3A_229, %dma_start3A_230] : memref<8192x3072xf32, #tpu.memory_space<hbm>> -> memref<8192x3072xf32, #tpu.memory_space<hbm>>
    tpu.enqueue_indirect_dma source(%dma_start3A_231 : memref<8192x3072xf32, #tpu.memory_space<hbm>>) target(%arg7 : memref<8x3072xf32, #tpu.memory_space<vmem>>) offsets(%dma_start3A_228 : memref<8xi32, #tpu.memory_space<vmem>>) semaphore(%arg10 : memref<!tpu.dma_semaphore, #tpu.memory_space<semaphore_mem>>)
    %dma_wait3A_232 = arith.constant 88 : i32
    %dma_wait3A_233 = tpu.memref_slice %arg5[%dma_wait3A_232] : memref<256xi32, #tpu.memory_space<vmem>> -> memref<8xi32, #tpu.memory_space<vmem>>
    %dma_wait3A_234 = arith.constant 0 : i32
    %dma_wait3A_235 = arith.constant 0 : i32
    %dma_wait3A_236 = tpu.memref_slice %arg2[%dma_wait3A_234, %dma_wait3A_235] : memref<8192x3072xf32, #tpu.memory_space<hbm>> -> memref<8192x3072xf32, #tpu.memory_space<hbm>>
    tpu.wait_indirect_dma semaphore(%arg10 : memref<!tpu.dma_semaphore, #tpu.memory_space<semaphore_mem>>) src(%dma_wait3A_236 : memref<8192x3072xf32, #tpu.memory_space<hbm>>) dst(%arg9 : memref<8x3072xf32, #tpu.memory_space<vmem>>)
    %add3A_237 = arith.constant 88 : i32
    %add3A_238 = arith.addi %mul3A_2, %add3A_237 : i32
    %dma_start3A_239 = arith.constant 0 : i32
    %dma_start3A_240 = tpu.memref_slice %arg4[%add3A_238, %dma_start3A_239] : memref<8192x3072xf32, #tpu.memory_space<hbm>> -> memref<8x3072xf32, #tpu.memory_space<hbm>>
    %dma_start3A_241 = arith.constant 0 : i32
    %dma_start3A_242 = tpu.memref_slice %arg4[%add3A_238, %dma_start3A_241] : memref<8192x3072xf32, #tpu.memory_space<hbm>> -> memref<8x3072xf32, #tpu.memory_space<hbm>>
    tpu.enqueue_dma source(%arg9 : memref<8x3072xf32, #tpu.memory_space<vmem>>) target(%dma_start3A_242 : memref<8x3072xf32, #tpu.memory_space<hbm>>) target_semaphore(%arg11 : memref<!tpu.dma_semaphore, #tpu.memory_space<semaphore_mem>>)
    %dma_wait3A_243 = arith.constant 0 : i32
    %dma_wait3A_244 = tpu.memref_slice %arg4[%add3A_218, %dma_wait3A_243] : memref<8192x3072xf32, #tpu.memory_space<hbm>> -> memref<8x3072xf32, #tpu.memory_space<hbm>>
    %dma_wait3A_245 = arith.constant 0 : i32
    %dma_wait3A_246 = tpu.memref_slice %arg4[%add3A_218, %dma_wait3A_245] : memref<8192x3072xf32, #tpu.memory_space<hbm>> -> memref<8x3072xf32, #tpu.memory_space<hbm>>
    tpu.wait_dma2 semaphore(%arg11 : memref<!tpu.dma_semaphore, #tpu.memory_space<semaphore_mem>>) src(%arg8 : memref<8x3072xf32, #tpu.memory_space<vmem>>) dst(%dma_wait3A_246 : memref<8x3072xf32, #tpu.memory_space<hbm>>)
    %dma_start3A_247 = arith.constant 112 : i32
    %dma_start3A_248 = tpu.memref_slice %arg5[%dma_start3A_247] : memref<256xi32, #tpu.memory_space<vmem>> -> memref<8xi32, #tpu.memory_space<vmem>>
    %dma_start3A_249 = arith.constant 0 : i32
    %dma_start3A_250 = arith.constant 0 : i32
    %dma_start3A_251 = tpu.memref_slice %arg2[%dma_start3A_249, %dma_start3A_250] : memref<8192x3072xf32, #tpu.memory_space<hbm>> -> memref<8192x3072xf32, #tpu.memory_space<hbm>>
    tpu.enqueue_indirect_dma source(%dma_start3A_251 : memref<8192x3072xf32, #tpu.memory_space<hbm>>) target(%arg8 : memref<8x3072xf32, #tpu.memory_space<vmem>>) offsets(%dma_start3A_248 : memref<8xi32, #tpu.memory_space<vmem>>) semaphore(%arg10 : memref<!tpu.dma_semaphore, #tpu.memory_space<semaphore_mem>>)
    %dma_wait3A_252 = arith.constant 96 : i32
    %dma_wait3A_253 = tpu.memref_slice %arg5[%dma_wait3A_252] : memref<256xi32, #tpu.memory_space<vmem>> -> memref<8xi32, #tpu.memory_space<vmem>>
    %dma_wait3A_254 = arith.constant 0 : i32
    %dma_wait3A_255 = arith.constant 0 : i32
    %dma_wait3A_256 = tpu.memref_slice %arg2[%dma_wait3A_254, %dma_wait3A_255] : memref<8192x3072xf32, #tpu.memory_space<hbm>> -> memref<8192x3072xf32, #tpu.memory_space<hbm>>
    tpu.wait_indirect_dma semaphore(%arg10 : memref<!tpu.dma_semaphore, #tpu.memory_space<semaphore_mem>>) src(%dma_wait3A_256 : memref<8192x3072xf32, #tpu.memory_space<hbm>>) dst(%arg6 : memref<8x3072xf32, #tpu.memory_space<vmem>>)
    %add3A_257 = arith.constant 96 : i32
    %add3A_258 = arith.addi %mul3A_2, %add3A_257 : i32
    %dma_start3A_259 = arith.constant 0 : i32
    %dma_start3A_260 = tpu.memref_slice %arg4[%add3A_258, %dma_start3A_259] : memref<8192x3072xf32, #tpu.memory_space<hbm>> -> memref<8x3072xf32, #tpu.memory_space<hbm>>
    %dma_start3A_261 = arith.constant 0 : i32
    %dma_start3A_262 = tpu.memref_slice %arg4[%add3A_258, %dma_start3A_261] : memref<8192x3072xf32, #tpu.memory_space<hbm>> -> memref<8x3072xf32, #tpu.memory_space<hbm>>
    tpu.enqueue_dma source(%arg6 : memref<8x3072xf32, #tpu.memory_space<vmem>>) target(%dma_start3A_262 : memref<8x3072xf32, #tpu.memory_space<hbm>>) target_semaphore(%arg11 : memref<!tpu.dma_semaphore, #tpu.memory_space<semaphore_mem>>)
    %dma_wait3A_263 = arith.constant 0 : i32
    %dma_wait3A_264 = tpu.memref_slice %arg4[%add3A_238, %dma_wait3A_263] : memref<8192x3072xf32, #tpu.memory_space<hbm>> -> memref<8x3072xf32, #tpu.memory_space<hbm>>
    %dma_wait3A_265 = arith.constant 0 : i32
    %dma_wait3A_266 = tpu.memref_slice %arg4[%add3A_238, %dma_wait3A_265] : memref<8192x3072xf32, #tpu.memory_space<hbm>> -> memref<8x3072xf32, #tpu.memory_space<hbm>>
    tpu.wait_dma2 semaphore(%arg11 : memref<!tpu.dma_semaphore, #tpu.memory_space<semaphore_mem>>) src(%arg9 : memref<8x3072xf32, #tpu.memory_space<vmem>>) dst(%dma_wait3A_266 : memref<8x3072xf32, #tpu.memory_space<hbm>>)
    %dma_start3A_267 = arith.constant 120 : i32
    %dma_start3A_268 = tpu.memref_slice %arg5[%dma_start3A_267] : memref<256xi32, #tpu.memory_space<vmem>> -> memref<8xi32, #tpu.memory_space<vmem>>
    %dma_start3A_269 = arith.constant 0 : i32
    %dma_start3A_270 = arith.constant 0 : i32
    %dma_start3A_271 = tpu.memref_slice %arg2[%dma_start3A_269, %dma_start3A_270] : memref<8192x3072xf32, #tpu.memory_space<hbm>> -> memref<8192x3072xf32, #tpu.memory_space<hbm>>
    tpu.enqueue_indirect_dma source(%dma_start3A_271 : memref<8192x3072xf32, #tpu.memory_space<hbm>>) target(%arg9 : memref<8x3072xf32, #tpu.memory_space<vmem>>) offsets(%dma_start3A_268 : memref<8xi32, #tpu.memory_space<vmem>>) semaphore(%arg10 : memref<!tpu.dma_semaphore, #tpu.memory_space<semaphore_mem>>)
    %dma_wait3A_272 = arith.constant 104 : i32
    %dma_wait3A_273 = tpu.memref_slice %arg5[%dma_wait3A_272] : memref<256xi32, #tpu.memory_space<vmem>> -> memref<8xi32, #tpu.memory_space<vmem>>
    %dma_wait3A_274 = arith.constant 0 : i32
    %dma_wait3A_275 = arith.constant 0 : i32
    %dma_wait3A_276 = tpu.memref_slice %arg2[%dma_wait3A_274, %dma_wait3A_275] : memref<8192x3072xf32, #tpu.memory_space<hbm>> -> memref<8192x3072xf32, #tpu.memory_space<hbm>>
    tpu.wait_indirect_dma semaphore(%arg10 : memref<!tpu.dma_semaphore, #tpu.memory_space<semaphore_mem>>) src(%dma_wait3A_276 : memref<8192x3072xf32, #tpu.memory_space<hbm>>) dst(%arg7 : memref<8x3072xf32, #tpu.memory_space<vmem>>)
    %add3A_277 = arith.constant 104 : i32
    %add3A_278 = arith.addi %mul3A_2, %add3A_277 : i32
    %dma_start3A_279 = arith.constant 0 : i32
    %dma_start3A_280 = tpu.memref_slice %arg4[%add3A_278, %dma_start3A_279] : memref<8192x3072xf32, #tpu.memory_space<hbm>> -> memref<8x3072xf32, #tpu.memory_space<hbm>>
    %dma_start3A_281 = arith.constant 0 : i32
    %dma_start3A_282 = tpu.memref_slice %arg4[%add3A_278, %dma_start3A_281] : memref<8192x3072xf32, #tpu.memory_space<hbm>> -> memref<8x3072xf32, #tpu.memory_space<hbm>>
    tpu.enqueue_dma source(%arg7 : memref<8x3072xf32, #tpu.memory_space<vmem>>) target(%dma_start3A_282 : memref<8x3072xf32, #tpu.memory_space<hbm>>) target_semaphore(%arg11 : memref<!tpu.dma_semaphore, #tpu.memory_space<semaphore_mem>>)
    %dma_wait3A_283 = arith.constant 0 : i32
    %dma_wait3A_284 = tpu.memref_slice %arg4[%add3A_258, %dma_wait3A_283] : memref<8192x3072xf32, #tpu.memory_space<hbm>> -> memref<8x3072xf32, #tpu.memory_space<hbm>>
    %dma_wait3A_285 = arith.constant 0 : i32
    %dma_wait3A_286 = tpu.memref_slice %arg4[%add3A_258, %dma_wait3A_285] : memref<8192x3072xf32, #tpu.memory_space<hbm>> -> memref<8x3072xf32, #tpu.memory_space<hbm>>
    tpu.wait_dma2 semaphore(%arg11 : memref<!tpu.dma_semaphore, #tpu.memory_space<semaphore_mem>>) src(%arg6 : memref<8x3072xf32, #tpu.memory_space<vmem>>) dst(%dma_wait3A_286 : memref<8x3072xf32, #tpu.memory_space<hbm>>)
    %dma_start3A_287 = arith.constant 128 : i32
    %dma_start3A_288 = tpu.memref_slice %arg5[%dma_start3A_287] : memref<256xi32, #tpu.memory_space<vmem>> -> memref<8xi32, #tpu.memory_space<vmem>>
    %dma_start3A_289 = arith.constant 0 : i32
    %dma_start3A_290 = arith.constant 0 : i32
    %dma_start3A_291 = tpu.memref_slice %arg2[%dma_start3A_289, %dma_start3A_290] : memref<8192x3072xf32, #tpu.memory_space<hbm>> -> memref<8192x3072xf32, #tpu.memory_space<hbm>>
    tpu.enqueue_indirect_dma source(%dma_start3A_291 : memref<8192x3072xf32, #tpu.memory_space<hbm>>) target(%arg6 : memref<8x3072xf32, #tpu.memory_space<vmem>>) offsets(%dma_start3A_288 : memref<8xi32, #tpu.memory_space<vmem>>) semaphore(%arg10 : memref<!tpu.dma_semaphore, #tpu.memory_space<semaphore_mem>>)
    %dma_wait3A_292 = arith.constant 112 : i32
    %dma_wait3A_293 = tpu.memref_slice %arg5[%dma_wait3A_292] : memref<256xi32, #tpu.memory_space<vmem>> -> memref<8xi32, #tpu.memory_space<vmem>>
    %dma_wait3A_294 = arith.constant 0 : i32
    %dma_wait3A_295 = arith.constant 0 : i32
    %dma_wait3A_296 = tpu.memref_slice %arg2[%dma_wait3A_294, %dma_wait3A_295] : memref<8192x3072xf32, #tpu.memory_space<hbm>> -> memref<8192x3072xf32, #tpu.memory_space<hbm>>
    tpu.wait_indirect_dma semaphore(%arg10 : memref<!tpu.dma_semaphore, #tpu.memory_space<semaphore_mem>>) src(%dma_wait3A_296 : memref<8192x3072xf32, #tpu.memory_space<hbm>>) dst(%arg8 : memref<8x3072xf32, #tpu.memory_space<vmem>>)
    %add3A_297 = arith.constant 112 : i32
    %add3A_298 = arith.addi %mul3A_2, %add3A_297 : i32
    %dma_start3A_299 = arith.constant 0 : i32
    %dma_start3A_300 = tpu.memref_slice %arg4[%add3A_298, %dma_start3A_299] : memref<8192x3072xf32, #tpu.memory_space<hbm>> -> memref<8x3072xf32, #tpu.memory_space<hbm>>
    %dma_start3A_301 = arith.constant 0 : i32
    %dma_start3A_302 = tpu.memref_slice %arg4[%add3A_298, %dma_start3A_301] : memref<8192x3072xf32, #tpu.memory_space<hbm>> -> memref<8x3072xf32, #tpu.memory_space<hbm>>
    tpu.enqueue_dma source(%arg8 : memref<8x3072xf32, #tpu.memory_space<vmem>>) target(%dma_start3A_302 : memref<8x3072xf32, #tpu.memory_space<hbm>>) target_semaphore(%arg11 : memref<!tpu.dma_semaphore, #tpu.memory_space<semaphore_mem>>)
    %dma_wait3A_303 = arith.constant 0 : i32
    %dma_wait3A_304 = tpu.memref_slice %arg4[%add3A_278, %dma_wait3A_303] : memref<8192x3072xf32, #tpu.memory_space<hbm>> -> memref<8x3072xf32, #tpu.memory_space<hbm>>
    %dma_wait3A_305 = arith.constant 0 : i32
    %dma_wait3A_306 = tpu.memref_slice %arg4[%add3A_278, %dma_wait3A_305] : memref<8192x3072xf32, #tpu.memory_space<hbm>> -> memref<8x3072xf32, #tpu.memory_space<hbm>>
    tpu.wait_dma2 semaphore(%arg11 : memref<!tpu.dma_semaphore, #tpu.memory_space<semaphore_mem>>) src(%arg7 : memref<8x3072xf32, #tpu.memory_space<vmem>>) dst(%dma_wait3A_306 : memref<8x3072xf32, #tpu.memory_space<hbm>>)
    %dma_start3A_307 = arith.constant 136 : i32
    %dma_start3A_308 = tpu.memref_slice %arg5[%dma_start3A_307] : memref<256xi32, #tpu.memory_space<vmem>> -> memref<8xi32, #tpu.memory_space<vmem>>
    %dma_start3A_309 = arith.constant 0 : i32
    %dma_start3A_310 = arith.constant 0 : i32
    %dma_start3A_311 = tpu.memref_slice %arg2[%dma_start3A_309, %dma_start3A_310] : memref<8192x3072xf32, #tpu.memory_space<hbm>> -> memref<8192x3072xf32, #tpu.memory_space<hbm>>
    tpu.enqueue_indirect_dma source(%dma_start3A_311 : memref<8192x3072xf32, #tpu.memory_space<hbm>>) target(%arg7 : memref<8x3072xf32, #tpu.memory_space<vmem>>) offsets(%dma_start3A_308 : memref<8xi32, #tpu.memory_space<vmem>>) semaphore(%arg10 : memref<!tpu.dma_semaphore, #tpu.memory_space<semaphore_mem>>)
    %dma_wait3A_312 = arith.constant 120 : i32
    %dma_wait3A_313 = tpu.memref_slice %arg5[%dma_wait3A_312] : memref<256xi32, #tpu.memory_space<vmem>> -> memref<8xi32, #tpu.memory_space<vmem>>
    %dma_wait3A_314 = arith.constant 0 : i32
    %dma_wait3A_315 = arith.constant 0 : i32
    %dma_wait3A_316 = tpu.memref_slice %arg2[%dma_wait3A_314, %dma_wait3A_315] : memref<8192x3072xf32, #tpu.memory_space<hbm>> -> memref<8192x3072xf32, #tpu.memory_space<hbm>>
    tpu.wait_indirect_dma semaphore(%arg10 : memref<!tpu.dma_semaphore, #tpu.memory_space<semaphore_mem>>) src(%dma_wait3A_316 : memref<8192x3072xf32, #tpu.memory_space<hbm>>) dst(%arg9 : memref<8x3072xf32, #tpu.memory_space<vmem>>)
    %add3A_317 = arith.constant 120 : i32
    %add3A_318 = arith.addi %mul3A_2, %add3A_317 : i32
    %dma_start3A_319 = arith.constant 0 : i32
    %dma_start3A_320 = tpu.memref_slice %arg4[%add3A_318, %dma_start3A_319] : memref<8192x3072xf32, #tpu.memory_space<hbm>> -> memref<8x3072xf32, #tpu.memory_space<hbm>>
    %dma_start3A_321 = arith.constant 0 : i32
    %dma_start3A_322 = tpu.memref_slice %arg4[%add3A_318, %dma_start3A_321] : memref<8192x3072xf32, #tpu.memory_space<hbm>> -> memref<8x3072xf32, #tpu.memory_space<hbm>>
    tpu.enqueue_dma source(%arg9 : memref<8x3072xf32, #tpu.memory_space<vmem>>) target(%dma_start3A_322 : memref<8x3072xf32, #tpu.memory_space<hbm>>) target_semaphore(%arg11 : memref<!tpu.dma_semaphore, #tpu.memory_space<semaphore_mem>>)
    %dma_wait3A_323 = arith.constant 0 : i32
    %dma_wait3A_324 = tpu.memref_slice %arg4[%add3A_298, %dma_wait3A_323] : memref<8192x3072xf32, #tpu.memory_space<hbm>> -> memref<8x3072xf32, #tpu.memory_space<hbm>>
    %dma_wait3A_325 = arith.constant 0 : i32
    %dma_wait3A_326 = tpu.memref_slice %arg4[%add3A_298, %dma_wait3A_325] : memref<8192x3072xf32, #tpu.memory_space<hbm>> -> memref<8x3072xf32, #tpu.memory_space<hbm>>
    tpu.wait_dma2 semaphore(%arg11 : memref<!tpu.dma_semaphore, #tpu.memory_space<semaphore_mem>>) src(%arg8 : memref<8x3072xf32, #tpu.memory_space<vmem>>) dst(%dma_wait3A_326 : memref<8x3072xf32, #tpu.memory_space<hbm>>)
    %dma_start3A_327 = arith.constant 144 : i32
    %dma_start3A_328 = tpu.memref_slice %arg5[%dma_start3A_327] : memref<256xi32, #tpu.memory_space<vmem>> -> memref<8xi32, #tpu.memory_space<vmem>>
    %dma_start3A_329 = arith.constant 0 : i32
    %dma_start3A_330 = arith.constant 0 : i32
    %dma_start3A_331 = tpu.memref_slice %arg2[%dma_start3A_329, %dma_start3A_330] : memref<8192x3072xf32, #tpu.memory_space<hbm>> -> memref<8192x3072xf32, #tpu.memory_space<hbm>>
    tpu.enqueue_indirect_dma source(%dma_start3A_331 : memref<8192x3072xf32, #tpu.memory_space<hbm>>) target(%arg8 : memref<8x3072xf32, #tpu.memory_space<vmem>>) offsets(%dma_start3A_328 : memref<8xi32, #tpu.memory_space<vmem>>) semaphore(%arg10 : memref<!tpu.dma_semaphore, #tpu.memory_space<semaphore_mem>>)
    %dma_wait3A_332 = arith.constant 128 : i32
    %dma_wait3A_333 = tpu.memref_slice %arg5[%dma_wait3A_332] : memref<256xi32, #tpu.memory_space<vmem>> -> memref<8xi32, #tpu.memory_space<vmem>>
    %dma_wait3A_334 = arith.constant 0 : i32
    %dma_wait3A_335 = arith.constant 0 : i32
    %dma_wait3A_336 = tpu.memref_slice %arg2[%dma_wait3A_334, %dma_wait3A_335] : memref<8192x3072xf32, #tpu.memory_space<hbm>> -> memref<8192x3072xf32, #tpu.memory_space<hbm>>
    tpu.wait_indirect_dma semaphore(%arg10 : memref<!tpu.dma_semaphore, #tpu.memory_space<semaphore_mem>>) src(%dma_wait3A_336 : memref<8192x3072xf32, #tpu.memory_space<hbm>>) dst(%arg6 : memref<8x3072xf32, #tpu.memory_space<vmem>>)
    %add3A_337 = arith.constant 128 : i32
    %add3A_338 = arith.addi %mul3A_2, %add3A_337 : i32
    %dma_start3A_339 = arith.constant 0 : i32
    %dma_start3A_340 = tpu.memref_slice %arg4[%add3A_338, %dma_start3A_339] : memref<8192x3072xf32, #tpu.memory_space<hbm>> -> memref<8x3072xf32, #tpu.memory_space<hbm>>
    %dma_start3A_341 = arith.constant 0 : i32
    %dma_start3A_342 = tpu.memref_slice %arg4[%add3A_338, %dma_start3A_341] : memref<8192x3072xf32, #tpu.memory_space<hbm>> -> memref<8x3072xf32, #tpu.memory_space<hbm>>
    tpu.enqueue_dma source(%arg6 : memref<8x3072xf32, #tpu.memory_space<vmem>>) target(%dma_start3A_342 : memref<8x3072xf32, #tpu.memory_space<hbm>>) target_semaphore(%arg11 : memref<!tpu.dma_semaphore, #tpu.memory_space<semaphore_mem>>)
    %dma_wait3A_343 = arith.constant 0 : i32
    %dma_wait3A_344 = tpu.memref_slice %arg4[%add3A_318, %dma_wait3A_343] : memref<8192x3072xf32, #tpu.memory_space<hbm>> -> memref<8x3072xf32, #tpu.memory_space<hbm>>
    %dma_wait3A_345 = arith.constant 0 : i32
    %dma_wait3A_346 = tpu.memref_slice %arg4[%add3A_318, %dma_wait3A_345] : memref<8192x3072xf32, #tpu.memory_space<hbm>> -> memref<8x3072xf32, #tpu.memory_space<hbm>>
    tpu.wait_dma2 semaphore(%arg11 : memref<!tpu.dma_semaphore, #tpu.memory_space<semaphore_mem>>) src(%arg9 : memref<8x3072xf32, #tpu.memory_space<vmem>>) dst(%dma_wait3A_346 : memref<8x3072xf32, #tpu.memory_space<hbm>>)
    %dma_start3A_347 = arith.constant 152 : i32
    %dma_start3A_348 = tpu.memref_slice %arg5[%dma_start3A_347] : memref<256xi32, #tpu.memory_space<vmem>> -> memref<8xi32, #tpu.memory_space<vmem>>
    %dma_start3A_349 = arith.constant 0 : i32
    %dma_start3A_350 = arith.constant 0 : i32
    %dma_start3A_351 = tpu.memref_slice %arg2[%dma_start3A_349, %dma_start3A_350] : memref<8192x3072xf32, #tpu.memory_space<hbm>> -> memref<8192x3072xf32, #tpu.memory_space<hbm>>
    tpu.enqueue_indirect_dma source(%dma_start3A_351 : memref<8192x3072xf32, #tpu.memory_space<hbm>>) target(%arg9 : memref<8x3072xf32, #tpu.memory_space<vmem>>) offsets(%dma_start3A_348 : memref<8xi32, #tpu.memory_space<vmem>>) semaphore(%arg10 : memref<!tpu.dma_semaphore, #tpu.memory_space<semaphore_mem>>)
    %dma_wait3A_352 = arith.constant 136 : i32
    %dma_wait3A_353 = tpu.memref_slice %arg5[%dma_wait3A_352] : memref<256xi32, #tpu.memory_space<vmem>> -> memref<8xi32, #tpu.memory_space<vmem>>
    %dma_wait3A_354 = arith.constant 0 : i32
    %dma_wait3A_355 = arith.constant 0 : i32
    %dma_wait3A_356 = tpu.memref_slice %arg2[%dma_wait3A_354, %dma_wait3A_355] : memref<8192x3072xf32, #tpu.memory_space<hbm>> -> memref<8192x3072xf32, #tpu.memory_space<hbm>>
    tpu.wait_indirect_dma semaphore(%arg10 : memref<!tpu.dma_semaphore, #tpu.memory_space<semaphore_mem>>) src(%dma_wait3A_356 : memref<8192x3072xf32, #tpu.memory_space<hbm>>) dst(%arg7 : memref<8x3072xf32, #tpu.memory_space<vmem>>)
    %add3A_357 = arith.constant 136 : i32
    %add3A_358 = arith.addi %mul3A_2, %add3A_357 : i32
    %dma_start3A_359 = arith.constant 0 : i32
    %dma_start3A_360 = tpu.memref_slice %arg4[%add3A_358, %dma_start3A_359] : memref<8192x3072xf32, #tpu.memory_space<hbm>> -> memref<8x3072xf32, #tpu.memory_space<hbm>>
    %dma_start3A_361 = arith.constant 0 : i32
    %dma_start3A_362 = tpu.memref_slice %arg4[%add3A_358, %dma_start3A_361] : memref<8192x3072xf32, #tpu.memory_space<hbm>> -> memref<8x3072xf32, #tpu.memory_space<hbm>>
    tpu.enqueue_dma source(%arg7 : memref<8x3072xf32, #tpu.memory_space<vmem>>) target(%dma_start3A_362 : memref<8x3072xf32, #tpu.memory_space<hbm>>) target_semaphore(%arg11 : memref<!tpu.dma_semaphore, #tpu.memory_space<semaphore_mem>>)
    %dma_wait3A_363 = arith.constant 0 : i32
    %dma_wait3A_364 = tpu.memref_slice %arg4[%add3A_338, %dma_wait3A_363] : memref<8192x3072xf32, #tpu.memory_space<hbm>> -> memref<8x3072xf32, #tpu.memory_space<hbm>>
    %dma_wait3A_365 = arith.constant 0 : i32
    %dma_wait3A_366 = tpu.memref_slice %arg4[%add3A_338, %dma_wait3A_365] : memref<8192x3072xf32, #tpu.memory_space<hbm>> -> memref<8x3072xf32, #tpu.memory_space<hbm>>
    tpu.wait_dma2 semaphore(%arg11 : memref<!tpu.dma_semaphore, #tpu.memory_space<semaphore_mem>>) src(%arg6 : memref<8x3072xf32, #tpu.memory_space<vmem>>) dst(%dma_wait3A_366 : memref<8x3072xf32, #tpu.memory_space<hbm>>)
    %dma_start3A_367 = arith.constant 160 : i32
    %dma_start3A_368 = tpu.memref_slice %arg5[%dma_start3A_367] : memref<256xi32, #tpu.memory_space<vmem>> -> memref<8xi32, #tpu.memory_space<vmem>>
    %dma_start3A_369 = arith.constant 0 : i32
    %dma_start3A_370 = arith.constant 0 : i32
    %dma_start3A_371 = tpu.memref_slice %arg2[%dma_start3A_369, %dma_start3A_370] : memref<8192x3072xf32, #tpu.memory_space<hbm>> -> memref<8192x3072xf32, #tpu.memory_space<hbm>>
    tpu.enqueue_indirect_dma source(%dma_start3A_371 : memref<8192x3072xf32, #tpu.memory_space<hbm>>) target(%arg6 : memref<8x3072xf32, #tpu.memory_space<vmem>>) offsets(%dma_start3A_368 : memref<8xi32, #tpu.memory_space<vmem>>) semaphore(%arg10 : memref<!tpu.dma_semaphore, #tpu.memory_space<semaphore_mem>>)
    %dma_wait3A_372 = arith.constant 144 : i32
    %dma_wait3A_373 = tpu.memref_slice %arg5[%dma_wait3A_372] : memref<256xi32, #tpu.memory_space<vmem>> -> memref<8xi32, #tpu.memory_space<vmem>>
    %dma_wait3A_374 = arith.constant 0 : i32
    %dma_wait3A_375 = arith.constant 0 : i32
    %dma_wait3A_376 = tpu.memref_slice %arg2[%dma_wait3A_374, %dma_wait3A_375] : memref<8192x3072xf32, #tpu.memory_space<hbm>> -> memref<8192x3072xf32, #tpu.memory_space<hbm>>
    tpu.wait_indirect_dma semaphore(%arg10 : memref<!tpu.dma_semaphore, #tpu.memory_space<semaphore_mem>>) src(%dma_wait3A_376 : memref<8192x3072xf32, #tpu.memory_space<hbm>>) dst(%arg8 : memref<8x3072xf32, #tpu.memory_space<vmem>>)
    %add3A_377 = arith.constant 144 : i32
    %add3A_378 = arith.addi %mul3A_2, %add3A_377 : i32
    %dma_start3A_379 = arith.constant 0 : i32
    %dma_start3A_380 = tpu.memref_slice %arg4[%add3A_378, %dma_start3A_379] : memref<8192x3072xf32, #tpu.memory_space<hbm>> -> memref<8x3072xf32, #tpu.memory_space<hbm>>
    %dma_start3A_381 = arith.constant 0 : i32
    %dma_start3A_382 = tpu.memref_slice %arg4[%add3A_378, %dma_start3A_381] : memref<8192x3072xf32, #tpu.memory_space<hbm>> -> memref<8x3072xf32, #tpu.memory_space<hbm>>
    tpu.enqueue_dma source(%arg8 : memref<8x3072xf32, #tpu.memory_space<vmem>>) target(%dma_start3A_382 : memref<8x3072xf32, #tpu.memory_space<hbm>>) target_semaphore(%arg11 : memref<!tpu.dma_semaphore, #tpu.memory_space<semaphore_mem>>)
    %dma_wait3A_383 = arith.constant 0 : i32
    %dma_wait3A_384 = tpu.memref_slice %arg4[%add3A_358, %dma_wait3A_383] : memref<8192x3072xf32, #tpu.memory_space<hbm>> -> memref<8x3072xf32, #tpu.memory_space<hbm>>
    %dma_wait3A_385 = arith.constant 0 : i32
    %dma_wait3A_386 = tpu.memref_slice %arg4[%add3A_358, %dma_wait3A_385] : memref<8192x3072xf32, #tpu.memory_space<hbm>> -> memref<8x3072xf32, #tpu.memory_space<hbm>>
    tpu.wait_dma2 semaphore(%arg11 : memref<!tpu.dma_semaphore, #tpu.memory_space<semaphore_mem>>) src(%arg7 : memref<8x3072xf32, #tpu.memory_space<vmem>>) dst(%dma_wait3A_386 : memref<8x3072xf32, #tpu.memory_space<hbm>>)
    %dma_start3A_387 = arith.constant 168 : i32
    %dma_start3A_388 = tpu.memref_slice %arg5[%dma_start3A_387] : memref<256xi32, #tpu.memory_space<vmem>> -> memref<8xi32, #tpu.memory_space<vmem>>
    %dma_start3A_389 = arith.constant 0 : i32
    %dma_start3A_390 = arith.constant 0 : i32
    %dma_start3A_391 = tpu.memref_slice %arg2[%dma_start3A_389, %dma_start3A_390] : memref<8192x3072xf32, #tpu.memory_space<hbm>> -> memref<8192x3072xf32, #tpu.memory_space<hbm>>
    tpu.enqueue_indirect_dma source(%dma_start3A_391 : memref<8192x3072xf32, #tpu.memory_space<hbm>>) target(%arg7 : memref<8x3072xf32, #tpu.memory_space<vmem>>) offsets(%dma_start3A_388 : memref<8xi32, #tpu.memory_space<vmem>>) semaphore(%arg10 : memref<!tpu.dma_semaphore, #tpu.memory_space<semaphore_mem>>)
    %dma_wait3A_392 = arith.constant 152 : i32
    %dma_wait3A_393 = tpu.memref_slice %arg5[%dma_wait3A_392] : memref<256xi32, #tpu.memory_space<vmem>> -> memref<8xi32, #tpu.memory_space<vmem>>
    %dma_wait3A_394 = arith.constant 0 : i32
    %dma_wait3A_395 = arith.constant 0 : i32
    %dma_wait3A_396 = tpu.memref_slice %arg2[%dma_wait3A_394, %dma_wait3A_395] : memref<8192x3072xf32, #tpu.memory_space<hbm>> -> memref<8192x3072xf32, #tpu.memory_space<hbm>>
    tpu.wait_indirect_dma semaphore(%arg10 : memref<!tpu.dma_semaphore, #tpu.memory_space<semaphore_mem>>) src(%dma_wait3A_396 : memref<8192x3072xf32, #tpu.memory_space<hbm>>) dst(%arg9 : memref<8x3072xf32, #tpu.memory_space<vmem>>)
    %add3A_397 = arith.constant 152 : i32
    %add3A_398 = arith.addi %mul3A_2, %add3A_397 : i32
    %dma_start3A_399 = arith.constant 0 : i32
    %dma_start3A_400 = tpu.memref_slice %arg4[%add3A_398, %dma_start3A_399] : memref<8192x3072xf32, #tpu.memory_space<hbm>> -> memref<8x3072xf32, #tpu.memory_space<hbm>>
    %dma_start3A_401 = arith.constant 0 : i32
    %dma_start3A_402 = tpu.memref_slice %arg4[%add3A_398, %dma_start3A_401] : memref<8192x3072xf32, #tpu.memory_space<hbm>> -> memref<8x3072xf32, #tpu.memory_space<hbm>>
    tpu.enqueue_dma source(%arg9 : memref<8x3072xf32, #tpu.memory_space<vmem>>) target(%dma_start3A_402 : memref<8x3072xf32, #tpu.memory_space<hbm>>) target_semaphore(%arg11 : memref<!tpu.dma_semaphore, #tpu.memory_space<semaphore_mem>>)
    %dma_wait3A_403 = arith.constant 0 : i32
    %dma_wait3A_404 = tpu.memref_slice %arg4[%add3A_378, %dma_wait3A_403] : memref<8192x3072xf32, #tpu.memory_space<hbm>> -> memref<8x3072xf32, #tpu.memory_space<hbm>>
    %dma_wait3A_405 = arith.constant 0 : i32
    %dma_wait3A_406 = tpu.memref_slice %arg4[%add3A_378, %dma_wait3A_405] : memref<8192x3072xf32, #tpu.memory_space<hbm>> -> memref<8x3072xf32, #tpu.memory_space<hbm>>
    tpu.wait_dma2 semaphore(%arg11 : memref<!tpu.dma_semaphore, #tpu.memory_space<semaphore_mem>>) src(%arg8 : memref<8x3072xf32, #tpu.memory_space<vmem>>) dst(%dma_wait3A_406 : memref<8x3072xf32, #tpu.memory_space<hbm>>)
    %dma_start3A_407 = arith.constant 176 : i32
    %dma_start3A_408 = tpu.memref_slice %arg5[%dma_start3A_407] : memref<256xi32, #tpu.memory_space<vmem>> -> memref<8xi32, #tpu.memory_space<vmem>>
    %dma_start3A_409 = arith.constant 0 : i32
    %dma_start3A_410 = arith.constant 0 : i32
    %dma_start3A_411 = tpu.memref_slice %arg2[%dma_start3A_409, %dma_start3A_410] : memref<8192x3072xf32, #tpu.memory_space<hbm>> -> memref<8192x3072xf32, #tpu.memory_space<hbm>>
    tpu.enqueue_indirect_dma source(%dma_start3A_411 : memref<8192x3072xf32, #tpu.memory_space<hbm>>) target(%arg8 : memref<8x3072xf32, #tpu.memory_space<vmem>>) offsets(%dma_start3A_408 : memref<8xi32, #tpu.memory_space<vmem>>) semaphore(%arg10 : memref<!tpu.dma_semaphore, #tpu.memory_space<semaphore_mem>>)
    %dma_wait3A_412 = arith.constant 160 : i32
    %dma_wait3A_413 = tpu.memref_slice %arg5[%dma_wait3A_412] : memref<256xi32, #tpu.memory_space<vmem>> -> memref<8xi32, #tpu.memory_space<vmem>>
    %dma_wait3A_414 = arith.constant 0 : i32
    %dma_wait3A_415 = arith.constant 0 : i32
    %dma_wait3A_416 = tpu.memref_slice %arg2[%dma_wait3A_414, %dma_wait3A_415] : memref<8192x3072xf32, #tpu.memory_space<hbm>> -> memref<8192x3072xf32, #tpu.memory_space<hbm>>
    tpu.wait_indirect_dma semaphore(%arg10 : memref<!tpu.dma_semaphore, #tpu.memory_space<semaphore_mem>>) src(%dma_wait3A_416 : memref<8192x3072xf32, #tpu.memory_space<hbm>>) dst(%arg6 : memref<8x3072xf32, #tpu.memory_space<vmem>>)
    %add3A_417 = arith.constant 160 : i32
    %add3A_418 = arith.addi %mul3A_2, %add3A_417 : i32
    %dma_start3A_419 = arith.constant 0 : i32
    %dma_start3A_420 = tpu.memref_slice %arg4[%add3A_418, %dma_start3A_419] : memref<8192x3072xf32, #tpu.memory_space<hbm>> -> memref<8x3072xf32, #tpu.memory_space<hbm>>
    %dma_start3A_421 = arith.constant 0 : i32
    %dma_start3A_422 = tpu.memref_slice %arg4[%add3A_418, %dma_start3A_421] : memref<8192x3072xf32, #tpu.memory_space<hbm>> -> memref<8x3072xf32, #tpu.memory_space<hbm>>
    tpu.enqueue_dma source(%arg6 : memref<8x3072xf32, #tpu.memory_space<vmem>>) target(%dma_start3A_422 : memref<8x3072xf32, #tpu.memory_space<hbm>>) target_semaphore(%arg11 : memref<!tpu.dma_semaphore, #tpu.memory_space<semaphore_mem>>)
    %dma_wait3A_423 = arith.constant 0 : i32
    %dma_wait3A_424 = tpu.memref_slice %arg4[%add3A_398, %dma_wait3A_423] : memref<8192x3072xf32, #tpu.memory_space<hbm>> -> memref<8x3072xf32, #tpu.memory_space<hbm>>
    %dma_wait3A_425 = arith.constant 0 : i32
    %dma_wait3A_426 = tpu.memref_slice %arg4[%add3A_398, %dma_wait3A_425] : memref<8192x3072xf32, #tpu.memory_space<hbm>> -> memref<8x3072xf32, #tpu.memory_space<hbm>>
    tpu.wait_dma2 semaphore(%arg11 : memref<!tpu.dma_semaphore, #tpu.memory_space<semaphore_mem>>) src(%arg9 : memref<8x3072xf32, #tpu.memory_space<vmem>>) dst(%dma_wait3A_426 : memref<8x3072xf32, #tpu.memory_space<hbm>>)
    %dma_start3A_427 = arith.constant 184 : i32
    %dma_start3A_428 = tpu.memref_slice %arg5[%dma_start3A_427] : memref<256xi32, #tpu.memory_space<vmem>> -> memref<8xi32, #tpu.memory_space<vmem>>
    %dma_start3A_429 = arith.constant 0 : i32
    %dma_start3A_430 = arith.constant 0 : i32
    %dma_start3A_431 = tpu.memref_slice %arg2[%dma_start3A_429, %dma_start3A_430] : memref<8192x3072xf32, #tpu.memory_space<hbm>> -> memref<8192x3072xf32, #tpu.memory_space<hbm>>
    tpu.enqueue_indirect_dma source(%dma_start3A_431 : memref<8192x3072xf32, #tpu.memory_space<hbm>>) target(%arg9 : memref<8x3072xf32, #tpu.memory_space<vmem>>) offsets(%dma_start3A_428 : memref<8xi32, #tpu.memory_space<vmem>>) semaphore(%arg10 : memref<!tpu.dma_semaphore, #tpu.memory_space<semaphore_mem>>)
    %dma_wait3A_432 = arith.constant 168 : i32
    %dma_wait3A_433 = tpu.memref_slice %arg5[%dma_wait3A_432] : memref<256xi32, #tpu.memory_space<vmem>> -> memref<8xi32, #tpu.memory_space<vmem>>
    %dma_wait3A_434 = arith.constant 0 : i32
    %dma_wait3A_435 = arith.constant 0 : i32
    %dma_wait3A_436 = tpu.memref_slice %arg2[%dma_wait3A_434, %dma_wait3A_435] : memref<8192x3072xf32, #tpu.memory_space<hbm>> -> memref<8192x3072xf32, #tpu.memory_space<hbm>>
    tpu.wait_indirect_dma semaphore(%arg10 : memref<!tpu.dma_semaphore, #tpu.memory_space<semaphore_mem>>) src(%dma_wait3A_436 : memref<8192x3072xf32, #tpu.memory_space<hbm>>) dst(%arg7 : memref<8x3072xf32, #tpu.memory_space<vmem>>)
    %add3A_437 = arith.constant 168 : i32
    %add3A_438 = arith.addi %mul3A_2, %add3A_437 : i32
    %dma_start3A_439 = arith.constant 0 : i32
    %dma_start3A_440 = tpu.memref_slice %arg4[%add3A_438, %dma_start3A_439] : memref<8192x3072xf32, #tpu.memory_space<hbm>> -> memref<8x3072xf32, #tpu.memory_space<hbm>>
    %dma_start3A_441 = arith.constant 0 : i32
    %dma_start3A_442 = tpu.memref_slice %arg4[%add3A_438, %dma_start3A_441] : memref<8192x3072xf32, #tpu.memory_space<hbm>> -> memref<8x3072xf32, #tpu.memory_space<hbm>>
    tpu.enqueue_dma source(%arg7 : memref<8x3072xf32, #tpu.memory_space<vmem>>) target(%dma_start3A_442 : memref<8x3072xf32, #tpu.memory_space<hbm>>) target_semaphore(%arg11 : memref<!tpu.dma_semaphore, #tpu.memory_space<semaphore_mem>>)
    %dma_wait3A_443 = arith.constant 0 : i32
    %dma_wait3A_444 = tpu.memref_slice %arg4[%add3A_418, %dma_wait3A_443] : memref<8192x3072xf32, #tpu.memory_space<hbm>> -> memref<8x3072xf32, #tpu.memory_space<hbm>>
    %dma_wait3A_445 = arith.constant 0 : i32
    %dma_wait3A_446 = tpu.memref_slice %arg4[%add3A_418, %dma_wait3A_445] : memref<8192x3072xf32, #tpu.memory_space<hbm>> -> memref<8x3072xf32, #tpu.memory_space<hbm>>
    tpu.wait_dma2 semaphore(%arg11 : memref<!tpu.dma_semaphore, #tpu.memory_space<semaphore_mem>>) src(%arg6 : memref<8x3072xf32, #tpu.memory_space<vmem>>) dst(%dma_wait3A_446 : memref<8x3072xf32, #tpu.memory_space<hbm>>)
    %dma_start3A_447 = arith.constant 192 : i32
    %dma_start3A_448 = tpu.memref_slice %arg5[%dma_start3A_447] : memref<256xi32, #tpu.memory_space<vmem>> -> memref<8xi32, #tpu.memory_space<vmem>>
    %dma_start3A_449 = arith.constant 0 : i32
    %dma_start3A_450 = arith.constant 0 : i32
    %dma_start3A_451 = tpu.memref_slice %arg2[%dma_start3A_449, %dma_start3A_450] : memref<8192x3072xf32, #tpu.memory_space<hbm>> -> memref<8192x3072xf32, #tpu.memory_space<hbm>>
    tpu.enqueue_indirect_dma source(%dma_start3A_451 : memref<8192x3072xf32, #tpu.memory_space<hbm>>) target(%arg6 : memref<8x3072xf32, #tpu.memory_space<vmem>>) offsets(%dma_start3A_448 : memref<8xi32, #tpu.memory_space<vmem>>) semaphore(%arg10 : memref<!tpu.dma_semaphore, #tpu.memory_space<semaphore_mem>>)
    %dma_wait3A_452 = arith.constant 176 : i32
    %dma_wait3A_453 = tpu.memref_slice %arg5[%dma_wait3A_452] : memref<256xi32, #tpu.memory_space<vmem>> -> memref<8xi32, #tpu.memory_space<vmem>>
    %dma_wait3A_454 = arith.constant 0 : i32
    %dma_wait3A_455 = arith.constant 0 : i32
    %dma_wait3A_456 = tpu.memref_slice %arg2[%dma_wait3A_454, %dma_wait3A_455] : memref<8192x3072xf32, #tpu.memory_space<hbm>> -> memref<8192x3072xf32, #tpu.memory_space<hbm>>
    tpu.wait_indirect_dma semaphore(%arg10 : memref<!tpu.dma_semaphore, #tpu.memory_space<semaphore_mem>>) src(%dma_wait3A_456 : memref<8192x3072xf32, #tpu.memory_space<hbm>>) dst(%arg8 : memref<8x3072xf32, #tpu.memory_space<vmem>>)
    %add3A_457 = arith.constant 176 : i32
    %add3A_458 = arith.addi %mul3A_2, %add3A_457 : i32
    %dma_start3A_459 = arith.constant 0 : i32
    %dma_start3A_460 = tpu.memref_slice %arg4[%add3A_458, %dma_start3A_459] : memref<8192x3072xf32, #tpu.memory_space<hbm>> -> memref<8x3072xf32, #tpu.memory_space<hbm>>
    %dma_start3A_461 = arith.constant 0 : i32
    %dma_start3A_462 = tpu.memref_slice %arg4[%add3A_458, %dma_start3A_461] : memref<8192x3072xf32, #tpu.memory_space<hbm>> -> memref<8x3072xf32, #tpu.memory_space<hbm>>
    tpu.enqueue_dma source(%arg8 : memref<8x3072xf32, #tpu.memory_space<vmem>>) target(%dma_start3A_462 : memref<8x3072xf32, #tpu.memory_space<hbm>>) target_semaphore(%arg11 : memref<!tpu.dma_semaphore, #tpu.memory_space<semaphore_mem>>)
    %dma_wait3A_463 = arith.constant 0 : i32
    %dma_wait3A_464 = tpu.memref_slice %arg4[%add3A_438, %dma_wait3A_463] : memref<8192x3072xf32, #tpu.memory_space<hbm>> -> memref<8x3072xf32, #tpu.memory_space<hbm>>
    %dma_wait3A_465 = arith.constant 0 : i32
    %dma_wait3A_466 = tpu.memref_slice %arg4[%add3A_438, %dma_wait3A_465] : memref<8192x3072xf32, #tpu.memory_space<hbm>> -> memref<8x3072xf32, #tpu.memory_space<hbm>>
    tpu.wait_dma2 semaphore(%arg11 : memref<!tpu.dma_semaphore, #tpu.memory_space<semaphore_mem>>) src(%arg7 : memref<8x3072xf32, #tpu.memory_space<vmem>>) dst(%dma_wait3A_466 : memref<8x3072xf32, #tpu.memory_space<hbm>>)
    %dma_start3A_467 = arith.constant 200 : i32
    %dma_start3A_468 = tpu.memref_slice %arg5[%dma_start3A_467] : memref<256xi32, #tpu.memory_space<vmem>> -> memref<8xi32, #tpu.memory_space<vmem>>
    %dma_start3A_469 = arith.constant 0 : i32
    %dma_start3A_470 = arith.constant 0 : i32
    %dma_start3A_471 = tpu.memref_slice %arg2[%dma_start3A_469, %dma_start3A_470] : memref<8192x3072xf32, #tpu.memory_space<hbm>> -> memref<8192x3072xf32, #tpu.memory_space<hbm>>
    tpu.enqueue_indirect_dma source(%dma_start3A_471 : memref<8192x3072xf32, #tpu.memory_space<hbm>>) target(%arg7 : memref<8x3072xf32, #tpu.memory_space<vmem>>) offsets(%dma_start3A_468 : memref<8xi32, #tpu.memory_space<vmem>>) semaphore(%arg10 : memref<!tpu.dma_semaphore, #tpu.memory_space<semaphore_mem>>)
    %dma_wait3A_472 = arith.constant 184 : i32
    %dma_wait3A_473 = tpu.memref_slice %arg5[%dma_wait3A_472] : memref<256xi32, #tpu.memory_space<vmem>> -> memref<8xi32, #tpu.memory_space<vmem>>
    %dma_wait3A_474 = arith.constant 0 : i32
    %dma_wait3A_475 = arith.constant 0 : i32
    %dma_wait3A_476 = tpu.memref_slice %arg2[%dma_wait3A_474, %dma_wait3A_475] : memref<8192x3072xf32, #tpu.memory_space<hbm>> -> memref<8192x3072xf32, #tpu.memory_space<hbm>>
    tpu.wait_indirect_dma semaphore(%arg10 : memref<!tpu.dma_semaphore, #tpu.memory_space<semaphore_mem>>) src(%dma_wait3A_476 : memref<8192x3072xf32, #tpu.memory_space<hbm>>) dst(%arg9 : memref<8x3072xf32, #tpu.memory_space<vmem>>)
    %add3A_477 = arith.constant 184 : i32
    %add3A_478 = arith.addi %mul3A_2, %add3A_477 : i32
    %dma_start3A_479 = arith.constant 0 : i32
    %dma_start3A_480 = tpu.memref_slice %arg4[%add3A_478, %dma_start3A_479] : memref<8192x3072xf32, #tpu.memory_space<hbm>> -> memref<8x3072xf32, #tpu.memory_space<hbm>>
    %dma_start3A_481 = arith.constant 0 : i32
    %dma_start3A_482 = tpu.memref_slice %arg4[%add3A_478, %dma_start3A_481] : memref<8192x3072xf32, #tpu.memory_space<hbm>> -> memref<8x3072xf32, #tpu.memory_space<hbm>>
    tpu.enqueue_dma source(%arg9 : memref<8x3072xf32, #tpu.memory_space<vmem>>) target(%dma_start3A_482 : memref<8x3072xf32, #tpu.memory_space<hbm>>) target_semaphore(%arg11 : memref<!tpu.dma_semaphore, #tpu.memory_space<semaphore_mem>>)
    %dma_wait3A_483 = arith.constant 0 : i32
    %dma_wait3A_484 = tpu.memref_slice %arg4[%add3A_458, %dma_wait3A_483] : memref<8192x3072xf32, #tpu.memory_space<hbm>> -> memref<8x3072xf32, #tpu.memory_space<hbm>>
    %dma_wait3A_485 = arith.constant 0 : i32
    %dma_wait3A_486 = tpu.memref_slice %arg4[%add3A_458, %dma_wait3A_485] : memref<8192x3072xf32, #tpu.memory_space<hbm>> -> memref<8x3072xf32, #tpu.memory_space<hbm>>
    tpu.wait_dma2 semaphore(%arg11 : memref<!tpu.dma_semaphore, #tpu.memory_space<semaphore_mem>>) src(%arg8 : memref<8x3072xf32, #tpu.memory_space<vmem>>) dst(%dma_wait3A_486 : memref<8x3072xf32, #tpu.memory_space<hbm>>)
    %dma_start3A_487 = arith.constant 208 : i32
    %dma_start3A_488 = tpu.memref_slice %arg5[%dma_start3A_487] : memref<256xi32, #tpu.memory_space<vmem>> -> memref<8xi32, #tpu.memory_space<vmem>>
    %dma_start3A_489 = arith.constant 0 : i32
    %dma_start3A_490 = arith.constant 0 : i32
    %dma_start3A_491 = tpu.memref_slice %arg2[%dma_start3A_489, %dma_start3A_490] : memref<8192x3072xf32, #tpu.memory_space<hbm>> -> memref<8192x3072xf32, #tpu.memory_space<hbm>>
    tpu.enqueue_indirect_dma source(%dma_start3A_491 : memref<8192x3072xf32, #tpu.memory_space<hbm>>) target(%arg8 : memref<8x3072xf32, #tpu.memory_space<vmem>>) offsets(%dma_start3A_488 : memref<8xi32, #tpu.memory_space<vmem>>) semaphore(%arg10 : memref<!tpu.dma_semaphore, #tpu.memory_space<semaphore_mem>>)
    %dma_wait3A_492 = arith.constant 192 : i32
    %dma_wait3A_493 = tpu.memref_slice %arg5[%dma_wait3A_492] : memref<256xi32, #tpu.memory_space<vmem>> -> memref<8xi32, #tpu.memory_space<vmem>>
    %dma_wait3A_494 = arith.constant 0 : i32
    %dma_wait3A_495 = arith.constant 0 : i32
    %dma_wait3A_496 = tpu.memref_slice %arg2[%dma_wait3A_494, %dma_wait3A_495] : memref<8192x3072xf32, #tpu.memory_space<hbm>> -> memref<8192x3072xf32, #tpu.memory_space<hbm>>
    tpu.wait_indirect_dma semaphore(%arg10 : memref<!tpu.dma_semaphore, #tpu.memory_space<semaphore_mem>>) src(%dma_wait3A_496 : memref<8192x3072xf32, #tpu.memory_space<hbm>>) dst(%arg6 : memref<8x3072xf32, #tpu.memory_space<vmem>>)
    %add3A_497 = arith.constant 192 : i32
    %add3A_498 = arith.addi %mul3A_2, %add3A_497 : i32
    %dma_start3A_499 = arith.constant 0 : i32
    %dma_start3A_500 = tpu.memref_slice %arg4[%add3A_498, %dma_start3A_499] : memref<8192x3072xf32, #tpu.memory_space<hbm>> -> memref<8x3072xf32, #tpu.memory_space<hbm>>
    %dma_start3A_501 = arith.constant 0 : i32
    %dma_start3A_502 = tpu.memref_slice %arg4[%add3A_498, %dma_start3A_501] : memref<8192x3072xf32, #tpu.memory_space<hbm>> -> memref<8x3072xf32, #tpu.memory_space<hbm>>
    tpu.enqueue_dma source(%arg6 : memref<8x3072xf32, #tpu.memory_space<vmem>>) target(%dma_start3A_502 : memref<8x3072xf32, #tpu.memory_space<hbm>>) target_semaphore(%arg11 : memref<!tpu.dma_semaphore, #tpu.memory_space<semaphore_mem>>)
    %dma_wait3A_503 = arith.constant 0 : i32
    %dma_wait3A_504 = tpu.memref_slice %arg4[%add3A_478, %dma_wait3A_503] : memref<8192x3072xf32, #tpu.memory_space<hbm>> -> memref<8x3072xf32, #tpu.memory_space<hbm>>
    %dma_wait3A_505 = arith.constant 0 : i32
    %dma_wait3A_506 = tpu.memref_slice %arg4[%add3A_478, %dma_wait3A_505] : memref<8192x3072xf32, #tpu.memory_space<hbm>> -> memref<8x3072xf32, #tpu.memory_space<hbm>>
    tpu.wait_dma2 semaphore(%arg11 : memref<!tpu.dma_semaphore, #tpu.memory_space<semaphore_mem>>) src(%arg9 : memref<8x3072xf32, #tpu.memory_space<vmem>>) dst(%dma_wait3A_506 : memref<8x3072xf32, #tpu.memory_space<hbm>>)
    %dma_start3A_507 = arith.constant 216 : i32
    %dma_start3A_508 = tpu.memref_slice %arg5[%dma_start3A_507] : memref<256xi32, #tpu.memory_space<vmem>> -> memref<8xi32, #tpu.memory_space<vmem>>
    %dma_start3A_509 = arith.constant 0 : i32
    %dma_start3A_510 = arith.constant 0 : i32
    %dma_start3A_511 = tpu.memref_slice %arg2[%dma_start3A_509, %dma_start3A_510] : memref<8192x3072xf32, #tpu.memory_space<hbm>> -> memref<8192x3072xf32, #tpu.memory_space<hbm>>
    tpu.enqueue_indirect_dma source(%dma_start3A_511 : memref<8192x3072xf32, #tpu.memory_space<hbm>>) target(%arg9 : memref<8x3072xf32, #tpu.memory_space<vmem>>) offsets(%dma_start3A_508 : memref<8xi32, #tpu.memory_space<vmem>>) semaphore(%arg10 : memref<!tpu.dma_semaphore, #tpu.memory_space<semaphore_mem>>)
    %dma_wait3A_512 = arith.constant 200 : i32
    %dma_wait3A_513 = tpu.memref_slice %arg5[%dma_wait3A_512] : memref<256xi32, #tpu.memory_space<vmem>> -> memref<8xi32, #tpu.memory_space<vmem>>
    %dma_wait3A_514 = arith.constant 0 : i32
    %dma_wait3A_515 = arith.constant 0 : i32
    %dma_wait3A_516 = tpu.memref_slice %arg2[%dma_wait3A_514, %dma_wait3A_515] : memref<8192x3072xf32, #tpu.memory_space<hbm>> -> memref<8192x3072xf32, #tpu.memory_space<hbm>>
    tpu.wait_indirect_dma semaphore(%arg10 : memref<!tpu.dma_semaphore, #tpu.memory_space<semaphore_mem>>) src(%dma_wait3A_516 : memref<8192x3072xf32, #tpu.memory_space<hbm>>) dst(%arg7 : memref<8x3072xf32, #tpu.memory_space<vmem>>)
    %add3A_517 = arith.constant 200 : i32
    %add3A_518 = arith.addi %mul3A_2, %add3A_517 : i32
    %dma_start3A_519 = arith.constant 0 : i32
    %dma_start3A_520 = tpu.memref_slice %arg4[%add3A_518, %dma_start3A_519] : memref<8192x3072xf32, #tpu.memory_space<hbm>> -> memref<8x3072xf32, #tpu.memory_space<hbm>>
    %dma_start3A_521 = arith.constant 0 : i32
    %dma_start3A_522 = tpu.memref_slice %arg4[%add3A_518, %dma_start3A_521] : memref<8192x3072xf32, #tpu.memory_space<hbm>> -> memref<8x3072xf32, #tpu.memory_space<hbm>>
    tpu.enqueue_dma source(%arg7 : memref<8x3072xf32, #tpu.memory_space<vmem>>) target(%dma_start3A_522 : memref<8x3072xf32, #tpu.memory_space<hbm>>) target_semaphore(%arg11 : memref<!tpu.dma_semaphore, #tpu.memory_space<semaphore_mem>>)
    %dma_wait3A_523 = arith.constant 0 : i32
    %dma_wait3A_524 = tpu.memref_slice %arg4[%add3A_498, %dma_wait3A_523] : memref<8192x3072xf32, #tpu.memory_space<hbm>> -> memref<8x3072xf32, #tpu.memory_space<hbm>>
    %dma_wait3A_525 = arith.constant 0 : i32
    %dma_wait3A_526 = tpu.memref_slice %arg4[%add3A_498, %dma_wait3A_525] : memref<8192x3072xf32, #tpu.memory_space<hbm>> -> memref<8x3072xf32, #tpu.memory_space<hbm>>
    tpu.wait_dma2 semaphore(%arg11 : memref<!tpu.dma_semaphore, #tpu.memory_space<semaphore_mem>>) src(%arg6 : memref<8x3072xf32, #tpu.memory_space<vmem>>) dst(%dma_wait3A_526 : memref<8x3072xf32, #tpu.memory_space<hbm>>)
    %dma_start3A_527 = arith.constant 224 : i32
    %dma_start3A_528 = tpu.memref_slice %arg5[%dma_start3A_527] : memref<256xi32, #tpu.memory_space<vmem>> -> memref<8xi32, #tpu.memory_space<vmem>>
    %dma_start3A_529 = arith.constant 0 : i32
    %dma_start3A_530 = arith.constant 0 : i32
    %dma_start3A_531 = tpu.memref_slice %arg2[%dma_start3A_529, %dma_start3A_530] : memref<8192x3072xf32, #tpu.memory_space<hbm>> -> memref<8192x3072xf32, #tpu.memory_space<hbm>>
    tpu.enqueue_indirect_dma source(%dma_start3A_531 : memref<8192x3072xf32, #tpu.memory_space<hbm>>) target(%arg6 : memref<8x3072xf32, #tpu.memory_space<vmem>>) offsets(%dma_start3A_528 : memref<8xi32, #tpu.memory_space<vmem>>) semaphore(%arg10 : memref<!tpu.dma_semaphore, #tpu.memory_space<semaphore_mem>>)
    %dma_wait3A_532 = arith.constant 208 : i32
    %dma_wait3A_533 = tpu.memref_slice %arg5[%dma_wait3A_532] : memref<256xi32, #tpu.memory_space<vmem>> -> memref<8xi32, #tpu.memory_space<vmem>>
    %dma_wait3A_534 = arith.constant 0 : i32
    %dma_wait3A_535 = arith.constant 0 : i32
    %dma_wait3A_536 = tpu.memref_slice %arg2[%dma_wait3A_534, %dma_wait3A_535] : memref<8192x3072xf32, #tpu.memory_space<hbm>> -> memref<8192x3072xf32, #tpu.memory_space<hbm>>
    tpu.wait_indirect_dma semaphore(%arg10 : memref<!tpu.dma_semaphore, #tpu.memory_space<semaphore_mem>>) src(%dma_wait3A_536 : memref<8192x3072xf32, #tpu.memory_space<hbm>>) dst(%arg8 : memref<8x3072xf32, #tpu.memory_space<vmem>>)
    %add3A_537 = arith.constant 208 : i32
    %add3A_538 = arith.addi %mul3A_2, %add3A_537 : i32
    %dma_start3A_539 = arith.constant 0 : i32
    %dma_start3A_540 = tpu.memref_slice %arg4[%add3A_538, %dma_start3A_539] : memref<8192x3072xf32, #tpu.memory_space<hbm>> -> memref<8x3072xf32, #tpu.memory_space<hbm>>
    %dma_start3A_541 = arith.constant 0 : i32
    %dma_start3A_542 = tpu.memref_slice %arg4[%add3A_538, %dma_start3A_541] : memref<8192x3072xf32, #tpu.memory_space<hbm>> -> memref<8x3072xf32, #tpu.memory_space<hbm>>
    tpu.enqueue_dma source(%arg8 : memref<8x3072xf32, #tpu.memory_space<vmem>>) target(%dma_start3A_542 : memref<8x3072xf32, #tpu.memory_space<hbm>>) target_semaphore(%arg11 : memref<!tpu.dma_semaphore, #tpu.memory_space<semaphore_mem>>)
    %dma_wait3A_543 = arith.constant 0 : i32
    %dma_wait3A_544 = tpu.memref_slice %arg4[%add3A_518, %dma_wait3A_543] : memref<8192x3072xf32, #tpu.memory_space<hbm>> -> memref<8x3072xf32, #tpu.memory_space<hbm>>
    %dma_wait3A_545 = arith.constant 0 : i32
    %dma_wait3A_546 = tpu.memref_slice %arg4[%add3A_518, %dma_wait3A_545] : memref<8192x3072xf32, #tpu.memory_space<hbm>> -> memref<8x3072xf32, #tpu.memory_space<hbm>>
    tpu.wait_dma2 semaphore(%arg11 : memref<!tpu.dma_semaphore, #tpu.memory_space<semaphore_mem>>) src(%arg7 : memref<8x3072xf32, #tpu.memory_space<vmem>>) dst(%dma_wait3A_546 : memref<8x3072xf32, #tpu.memory_space<hbm>>)
    %dma_start3A_547 = arith.constant 232 : i32
    %dma_start3A_548 = tpu.memref_slice %arg5[%dma_start3A_547] : memref<256xi32, #tpu.memory_space<vmem>> -> memref<8xi32, #tpu.memory_space<vmem>>
    %dma_start3A_549 = arith.constant 0 : i32
    %dma_start3A_550 = arith.constant 0 : i32
    %dma_start3A_551 = tpu.memref_slice %arg2[%dma_start3A_549, %dma_start3A_550] : memref<8192x3072xf32, #tpu.memory_space<hbm>> -> memref<8192x3072xf32, #tpu.memory_space<hbm>>
    tpu.enqueue_indirect_dma source(%dma_start3A_551 : memref<8192x3072xf32, #tpu.memory_space<hbm>>) target(%arg7 : memref<8x3072xf32, #tpu.memory_space<vmem>>) offsets(%dma_start3A_548 : memref<8xi32, #tpu.memory_space<vmem>>) semaphore(%arg10 : memref<!tpu.dma_semaphore, #tpu.memory_space<semaphore_mem>>)
    %dma_wait3A_552 = arith.constant 216 : i32
    %dma_wait3A_553 = tpu.memref_slice %arg5[%dma_wait3A_552] : memref<256xi32, #tpu.memory_space<vmem>> -> memref<8xi32, #tpu.memory_space<vmem>>
    %dma_wait3A_554 = arith.constant 0 : i32
    %dma_wait3A_555 = arith.constant 0 : i32
    %dma_wait3A_556 = tpu.memref_slice %arg2[%dma_wait3A_554, %dma_wait3A_555] : memref<8192x3072xf32, #tpu.memory_space<hbm>> -> memref<8192x3072xf32, #tpu.memory_space<hbm>>
    tpu.wait_indirect_dma semaphore(%arg10 : memref<!tpu.dma_semaphore, #tpu.memory_space<semaphore_mem>>) src(%dma_wait3A_556 : memref<8192x3072xf32, #tpu.memory_space<hbm>>) dst(%arg9 : memref<8x3072xf32, #tpu.memory_space<vmem>>)
    %add3A_557 = arith.constant 216 : i32
    %add3A_558 = arith.addi %mul3A_2, %add3A_557 : i32
    %dma_start3A_559 = arith.constant 0 : i32
    %dma_start3A_560 = tpu.memref_slice %arg4[%add3A_558, %dma_start3A_559] : memref<8192x3072xf32, #tpu.memory_space<hbm>> -> memref<8x3072xf32, #tpu.memory_space<hbm>>
    %dma_start3A_561 = arith.constant 0 : i32
    %dma_start3A_562 = tpu.memref_slice %arg4[%add3A_558, %dma_start3A_561] : memref<8192x3072xf32, #tpu.memory_space<hbm>> -> memref<8x3072xf32, #tpu.memory_space<hbm>>
    tpu.enqueue_dma source(%arg9 : memref<8x3072xf32, #tpu.memory_space<vmem>>) target(%dma_start3A_562 : memref<8x3072xf32, #tpu.memory_space<hbm>>) target_semaphore(%arg11 : memref<!tpu.dma_semaphore, #tpu.memory_space<semaphore_mem>>)
    %dma_wait3A_563 = arith.constant 0 : i32
    %dma_wait3A_564 = tpu.memref_slice %arg4[%add3A_538, %dma_wait3A_563] : memref<8192x3072xf32, #tpu.memory_space<hbm>> -> memref<8x3072xf32, #tpu.memory_space<hbm>>
    %dma_wait3A_565 = arith.constant 0 : i32
    %dma_wait3A_566 = tpu.memref_slice %arg4[%add3A_538, %dma_wait3A_565] : memref<8192x3072xf32, #tpu.memory_space<hbm>> -> memref<8x3072xf32, #tpu.memory_space<hbm>>
    tpu.wait_dma2 semaphore(%arg11 : memref<!tpu.dma_semaphore, #tpu.memory_space<semaphore_mem>>) src(%arg8 : memref<8x3072xf32, #tpu.memory_space<vmem>>) dst(%dma_wait3A_566 : memref<8x3072xf32, #tpu.memory_space<hbm>>)
    %dma_start3A_567 = arith.constant 240 : i32
    %dma_start3A_568 = tpu.memref_slice %arg5[%dma_start3A_567] : memref<256xi32, #tpu.memory_space<vmem>> -> memref<8xi32, #tpu.memory_space<vmem>>
    %dma_start3A_569 = arith.constant 0 : i32
    %dma_start3A_570 = arith.constant 0 : i32
    %dma_start3A_571 = tpu.memref_slice %arg2[%dma_start3A_569, %dma_start3A_570] : memref<8192x3072xf32, #tpu.memory_space<hbm>> -> memref<8192x3072xf32, #tpu.memory_space<hbm>>
    tpu.enqueue_indirect_dma source(%dma_start3A_571 : memref<8192x3072xf32, #tpu.memory_space<hbm>>) target(%arg8 : memref<8x3072xf32, #tpu.memory_space<vmem>>) offsets(%dma_start3A_568 : memref<8xi32, #tpu.memory_space<vmem>>) semaphore(%arg10 : memref<!tpu.dma_semaphore, #tpu.memory_space<semaphore_mem>>)
    %dma_wait3A_572 = arith.constant 224 : i32
    %dma_wait3A_573 = tpu.memref_slice %arg5[%dma_wait3A_572] : memref<256xi32, #tpu.memory_space<vmem>> -> memref<8xi32, #tpu.memory_space<vmem>>
    %dma_wait3A_574 = arith.constant 0 : i32
    %dma_wait3A_575 = arith.constant 0 : i32
    %dma_wait3A_576 = tpu.memref_slice %arg2[%dma_wait3A_574, %dma_wait3A_575] : memref<8192x3072xf32, #tpu.memory_space<hbm>> -> memref<8192x3072xf32, #tpu.memory_space<hbm>>
    tpu.wait_indirect_dma semaphore(%arg10 : memref<!tpu.dma_semaphore, #tpu.memory_space<semaphore_mem>>) src(%dma_wait3A_576 : memref<8192x3072xf32, #tpu.memory_space<hbm>>) dst(%arg6 : memref<8x3072xf32, #tpu.memory_space<vmem>>)
    %add3A_577 = arith.constant 224 : i32
    %add3A_578 = arith.addi %mul3A_2, %add3A_577 : i32
    %dma_start3A_579 = arith.constant 0 : i32
    %dma_start3A_580 = tpu.memref_slice %arg4[%add3A_578, %dma_start3A_579] : memref<8192x3072xf32, #tpu.memory_space<hbm>> -> memref<8x3072xf32, #tpu.memory_space<hbm>>
    %dma_start3A_581 = arith.constant 0 : i32
    %dma_start3A_582 = tpu.memref_slice %arg4[%add3A_578, %dma_start3A_581] : memref<8192x3072xf32, #tpu.memory_space<hbm>> -> memref<8x3072xf32, #tpu.memory_space<hbm>>
    tpu.enqueue_dma source(%arg6 : memref<8x3072xf32, #tpu.memory_space<vmem>>) target(%dma_start3A_582 : memref<8x3072xf32, #tpu.memory_space<hbm>>) target_semaphore(%arg11 : memref<!tpu.dma_semaphore, #tpu.memory_space<semaphore_mem>>)
    %dma_wait3A_583 = arith.constant 0 : i32
    %dma_wait3A_584 = tpu.memref_slice %arg4[%add3A_558, %dma_wait3A_583] : memref<8192x3072xf32, #tpu.memory_space<hbm>> -> memref<8x3072xf32, #tpu.memory_space<hbm>>
    %dma_wait3A_585 = arith.constant 0 : i32
    %dma_wait3A_586 = tpu.memref_slice %arg4[%add3A_558, %dma_wait3A_585] : memref<8192x3072xf32, #tpu.memory_space<hbm>> -> memref<8x3072xf32, #tpu.memory_space<hbm>>
    tpu.wait_dma2 semaphore(%arg11 : memref<!tpu.dma_semaphore, #tpu.memory_space<semaphore_mem>>) src(%arg9 : memref<8x3072xf32, #tpu.memory_space<vmem>>) dst(%dma_wait3A_586 : memref<8x3072xf32, #tpu.memory_space<hbm>>)
    %dma_start3A_587 = arith.constant 248 : i32
    %dma_start3A_588 = tpu.memref_slice %arg5[%dma_start3A_587] : memref<256xi32, #tpu.memory_space<vmem>> -> memref<8xi32, #tpu.memory_space<vmem>>
    %dma_start3A_589 = arith.constant 0 : i32
    %dma_start3A_590 = arith.constant 0 : i32
    %dma_start3A_591 = tpu.memref_slice %arg2[%dma_start3A_589, %dma_start3A_590] : memref<8192x3072xf32, #tpu.memory_space<hbm>> -> memref<8192x3072xf32, #tpu.memory_space<hbm>>
    tpu.enqueue_indirect_dma source(%dma_start3A_591 : memref<8192x3072xf32, #tpu.memory_space<hbm>>) target(%arg9 : memref<8x3072xf32, #tpu.memory_space<vmem>>) offsets(%dma_start3A_588 : memref<8xi32, #tpu.memory_space<vmem>>) semaphore(%arg10 : memref<!tpu.dma_semaphore, #tpu.memory_space<semaphore_mem>>)
    %dma_wait3A_592 = arith.constant 232 : i32
    %dma_wait3A_593 = tpu.memref_slice %arg5[%dma_wait3A_592] : memref<256xi32, #tpu.memory_space<vmem>> -> memref<8xi32, #tpu.memory_space<vmem>>
    %dma_wait3A_594 = arith.constant 0 : i32
    %dma_wait3A_595 = arith.constant 0 : i32
    %dma_wait3A_596 = tpu.memref_slice %arg2[%dma_wait3A_594, %dma_wait3A_595] : memref<8192x3072xf32, #tpu.memory_space<hbm>> -> memref<8192x3072xf32, #tpu.memory_space<hbm>>
    tpu.wait_indirect_dma semaphore(%arg10 : memref<!tpu.dma_semaphore, #tpu.memory_space<semaphore_mem>>) src(%dma_wait3A_596 : memref<8192x3072xf32, #tpu.memory_space<hbm>>) dst(%arg7 : memref<8x3072xf32, #tpu.memory_space<vmem>>)
    %add3A_597 = arith.constant 232 : i32
    %add3A_598 = arith.addi %mul3A_2, %add3A_597 : i32
    %dma_start3A_599 = arith.constant 0 : i32
    %dma_start3A_600 = tpu.memref_slice %arg4[%add3A_598, %dma_start3A_599] : memref<8192x3072xf32, #tpu.memory_space<hbm>> -> memref<8x3072xf32, #tpu.memory_space<hbm>>
    %dma_start3A_601 = arith.constant 0 : i32
    %dma_start3A_602 = tpu.memref_slice %arg4[%add3A_598, %dma_start3A_601] : memref<8192x3072xf32, #tpu.memory_space<hbm>> -> memref<8x3072xf32, #tpu.memory_space<hbm>>
    tpu.enqueue_dma source(%arg7 : memref<8x3072xf32, #tpu.memory_space<vmem>>) target(%dma_start3A_602 : memref<8x3072xf32, #tpu.memory_space<hbm>>) target_semaphore(%arg11 : memref<!tpu.dma_semaphore, #tpu.memory_space<semaphore_mem>>)
    %dma_wait3A_603 = arith.constant 240 : i32
    %dma_wait3A_604 = tpu.memref_slice %arg5[%dma_wait3A_603] : memref<256xi32, #tpu.memory_space<vmem>> -> memref<8xi32, #tpu.memory_space<vmem>>
    %dma_wait3A_605 = arith.constant 0 : i32
    %dma_wait3A_606 = arith.constant 0 : i32
    %dma_wait3A_607 = tpu.memref_slice %arg2[%dma_wait3A_605, %dma_wait3A_606] : memref<8192x3072xf32, #tpu.memory_space<hbm>> -> memref<8192x3072xf32, #tpu.memory_space<hbm>>
    tpu.wait_indirect_dma semaphore(%arg10 : memref<!tpu.dma_semaphore, #tpu.memory_space<semaphore_mem>>) src(%dma_wait3A_607 : memref<8192x3072xf32, #tpu.memory_space<hbm>>) dst(%arg8 : memref<8x3072xf32, #tpu.memory_space<vmem>>)
    %add3A_608 = arith.constant 240 : i32
    %add3A_609 = arith.addi %mul3A_2, %add3A_608 : i32
    %dma_start3A_610 = arith.constant 0 : i32
    %dma_start3A_611 = tpu.memref_slice %arg4[%add3A_609, %dma_start3A_610] : memref<8192x3072xf32, #tpu.memory_space<hbm>> -> memref<8x3072xf32, #tpu.memory_space<hbm>>
    %dma_start3A_612 = arith.constant 0 : i32
    %dma_start3A_613 = tpu.memref_slice %arg4[%add3A_609, %dma_start3A_612] : memref<8192x3072xf32, #tpu.memory_space<hbm>> -> memref<8x3072xf32, #tpu.memory_space<hbm>>
    tpu.enqueue_dma source(%arg8 : memref<8x3072xf32, #tpu.memory_space<vmem>>) target(%dma_start3A_613 : memref<8x3072xf32, #tpu.memory_space<hbm>>) target_semaphore(%arg11 : memref<!tpu.dma_semaphore, #tpu.memory_space<semaphore_mem>>)
    %dma_wait3A_614 = arith.constant 248 : i32
    %dma_wait3A_615 = tpu.memref_slice %arg5[%dma_wait3A_614] : memref<256xi32, #tpu.memory_space<vmem>> -> memref<8xi32, #tpu.memory_space<vmem>>
    %dma_wait3A_616 = arith.constant 0 : i32
    %dma_wait3A_617 = arith.constant 0 : i32
    %dma_wait3A_618 = tpu.memref_slice %arg2[%dma_wait3A_616, %dma_wait3A_617] : memref<8192x3072xf32, #tpu.memory_space<hbm>> -> memref<8192x3072xf32, #tpu.memory_space<hbm>>
    tpu.wait_indirect_dma semaphore(%arg10 : memref<!tpu.dma_semaphore, #tpu.memory_space<semaphore_mem>>) src(%dma_wait3A_618 : memref<8192x3072xf32, #tpu.memory_space<hbm>>) dst(%arg9 : memref<8x3072xf32, #tpu.memory_space<vmem>>)
    %add3A_619 = arith.constant 248 : i32
    %add3A_620 = arith.addi %mul3A_2, %add3A_619 : i32
    %dma_start3A_621 = arith.constant 0 : i32
    %dma_start3A_622 = tpu.memref_slice %arg4[%add3A_620, %dma_start3A_621] : memref<8192x3072xf32, #tpu.memory_space<hbm>> -> memref<8x3072xf32, #tpu.memory_space<hbm>>
    %dma_start3A_623 = arith.constant 0 : i32
    %dma_start3A_624 = tpu.memref_slice %arg4[%add3A_620, %dma_start3A_623] : memref<8192x3072xf32, #tpu.memory_space<hbm>> -> memref<8x3072xf32, #tpu.memory_space<hbm>>
    tpu.enqueue_dma source(%arg9 : memref<8x3072xf32, #tpu.memory_space<vmem>>) target(%dma_start3A_624 : memref<8x3072xf32, #tpu.memory_space<hbm>>) target_semaphore(%arg11 : memref<!tpu.dma_semaphore, #tpu.memory_space<semaphore_mem>>)
    %dma_wait3A_625 = arith.constant 0 : i32
    %dma_wait3A_626 = tpu.memref_slice %arg4[%add3A_578, %dma_wait3A_625] : memref<8192x3072xf32, #tpu.memory_space<hbm>> -> memref<8x3072xf32, #tpu.memory_space<hbm>>
    %dma_wait3A_627 = arith.constant 0 : i32
    %dma_wait3A_628 = tpu.memref_slice %arg4[%add3A_578, %dma_wait3A_627] : memref<8192x3072xf32, #tpu.memory_space<hbm>> -> memref<8x3072xf32, #tpu.memory_space<hbm>>
    tpu.wait_dma2 semaphore(%arg11 : memref<!tpu.dma_semaphore, #tpu.memory_space<semaphore_mem>>) src(%arg6 : memref<8x3072xf32, #tpu.memory_space<vmem>>) dst(%dma_wait3A_628 : memref<8x3072xf32, #tpu.memory_space<hbm>>)
    %dma_wait3A_629 = arith.constant 0 : i32
    %dma_wait3A_630 = tpu.memref_slice %arg4[%add3A_598, %dma_wait3A_629] : memref<8192x3072xf32, #tpu.memory_space<hbm>> -> memref<8x3072xf32, #tpu.memory_space<hbm>>
    %dma_wait3A_631 = arith.constant 0 : i32
    %dma_wait3A_632 = tpu.memref_slice %arg4[%add3A_598, %dma_wait3A_631] : memref<8192x3072xf32, #tpu.memory_space<hbm>> -> memref<8x3072xf32, #tpu.memory_space<hbm>>
    tpu.wait_dma2 semaphore(%arg11 : memref<!tpu.dma_semaphore, #tpu.memory_space<semaphore_mem>>) src(%arg7 : memref<8x3072xf32, #tpu.memory_space<vmem>>) dst(%dma_wait3A_632 : memref<8x3072xf32, #tpu.memory_space<hbm>>)
    %dma_wait3A_633 = arith.constant 0 : i32
    %dma_wait3A_634 = tpu.memref_slice %arg4[%add3A_609, %dma_wait3A_633] : memref<8192x3072xf32, #tpu.memory_space<hbm>> -> memref<8x3072xf32, #tpu.memory_space<hbm>>
    %dma_wait3A_635 = arith.constant 0 : i32
    %dma_wait3A_636 = tpu.memref_slice %arg4[%add3A_609, %dma_wait3A_635] : memref<8192x3072xf32, #tpu.memory_space<hbm>> -> memref<8x3072xf32, #tpu.memory_space<hbm>>
    tpu.wait_dma2 semaphore(%arg11 : memref<!tpu.dma_semaphore, #tpu.memory_space<semaphore_mem>>) src(%arg8 : memref<8x3072xf32, #tpu.memory_space<vmem>>) dst(%dma_wait3A_636 : memref<8x3072xf32, #tpu.memory_space<hbm>>)
    %dma_wait3A_637 = arith.constant 0 : i32
    %dma_wait3A_638 = tpu.memref_slice %arg4[%add3A_620, %dma_wait3A_637] : memref<8192x3072xf32, #tpu.memory_space<hbm>> -> memref<8x3072xf32, #tpu.memory_space<hbm>>
    %dma_wait3A_639 = arith.constant 0 : i32
    %dma_wait3A_640 = tpu.memref_slice %arg4[%add3A_620, %dma_wait3A_639] : memref<8192x3072xf32, #tpu.memory_space<hbm>> -> memref<8x3072xf32, #tpu.memory_space<hbm>>
    tpu.wait_dma2 semaphore(%arg11 : memref<!tpu.dma_semaphore, #tpu.memory_space<semaphore_mem>>) src(%arg9 : memref<8x3072xf32, #tpu.memory_space<vmem>>) dst(%dma_wait3A_640 : memref<8x3072xf32, #tpu.memory_space<hbm>>)
    return
  }
}

module attributes {stable_mosaic.version = 14 : i64} {
  func.func @_pos_body(%arg0: memref<64x128xi32, #tpu.memory_space<vmem>>, %arg1: memref<64x128xi32, #tpu.memory_space<vmem>>) attributes {dimension_semantics = [], scalar_prefetch = 0 : i64, scratch_operands = 0 : i64, tpu.core_type = #tpu.core_type<tc>} {
    %get3A = arith.constant 0 : index
    %get3A_0 = arith.constant 0 : index
    %get3A_1 = vector.load %arg0[%get3A, %get3A_0] : memref<64x128xi32, #tpu.memory_space<vmem>>, vector<64x128xi32>
    %iota3A = tpu.iota {dimensions = array<i32: 0>} : vector<128x128xi32>
    %iota3A_2 = tpu.iota {dimensions = array<i32: 1>} : vector<128x128xi32>
    %le3A = arith.cmpi sle, %iota3A, %iota3A_2 : vector<128x128xi32>
    %convert_element_type3A = arith.extui %le3A : vector<128x128xi1> to vector<128x128xi32>
    %convert_element_type3A_3 = arith.sitofp %convert_element_type3A : vector<128x128xi32> to vector<128x128xf32>
    %iota3A_4 = tpu.iota {dimensions = array<i32: 0>} : vector<64x64xi32>
    %iota3A_5 = tpu.iota {dimensions = array<i32: 1>} : vector<64x64xi32>
    %lt3A = arith.cmpi slt, %iota3A_5, %iota3A_4 : vector<64x64xi32>
    %convert_element_type3A_6 = arith.extui %lt3A : vector<64x64xi1> to vector<64x64xi32>
    %convert_element_type3A_7 = arith.sitofp %convert_element_type3A_6 : vector<64x64xi32> to vector<64x64xf32>
    %broadcast_in_dim3A = arith.constant 0.000000e+00 : f32
    %broadcast_in_dim3A_8 = vector.broadcast %broadcast_in_dim3A : f32 to vector<64x128xf32>
    %eq3A = arith.constant 0 : i32
    %eq3A_9 = vector.broadcast %eq3A : i32 to vector<64x128xi32>
    %eq3A_10 = arith.cmpi eq, %get3A_1, %eq3A_9 : vector<64x128xi32>
    %convert_element_type3A_11 = arith.extui %eq3A_10 : vector<64x128xi1> to vector<64x128xi32>
    %convert_element_type3A_12 = arith.sitofp %convert_element_type3A_11 : vector<64x128xi32> to vector<64x128xf32>
    %dot_general3A = arith.constant dense<0.000000e+00> : vector<64x128xf32>
    %dot_general3A_13 = tpu.matmul %convert_element_type3A_12, %convert_element_type3A_3, %dot_general3A {dimension_numbers = #tpu.dot_dimension_numbers<[1], [0], [0], [1], [0, 0, 1, 1], [], []>, transpose_lhs_hint = false} : vector<64x128xf32>, vector<128x128xf32>, vector<64x128xf32> -> vector<64x128xf32>
    %slice3A = vector.extract_strided_slice %dot_general3A_13 {offsets = [0, 127], sizes = [64, 1], strides = [1, 1]} : vector<64x128xf32> to vector<64x1xf32>
    %dot_general3A_14 = arith.constant dense<0.000000e+00> : vector<64x1xf32>
    %dot_general3A_15 = tpu.matmul %convert_element_type3A_7, %slice3A, %dot_general3A_14 {dimension_numbers = #tpu.dot_dimension_numbers<[1], [0], [0], [1], [0, 0, 1, 1], [], []>, transpose_lhs_hint = false} : vector<64x64xf32>, vector<64x1xf32>, vector<64x1xf32> -> vector<64x1xf32>
    %add3A = vector.broadcast %dot_general3A_15 : vector<64x1xf32> to vector<64x128xf32>
    %add3A_16 = arith.addf %dot_general3A_13, %add3A : vector<64x128xf32>
    %add3A_17 = arith.constant 0.000000e+00 : f32
    %add3A_18 = vector.broadcast %add3A_17 : f32 to vector<64x128xf32>
    %add3A_19 = arith.addf %add3A_18, %add3A_16 : vector<64x128xf32>
    %sub3A = arith.constant 1.000000e+00 : f32
    %sub3A_20 = vector.broadcast %sub3A : f32 to vector<64x128xf32>
    %sub3A_21 = arith.subf %add3A_19, %sub3A_20 : vector<64x128xf32>
    %mul3A = arith.mulf %convert_element_type3A_12, %sub3A_21 : vector<64x128xf32>
    %add3A_22 = arith.addf %broadcast_in_dim3A_8, %mul3A : vector<64x128xf32>
    %reduce_sum3A = vector.shape_cast %convert_element_type3A_12 : vector<64x128xf32> to vector<1x64x128xf32>
    %reduce_sum3A_23 = arith.constant dense<0.000000e+00> : vector<1xf32>
    %reduce_sum3A_24 = vector.multi_reduction <add>, %reduce_sum3A, %reduce_sum3A_23 [1, 2] : vector<1x64x128xf32> to vector<1xf32>
    %reduce_sum3A_25 = vector.shape_cast %reduce_sum3A_24 : vector<1xf32> to vector<1x1x1xf32>
    %reduce_sum3A_26 = vector.extract %reduce_sum3A_25[0, 0, 0] : f32 from vector<1x1x1xf32>
    %add3A_27 = arith.constant 0.000000e+00 : f32
    %add3A_28 = arith.addf %add3A_27, %reduce_sum3A_26 : f32
    %eq3A_29 = arith.constant 1 : i32
    %eq3A_30 = vector.broadcast %eq3A_29 : i32 to vector<64x128xi32>
    %eq3A_31 = arith.cmpi eq, %get3A_1, %eq3A_30 : vector<64x128xi32>
    %convert_element_type3A_32 = arith.extui %eq3A_31 : vector<64x128xi1> to vector<64x128xi32>
    %convert_element_type3A_33 = arith.sitofp %convert_element_type3A_32 : vector<64x128xi32> to vector<64x128xf32>
    %dot_general3A_34 = arith.constant dense<0.000000e+00> : vector<64x128xf32>
    %dot_general3A_35 = tpu.matmul %convert_element_type3A_33, %convert_element_type3A_3, %dot_general3A_34 {dimension_numbers = #tpu.dot_dimension_numbers<[1], [0], [0], [1], [0, 0, 1, 1], [], []>, transpose_lhs_hint = false} : vector<64x128xf32>, vector<128x128xf32>, vector<64x128xf32> -> vector<64x128xf32>
    %slice3A_36 = vector.extract_strided_slice %dot_general3A_35 {offsets = [0, 127], sizes = [64, 1], strides = [1, 1]} : vector<64x128xf32> to vector<64x1xf32>
    %dot_general3A_37 = arith.constant dense<0.000000e+00> : vector<64x1xf32>
    %dot_general3A_38 = tpu.matmul %convert_element_type3A_7, %slice3A_36, %dot_general3A_37 {dimension_numbers = #tpu.dot_dimension_numbers<[1], [0], [0], [1], [0, 0, 1, 1], [], []>, transpose_lhs_hint = false} : vector<64x64xf32>, vector<64x1xf32>, vector<64x1xf32> -> vector<64x1xf32>
    %add3A_39 = vector.broadcast %dot_general3A_38 : vector<64x1xf32> to vector<64x128xf32>
    %add3A_40 = arith.addf %dot_general3A_35, %add3A_39 : vector<64x128xf32>
    %add3A_41 = vector.broadcast %add3A_28 : f32 to vector<64x128xf32>
    %add3A_42 = arith.addf %add3A_41, %add3A_40 : vector<64x128xf32>
    %sub3A_43 = arith.constant 1.000000e+00 : f32
    %sub3A_44 = vector.broadcast %sub3A_43 : f32 to vector<64x128xf32>
    %sub3A_45 = arith.subf %add3A_42, %sub3A_44 : vector<64x128xf32>
    %mul3A_46 = arith.mulf %convert_element_type3A_33, %sub3A_45 : vector<64x128xf32>
    %add3A_47 = arith.addf %add3A_22, %mul3A_46 : vector<64x128xf32>
    %reduce_sum3A_48 = vector.shape_cast %convert_element_type3A_33 : vector<64x128xf32> to vector<1x64x128xf32>
    %reduce_sum3A_49 = arith.constant dense<0.000000e+00> : vector<1xf32>
    %reduce_sum3A_50 = vector.multi_reduction <add>, %reduce_sum3A_48, %reduce_sum3A_49 [1, 2] : vector<1x64x128xf32> to vector<1xf32>
    %reduce_sum3A_51 = vector.shape_cast %reduce_sum3A_50 : vector<1xf32> to vector<1x1x1xf32>
    %reduce_sum3A_52 = vector.extract %reduce_sum3A_51[0, 0, 0] : f32 from vector<1x1x1xf32>
    %add3A_53 = arith.addf %add3A_28, %reduce_sum3A_52 : f32
    %eq3A_54 = arith.constant 2 : i32
    %eq3A_55 = vector.broadcast %eq3A_54 : i32 to vector<64x128xi32>
    %eq3A_56 = arith.cmpi eq, %get3A_1, %eq3A_55 : vector<64x128xi32>
    %convert_element_type3A_57 = arith.extui %eq3A_56 : vector<64x128xi1> to vector<64x128xi32>
    %convert_element_type3A_58 = arith.sitofp %convert_element_type3A_57 : vector<64x128xi32> to vector<64x128xf32>
    %dot_general3A_59 = arith.constant dense<0.000000e+00> : vector<64x128xf32>
    %dot_general3A_60 = tpu.matmul %convert_element_type3A_58, %convert_element_type3A_3, %dot_general3A_59 {dimension_numbers = #tpu.dot_dimension_numbers<[1], [0], [0], [1], [0, 0, 1, 1], [], []>, transpose_lhs_hint = false} : vector<64x128xf32>, vector<128x128xf32>, vector<64x128xf32> -> vector<64x128xf32>
    %slice3A_61 = vector.extract_strided_slice %dot_general3A_60 {offsets = [0, 127], sizes = [64, 1], strides = [1, 1]} : vector<64x128xf32> to vector<64x1xf32>
    %dot_general3A_62 = arith.constant dense<0.000000e+00> : vector<64x1xf32>
    %dot_general3A_63 = tpu.matmul %convert_element_type3A_7, %slice3A_61, %dot_general3A_62 {dimension_numbers = #tpu.dot_dimension_numbers<[1], [0], [0], [1], [0, 0, 1, 1], [], []>, transpose_lhs_hint = false} : vector<64x64xf32>, vector<64x1xf32>, vector<64x1xf32> -> vector<64x1xf32>
    %add3A_64 = vector.broadcast %dot_general3A_63 : vector<64x1xf32> to vector<64x128xf32>
    %add3A_65 = arith.addf %dot_general3A_60, %add3A_64 : vector<64x128xf32>
    %add3A_66 = vector.broadcast %add3A_53 : f32 to vector<64x128xf32>
    %add3A_67 = arith.addf %add3A_66, %add3A_65 : vector<64x128xf32>
    %sub3A_68 = arith.constant 1.000000e+00 : f32
    %sub3A_69 = vector.broadcast %sub3A_68 : f32 to vector<64x128xf32>
    %sub3A_70 = arith.subf %add3A_67, %sub3A_69 : vector<64x128xf32>
    %mul3A_71 = arith.mulf %convert_element_type3A_58, %sub3A_70 : vector<64x128xf32>
    %add3A_72 = arith.addf %add3A_47, %mul3A_71 : vector<64x128xf32>
    %reduce_sum3A_73 = vector.shape_cast %convert_element_type3A_58 : vector<64x128xf32> to vector<1x64x128xf32>
    %reduce_sum3A_74 = arith.constant dense<0.000000e+00> : vector<1xf32>
    %reduce_sum3A_75 = vector.multi_reduction <add>, %reduce_sum3A_73, %reduce_sum3A_74 [1, 2] : vector<1x64x128xf32> to vector<1xf32>
    %reduce_sum3A_76 = vector.shape_cast %reduce_sum3A_75 : vector<1xf32> to vector<1x1x1xf32>
    %reduce_sum3A_77 = vector.extract %reduce_sum3A_76[0, 0, 0] : f32 from vector<1x1x1xf32>
    %add3A_78 = arith.addf %add3A_53, %reduce_sum3A_77 : f32
    %eq3A_79 = arith.constant 3 : i32
    %eq3A_80 = vector.broadcast %eq3A_79 : i32 to vector<64x128xi32>
    %eq3A_81 = arith.cmpi eq, %get3A_1, %eq3A_80 : vector<64x128xi32>
    %convert_element_type3A_82 = arith.extui %eq3A_81 : vector<64x128xi1> to vector<64x128xi32>
    %convert_element_type3A_83 = arith.sitofp %convert_element_type3A_82 : vector<64x128xi32> to vector<64x128xf32>
    %dot_general3A_84 = arith.constant dense<0.000000e+00> : vector<64x128xf32>
    %dot_general3A_85 = tpu.matmul %convert_element_type3A_83, %convert_element_type3A_3, %dot_general3A_84 {dimension_numbers = #tpu.dot_dimension_numbers<[1], [0], [0], [1], [0, 0, 1, 1], [], []>, transpose_lhs_hint = false} : vector<64x128xf32>, vector<128x128xf32>, vector<64x128xf32> -> vector<64x128xf32>
    %slice3A_86 = vector.extract_strided_slice %dot_general3A_85 {offsets = [0, 127], sizes = [64, 1], strides = [1, 1]} : vector<64x128xf32> to vector<64x1xf32>
    %dot_general3A_87 = arith.constant dense<0.000000e+00> : vector<64x1xf32>
    %dot_general3A_88 = tpu.matmul %convert_element_type3A_7, %slice3A_86, %dot_general3A_87 {dimension_numbers = #tpu.dot_dimension_numbers<[1], [0], [0], [1], [0, 0, 1, 1], [], []>, transpose_lhs_hint = false} : vector<64x64xf32>, vector<64x1xf32>, vector<64x1xf32> -> vector<64x1xf32>
    %add3A_89 = vector.broadcast %dot_general3A_88 : vector<64x1xf32> to vector<64x128xf32>
    %add3A_90 = arith.addf %dot_general3A_85, %add3A_89 : vector<64x128xf32>
    %add3A_91 = vector.broadcast %add3A_78 : f32 to vector<64x128xf32>
    %add3A_92 = arith.addf %add3A_91, %add3A_90 : vector<64x128xf32>
    %sub3A_93 = arith.constant 1.000000e+00 : f32
    %sub3A_94 = vector.broadcast %sub3A_93 : f32 to vector<64x128xf32>
    %sub3A_95 = arith.subf %add3A_92, %sub3A_94 : vector<64x128xf32>
    %mul3A_96 = arith.mulf %convert_element_type3A_83, %sub3A_95 : vector<64x128xf32>
    %add3A_97 = arith.addf %add3A_72, %mul3A_96 : vector<64x128xf32>
    %reduce_sum3A_98 = vector.shape_cast %convert_element_type3A_83 : vector<64x128xf32> to vector<1x64x128xf32>
    %reduce_sum3A_99 = arith.constant dense<0.000000e+00> : vector<1xf32>
    %reduce_sum3A_100 = vector.multi_reduction <add>, %reduce_sum3A_98, %reduce_sum3A_99 [1, 2] : vector<1x64x128xf32> to vector<1xf32>
    %reduce_sum3A_101 = vector.shape_cast %reduce_sum3A_100 : vector<1xf32> to vector<1x1x1xf32>
    %reduce_sum3A_102 = vector.extract %reduce_sum3A_101[0, 0, 0] : f32 from vector<1x1x1xf32>
    %add3A_103 = arith.addf %add3A_78, %reduce_sum3A_102 : f32
    %eq3A_104 = arith.constant 4 : i32
    %eq3A_105 = vector.broadcast %eq3A_104 : i32 to vector<64x128xi32>
    %eq3A_106 = arith.cmpi eq, %get3A_1, %eq3A_105 : vector<64x128xi32>
    %convert_element_type3A_107 = arith.extui %eq3A_106 : vector<64x128xi1> to vector<64x128xi32>
    %convert_element_type3A_108 = arith.sitofp %convert_element_type3A_107 : vector<64x128xi32> to vector<64x128xf32>
    %dot_general3A_109 = arith.constant dense<0.000000e+00> : vector<64x128xf32>
    %dot_general3A_110 = tpu.matmul %convert_element_type3A_108, %convert_element_type3A_3, %dot_general3A_109 {dimension_numbers = #tpu.dot_dimension_numbers<[1], [0], [0], [1], [0, 0, 1, 1], [], []>, transpose_lhs_hint = false} : vector<64x128xf32>, vector<128x128xf32>, vector<64x128xf32> -> vector<64x128xf32>
    %slice3A_111 = vector.extract_strided_slice %dot_general3A_110 {offsets = [0, 127], sizes = [64, 1], strides = [1, 1]} : vector<64x128xf32> to vector<64x1xf32>
    %dot_general3A_112 = arith.constant dense<0.000000e+00> : vector<64x1xf32>
    %dot_general3A_113 = tpu.matmul %convert_element_type3A_7, %slice3A_111, %dot_general3A_112 {dimension_numbers = #tpu.dot_dimension_numbers<[1], [0], [0], [1], [0, 0, 1, 1], [], []>, transpose_lhs_hint = false} : vector<64x64xf32>, vector<64x1xf32>, vector<64x1xf32> -> vector<64x1xf32>
    %add3A_114 = vector.broadcast %dot_general3A_113 : vector<64x1xf32> to vector<64x128xf32>
    %add3A_115 = arith.addf %dot_general3A_110, %add3A_114 : vector<64x128xf32>
    %add3A_116 = vector.broadcast %add3A_103 : f32 to vector<64x128xf32>
    %add3A_117 = arith.addf %add3A_116, %add3A_115 : vector<64x128xf32>
    %sub3A_118 = arith.constant 1.000000e+00 : f32
    %sub3A_119 = vector.broadcast %sub3A_118 : f32 to vector<64x128xf32>
    %sub3A_120 = arith.subf %add3A_117, %sub3A_119 : vector<64x128xf32>
    %mul3A_121 = arith.mulf %convert_element_type3A_108, %sub3A_120 : vector<64x128xf32>
    %add3A_122 = arith.addf %add3A_97, %mul3A_121 : vector<64x128xf32>
    %reduce_sum3A_123 = vector.shape_cast %convert_element_type3A_108 : vector<64x128xf32> to vector<1x64x128xf32>
    %reduce_sum3A_124 = arith.constant dense<0.000000e+00> : vector<1xf32>
    %reduce_sum3A_125 = vector.multi_reduction <add>, %reduce_sum3A_123, %reduce_sum3A_124 [1, 2] : vector<1x64x128xf32> to vector<1xf32>
    %reduce_sum3A_126 = vector.shape_cast %reduce_sum3A_125 : vector<1xf32> to vector<1x1x1xf32>
    %reduce_sum3A_127 = vector.extract %reduce_sum3A_126[0, 0, 0] : f32 from vector<1x1x1xf32>
    %add3A_128 = arith.addf %add3A_103, %reduce_sum3A_127 : f32
    %eq3A_129 = arith.constant 5 : i32
    %eq3A_130 = vector.broadcast %eq3A_129 : i32 to vector<64x128xi32>
    %eq3A_131 = arith.cmpi eq, %get3A_1, %eq3A_130 : vector<64x128xi32>
    %convert_element_type3A_132 = arith.extui %eq3A_131 : vector<64x128xi1> to vector<64x128xi32>
    %convert_element_type3A_133 = arith.sitofp %convert_element_type3A_132 : vector<64x128xi32> to vector<64x128xf32>
    %dot_general3A_134 = arith.constant dense<0.000000e+00> : vector<64x128xf32>
    %dot_general3A_135 = tpu.matmul %convert_element_type3A_133, %convert_element_type3A_3, %dot_general3A_134 {dimension_numbers = #tpu.dot_dimension_numbers<[1], [0], [0], [1], [0, 0, 1, 1], [], []>, transpose_lhs_hint = false} : vector<64x128xf32>, vector<128x128xf32>, vector<64x128xf32> -> vector<64x128xf32>
    %slice3A_136 = vector.extract_strided_slice %dot_general3A_135 {offsets = [0, 127], sizes = [64, 1], strides = [1, 1]} : vector<64x128xf32> to vector<64x1xf32>
    %dot_general3A_137 = arith.constant dense<0.000000e+00> : vector<64x1xf32>
    %dot_general3A_138 = tpu.matmul %convert_element_type3A_7, %slice3A_136, %dot_general3A_137 {dimension_numbers = #tpu.dot_dimension_numbers<[1], [0], [0], [1], [0, 0, 1, 1], [], []>, transpose_lhs_hint = false} : vector<64x64xf32>, vector<64x1xf32>, vector<64x1xf32> -> vector<64x1xf32>
    %add3A_139 = vector.broadcast %dot_general3A_138 : vector<64x1xf32> to vector<64x128xf32>
    %add3A_140 = arith.addf %dot_general3A_135, %add3A_139 : vector<64x128xf32>
    %add3A_141 = vector.broadcast %add3A_128 : f32 to vector<64x128xf32>
    %add3A_142 = arith.addf %add3A_141, %add3A_140 : vector<64x128xf32>
    %sub3A_143 = arith.constant 1.000000e+00 : f32
    %sub3A_144 = vector.broadcast %sub3A_143 : f32 to vector<64x128xf32>
    %sub3A_145 = arith.subf %add3A_142, %sub3A_144 : vector<64x128xf32>
    %mul3A_146 = arith.mulf %convert_element_type3A_133, %sub3A_145 : vector<64x128xf32>
    %add3A_147 = arith.addf %add3A_122, %mul3A_146 : vector<64x128xf32>
    %reduce_sum3A_148 = vector.shape_cast %convert_element_type3A_133 : vector<64x128xf32> to vector<1x64x128xf32>
    %reduce_sum3A_149 = arith.constant dense<0.000000e+00> : vector<1xf32>
    %reduce_sum3A_150 = vector.multi_reduction <add>, %reduce_sum3A_148, %reduce_sum3A_149 [1, 2] : vector<1x64x128xf32> to vector<1xf32>
    %reduce_sum3A_151 = vector.shape_cast %reduce_sum3A_150 : vector<1xf32> to vector<1x1x1xf32>
    %reduce_sum3A_152 = vector.extract %reduce_sum3A_151[0, 0, 0] : f32 from vector<1x1x1xf32>
    %add3A_153 = arith.addf %add3A_128, %reduce_sum3A_152 : f32
    %eq3A_154 = arith.constant 6 : i32
    %eq3A_155 = vector.broadcast %eq3A_154 : i32 to vector<64x128xi32>
    %eq3A_156 = arith.cmpi eq, %get3A_1, %eq3A_155 : vector<64x128xi32>
    %convert_element_type3A_157 = arith.extui %eq3A_156 : vector<64x128xi1> to vector<64x128xi32>
    %convert_element_type3A_158 = arith.sitofp %convert_element_type3A_157 : vector<64x128xi32> to vector<64x128xf32>
    %dot_general3A_159 = arith.constant dense<0.000000e+00> : vector<64x128xf32>
    %dot_general3A_160 = tpu.matmul %convert_element_type3A_158, %convert_element_type3A_3, %dot_general3A_159 {dimension_numbers = #tpu.dot_dimension_numbers<[1], [0], [0], [1], [0, 0, 1, 1], [], []>, transpose_lhs_hint = false} : vector<64x128xf32>, vector<128x128xf32>, vector<64x128xf32> -> vector<64x128xf32>
    %slice3A_161 = vector.extract_strided_slice %dot_general3A_160 {offsets = [0, 127], sizes = [64, 1], strides = [1, 1]} : vector<64x128xf32> to vector<64x1xf32>
    %dot_general3A_162 = arith.constant dense<0.000000e+00> : vector<64x1xf32>
    %dot_general3A_163 = tpu.matmul %convert_element_type3A_7, %slice3A_161, %dot_general3A_162 {dimension_numbers = #tpu.dot_dimension_numbers<[1], [0], [0], [1], [0, 0, 1, 1], [], []>, transpose_lhs_hint = false} : vector<64x64xf32>, vector<64x1xf32>, vector<64x1xf32> -> vector<64x1xf32>
    %add3A_164 = vector.broadcast %dot_general3A_163 : vector<64x1xf32> to vector<64x128xf32>
    %add3A_165 = arith.addf %dot_general3A_160, %add3A_164 : vector<64x128xf32>
    %add3A_166 = vector.broadcast %add3A_153 : f32 to vector<64x128xf32>
    %add3A_167 = arith.addf %add3A_166, %add3A_165 : vector<64x128xf32>
    %sub3A_168 = arith.constant 1.000000e+00 : f32
    %sub3A_169 = vector.broadcast %sub3A_168 : f32 to vector<64x128xf32>
    %sub3A_170 = arith.subf %add3A_167, %sub3A_169 : vector<64x128xf32>
    %mul3A_171 = arith.mulf %convert_element_type3A_158, %sub3A_170 : vector<64x128xf32>
    %add3A_172 = arith.addf %add3A_147, %mul3A_171 : vector<64x128xf32>
    %reduce_sum3A_173 = vector.shape_cast %convert_element_type3A_158 : vector<64x128xf32> to vector<1x64x128xf32>
    %reduce_sum3A_174 = arith.constant dense<0.000000e+00> : vector<1xf32>
    %reduce_sum3A_175 = vector.multi_reduction <add>, %reduce_sum3A_173, %reduce_sum3A_174 [1, 2] : vector<1x64x128xf32> to vector<1xf32>
    %reduce_sum3A_176 = vector.shape_cast %reduce_sum3A_175 : vector<1xf32> to vector<1x1x1xf32>
    %reduce_sum3A_177 = vector.extract %reduce_sum3A_176[0, 0, 0] : f32 from vector<1x1x1xf32>
    %add3A_178 = arith.addf %add3A_153, %reduce_sum3A_177 : f32
    %eq3A_179 = arith.constant 7 : i32
    %eq3A_180 = vector.broadcast %eq3A_179 : i32 to vector<64x128xi32>
    %eq3A_181 = arith.cmpi eq, %get3A_1, %eq3A_180 : vector<64x128xi32>
    %convert_element_type3A_182 = arith.extui %eq3A_181 : vector<64x128xi1> to vector<64x128xi32>
    %convert_element_type3A_183 = arith.sitofp %convert_element_type3A_182 : vector<64x128xi32> to vector<64x128xf32>
    %dot_general3A_184 = arith.constant dense<0.000000e+00> : vector<64x128xf32>
    %dot_general3A_185 = tpu.matmul %convert_element_type3A_183, %convert_element_type3A_3, %dot_general3A_184 {dimension_numbers = #tpu.dot_dimension_numbers<[1], [0], [0], [1], [0, 0, 1, 1], [], []>, transpose_lhs_hint = false} : vector<64x128xf32>, vector<128x128xf32>, vector<64x128xf32> -> vector<64x128xf32>
    %slice3A_186 = vector.extract_strided_slice %dot_general3A_185 {offsets = [0, 127], sizes = [64, 1], strides = [1, 1]} : vector<64x128xf32> to vector<64x1xf32>
    %dot_general3A_187 = arith.constant dense<0.000000e+00> : vector<64x1xf32>
    %dot_general3A_188 = tpu.matmul %convert_element_type3A_7, %slice3A_186, %dot_general3A_187 {dimension_numbers = #tpu.dot_dimension_numbers<[1], [0], [0], [1], [0, 0, 1, 1], [], []>, transpose_lhs_hint = false} : vector<64x64xf32>, vector<64x1xf32>, vector<64x1xf32> -> vector<64x1xf32>
    %add3A_189 = vector.broadcast %dot_general3A_188 : vector<64x1xf32> to vector<64x128xf32>
    %add3A_190 = arith.addf %dot_general3A_185, %add3A_189 : vector<64x128xf32>
    %add3A_191 = vector.broadcast %add3A_178 : f32 to vector<64x128xf32>
    %add3A_192 = arith.addf %add3A_191, %add3A_190 : vector<64x128xf32>
    %sub3A_193 = arith.constant 1.000000e+00 : f32
    %sub3A_194 = vector.broadcast %sub3A_193 : f32 to vector<64x128xf32>
    %sub3A_195 = arith.subf %add3A_192, %sub3A_194 : vector<64x128xf32>
    %mul3A_196 = arith.mulf %convert_element_type3A_183, %sub3A_195 : vector<64x128xf32>
    %add3A_197 = arith.addf %add3A_172, %mul3A_196 : vector<64x128xf32>
    %convert_element_type3A_198 = arith.fptosi %add3A_197 : vector<64x128xf32> to vector<64x128xi32>
    %swap3A = arith.constant 0 : index
    %swap3A_199 = arith.constant 0 : index
    %swap3A_200 = vector.load %arg1[%swap3A, %swap3A_199] : memref<64x128xi32, #tpu.memory_space<vmem>>, vector<64x128xi32>
    tpu.vector_store %arg1[%swap3A, %swap3A_199], %convert_element_type3A_198 {strides = array<i32>} : memref<64x128xi32, #tpu.memory_space<vmem>>, vector<64x128xi32>,
    return
  }
}

</mosaic_0001>

<sc_bundles>
// kernel: kernel.5.cloned.1.call-start
scs
__scs_entry_jumppad:
0x0: {  	(pc) =	sbr.rel $0x88, $3  }
0x1: {  	(tag) =	ssettag $0x0;
	lr =	simm.s32 $0x1  }
0x2: {  	[smem:$0x3F9E] =	sst lr;
	_ =	strace $0xD0000000  }
0x3: {  	_ = 	snop  }
0x4: {  	_ = 	snop  }
0x5: {  	_ = 	snop  }
0x6: {  	_ = 	snop  }
0x7: {  	_ = 	snop  }
__scs_overlays_trampoline_lowered:
0x8: {  	[smem:$0x3FAD] =	sst s0  }
0x9: {  	[smem:$0x3FAE] =	sst s1  }
0xa: {  	[smem:$0x3FAF] =	sst s2  }
0xb: {  	[smem:$0x3FB0] =	sst s3  }
0xc: {  	[smem:$0x3FB1] =	sst s4  }
0xd: {  	[smem:$0x3FB2] =	sst s5  }
0xe: {  	[smem:$0x3FB3] =	sst s6  }
0xf: {  	[smem:$0x3FB4] =	sst s7  }
0x10: {  	[smem:$0x3FB5] =	sst s8  }
0x11: {  	[smem:$0x3FB6] =	sst s9;
	s0 =	simm.s32 @!p0 $0x0  }
0x12: {  	s1 =	sld [smem:$0x3F9C];
	s0 =	simm.s32 @p0 $0x1  }
0x13: {  	[smem:$0x3FB7] =	sst s0;
	s0 =	simm.s32 @!p1 $0x0  }
0x14: {  	s2 =	sld [smem:$0x3F9B];
	s0 =	simm.s32 @p1 $0x1  }
0x15: {  	[smem:$0x3FB8] =	sst s0;
	s0 =	simm.s32 @!p2 $0x0  }
0x16: {  	s3 =	sld [smem:$0x3FDB];
	s0 =	simm.s32 @p2 $0x1  }
0x17: {  	s4 =	simm.s32 $0x1BF5;
	[smem:$0x3FBA] =	sst s0  }
0x18: {  	s0 =	sld [smem:$0x3F9D];
	_ =	swait.ge [sflag:s4], $0x0  }
0x19: {  	s7 =	sld [smem:$0x3F9E]  }
0x1a: {  	s8 =	sadd.s32 $0xFFFFE003, lr  }
0x1b: {  	s9 =	sadd.s32 $0xFFFFFEF7, lr;
	s5 =	simm.s32 $0xFFFFFFFF;
	p2 =	slt.u32 s8, $0xFFFFF086  }
0x1c: {  	p1 =	slt.u32 s9, $0xF7A;
	s5 =	simm.s32 @!p2 $0x0  }
0x1d: {  	s5 =	simm.s32 @p1 $0x1;
	p0 =	seq.s32 s7, s2  }
0x1e: {  	s7 =	smul.u32 @!p0 $0xF7A, s2;
	p2 =	seq.s32 @!p0 s5, $0x0  }
0x1f: {  	s9 =	smul.u32 $0xF7A, s1;
	s8 =	simm.s32 @!p0 $0x1BF5;
	p2 =	por !p2, p0  }
0x20: {  	[sflag:s8] =	ssyncset.s32 @!p0 $0xFFFFF086;
	s6 =	sadd.s32 @!p0 s3, s7;
	s7 =	simm.s32 @!p0 $0x108  }
0x21: {  	s3 =	sadd.s32 s3, s9;
	s6 =	sadd.s32 @!p0 $0x88, s6;
	s7 =	simm.s32 @p2 $0x1082  }
0x22: {  	[simem:s7], [sflag:s8] =	dma.local @!p0 [hbm:s6], $0xF7A  }
0x23: {  	s9 =	sor.u32 $0xD0000000, s2;
	s6 =	simm.s32 $0x108;
	_ =	swait.ge @!p0 [sflag:s8], $0x0  }
0x24: {  	s3 =	sadd.s32 $0x88, s3;
	s6 =	simm.s32 @!p1 $0x1082;
	[sflag:s4] =	ssyncset.s32 $0xFFFFF086  }
0x25: {  	[simem:s6], [sflag:s4] =	dma.local [hbm:s3], $0xF7A  }
0x26: {  	[smem:$0x3F9E] =	sst s1;
	(tag) =	ssettag s2;
	_ =	strace s9  }
0x27: {  	s1 =	sld [smem:$0x3FAE]  }
0x28: {  	s2 =	sld [smem:$0x3FAF]  }
0x29: {  	s4 =	sld [smem:$0x3FB1]  }
0x2a: {  	p0 =	seq.s32 s5, $0x0;
	s5 =	sld [smem:$0x3FB2]  }
0x2b: {  	s6 =	sld [smem:$0x3FB3]  }
0x2c: {  	s7 =	sld [smem:$0x3FB4]  }
0x2d: {  	s3 =	simm.s32 $0x108;
	s8 =	sld [smem:$0x3FB5]  }
0x2e: {  	s3 =	simm.s32 @!p0 $0x1082;
	s9 =	sld [smem:$0x3FB6]  }
0x2f: {  	lr =	sadd.s32 s0, s3;
	s0 =	sld [smem:$0x3FAD]  }
0x30: {  	s3 =	sld [smem:$0x3FB0]  }
0x31: {  	[smem:$0x3FB9] =	sst s10  }
0x32: {  	s10 =	sld [smem:$0x3FB7];
	_ =	sdelay $0x3  }
0x33: {  	p0 =	seq.s32 s10, $0x1;
	s10 =	sld [smem:$0x3FB9];
	_ =	sdelay $0x3  }
0x34: {  	[smem:$0x3FB9] =	sst s10  }
0x35: {  	s10 =	sld [smem:$0x3FB8];
	_ =	sdelay $0x3  }
0x36: {  	p1 =	seq.s32 s10, $0x1;
	s10 =	sld [smem:$0x3FB9];
	_ =	sdelay $0x3  }
0x37: {  	[smem:$0x3FB9] =	sst s10  }
0x38: {  	s10 =	sld [smem:$0x3FBA]  }
0x39: {  	_ = 	snop;
	(pc) =	sbr.ind lr, $3  }
0x3a: {  	_ = 	snop  }
0x3b: {  	_ = 	snop  }
0x3c: {  	p2 =	seq.s32 s10, $0x1;
	s10 =	sld [smem:$0x3FB9]  }
0x3d: {  	_ =	shalt  }
0x3e: {  	_ =	shalt  }
0x3f: {  	_ =	shalt  }
0x40: {  	_ =	shalt  }
0x41: {  	_ =	shalt  }
0x42: {  	_ =	shalt  }
0x43: {  	_ =	shalt  }
0x44: {  	_ =	shalt  }
0x45: {  	_ =	shalt  }
0x46: {  	_ =	shalt  }
0x47: {  	_ =	shalt  }
0x48: {  	_ =	shalt  }
0x49: {  	_ =	shalt  }
0x4a: {  	_ =	shalt  }
0x4b: {  	_ =	shalt  }
0x4c: {  	_ =	shalt  }
0x4d: {  	_ =	shalt  }
0x4e: {  	_ =	shalt  }
0x4f: {  	_ =	shalt  }
0x50: {  	_ =	shalt  }
0x51: {  	_ =	shalt  }
0x52: {  	_ =	shalt  }
0x53: {  	_ =	shalt  }
0x54: {  	_ =	shalt  }
0x55: {  	_ =	shalt  }
0x56: {  	_ =	shalt  }
0x57: {  	_ =	shalt  }
0x58: {  	_ =	shalt  }
0x59: {  	_ =	shalt  }
0x5a: {  	_ =	shalt  }
0x5b: {  	_ =	shalt  }
0x5c: {  	_ =	shalt  }
0x5d: {  	_ =	shalt  }
0x5e: {  	_ =	shalt  }
0x5f: {  	_ =	shalt  }
0x60: {  	_ =	shalt  }
0x61: {  	_ =	shalt  }
0x62: {  	_ =	shalt  }
0x63: {  	_ =	shalt  }
0x64: {  	_ =	shalt  }
0x65: {  	_ =	shalt  }
0x66: {  	_ =	shalt  }
0x67: {  	_ =	shalt  }
0x68: {  	_ =	shalt  }
0x69: {  	_ =	shalt  }
0x6a: {  	_ =	shalt  }
0x6b: {  	_ =	shalt  }
0x6c: {  	_ =	shalt  }
0x6d: {  	_ =	shalt  }
0x6e: {  	_ =	shalt  }
0x6f: {  	_ =	shalt  }
0x70: {  	_ =	shalt  }
0x71: {  	_ =	shalt  }
0x72: {  	_ =	shalt  }
0x73: {  	_ =	shalt  }
0x74: {  	_ =	shalt  }
0x75: {  	_ =	shalt  }
0x76: {  	_ =	shalt  }
0x77: {  	_ =	shalt  }
0x78: {  	_ =	shalt  }
0x79: {  	_ =	shalt  }
0x7a: {  	_ =	shalt  }
0x7b: {  	_ =	shalt  }
0x7c: {  	_ =	shalt  }
0x7d: {  	_ =	shalt  }
0x7e: {  	_ =	shalt  }
0x7f: {  	_ =	shalt  }
0x80: {  	_ =	shalt  }
0x81: {  	_ =	shalt  }
0x82: {  	_ =	shalt  }
0x83: {  	_ =	shalt  }
0x84: {  	_ =	shalt  }
0x85: {  	_ =	shalt  }
0x86: {  	_ =	shalt  }
0x87: {  	_ =	shalt  }
.Lfunc_end0:
.L_simem_size_0:
called_computation_lowered:
.L_overlay_start_0:
0x88: {  	s2 =	sld [smem:$0x3FD9]  }
0x89: {  	s3 =	sld [smem:$0x3FFE];
	_ =	sdelay $0x1  }
0x8a: {  	s1 =	srdreg.scid  }
0x8b: {  	s0 =	sand.u32 $0x1, s1  }
0x8c: {  	s14 =	sshll.u32 s0, $0xA;
	s2 =	sadd.s32 s3, s2  }
0x8d: {  	s2 =	sadd.s32 s2, s14  }
0x8e: {  	[smem:$0x3FC5] =	sst s2  }
0x8f: {  	_ = 	snop  }
0x90: {  	s2 =	sld [smem:$0x3FD0];
	_ =	sdelay $0x1  }
0x91: {  	s15 =	sld [smem:$0x3FC8]  }
0x92: {  	s5 =	simm.s32 $0xA;
	s6 =	simm.s32 $0x10;
	s4 =	sld [smem:$0x3FC7]  }
0x93: {  	[smem:s6], [sflag:s5] =	dma.local [hbm:s2], $0x1  }
0x94: {  	_ =	swait.eq [sflag:s5], $0x1  }
0x95: {  	s16 =	sld [smem:$0x11];
	[sflag:s5] =	ssyncset.done $0x0  }
0x96: {  	s17 =	sld [smem:$0x12];
	[sflag:s5] =	ssyncadd.s32 $0xFFFFFFFF  }
0x97: {  	s18 =	sld [smem:$0x13];
	(tm) =	ssettm $0x1  }
0x98: {  	s7 =	sld [smem:$0x3FFB];
	_ =	sdelay $0x3  }
0x99: {  	_ =	strace s7  }
0x9a: {  	s7 =	sld [smem:$0x3FFC];
	_ =	sdelay $0x3  }
0x9b: {  	_ =	strace s7  }
0x9c: {  	s7 =	sld [smem:$0x3FFD];
	_ =	sdelay $0x3  }
0x9d: {  	_ =	strace s7  }
0x9e: {  	_ =	strace $0x8FFFFFFF  }
0x9f: {  	s19 =	sld [smem:$0x3FDB];
	_ =	sdelay $0x1  }
0xa0: {  	s8 =	simm.s32 $_scs_section_size  }
0xa1: {  	s9 =	simm.s32 $_size__tile_overlayer_lowered;
	s10 =	simm.s32 $_tile_overlayer_lowered  }
0xa2: {  	s22 =	simm.s32 $0x1BFF;
	s21 =	sshll.u32 s10, $0x1;
	s7 =	sadd.s32 s8, s19  }
0xa3: {  	s11 =	simm.s32 $0x0;
	s20 =	sshll.u32 s9, $0x1;
	s9 =	sadd.s32 s21, s7  }
0xa4: {  	[timem:s11], [sflag:s22] =	dma.local [hbm:s9], s20  }
0xa5: {  	_ =	swait.ge [sflag:s22], s20  }
0xa6: {  	s8 =	ssub.s32 $0x0, s20;
	[sflag:s22] =	ssyncset.done $0x0  }
0xa7: {  	[sflag:s22] =	ssyncadd.s32 s8;
	_ =	sdelay $0x1  }
0xa8: {  	s23 =	simm.s32 $0x1B8B  }
0xa9: {  	_ =	swait.ge [sflag:s23], $0x1  }
0xaa: {  	[sflag:s23] =	ssyncset.done $0x0  }
0xab: {  	s25 =	simm.s32 $0x1B8E;
	s24 =	sld [smem:$0x3FFE];
	[sflag:s23] =	ssyncadd.s32 $0xFFFFFFFF  }
0xac: {  	s26 =	simm.s32 $execute0_lowered;
	[smem:$0x3FD2] =	sst s25  }
0xad: {  	s9 =	sshll.u32 s26, $0x1;
	_ =	strace $0x80000046;
	[dreg:$0x1] =	wrdreg $0xFFFFFFFF  }
0xae: {  	s28 =	simm.s32 $_size_execute0_lowered;
	s7 =	sadd.s32 s7, s9;
	[dreg:$0x0] =	wrdreg $0x0  }
0xaf: {  	s9 =	sshll.u32 s28, $0x1;
	[dreg:$0x2] =	wrdreg s7  }
0xb0: {  	[dreg:$0x3] =	wrdreg s9  }
0xb1: {  	[dreg:$0x4] =	wrdreg $0xC0  }
0xb2: {  	_ =	task [dreg:s11], $0x5FFFF  }
0xb3: {  	[dreg:$0x1] =	wrdreg $0xFFFFFFFF  }
0xb4: {  	[dreg:$0x0] =	wrdreg $0x60  }
0xb5: {  	[dreg:$0x2] =	wrdreg s24  }
0xb6: {  	[dreg:$0x3] =	wrdreg s15  }
0xb7: {  	[dreg:$0x4] =	wrdreg s4  }
0xb8: {  	[dreg:$0x5] =	wrdreg s16  }
0xb9: {  	[dreg:$0x6] =	wrdreg s17  }
0xba: {  	[dreg:$0x7] =	wrdreg s18  }
0xbb: {  	[dreg:$0x8] =	wrdreg $0x9  }
0xbc: {  	_ =	task.clear_ibuf [dreg:s11], $0x9FFFF;
	_ =	strace $0x90000046  }
0xbd: {  	s29 =	simm.s32 $0x9;
	_ =	strace $0x80000048  }
0xbe: {  	_ =	swait.ge [sflag:s29], $0x1  }
0xbf: {  	[sflag:s29] =	ssyncadd.s32 $0xFFFFFFFF  }
0xc0: {  	_ =	strace $0x90000048  }
0xc1: {  	_ =	sfence  }
0xc2: {  	s30 =	sld [smem:$0x0];
	_ =	sdelay $0x2  }
0xc3: {  	s31 =	sshll.u32 s1, $0xD;
	s1 =	sshrl.u32 s1, $0x2  }
0xc4: {  	s3 =	sand.u32 $0x4000, s31;
	s1 =	sadd.s32 s1, s30  }
0xc5: {  	s0 =	sor.u32 s3, s0;
	s1 =	sshll.u32 s1, $0x11  }
0xc6: {  	s0 =	sor.u32 s1, s0  }
0xc7: {  	s0 =	sadd.s32 $0x8F2B, s0  }
0xc8: {  	[sflag:s0] =	ssyncadd.remote.s32 $0x1  }
0xc9: {  	_ =	sfence.sel $0xFFFF  }
0xca: {  	[dreg:$0x0] =	wrdreg $0xFFFFFFFF;
	(pc) =	sbr.abs _section_cstart, $3  }
0xcb: {  	[dreg:$0x1] =	wrdreg $0xFFFFFFFF  }
0xcc: {  	_ =	task.clear_ibuf [dreg:s11], $0x2FFFF;
	_ =	strace $0x9FFFFFFF  }
0xcd: {  	(tm) =	ssettm $0x7FFFFFFF  }
tec
execute0_lowered:
.L_overlay_start_1:
0x0: {  	(tag) =	ssettag $0x1  }
0x1: {  	s16 =	rddreg [dreg:$0x0]  }
0x2: {  	s6 =	rddreg [dreg:$0x1];
	s1 =	srdreg.scid  }
0x3: {  	s8 =	rddreg [dreg:$0x2];
	s0 =	stileid.u32;
	s17 =	sand.u32 $0x1, s1  }
0x4: {  	s2 =	rddreg [dreg:$0x3];
	s28 =	sshll.u32 s0, $0x9;
	s5 =	sshll.u32 s17, $0x8  }
0x5: {  	s3 =	rddreg [dreg:$0x4];
	s18 =	sor.u32 s5, s28  }
0x6: {  	s4 =	rddreg [dreg:$0x5];
	s5 =	simm.s32 $0x0;
	s10 =	sshrl.u32 s18, $0x3  }
0x7: {  	[smem:$0x7FF] =	sst s5;
	s7 =	sadd.s32 s10, s16  }
0x8: {  	s1 =	rddreg [dreg:$0x6];
	_ =	strace $0x80000047;
	s7 =	sadd.s32 $0x1000, s7  }
0x9: {  	[tilespmem:s5], [sflag:$0x1] =	stream.linear.gather [hbm4b:s7+s5], $0x100, $0x38;
	[tilespmem:$0x600] =	vst v63  }
0xa: {  	s9 =	sadd.s32 s6, s10;
	s6 =	simm.s32 $0x200  }
0xb: {  	[tilespmem:s6], [sflag:$0x1] =	stream.linear.gather [hbm4b:s9+s5], $0x100, $0x38;
	[tilespmem:$0x600] =	vst v63  }
0xc: {  	s11 =	sadd.s32 s8, s10;
	s8 =	simm.s32 $0x400;
	s10 =	simm.s32 $0x1  }
0xd: {  	[tilespmem:s8], [sflag:$0x1] =	stream.linear.gather [hbm4b:s11+s5], $0x100, $0x38;
	[tilespmem:$0x600] =	vst v63  }
0xe: {  	_ =	swait.ge [sflag:s10], $0x100  }
0xf: {  	[sflag:s10] =	ssyncset.done $0x0  }
0x10: {  	[sflag:s10] =	ssyncadd.s32 $0xFFFFFF00  }
0x11: {  	_ =	swait.ge [sflag:s10], $0x100  }
0x12: {  	[sflag:s10] =	ssyncset.done $0x0  }
0x13: {  	[sflag:s10] =	ssyncadd.s32 $0xFFFFFF00  }
0x14: {  	_ =	swait.ge [sflag:s10], $0x100  }
0x15: {  	s12 =	simm.s32 $0x80;
	[sflag:s10] =	ssyncset.done $0x0  }
0x16: {  	s13 =	simm.s32 $0x100;
	s15 =	sadd.s32 $0x1400, s16;
	[sflag:s10] =	ssyncadd.s32 $0xFFFFFF00  }
0x17: {  	[tilespmem:s13], [sflag:$0x1] =	stream.indirect.gather [hbm4b:s15+s12], $0x1, s5, s12, $0xb8;
	[tilespmem:$0x600] =	vst v63  }
0x18: {  	v15 =	vlaneseq.u32;
	s14 =	simm.s32 $0x180;
	s19 =	sor.u32 $0x10, s18  }
0x19: {  	v0 =	vor.u32 s18, v15;
	[tilespmem:s14], [sflag:$0x1] =	stream.indirect.gather [hbm4b:s15+s12], $0x1, s12, s12, $0xb8;
	[tilespmem:$0x600] =	vst v63  }
0x1a: {  	s29 =	sor.u32 $0x20, s18;
	v1 =	vor.u32 s19, v15;
	[tilespmem:$0x500] =	vst v0  }
0x1b: {  	s30 =	sor.u32 $0x30, s18;
	v2 =	vor.u32 s29, v15;
	[tilespmem:$0x510] =	vst v1;
	v16 =	vld [tilespmem:$0x4E0]  }
0x1c: {  	s31 =	sor.u32 $0x40, s18;
	v3 =	vor.u32 s30, v15;
	[tilespmem:$0x520] =	vst v2;
	v17 =	vld [tilespmem:$0x430]  }
0x1d: {  	s20 =	sor.u32 $0x50, s18;
	v4 =	vor.u32 s31, v15;
	[tilespmem:$0x530] =	vst v3;
	v18 =	vld [tilespmem:$0x4A0]  }
0x1e: {  	s21 =	sor.u32 $0x60, s18;
	v5 =	vor.u32 s20, v15;
	[tilespmem:$0x540] =	vst v4;
	v19 =	vld [tilespmem:$0x4B0]  }
0x1f: {  	s22 =	sor.u32 $0x70, s18;
	v6 =	vor.u32 s21, v15;
	[tilespmem:$0x550] =	vst v5;
	v20 =	vld [tilespmem:$0x4C0]  }
0x20: {  	s23 =	sor.u32 $0x80, s18;
	v7 =	vor.u32 s22, v15;
	[tilespmem:$0x560] =	vst v6;
	v21 =	vld [tilespmem:$0x480]  }
0x21: {  	s24 =	sor.u32 $0x90, s18;
	v8 =	vor.u32 s23, v15;
	[tilespmem:$0x570] =	vst v7;
	v22 =	vld [tilespmem:$0x490]  }
0x22: {  	s25 =	sor.u32 $0xA0, s18;
	v9 =	vor.u32 s24, v15;
	[tilespmem:$0x580] =	vst v8;
	v23 =	vld [tilespmem:$0x460]  }
0x23: {  	s26 =	sor.u32 $0xB0, s18;
	v10 =	vor.u32 s25, v15;
	[tilespmem:$0x590] =	vst v9;
	v24 =	vld [tilespmem:$0x490]  }
0x24: {  	s28 =	sor.u32 $0xC0, s18;
	v11 =	vor.u32 s26, v15;
	[tilespmem:$0x5A0] =	vst v10;
	v25 =	vld [tilespmem:$0x480]  }
0x25: {  	v12 =	vor.u32 s28, v15;
	s29 =	sor.u32 $0xD0, s18;
	[tilespmem:$0x5B0] =	vst v11;
	v26 =	vld [tilespmem:$0x410]  }
0x26: {  	s30 =	sor.u32 $0xE0, s18;
	v13 =	vor.u32 s29, v15;
	[tilespmem:$0x5C0] =	vst v12;
	v27 =	vld [tilespmem:$0x420]  }
0x27: {  	s18 =	sor.u32 $0xF0, s18;
	v14 =	vor.u32 s30, v15;
	[tilespmem:$0x5D0] =	vst v13;
	v28 =	vld [tilespmem:$0x420]  }
0x28: {  	v15 =	vor.u32 s18, v15;
	[tilespmem:$0x5E0] =	vst v14;
	v29 =	vld [tilespmem:$0x450]  }
0x29: {  	[tilespmem:$0x5F0] =	vst v15;
	v30 =	vld [tilespmem:$0x470];
	v24 =	vand.u32 $0x3, v24  }
0x2a: {  	v34 =	vld [tilespmem:$0x410];
	v33 =	vand.u32 $0x3, v25;
	[tilespmem:$0x490] =	vst v24  }
0x2b: {  	v36 =	vld [tilespmem:$0x460];
	v26 =	vand.u32 $0x3, v26;
	[tilespmem:$0x480] =	vst v33  }
0x2c: {  	v49 =	vld [tilespmem:$0x4C0];
	v35 =	vand.u32 $0x3, v27;
	[tilespmem:$0x410] =	vst v26  }
0x2d: {  	v37 =	vld [tilespmem:$0x4E0];
	v16 =	vand.u32 $0x3, v16;
	[tilespmem:$0x420] =	vst v35  }
0x2e: {  	v38 =	vld [tilespmem:$0x440];
	v23 =	vand.u32 $0x3, v23;
	[tilespmem:$0x4E0] =	vst v16  }
0x2f: {  	v40 =	vld [tilespmem:$0x470];
	v39 =	vand.u32 $0x3, v30;
	[tilespmem:$0x460] =	vst v23  }
0x30: {  	v41 =	vld [tilespmem:$0x430];
	v19 =	vshrl.u32 v19, $0x2;
	v17 =	vand.u32 $0x3, v17;
	[tilespmem:$0x470] =	vst v39  }
0x31: {  	v42 =	vld [tilespmem:$0x400];
	v20 =	vshrl.u32 v20, $0x2;
	v21 =	vshrl.u32 v21, $0x2;
	v54 =	vand.u32 $0x3, v49;
	[tilespmem:$0x430] =	vst v17  }
0x32: {  	v46 =	vld [tilespmem:$0x4F0];
	v47 =	vshrl.u32 v37, $0x2;
	v19 =	vand.u32 $0x1, v19;
	v17 =	vand.u32 $0x3, v29;
	[tilespmem:$0x4C0] =	vst v54  }
0x33: {  	v43 =	vld [tilespmem:$0x450];
	v45 =	vand.u32 $0x1, v21;
	v24 =	vand.u32 $0x3, v38;
	v19 =	vcvt.s32.f32 v19;
	[tilespmem:$0x450] =	vst v17  }
0x34: {  	v48 =	vld [tilespmem:$0x440];
	v44 =	vand.u32 $0x1, v20;
	v20 =	vand.u32 $0x1, v47;
	v17 =	vcvt.s32.f32 v45;
	[tilespmem:$0x440] =	vst v24  }
0x35: {  	v52 =	vld [tilespmem:$0x400];
	v16 =	vshrl.u32 v18, $0x2;
	v20 =	vcvt.s32.f32 v20;
	[tilespmem:$0x3B0] =	vst v19  }
0x36: {  	v18 =	vshrl.u32 v42, $0x2;
	v16 =	vand.u32 $0x1, v16;
	[tilespmem:$0x380] =	vst v17  }
0x37: {  	v53 =	vld [tilespmem:$0x4A0];
	v21 =	vand.u32 $0x3, v46;
	v18 =	vand.u32 $0x1, v18;
	v16 =	vcvt.s32.f32 v16;
	[tilespmem:$0x3E0] =	vst v20  }
0x38: {  	v18 =	vcvt.s32.f32 v18;
	v17 =	vld [tilespmem:$0x4F0];
	[tilespmem:$0x4F0] =	vst v21  }
0x39: {  	v51 =	vld [tilespmem:$0x4B0];
	[tilespmem:$0x3A0] =	vst v16  }
0x3a: {  	v55 =	vld [tilespmem:$0x4D0];
	v56 =	vshrl.u32 v40, $0x2;
	v20 =	vand.u32 $0x3, v52;
	v16 =	vcvt.s32.f32 v44;
	[tilespmem:$0x300] =	vst v18  }
0x3b: {  	v50 =	vld [tilespmem:$0x4D0];
	v19 =	vand.u32 $0x1, v56;
	[tilespmem:$0x400] =	vst v20  }
0x3c: {  	v21 =	vand.u32 $0x3, v53;
	v19 =	vcvt.s32.f32 v19;
	[tilespmem:$0x3C0] =	vst v16;
	v16 =	vshrl.u32 v22, $0x2  }
0x3d: {  	[tilespmem:$0x4A0] =	vst v21;
	v16 =	vand.u32 $0x1, v16  }
0x3e: {  	v58 =	vshrl.u32 v43, $0x2;
	v22 =	vand.u32 $0x3, v51;
	[tilespmem:$0x370] =	vst v19;
	v16 =	vcvt.s32.f32 v16  }
0x3f: {  	v61 =	vshrl.u32 v41, $0x2;
	v18 =	vshrl.u32 v55, $0x2;
	v20 =	vand.u32 $0x1, v58;
	[tilespmem:$0x4B0] =	vst v22  }
0x40: {  	v18 =	vand.u32 $0x1, v18;
	v60 =	vcvt.s32.f32 v20;
	[tilespmem:$0x390] =	vst v16;
	v16 =	vand.u32 $0x3, v50  }
0x41: {  	v20 =	vand.u32 $0x1, v61;
	v18 =	vcvt.s32.f32 v18;
	[tilespmem:$0x4D0] =	vst v16;
	v16 =	vshrl.u32 v34, $0x2  }
0x42: {  	v63 =	vcvt.s32.f32 v20;
	[tilespmem:$0x350] =	vst v60;
	v17 =	vshrl.u32 v17, $0x2;
	v16 =	vand.u32 $0x1, v16  }
0x43: {  	v57 =	vshrl.u32 v48, $0x2;
	[tilespmem:$0x3D0] =	vst v18;
	v17 =	vand.u32 $0x1, v17;
	v16 =	vcvt.s32.f32 v16  }
0x44: {  	s17 =	ssub.s32 $0x2, s17;
	v62 =	vshrl.u32 v36, $0x2;
	v22 =	vand.u32 $0x1, v57;
	[tilespmem:$0x330] =	vst v63;
	v17 =	vcvt.s32.f32 v17  }
0x45: {  	s31 =	sshrl.u32 s17, $0x1;
	v19 =	vand.u32 $0x1, v62;
	v59 =	vcvt.s32.f32 v22;
	[tilespmem:$0x310] =	vst v16;
	v16 =	vshrl.u32 v28, $0x2  }
0x46: {  	s18 =	ssub.s32 s17, s31;
	[tilespmem:$0x3F0] =	vst v17;
	v17 =	vcvt.s32.f32 v19;
	v16 =	vand.u32 $0x1, v16  }
0x47: {  	s24 =	smax.u32 s18, $0x1;
	[tilespmem:$0x340] =	vst v59;
	v16 =	vcvt.s32.f32 v16  }
0x48: {  	p0 =	sne.s32 s24, $0x1;
	[tilespmem:$0x360] =	vst v17  }
.Ltmp0:
0x49: {  	s19 =	simm.s32 $0x500;
	[tilespmem:$0x320] =	vst v16;
	(pc) =	sbr.rel @!p0 .LBB2_2-.Ltmp0, $4  }
0x4a: {  	s20 =	simm.s32 $0x280;
	s21 =	simm.s32 $0x380;
	_ =	swait.ge [sflag:s10], $0x80  }
0x4b: {  	s22 =	simm.s32 $0x480;
	s23 =	simm.s32 $0x580;
	[sflag:s10] =	ssyncset.done $0x0  }
0x4c: {  	s17 =	sadd.s32 $0x1800, s16;
	s16 =	simm.s32 $0x2;
	[sflag:s10] =	ssyncadd.s32 $0xFFFFFF80  }
0x4d: {  	s18 =	simm.s32 $0x300;
	s24 =	sadd.s32 $0xFFFFFFFF, s24;
	_ =	swait.ge [sflag:s10], $0x80  }
.LBB2_1:
0x4e: {  	p0 =	sne.s32 s24, $0x1;
	s24 =	sadd.s32 $0xFFFFFFFF, s24;
	[sflag:s10] =	ssyncset.done $0x0  }
0x4f: {  	[sflag:s10] =	ssyncadd.s32 $0xFFFFFF80  }
0x50: {  	[hbm4b:s2+s12] =	stream.indirect.scatter [tilespmem:s6], [sflag:$0x2], $0x1, s13, s12, $0xb8;
	[tilespmem:$0x600] =	vst v63  }
0x51: {  	_ = 	snop  }
0x52: {  	[hbm4b:s3+s12] =	stream.indirect.scatter [tilespmem:s18], [sflag:$0x2], $0x1, s13, s12, $0xb8;
	[tilespmem:$0x600] =	vst v63  }
0x53: {  	_ = 	snop  }
0x54: {  	[hbm4b:s4+s12] =	stream.indirect.scatter [tilespmem:s8], [sflag:$0x2], $0x1, s13, s12, $0xb8;
	[tilespmem:$0x600] =	vst v63  }
0x55: {  	_ = 	snop  }
0x56: {  	[hbm4b:s17+s12] =	stream.indirect.scatter [tilespmem:s19], [sflag:$0x2], $0x1, s13, s12, $0xb8;
	[tilespmem:$0x600] =	vst v63  }
0x57: {  	_ = 	snop  }
0x58: {  	[hbm4b:s2+s12] =	stream.indirect.scatter [tilespmem:s20], [sflag:$0x2], $0x1, s14, s12, $0xb8;
	[tilespmem:$0x600] =	vst v63  }
0x59: {  	_ = 	snop  }
0x5a: {  	[hbm4b:s3+s12] =	stream.indirect.scatter [tilespmem:s21], [sflag:$0x2], $0x1, s14, s12, $0xb8;
	[tilespmem:$0x600] =	vst v63  }
0x5b: {  	_ = 	snop  }
0x5c: {  	[hbm4b:s4+s12] =	stream.indirect.scatter [tilespmem:s22], [sflag:$0x2], $0x1, s14, s12, $0xb8;
	[tilespmem:$0x600] =	vst v63  }
0x5d: {  	_ = 	snop  }
0x5e: {  	[hbm4b:s17+s12] =	stream.indirect.scatter [tilespmem:s23], [sflag:$0x2], $0x1, s14, s12, $0xb8;
	[tilespmem:$0x600] =	vst v63  }
0x5f: {  	_ =	swait.ge [sflag:s16], $0x80  }
0x60: {  	[sflag:s16] =	ssyncset.done $0x0  }
0x61: {  	[sflag:s16] =	ssyncadd.s32 $0xFFFFFF80  }
0x62: {  	_ =	swait.ge [sflag:s16], $0x80  }
0x63: {  	[sflag:s16] =	ssyncset.done $0x0  }
0x64: {  	[sflag:s16] =	ssyncadd.s32 $0xFFFFFF80  }
0x65: {  	_ =	swait.ge [sflag:s16], $0x80  }
0x66: {  	[sflag:s16] =	ssyncset.done $0x0  }
0x67: {  	[sflag:s16] =	ssyncadd.s32 $0xFFFFFF80  }
0x68: {  	_ =	swait.ge [sflag:s16], $0x80  }
0x69: {  	[sflag:s16] =	ssyncset.done $0x0  }
0x6a: {  	[sflag:s16] =	ssyncadd.s32 $0xFFFFFF80  }
0x6b: {  	_ =	swait.ge [sflag:s16], $0x80  }
0x6c: {  	[sflag:s16] =	ssyncset.done $0x0  }
0x6d: {  	[sflag:s16] =	ssyncadd.s32 $0xFFFFFF80  }
0x6e: {  	_ =	swait.ge [sflag:s16], $0x80  }
0x6f: {  	[sflag:s16] =	ssyncset.done $0x0  }
0x70: {  	[sflag:s16] =	ssyncadd.s32 $0xFFFFFF80  }
0x71: {  	_ =	swait.ge [sflag:s16], $0x80  }
0x72: {  	[sflag:s16] =	ssyncset.done $0x0  }
0x73: {  	[sflag:s16] =	ssyncadd.s32 $0xFFFFFF80  }
0x74: {  	_ =	swait.ge [sflag:s16], $0x80  }
0x75: {  	[sflag:s16] =	ssyncset.done $0x0  }
0x76: {  	[sflag:s16] =	ssyncadd.s32 $0xFFFFFF80  }
0x77: {  	[tilespmem:s5], [sflag:$0x1] =	stream.linear.gather [hbm4b:s7+s5], $0x100, $0x38;
	[tilespmem:$0x600] =	vst v63  }
0x78: {  	_ = 	snop  }
0x79: {  	[tilespmem:s6], [sflag:$0x1] =	stream.linear.gather [hbm4b:s9+s5], $0x100, $0x38;
	[tilespmem:$0x600] =	vst v63  }
0x7a: {  	_ = 	snop  }
0x7b: {  	[tilespmem:s8], [sflag:$0x1] =	stream.linear.gather [hbm4b:s11+s5], $0x100, $0x38;
	[tilespmem:$0x600] =	vst v63  }
0x7c: {  	_ =	swait.ge [sflag:s10], $0x100  }
0x7d: {  	[sflag:s10] =	ssyncset.done $0x0  }
0x7e: {  	[sflag:s10] =	ssyncadd.s32 $0xFFFFFF00  }
0x7f: {  	_ =	swait.ge [sflag:s10], $0x100  }
0x80: {  	[sflag:s10] =	ssyncset.done $0x0  }
0x81: {  	[sflag:s10] =	ssyncadd.s32 $0xFFFFFF00  }
0x82: {  	_ =	swait.ge [sflag:s10], $0x100  }
0x83: {  	[sflag:s10] =	ssyncset.done $0x0  }
0x84: {  	[sflag:s10] =	ssyncadd.s32 $0xFFFFFF00  }
0x85: {  	[tilespmem:s13], [sflag:$0x1] =	stream.indirect.gather [hbm4b:s15+s12], $0x1, s5, s12, $0xb8;
	[tilespmem:$0x600] =	vst v63  }
0x86: {  	_ = 	snop  }
0x87: {  	[tilespmem:s14], [sflag:$0x1] =	stream.indirect.gather [hbm4b:s15+s12], $0x1, s12, s12, $0xb8;
	[tilespmem:$0x600] =	vst v63  }
0x88: {  	v16 =	vld [tilespmem:$0x4E0];
	[tilespmem:$0x500] =	vst v0  }
0x89: {  	v17 =	vld [tilespmem:$0x430];
	[tilespmem:$0x510] =	vst v1  }
0x8a: {  	v18 =	vld [tilespmem:$0x4D0];
	[tilespmem:$0x520] =	vst v2  }
0x8b: {  	v19 =	vld [tilespmem:$0x4A0];
	[tilespmem:$0x530] =	vst v3  }
0x8c: {  	v20 =	vld [tilespmem:$0x4B0];
	[tilespmem:$0x540] =	vst v4  }
0x8d: {  	v21 =	vld [tilespmem:$0x4C0];
	[tilespmem:$0x550] =	vst v5  }
0x8e: {  	v22 =	vld [tilespmem:$0x480];
	[tilespmem:$0x560] =	vst v6  }
0x8f: {  	v23 =	vld [tilespmem:$0x490];
	[tilespmem:$0x570] =	vst v7  }
0x90: {  	v24 =	vld [tilespmem:$0x460];
	[tilespmem:$0x580] =	vst v8  }
0x91: {  	v25 =	vld [tilespmem:$0x420];
	[tilespmem:$0x590] =	vst v9  }
0x92: {  	v26 =	vld [tilespmem:$0x490];
	[tilespmem:$0x5A0] =	vst v10  }
0x93: {  	v27 =	vld [tilespmem:$0x410];
	[tilespmem:$0x5B0] =	vst v11  }
0x94: {  	v28 =	vld [tilespmem:$0x450];
	[tilespmem:$0x5C0] =	vst v12  }
0x95: {  	v29 =	vld [tilespmem:$0x480];
	[tilespmem:$0x5D0] =	vst v13  }
0x96: {  	v16 =	vand.u32 $0x3, v16;
	v30 =	vld [tilespmem:$0x420];
	[tilespmem:$0x5E0] =	vst v14  }
0x97: {  	v17 =	vand.u32 $0x3, v17;
	v24 =	vand.u32 $0x3, v24;
	v31 =	vld [tilespmem:$0x470];
	v26 =	vand.u32 $0x3, v26;
	[tilespmem:$0x5F0] =	vst v15  }
0x98: {  	[tilespmem:$0x490] =	vst v26;
	v26 =	vld [tilespmem:$0x4D0]  }
0x99: {  	v32 =	vld [tilespmem:$0x410]  }
0x9a: {  	v19 =	vshrl.u32 v19, $0x2;
	v23 =	vshrl.u32 v23, $0x2;
	v33 =	vld [tilespmem:$0x400];
	v29 =	vand.u32 $0x3, v29  }
0x9b: {  	v19 =	vand.u32 $0x1, v19;
	v27 =	vand.u32 $0x3, v27;
	v34 =	vld [tilespmem:$0x430];
	v30 =	vand.u32 $0x3, v30;
	[tilespmem:$0x480] =	vst v29  }
0x9c: {  	v19 =	vcvt.s32.f32 v19;
	v29 =	vld [tilespmem:$0x460];
	[tilespmem:$0x410] =	vst v27;
	v27 =	vand.u32 $0x3, v28;
	v28 =	vand.u32 $0x3, v31  }
0x9d: {  	v20 =	vshrl.u32 v20, $0x2;
	v21 =	vshrl.u32 v21, $0x2;
	v23 =	vand.u32 $0x1, v23;
	v31 =	vld [tilespmem:$0x4E0];
	[tilespmem:$0x420] =	vst v30  }
0x9e: {  	v20 =	vand.u32 $0x1, v20;
	v21 =	vand.u32 $0x1, v21;
	v25 =	vshrl.u32 v25, $0x2;
	v30 =	vld [tilespmem:$0x440];
	[tilespmem:$0x4E0] =	vst v16  }
0x9f: {  	v20 =	vcvt.s32.f32 v20;
	v21 =	vcvt.s32.f32 v21;
	v16 =	vshrl.u32 v33, $0x2;
	v33 =	vld [tilespmem:$0x470];
	[tilespmem:$0x460] =	vst v24  }
0xa0: {  	v18 =	vshrl.u32 v18, $0x2;
	v22 =	vshrl.u32 v22, $0x2;
	v24 =	vshrl.u32 v34, $0x2;
	v34 =	vld [tilespmem:$0x4F0];
	[tilespmem:$0x470] =	vst v28  }
0xa1: {  	v18 =	vand.u32 $0x1, v18;
	v22 =	vand.u32 $0x1, v22;
	v16 =	vand.u32 $0x1, v16;
	[tilespmem:$0x430] =	vst v17;
	v17 =	vld [tilespmem:$0x4F0]  }
0xa2: {  	v18 =	vcvt.s32.f32 v18;
	v22 =	vcvt.s32.f32 v22;
	v28 =	vld [tilespmem:$0x450];
	[tilespmem:$0x3B0] =	vst v20;
	v20 =	vshrl.u32 v31, $0x2  }
0xa3: {  	v25 =	vand.u32 $0x1, v25;
	v29 =	vshrl.u32 v29, $0x2;
	v30 =	vand.u32 $0x3, v30;
	[tilespmem:$0x450] =	vst v27;
	v27 =	vld [tilespmem:$0x4C0]  }
0xa4: {  	v24 =	vand.u32 $0x1, v24;
	v31 =	vld [tilespmem:$0x440];
	v33 =	vshrl.u32 v33, $0x2;
	[tilespmem:$0x3A0] =	vst v19;
	v19 =	vand.u32 $0x1, v20  }
0xa5: {  	v20 =	vcvt.s32.f32 v24;
	v24 =	vand.u32 $0x1, v29;
	v19 =	vcvt.s32.f32 v19;
	v29 =	vld [tilespmem:$0x400];
	[tilespmem:$0x440] =	vst v30  }
0xa6: {  	v25 =	vcvt.s32.f32 v25;
	v24 =	vcvt.s32.f32 v24;
	[tilespmem:$0x380] =	vst v22;
	v22 =	vld [tilespmem:$0x4A0];
	v17 =	vand.u32 $0x3, v17  }
0xa7: {  	v16 =	vcvt.s32.f32 v16;
	v30 =	vand.u32 $0x1, v33;
	[tilespmem:$0x3C0] =	vst v21;
	v21 =	vshrl.u32 v34, $0x2;
	v33 =	vld [tilespmem:$0x4B0]  }
0xa8: {  	v32 =	vshrl.u32 v32, $0x2;
	v30 =	vcvt.s32.f32 v30;
	[tilespmem:$0x3E0] =	vst v19;
	v19 =	vand.u32 $0x1, v21  }
0xa9: {  	v23 =	vcvt.s32.f32 v23;
	v21 =	vshrl.u32 v28, $0x2;
	v19 =	vcvt.s32.f32 v19;
	[tilespmem:$0x4F0] =	vst v17  }
0xaa: {  	v17 =	vand.u32 $0x1, v21;
	v21 =	vand.u32 $0x3, v27;
	[tilespmem:$0x300] =	vst v16;
	v16 =	vand.u32 $0x1, v32  }
0xab: {  	v27 =	vshrl.u32 v31, $0x2;
	v17 =	vcvt.s32.f32 v17;
	v16 =	vcvt.s32.f32 v16;
	[tilespmem:$0x4C0] =	vst v21  }
0xac: {  	v26 =	vand.u32 $0x3, v26;
	v21 =	vand.u32 $0x1, v27;
	[tilespmem:$0x390] =	vst v23;
	v23 =	vand.u32 $0x3, v29  }
0xad: {  	v22 =	vand.u32 $0x3, v22;
	v21 =	vcvt.s32.f32 v21;
	v27 =	vand.u32 $0x3, v33;
	[tilespmem:$0x4D0] =	vst v26  }
0xae: {  	[tilespmem:$0x4B0] =	vst v27  }
0xaf: {  	[tilespmem:$0x400] =	vst v23  }
0xb0: {  	[tilespmem:$0x4A0] =	vst v22  }
0xb1: {  	[tilespmem:$0x370] =	vst v30  }
0xb2: {  	[tilespmem:$0x310] =	vst v16  }
0xb3: {  	[tilespmem:$0x340] =	vst v21  }
0xb4: {  	[tilespmem:$0x350] =	vst v17  }
0xb5: {  	[tilespmem:$0x3D0] =	vst v18  }
0xb6: {  	[tilespmem:$0x3F0] =	vst v19  }
0xb7: {  	[tilespmem:$0x320] =	vst v25  }
0xb8: {  	[tilespmem:$0x330] =	vst v20  }
.Ltmp1:
0xb9: {  	[tilespmem:$0x360] =	vst v24;
	(pc) =	sbr.rel @p0 .LBB2_1-.Ltmp1, $4  }
0xba: {  	_ =	swait.ge [sflag:s10], $0x80  }
0xbb: {  	[sflag:s10] =	ssyncset.done $0x0  }
0xbc: {  	[sflag:s10] =	ssyncadd.s32 $0xFFFFFF80  }
0xbd: {  	_ =	swait.ge [sflag:s10], $0x80  }
.LBB2_2:
0xbe: {  	[sflag:s10] =	ssyncset.done $0x0  }
0xbf: {  	[sflag:s10] =	ssyncadd.s32 $0xFFFFFF80  }
0xc0: {  	[hbm4b:s2+s12] =	stream.indirect.scatter [tilespmem:s6], [sflag:$0x2], $0x1, s13, s12, $0xb8;
	[tilespmem:$0x600] =	vst v63  }
0xc1: {  	_ = 	snop  }
0xc2: {  	[hbm4b:s3+s12] =	stream.indirect.scatter [tilespmem:s18], [sflag:$0x2], $0x1, s13, s12, $0xb8;
	[tilespmem:$0x600] =	vst v63  }
0xc3: {  	_ = 	snop  }
0xc4: {  	[hbm4b:s4+s12] =	stream.indirect.scatter [tilespmem:s8], [sflag:$0x2], $0x1, s13, s12, $0xb8;
	[tilespmem:$0x600] =	vst v63  }
0xc5: {  	_ = 	snop  }
0xc6: {  	[hbm4b:s17+s12] =	stream.indirect.scatter [tilespmem:s19], [sflag:$0x2], $0x1, s13, s12, $0xb8;
	[tilespmem:$0x600] =	vst v63  }
0xc7: {  	_ = 	snop  }
0xc8: {  	[hbm4b:s2+s12] =	stream.indirect.scatter [tilespmem:s20], [sflag:$0x2], $0x1, s14, s12, $0xb8;
	[tilespmem:$0x600] =	vst v63  }
0xc9: {  	_ = 	snop  }
0xca: {  	[hbm4b:s3+s12] =	stream.indirect.scatter [tilespmem:s21], [sflag:$0x2], $0x1, s14, s12, $0xb8;
	[tilespmem:$0x600] =	vst v63  }
0xcb: {  	_ = 	snop  }
0xcc: {  	[hbm4b:s4+s12] =	stream.indirect.scatter [tilespmem:s22], [sflag:$0x2], $0x1, s14, s12, $0xb8;
	[tilespmem:$0x600] =	vst v63  }
0xcd: {  	_ = 	snop  }
0xce: {  	[hbm4b:s17+s12] =	stream.indirect.scatter [tilespmem:s23], [sflag:$0x2], $0x1, s14, s12, $0xb8;
	[tilespmem:$0x600] =	vst v63  }
0xcf: {  	_ =	swait.ge [sflag:s16], $0x80  }
0xd0: {  	[sflag:s16] =	ssyncset.done $0x0  }
0xd1: {  	[sflag:s16] =	ssyncadd.s32 $0xFFFFFF80  }
0xd2: {  	_ =	swait.ge [sflag:s16], $0x80  }
0xd3: {  	[sflag:s16] =	ssyncset.done $0x0  }
0xd4: {  	[sflag:s16] =	ssyncadd.s32 $0xFFFFFF80  }
0xd5: {  	_ =	swait.ge [sflag:s16], $0x80  }
0xd6: {  	[sflag:s16] =	ssyncset.done $0x0  }
0xd7: {  	[sflag:s16] =	ssyncadd.s32 $0xFFFFFF80  }
0xd8: {  	_ =	swait.ge [sflag:s16], $0x80  }
0xd9: {  	[sflag:s16] =	ssyncset.done $0x0  }
0xda: {  	[sflag:s16] =	ssyncadd.s32 $0xFFFFFF80  }
0xdb: {  	_ =	swait.ge [sflag:s16], $0x80  }
0xdc: {  	[sflag:s16] =	ssyncset.done $0x0  }
0xdd: {  	[sflag:s16] =	ssyncadd.s32 $0xFFFFFF80  }
0xde: {  	_ =	swait.ge [sflag:s16], $0x80  }
0xdf: {  	[sflag:s16] =	ssyncset.done $0x0  }
0xe0: {  	[sflag:s16] =	ssyncadd.s32 $0xFFFFFF80  }
0xe1: {  	_ =	swait.ge [sflag:s16], $0x80  }
0xe2: {  	[sflag:s16] =	ssyncset.done $0x0  }
0xe3: {  	[sflag:s16] =	ssyncadd.s32 $0xFFFFFF80  }
0xe4: {  	_ =	swait.ge [sflag:s16], $0x80  }
0xe5: {  	[sflag:s16] =	ssyncset.done $0x0  }
0xe6: {  	[sflag:s16] =	ssyncadd.s32 $0xFFFFFF80  }
0xe7: {  	_ =	sfence.sel $0x180000  }
0xe8: {  	[bflag:$0x0] =	sbarrier.arrive $0xFFFF  }
0xe9: {  	p0 =	sne.s32 s0, $0x0;
	_ =	strace $0x90000047  }
0xea: {  	s0 =	sadd.s32 @!p0 $0x100000, s1;
	[bflag:$0x2] =	sbarrier.arrive $0xFFFF  }
0xeb: {  	[sflag:s0] =	ssyncadd.tile.s32 @!p0 $0x1;
	_ =	shalt  }
.Lfunc_end2:
_tile_overlayer_lowered:
.L_overlay_start_2:
0xec: {  	(tag) =	ssettag $0x2  }
0xed: {  	s0 =	rddreg [dreg:$0x0];
	s2 =	stileid.u32  }
0xee: {  	s1 =	rddreg [dreg:$0x1];
	p0 =	sne.s32 s2, $0x0  }
0xef: {  	s3 =	rddreg [dreg:$0x2];
	[bflag:$0x3] =	sbarrier.arrive $0xFFFF;
	s2 =	simm.s32 @!p0 $0x1C03  }
0xf0: {  	[timem:s3], [sflag:s2] =	dma.local @!p0 [hbm:s0], s1  }
0xf1: {  	s0 =	simm.s32 @!p0 $0x3  }
0xf2: {  	_ =	swait.ge @!p0 [sflag:s0], s1  }
0xf3: {  	s1 =	ssub.s32 @!p0 $0x0, s1;
	[sflag:s0] =	ssyncset.done @!p0 $0x0  }
0xf4: {  	[sflag:s0] =	ssyncadd.s32 @!p0 s1  }
0xf5: {  	[bflag:$0x3] =	sbarrier.arrive $0xFFFF  }
0xf6: {  	_ =	shalt  }

// kernel: kernel.8.cloned.1.call-start
scs
__scs_entry_jumppad:
0x0: {  	(pc) =	sbr.rel $0x88, $3  }
0x1: {  	(tag) =	ssettag $0x0;
	lr =	simm.s32 $0x1  }
0x2: {  	[smem:$0x3F9E] =	sst lr;
	_ =	strace $0xD0000000  }
0x3: {  	_ = 	snop  }
0x4: {  	_ = 	snop  }
0x5: {  	_ = 	snop  }
0x6: {  	_ = 	snop  }
0x7: {  	_ = 	snop  }
__scs_overlays_trampoline_lowered:
0x8: {  	[smem:$0x3FAD] =	sst s0  }
0x9: {  	[smem:$0x3FAE] =	sst s1  }
0xa: {  	[smem:$0x3FAF] =	sst s2  }
0xb: {  	[smem:$0x3FB0] =	sst s3  }
0xc: {  	[smem:$0x3FB1] =	sst s4  }
0xd: {  	[smem:$0x3FB2] =	sst s5  }
0xe: {  	[smem:$0x3FB3] =	sst s6  }
0xf: {  	[smem:$0x3FB4] =	sst s7  }
0x10: {  	[smem:$0x3FB5] =	sst s8  }
0x11: {  	[smem:$0x3FB6] =	sst s9;
	s0 =	simm.s32 @!p0 $0x0  }
0x12: {  	s1 =	sld [smem:$0x3F9C];
	s0 =	simm.s32 @p0 $0x1  }
0x13: {  	[smem:$0x3FB7] =	sst s0;
	s0 =	simm.s32 @!p1 $0x0  }
0x14: {  	s2 =	sld [smem:$0x3F9B];
	s0 =	simm.s32 @p1 $0x1  }
0x15: {  	[smem:$0x3FB8] =	sst s0;
	s0 =	simm.s32 @!p2 $0x0  }
0x16: {  	s3 =	sld [smem:$0x3FDB];
	s0 =	simm.s32 @p2 $0x1  }
0x17: {  	s4 =	simm.s32 $0x1BF5;
	[smem:$0x3FBA] =	sst s0  }
0x18: {  	s0 =	sld [smem:$0x3F9D];
	_ =	swait.ge [sflag:s4], $0x0  }
0x19: {  	s7 =	sld [smem:$0x3F9E]  }
0x1a: {  	s8 =	sadd.s32 $0xFFFFE003, lr  }
0x1b: {  	s9 =	sadd.s32 $0xFFFFFEF7, lr;
	s5 =	simm.s32 $0xFFFFFFFF;
	p2 =	slt.u32 s8, $0xFFFFF086  }
0x1c: {  	p1 =	slt.u32 s9, $0xF7A;
	s5 =	simm.s32 @!p2 $0x0  }
0x1d: {  	s5 =	simm.s32 @p1 $0x1;
	p0 =	seq.s32 s7, s2  }
0x1e: {  	s7 =	smul.u32 @!p0 $0xF7A, s2;
	p2 =	seq.s32 @!p0 s5, $0x0  }
0x1f: {  	s9 =	smul.u32 $0xF7A, s1;
	s8 =	simm.s32 @!p0 $0x1BF5;
	p2 =	por !p2, p0  }
0x20: {  	[sflag:s8] =	ssyncset.s32 @!p0 $0xFFFFF086;
	s6 =	sadd.s32 @!p0 s3, s7;
	s7 =	simm.s32 @!p0 $0x108  }
0x21: {  	s3 =	sadd.s32 s3, s9;
	s6 =	sadd.s32 @!p0 $0x88, s6;
	s7 =	simm.s32 @p2 $0x1082  }
0x22: {  	[simem:s7], [sflag:s8] =	dma.local @!p0 [hbm:s6], $0xF7A  }
0x23: {  	s9 =	sor.u32 $0xD0000000, s2;
	s6 =	simm.s32 $0x108;
	_ =	swait.ge @!p0 [sflag:s8], $0x0  }
0x24: {  	s3 =	sadd.s32 $0x88, s3;
	s6 =	simm.s32 @!p1 $0x1082;
	[sflag:s4] =	ssyncset.s32 $0xFFFFF086  }
0x25: {  	[simem:s6], [sflag:s4] =	dma.local [hbm:s3], $0xF7A  }
0x26: {  	[smem:$0x3F9E] =	sst s1;
	(tag) =	ssettag s2;
	_ =	strace s9  }
0x27: {  	s1 =	sld [smem:$0x3FAE]  }
0x28: {  	s2 =	sld [smem:$0x3FAF]  }
0x29: {  	s4 =	sld [smem:$0x3FB1]  }
0x2a: {  	p0 =	seq.s32 s5, $0x0;
	s5 =	sld [smem:$0x3FB2]  }
0x2b: {  	s6 =	sld [smem:$0x3FB3]  }
0x2c: {  	s7 =	sld [smem:$0x3FB4]  }
0x2d: {  	s3 =	simm.s32 $0x108;
	s8 =	sld [smem:$0x3FB5]  }
0x2e: {  	s3 =	simm.s32 @!p0 $0x1082;
	s9 =	sld [smem:$0x3FB6]  }
0x2f: {  	lr =	sadd.s32 s0, s3;
	s0 =	sld [smem:$0x3FAD]  }
0x30: {  	s3 =	sld [smem:$0x3FB0]  }
0x31: {  	[smem:$0x3FB9] =	sst s10  }
0x32: {  	s10 =	sld [smem:$0x3FB7];
	_ =	sdelay $0x3  }
0x33: {  	p0 =	seq.s32 s10, $0x1;
	s10 =	sld [smem:$0x3FB9];
	_ =	sdelay $0x3  }
0x34: {  	[smem:$0x3FB9] =	sst s10  }
0x35: {  	s10 =	sld [smem:$0x3FB8];
	_ =	sdelay $0x3  }
0x36: {  	p1 =	seq.s32 s10, $0x1;
	s10 =	sld [smem:$0x3FB9];
	_ =	sdelay $0x3  }
0x37: {  	[smem:$0x3FB9] =	sst s10  }
0x38: {  	s10 =	sld [smem:$0x3FBA]  }
0x39: {  	_ = 	snop;
	(pc) =	sbr.ind lr, $3  }
0x3a: {  	_ = 	snop  }
0x3b: {  	_ = 	snop  }
0x3c: {  	p2 =	seq.s32 s10, $0x1;
	s10 =	sld [smem:$0x3FB9]  }
0x3d: {  	_ =	shalt  }
0x3e: {  	_ =	shalt  }
0x3f: {  	_ =	shalt  }
0x40: {  	_ =	shalt  }
0x41: {  	_ =	shalt  }
0x42: {  	_ =	shalt  }
0x43: {  	_ =	shalt  }
0x44: {  	_ =	shalt  }
0x45: {  	_ =	shalt  }
0x46: {  	_ =	shalt  }
0x47: {  	_ =	shalt  }
0x48: {  	_ =	shalt  }
0x49: {  	_ =	shalt  }
0x4a: {  	_ =	shalt  }
0x4b: {  	_ =	shalt  }
0x4c: {  	_ =	shalt  }
0x4d: {  	_ =	shalt  }
0x4e: {  	_ =	shalt  }
0x4f: {  	_ =	shalt  }
0x50: {  	_ =	shalt  }
0x51: {  	_ =	shalt  }
0x52: {  	_ =	shalt  }
0x53: {  	_ =	shalt  }
0x54: {  	_ =	shalt  }
0x55: {  	_ =	shalt  }
0x56: {  	_ =	shalt  }
0x57: {  	_ =	shalt  }
0x58: {  	_ =	shalt  }
0x59: {  	_ =	shalt  }
0x5a: {  	_ =	shalt  }
0x5b: {  	_ =	shalt  }
0x5c: {  	_ =	shalt  }
0x5d: {  	_ =	shalt  }
0x5e: {  	_ =	shalt  }
0x5f: {  	_ =	shalt  }
0x60: {  	_ =	shalt  }
0x61: {  	_ =	shalt  }
0x62: {  	_ =	shalt  }
0x63: {  	_ =	shalt  }
0x64: {  	_ =	shalt  }
0x65: {  	_ =	shalt  }
0x66: {  	_ =	shalt  }
0x67: {  	_ =	shalt  }
0x68: {  	_ =	shalt  }
0x69: {  	_ =	shalt  }
0x6a: {  	_ =	shalt  }
0x6b: {  	_ =	shalt  }
0x6c: {  	_ =	shalt  }
0x6d: {  	_ =	shalt  }
0x6e: {  	_ =	shalt  }
0x6f: {  	_ =	shalt  }
0x70: {  	_ =	shalt  }
0x71: {  	_ =	shalt  }
0x72: {  	_ =	shalt  }
0x73: {  	_ =	shalt  }
0x74: {  	_ =	shalt  }
0x75: {  	_ =	shalt  }
0x76: {  	_ =	shalt  }
0x77: {  	_ =	shalt  }
0x78: {  	_ =	shalt  }
0x79: {  	_ =	shalt  }
0x7a: {  	_ =	shalt  }
0x7b: {  	_ =	shalt  }
0x7c: {  	_ =	shalt  }
0x7d: {  	_ =	shalt  }
0x7e: {  	_ =	shalt  }
0x7f: {  	_ =	shalt  }
0x80: {  	_ =	shalt  }
0x81: {  	_ =	shalt  }
0x82: {  	_ =	shalt  }
0x83: {  	_ =	shalt  }
0x84: {  	_ =	shalt  }
0x85: {  	_ =	shalt  }
0x86: {  	_ =	shalt  }
0x87: {  	_ =	shalt  }
.Lfunc_end0:
.L_simem_size_0:
called_computation.1_lowered:
.L_overlay_start_0:
0x88: {  	s2 =	sld [smem:$0x3FD9]  }
0x89: {  	s3 =	sld [smem:$0x3FFE];
	_ =	sdelay $0x1  }
0x8a: {  	s1 =	srdreg.scid  }
0x8b: {  	s0 =	sand.u32 $0x1, s1  }
0x8c: {  	s14 =	sshll.u32 s0, $0xA;
	s2 =	sadd.s32 s3, s2  }
0x8d: {  	s2 =	sadd.s32 s2, s14  }
0x8e: {  	[smem:$0x3FC5] =	sst s2  }
0x8f: {  	_ = 	snop  }
0x90: {  	s2 =	sld [smem:$0x3FD0];
	_ =	sdelay $0x2  }
0x91: {  	s15 =	simm.s32 $0xA;
	s4 =	simm.s32 $0x10  }
0x92: {  	[smem:s4], [sflag:s15] =	dma.local [hbm:s2], $0x1  }
0x93: {  	_ =	swait.eq [sflag:s15], $0x1  }
0x94: {  	[sflag:s15] =	ssyncset.done $0x0  }
0x95: {  	[sflag:s15] =	ssyncadd.s32 $0xFFFFFFFF  }
0x96: {  	s16 =	sld [smem:$0x10];
	(tm) =	ssettm $0x1  }
0x97: {  	s17 =	sld [smem:$0x3FFB];
	_ =	sdelay $0x3  }
0x98: {  	_ =	strace s17  }
0x99: {  	s3 =	sld [smem:$0x3FFC];
	_ =	sdelay $0x3  }
0x9a: {  	_ =	strace s3  }
0x9b: {  	s3 =	sld [smem:$0x3FFD];
	_ =	sdelay $0x3  }
0x9c: {  	_ =	strace s3  }
0x9d: {  	_ =	strace $0x8FFFFFFF  }
0x9e: {  	s18 =	sld [smem:$0x3FDB];
	_ =	sdelay $0x1  }
0x9f: {  	s19 =	simm.s32 $_scs_section_size  }
0xa0: {  	s5 =	simm.s32 $_size__tile_overlayer_lowered;
	s6 =	simm.s32 $_tile_overlayer_lowered  }
0xa1: {  	s22 =	simm.s32 $0x1BFF;
	s21 =	sshll.u32 s6, $0x1;
	s3 =	sadd.s32 s19, s18  }
0xa2: {  	s7 =	simm.s32 $0x0;
	s20 =	sshll.u32 s5, $0x1;
	s5 =	sadd.s32 s21, s3  }
0xa3: {  	[timem:s7], [sflag:s22] =	dma.local [hbm:s5], s20  }
0xa4: {  	_ =	swait.ge [sflag:s22], s20  }
0xa5: {  	s4 =	ssub.s32 $0x0, s20;
	[sflag:s22] =	ssyncset.done $0x0  }
0xa6: {  	[sflag:s22] =	ssyncadd.s32 s4;
	_ =	sdelay $0x1  }
0xa7: {  	s23 =	simm.s32 $0x1B8B  }
0xa8: {  	_ =	swait.ge [sflag:s23], $0x1  }
0xa9: {  	[sflag:s23] =	ssyncset.done $0x0  }
0xaa: {  	s25 =	simm.s32 $0x1B8E;
	s24 =	sld [smem:$0x3FFE];
	[sflag:s23] =	ssyncadd.s32 $0xFFFFFFFF  }
0xab: {  	s26 =	simm.s32 $execute0_lowered;
	[smem:$0x3FD2] =	sst s25  }
0xac: {  	s5 =	sshll.u32 s26, $0x1;
	_ =	strace $0x80000049;
	[dreg:$0x1] =	wrdreg $0xFFFFFFFF  }
0xad: {  	s28 =	simm.s32 $_size_execute0_lowered;
	s3 =	sadd.s32 s3, s5;
	[dreg:$0x0] =	wrdreg $0x0  }
0xae: {  	s5 =	sshll.u32 s28, $0x1;
	[dreg:$0x2] =	wrdreg s3  }
0xaf: {  	[dreg:$0x3] =	wrdreg s5  }
0xb0: {  	[dreg:$0x4] =	wrdreg $0xC0  }
0xb1: {  	_ =	task [dreg:s7], $0x5FFFF  }
0xb2: {  	[dreg:$0x1] =	wrdreg $0xFFFFFFFF  }
0xb3: {  	[dreg:$0x0] =	wrdreg $0x60  }
0xb4: {  	[dreg:$0x2] =	wrdreg s16  }
0xb5: {  	[dreg:$0x3] =	wrdreg s24  }
0xb6: {  	[dreg:$0x4] =	wrdreg $0x9  }
0xb7: {  	_ =	task.clear_ibuf [dreg:s7], $0x5FFFF;
	_ =	strace $0x90000049  }
0xb8: {  	s29 =	simm.s32 $0x9;
	_ =	strace $0x8000004B  }
0xb9: {  	_ =	swait.ge [sflag:s29], $0x1  }
0xba: {  	[sflag:s29] =	ssyncadd.s32 $0xFFFFFFFF  }
0xbb: {  	_ =	strace $0x9000004B  }
0xbc: {  	_ =	sfence  }
0xbd: {  	s30 =	sld [smem:$0x0];
	_ =	sdelay $0x2  }
0xbe: {  	s31 =	sshll.u32 s1, $0xD;
	s1 =	sshrl.u32 s1, $0x2  }
0xbf: {  	s3 =	sand.u32 $0x4000, s31;
	s1 =	sadd.s32 s1, s30  }
0xc0: {  	s0 =	sor.u32 s3, s0;
	s1 =	sshll.u32 s1, $0x11  }
0xc1: {  	s0 =	sor.u32 s1, s0  }
0xc2: {  	s0 =	sadd.s32 $0x8F2B, s0  }
0xc3: {  	[sflag:s0] =	ssyncadd.remote.s32 $0x1  }
0xc4: {  	_ =	sfence.sel $0xFFFF  }
0xc5: {  	[dreg:$0x0] =	wrdreg $0xFFFFFFFF;
	(pc) =	sbr.abs _section_cstart, $3  }
0xc6: {  	[dreg:$0x1] =	wrdreg $0xFFFFFFFF  }
0xc7: {  	_ =	task.clear_ibuf [dreg:s7], $0x2FFFF;
	_ =	strace $0x9FFFFFFF  }
0xc8: {  	(tm) =	ssettm $0x7FFFFFFF  }
0xc9: {  	_ =	shalt  }
tec
execute0_lowered:
.L_overlay_start_1:
0x0: {  	(tag) =	ssettag $0x1  }
0x1: {  	s0 =	srdreg.scid  }
0x2: {  	s1 =	stileid.u32;
	s0 =	sand.u32 $0x1, s0  }
0x3: {  	s2 =	rddreg [dreg:$0x0];
	s1 =	sshll.u32 s1, $0x6;
	s3 =	sshll.u32 s0, $0x5  }
0x4: {  	s4 =	rddreg [dreg:$0x1];
	s1 =	sor.u32 s3, s1  }
0x5: {  	s3 =	simm.s32 $0x0;
	s5 =	smul.u32 $0xC00, s1;
	s6 =	sadd.s32 s1, s4  }
0x6: {  	[smem:$0x7FF] =	sst s3;
	s4 =	sadd.s32 $0x1C00, s4;
	s6 =	sadd.s32 $0x1800, s6  }
0x7: {  	_ =	strace $0x8000004A;
	s7 =	sadd.s32 s4, s5;
	[dreg:$0x3] =	wrdreg s6  }
0x8: {  	s5 =	sadd.s32 $0xC00, s7;
	[smem:$0x7FA] =	sst s7  }
0x9: {  	s26 =	sadd.s32 $0x1800, s7;
	[dreg:$0x4] =	wrdreg s5  }
0xa: {  	s28 =	sadd.s32 $0x2400, s7;
	[dreg:$0x5] =	wrdreg s26  }
0xb: {  	s29 =	sadd.s32 $0x3000, s7;
	[dreg:$0x6] =	wrdreg s28  }
0xc: {  	s30 =	sadd.s32 $0x3C00, s7;
	[dreg:$0x7] =	wrdreg s29  }
0xd: {  	s31 =	sadd.s32 $0x4800, s7;
	[dreg:$0x8] =	wrdreg s30  }
0xe: {  	s1 =	smul.u32 $0x6000, s1;
	s6 =	sadd.s32 $0x5400, s7;
	[dreg:$0x9] =	wrdreg s31  }
0xf: {  	s8 =	sadd.s32 $0x6000, s7;
	[dreg:$0xa] =	wrdreg s6  }
0x10: {  	s1 =	sshrl.u32 s1, $0x3;
	s9 =	sadd.s32 $0x6C00, s7;
	[dreg:$0xb] =	wrdreg s8  }
0x11: {  	s10 =	sadd.s32 $0x7800, s7;
	s1 =	sadd.s32 s4, s1;
	[dreg:$0xc] =	wrdreg s9  }
0x12: {  	[dreg:$0xd] =	wrdreg s10;
	s4 =	sadd.s32 $0x8400, s1  }
0x13: {  	s11 =	sadd.s32 $0x9000, s1;
	[dreg:$0xe] =	wrdreg s4  }
0x14: {  	s12 =	sadd.s32 $0x9C00, s1;
	[dreg:$0xf] =	wrdreg s11  }
0x15: {  	s13 =	sadd.s32 $0xA800, s1;
	[dreg:$0x10] =	wrdreg s12  }
0x16: {  	s14 =	sadd.s32 $0xB400, s1;
	[dreg:$0x11] =	wrdreg s13  }
0x17: {  	s15 =	sadd.s32 $0xC000, s1;
	[dreg:$0x12] =	wrdreg s14  }
0x18: {  	s0 =	ssub.s32 $0x2, s0;
	s16 =	sadd.s32 $0xCC00, s1;
	[dreg:$0x13] =	wrdreg s15  }
0x19: {  	s19 =	sshrl.u32 s0, $0x1;
	s17 =	sadd.s32 $0xD800, s1;
	[dreg:$0x14] =	wrdreg s16  }
0x1a: {  	s0 =	ssub.s32 s0, s19;
	s18 =	sadd.s32 $0xE400, s1;
	[dreg:$0x15] =	wrdreg s17  }
0x1b: {  	s0 =	smax.u32 s0, $0x1;
	s20 =	sadd.s32 $0xF000, s1;
	[dreg:$0x16] =	wrdreg s18  }
0x1c: {  	s7 =	sadd.s32 $0x300, s2;
	s21 =	sadd.s32 $0xFC00, s1;
	[dreg:$0x17] =	wrdreg s20  }
0x1d: {  	s5 =	sadd.s32 $0x100, s2;
	s22 =	sadd.s32 $0x10800, s1;
	[dreg:$0x18] =	wrdreg s21  }
0x1e: {  	s6 =	sadd.s32 $0x200, s2;
	s23 =	sadd.s32 $0x11400, s1;
	[dreg:$0x19] =	wrdreg s22  }
0x1f: {  	s24 =	sadd.s32 $0x12000, s1;
	s8 =	sadd.s32 $0x400, s2;
	[dreg:$0x1a] =	wrdreg s23  }
0x20: {  	s25 =	sadd.s32 $0x12C00, s1;
	s9 =	sadd.s32 $0x500, s2;
	[dreg:$0x1b] =	wrdreg s24  }
0x21: {  	s26 =	sadd.s32 $0x13800, s1;
	s10 =	sadd.s32 $0x600, s2;
	[dreg:$0x1c] =	wrdreg s25  }
0x22: {  	s28 =	sadd.s32 $0x14400, s1;
	s29 =	sadd.s32 $0x15000, s1;
	[dreg:$0x1d] =	wrdreg s26  }
0x23: {  	s30 =	sadd.s32 $0x15C00, s1;
	s31 =	sadd.s32 $0x16800, s1;
	[dreg:$0x1e] =	wrdreg s28  }
0x24: {  	s1 =	sadd.s32 $0x17400, s1;
	s11 =	sadd.s32 $0x700, s2;
	[dreg:$0x1f] =	wrdreg s29  }
0x25: {  	v0 =	vlaneseq.u32;
	s12 =	sadd.s32 $0x800, s2;
	s13 =	sadd.s32 $0x900, s2;
	[smem:$0x7FB] =	sst s30  }
0x26: {  	v1 =	vshrl.u32 v0, $0x3;
	s14 =	sadd.s32 $0xA00, s2;
	[smem:$0x7FC] =	sst s31;
	s15 =	sadd.s32 $0xB00, s2  }
0x27: {  	vm0 =	vmmov $0xffff;
	v0 =	vand.u32 $0x7, v0;
	v1 =	vmul.u32 $0x8, v1;
	[smem:$0x7FD] =	sst s1;
	s23 =	simm.s32 $0x1;
	s22 =	simm.s32 $0x2  }
.LBB2_1:
0x28: {  	[smem:$0x7F9] =	sst s0  }
0x29: {  	s25 =	rddreg [dreg:$0x3];
	s1 =	simm.s32 $0x3  }
0x2a: {  	[tilespmem:s3], [sflag:$0x3] =	stream.linear.gather [hbm4b:s25+s3], $0x100, $0x38;
	[tilespmem:$0x18100] =	vst v63  }
0x2b: {  	_ =	swait.ge [sflag:s1], $0x100  }
0x2c: {  	[sflag:s1] =	ssyncset.done $0x0  }
0x2d: {  	[sflag:s1] =	ssyncadd.s32 $0xFFFFFF00  }
0x2e: {  	v2 =	vld.msk [tilespmem:$0x0], $0xff;
	_ =	sdelay $0x4  }
0x2f: {  	v3 =	vshrl.u32 v2, $0x3  }
0x30: {  	v3 =	vmul.u32 $0xC0, v3  }
0x31: {  	v2 =	vand.u32 $0x7, v2  }
0x32: {  	v2 =	vor.u32 v2, v3  }
0x33: {  	v2 =	vperm.xlane v2, v0;
	_ =	sdelay $0x1  }
0x34: {  	v2 =	vadd.s32 v1, v2;
	_ =	sdelay $0x3  }
0x35: {  	s4 =	simm.s32 $0x100  }
0x36: {  	[tilespmem:s4], [sflag:$0x1] =	stream.indirect_vreg.gather [hbm4b:s2+s3], $0x80, v2, vm0, $0xb8;
	[tilespmem:$0x18100] =	vst v63  }
0x37: {  	s16 =	simm.s32 $0x900  }
0x38: {  	[tilespmem:s16], [sflag:$0x1] =	stream.indirect_vreg.gather [hbm4b:s5+s3], $0x80, v2, vm0, $0xb8;
	[tilespmem:$0x18100] =	vst v63  }
0x39: {  	s17 =	simm.s32 $0x1100  }
0x3a: {  	[tilespmem:s17], [sflag:$0x1] =	stream.indirect_vreg.gather [hbm4b:s6+s3], $0x80, v2, vm0, $0xb8;
	[tilespmem:$0x18100] =	vst v63  }
0x3b: {  	s18 =	simm.s32 $0x1900  }
0x3c: {  	[tilespmem:s18], [sflag:$0x1] =	stream.indirect_vreg.gather [hbm4b:s7+s3], $0x80, v2, vm0, $0xb8;
	[tilespmem:$0x18100] =	vst v63  }
0x3d: {  	s19 =	simm.s32 $0x2100  }
0x3e: {  	[tilespmem:s19], [sflag:$0x1] =	stream.indirect_vreg.gather [hbm4b:s8+s3], $0x80, v2, vm0, $0xb8;
	[tilespmem:$0x18100] =	vst v63  }
0x3f: {  	s20 =	simm.s32 $0x2900  }
0x40: {  	[tilespmem:s20], [sflag:$0x1] =	stream.indirect_vreg.gather [hbm4b:s9+s3], $0x80, v2, vm0, $0xb8;
	[tilespmem:$0x18100] =	vst v63  }
0x41: {  	s21 =	simm.s32 $0x3100  }
0x42: {  	[tilespmem:s21], [sflag:$0x1] =	stream.indirect_vreg.gather [hbm4b:s10+s3], $0x80, v2, vm0, $0xb8;
	[tilespmem:$0x18100] =	vst v63  }
0x43: {  	s24 =	simm.s32 $0x3900  }
0x44: {  	[tilespmem:s24], [sflag:$0x1] =	stream.indirect_vreg.gather [hbm4b:s11+s3], $0x80, v2, vm0, $0xb8;
	[tilespmem:$0x18100] =	vst v63  }
0x45: {  	s25 =	simm.s32 $0x4100  }
0x46: {  	[tilespmem:s25], [sflag:$0x1] =	stream.indirect_vreg.gather [hbm4b:s12+s3], $0x80, v2, vm0, $0xb8;
	[tilespmem:$0x18100] =	vst v63  }
0x47: {  	s26 =	simm.s32 $0x4900  }
0x48: {  	[tilespmem:s26], [sflag:$0x1] =	stream.indirect_vreg.gather [hbm4b:s13+s3], $0x80, v2, vm0, $0xb8;
	[tilespmem:$0x18100] =	vst v63  }
0x49: {  	s31 =	simm.s32 $0x5100  }
0x4a: {  	[tilespmem:s31], [sflag:$0x1] =	stream.indirect_vreg.gather [hbm4b:s14+s3], $0x80, v2, vm0, $0xb8;
	[tilespmem:$0x18100] =	vst v63  }
0x4b: {  	s1 =	simm.s32 $0x5900  }
0x4c: {  	[tilespmem:s1], [sflag:$0x1] =	stream.indirect_vreg.gather [hbm4b:s15+s3], $0x80, v2, vm0, $0xb8;
	[tilespmem:$0x18100] =	vst v63  }
0x4d: {  	v2 =	vld.msk [tilespmem:$0x8], $0xff;
	_ =	sdelay $0x4  }
0x4e: {  	v3 =	vshrl.u32 v2, $0x3  }
0x4f: {  	v3 =	vmul.u32 $0xC0, v3  }
0x50: {  	v2 =	vand.u32 $0x7, v2  }
0x51: {  	v2 =	vor.u32 v2, v3  }
0x52: {  	v2 =	vperm.xlane v2, v0;
	_ =	sdelay $0x1  }
0x53: {  	v2 =	vadd.s32 v1, v2;
	_ =	sdelay $0x3  }
0x54: {  	s24 =	simm.s32 $0x6100  }
0x55: {  	[tilespmem:s24], [sflag:$0x1] =	stream.indirect_vreg.gather [hbm4b:s2+s3], $0x80, v2, vm0, $0xb8;
	[tilespmem:$0x18100] =	vst v63  }
0x56: {  	s25 =	simm.s32 $0x6900  }
0x57: {  	[tilespmem:s25], [sflag:$0x1] =	stream.indirect_vreg.gather [hbm4b:s5+s3], $0x80, v2, vm0, $0xb8;
	[tilespmem:$0x18100] =	vst v63  }
0x58: {  	s26 =	simm.s32 $0x7100  }
0x59: {  	[tilespmem:s26], [sflag:$0x1] =	stream.indirect_vreg.gather [hbm4b:s6+s3], $0x80, v2, vm0, $0xb8;
	[tilespmem:$0x18100] =	vst v63  }
0x5a: {  	s24 =	simm.s32 $0x7900  }
0x5b: {  	[tilespmem:s24], [sflag:$0x1] =	stream.indirect_vreg.gather [hbm4b:s7+s3], $0x80, v2, vm0, $0xb8;
	[tilespmem:$0x18100] =	vst v63  }
0x5c: {  	s25 =	simm.s32 $0x8100  }
0x5d: {  	[tilespmem:s25], [sflag:$0x1] =	stream.indirect_vreg.gather [hbm4b:s8+s3], $0x80, v2, vm0, $0xb8;
	[tilespmem:$0x18100] =	vst v63  }
0x5e: {  	s26 =	simm.s32 $0x8900  }
0x5f: {  	[tilespmem:s26], [sflag:$0x1] =	stream.indirect_vreg.gather [hbm4b:s9+s3], $0x80, v2, vm0, $0xb8;
	[tilespmem:$0x18100] =	vst v63  }
0x60: {  	s24 =	simm.s32 $0x9100  }
0x61: {  	[tilespmem:s24], [sflag:$0x1] =	stream.indirect_vreg.gather [hbm4b:s10+s3], $0x80, v2, vm0, $0xb8;
	[tilespmem:$0x18100] =	vst v63  }
0x62: {  	s25 =	simm.s32 $0x9900  }
0x63: {  	[tilespmem:s25], [sflag:$0x1] =	stream.indirect_vreg.gather [hbm4b:s11+s3], $0x80, v2, vm0, $0xb8;
	[tilespmem:$0x18100] =	vst v63  }
0x64: {  	s26 =	simm.s32 $0xA100  }
0x65: {  	[tilespmem:s26], [sflag:$0x1] =	stream.indirect_vreg.gather [hbm4b:s12+s3], $0x80, v2, vm0, $0xb8;
	[tilespmem:$0x18100] =	vst v63  }
0x66: {  	s24 =	simm.s32 $0xA900  }
0x67: {  	[tilespmem:s24], [sflag:$0x1] =	stream.indirect_vreg.gather [hbm4b:s13+s3], $0x80, v2, vm0, $0xb8;
	[tilespmem:$0x18100] =	vst v63  }
0x68: {  	s25 =	simm.s32 $0xB100  }
0x69: {  	[tilespmem:s25], [sflag:$0x1] =	stream.indirect_vreg.gather [hbm4b:s14+s3], $0x80, v2, vm0, $0xb8;
	[tilespmem:$0x18100] =	vst v63  }
0x6a: {  	s26 =	simm.s32 $0xB900  }
0x6b: {  	[tilespmem:s26], [sflag:$0x1] =	stream.indirect_vreg.gather [hbm4b:s15+s3], $0x80, v2, vm0, $0xb8;
	[tilespmem:$0x18100] =	vst v63  }
0x6c: {  	v2 =	vld.msk [tilespmem:$0x10], $0xff;
	_ =	sdelay $0x4  }
0x6d: {  	v3 =	vshrl.u32 v2, $0x3  }
0x6e: {  	v3 =	vmul.u32 $0xC0, v3  }
0x6f: {  	v2 =	vand.u32 $0x7, v2  }
0x70: {  	v2 =	vor.u32 v2, v3  }
0x71: {  	v2 =	vperm.xlane v2, v0;
	_ =	sdelay $0x1  }
0x72: {  	v2 =	vadd.s32 v1, v2;
	_ =	sdelay $0x3  }
0x73: {  	s24 =	simm.s32 $0xC100  }
0x74: {  	[tilespmem:s24], [sflag:$0x1] =	stream.indirect_vreg.gather [hbm4b:s2+s3], $0x80, v2, vm0, $0xb8;
	[tilespmem:$0x18100] =	vst v63  }
0x75: {  	s25 =	simm.s32 $0xC900  }
0x76: {  	[tilespmem:s25], [sflag:$0x1] =	stream.indirect_vreg.gather [hbm4b:s5+s3], $0x80, v2, vm0, $0xb8;
	[tilespmem:$0x18100] =	vst v63  }
0x77: {  	s26 =	simm.s32 $0xD100  }
0x78: {  	[tilespmem:s26], [sflag:$0x1] =	stream.indirect_vreg.gather [hbm4b:s6+s3], $0x80, v2, vm0, $0xb8;
	[tilespmem:$0x18100] =	vst v63  }
0x79: {  	s24 =	simm.s32 $0xD900  }
0x7a: {  	[tilespmem:s24], [sflag:$0x1] =	stream.indirect_vreg.gather [hbm4b:s7+s3], $0x80, v2, vm0, $0xb8;
	[tilespmem:$0x18100] =	vst v63  }
0x7b: {  	s25 =	simm.s32 $0xE100  }
0x7c: {  	[tilespmem:s25], [sflag:$0x1] =	stream.indirect_vreg.gather [hbm4b:s8+s3], $0x80, v2, vm0, $0xb8;
	[tilespmem:$0x18100] =	vst v63  }
0x7d: {  	s26 =	simm.s32 $0xE900  }
0x7e: {  	[tilespmem:s26], [sflag:$0x1] =	stream.indirect_vreg.gather [hbm4b:s9+s3], $0x80, v2, vm0, $0xb8;
	[tilespmem:$0x18100] =	vst v63  }
0x7f: {  	s24 =	simm.s32 $0xF100  }
0x80: {  	[tilespmem:s24], [sflag:$0x1] =	stream.indirect_vreg.gather [hbm4b:s10+s3], $0x80, v2, vm0, $0xb8;
	[tilespmem:$0x18100] =	vst v63  }
0x81: {  	s25 =	simm.s32 $0xF900  }
0x82: {  	[tilespmem:s25], [sflag:$0x1] =	stream.indirect_vreg.gather [hbm4b:s11+s3], $0x80, v2, vm0, $0xb8;
	[tilespmem:$0x18100] =	vst v63  }
0x83: {  	s26 =	simm.s32 $0x10100  }
0x84: {  	[tilespmem:s26], [sflag:$0x1] =	stream.indirect_vreg.gather [hbm4b:s12+s3], $0x80, v2, vm0, $0xb8;
	[tilespmem:$0x18100] =	vst v63  }
0x85: {  	s24 =	simm.s32 $0x10900  }
0x86: {  	[tilespmem:s24], [sflag:$0x1] =	stream.indirect_vreg.gather [hbm4b:s13+s3], $0x80, v2, vm0, $0xb8;
	[tilespmem:$0x18100] =	vst v63  }
0x87: {  	s25 =	simm.s32 $0x11100  }
0x88: {  	[tilespmem:s25], [sflag:$0x1] =	stream.indirect_vreg.gather [hbm4b:s14+s3], $0x80, v2, vm0, $0xb8;
	[tilespmem:$0x18100] =	vst v63  }
0x89: {  	s26 =	simm.s32 $0x11900  }
0x8a: {  	[tilespmem:s26], [sflag:$0x1] =	stream.indirect_vreg.gather [hbm4b:s15+s3], $0x80, v2, vm0, $0xb8;
	[tilespmem:$0x18100] =	vst v63  }
0x8b: {  	_ =	swait.ge [sflag:s23], $0x6000  }
0x8c: {  	s0 =	sld [smem:$0x7FA]  }
0x8d: {  	[sflag:s23] =	ssyncset.done $0x0  }
0x8e: {  	s24 =	simm.s32 $0x100;
	[sflag:s23] =	ssyncadd.s32 $0xFFFFA000  }
0x8f: {  	[hbm4b:s0+s3] =	stream.linear.scatter [tilespmem:s24], [sflag:$0x2], $0x6000, $0x38;
	[tilespmem:$0x18100] =	vst v63  }
0x90: {  	v2 =	vld.msk [tilespmem:$0x18], $0xff;
	_ =	sdelay $0x4  }
0x91: {  	v3 =	vshrl.u32 v2, $0x3  }
0x92: {  	v3 =	vmul.u32 $0xC0, v3  }
0x93: {  	v2 =	vand.u32 $0x7, v2  }
0x94: {  	v2 =	vor.u32 v2, v3  }
0x95: {  	v2 =	vperm.xlane v2, v0;
	_ =	sdelay $0x1  }
0x96: {  	v2 =	vadd.s32 v1, v2;
	_ =	sdelay $0x3  }
0x97: {  	s26 =	simm.s32 $0x12100  }
0x98: {  	[tilespmem:s26], [sflag:$0x1] =	stream.indirect_vreg.gather [hbm4b:s2+s3], $0x80, v2, vm0, $0xb8;
	[tilespmem:$0x18100] =	vst v63  }
0x99: {  	s0 =	simm.s32 $0x12900  }
0x9a: {  	[tilespmem:s0], [sflag:$0x1] =	stream.indirect_vreg.gather [hbm4b:s5+s3], $0x80, v2, vm0, $0xb8;
	[tilespmem:$0x18100] =	vst v63  }
0x9b: {  	s0 =	simm.s32 $0x13100  }
0x9c: {  	[tilespmem:s0], [sflag:$0x1] =	stream.indirect_vreg.gather [hbm4b:s6+s3], $0x80, v2, vm0, $0xb8;
	[tilespmem:$0x18100] =	vst v63  }
0x9d: {  	s0 =	simm.s32 $0x13900  }
0x9e: {  	[tilespmem:s0], [sflag:$0x1] =	stream.indirect_vreg.gather [hbm4b:s7+s3], $0x80, v2, vm0, $0xb8;
	[tilespmem:$0x18100] =	vst v63  }
0x9f: {  	s0 =	simm.s32 $0x14100  }
0xa0: {  	[tilespmem:s0], [sflag:$0x1] =	stream.indirect_vreg.gather [hbm4b:s8+s3], $0x80, v2, vm0, $0xb8;
	[tilespmem:$0x18100] =	vst v63  }
0xa1: {  	s0 =	simm.s32 $0x14900  }
0xa2: {  	[tilespmem:s0], [sflag:$0x1] =	stream.indirect_vreg.gather [hbm4b:s9+s3], $0x80, v2, vm0, $0xb8;
	[tilespmem:$0x18100] =	vst v63  }
0xa3: {  	s0 =	simm.s32 $0x15100  }
0xa4: {  	[tilespmem:s0], [sflag:$0x1] =	stream.indirect_vreg.gather [hbm4b:s10+s3], $0x80, v2, vm0, $0xb8;
	[tilespmem:$0x18100] =	vst v63  }
0xa5: {  	s0 =	simm.s32 $0x15900  }
0xa6: {  	[tilespmem:s0], [sflag:$0x1] =	stream.indirect_vreg.gather [hbm4b:s11+s3], $0x80, v2, vm0, $0xb8;
	[tilespmem:$0x18100] =	vst v63  }
0xa7: {  	s0 =	simm.s32 $0x16100  }
0xa8: {  	[tilespmem:s0], [sflag:$0x1] =	stream.indirect_vreg.gather [hbm4b:s12+s3], $0x80, v2, vm0, $0xb8;
	[tilespmem:$0x18100] =	vst v63  }
0xa9: {  	s0 =	simm.s32 $0x16900  }
0xaa: {  	[tilespmem:s0], [sflag:$0x1] =	stream.indirect_vreg.gather [hbm4b:s13+s3], $0x80, v2, vm0, $0xb8;
	[tilespmem:$0x18100] =	vst v63  }
0xab: {  	s0 =	simm.s32 $0x17100  }
0xac: {  	[tilespmem:s0], [sflag:$0x1] =	stream.indirect_vreg.gather [hbm4b:s14+s3], $0x80, v2, vm0, $0xb8;
	[tilespmem:$0x18100] =	vst v63  }
0xad: {  	s0 =	simm.s32 $0x17900  }
0xae: {  	[tilespmem:s0], [sflag:$0x1] =	stream.indirect_vreg.gather [hbm4b:s15+s3], $0x80, v2, vm0, $0xb8;
	[tilespmem:$0x18100] =	vst v63  }
0xaf: {  	_ =	swait.ge [sflag:s23], $0x6000  }
0xb0: {  	[sflag:s23] =	ssyncset.done $0x0  }
0xb1: {  	s0 =	simm.s32 $0x6100;
	s25 =	rddreg [dreg:$0x4];
	[sflag:s23] =	ssyncadd.s32 $0xFFFFA000  }
0xb2: {  	[hbm4b:s25+s3] =	stream.linear.scatter [tilespmem:s0], [sflag:$0x2], $0x6000, $0x38;
	[tilespmem:$0x18100] =	vst v63  }
0xb3: {  	_ =	swait.ge [sflag:s22], $0x6000  }
0xb4: {  	[sflag:s22] =	ssyncset.done $0x0  }
0xb5: {  	[sflag:s22] =	ssyncadd.s32 $0xFFFFA000  }
0xb6: {  	v2 =	vld.msk [tilespmem:$0x20], $0xff;
	_ =	sdelay $0x4  }
0xb7: {  	v3 =	vshrl.u32 v2, $0x3  }
0xb8: {  	v3 =	vmul.u32 $0xC0, v3  }
0xb9: {  	v2 =	vand.u32 $0x7, v2  }
0xba: {  	v2 =	vor.u32 v2, v3  }
0xbb: {  	v2 =	vperm.xlane v2, v0;
	_ =	sdelay $0x1  }
0xbc: {  	v2 =	vadd.s32 v1, v2;
	_ =	sdelay $0x4  }
0xbd: {  	[tilespmem:s24], [sflag:$0x1] =	stream.indirect_vreg.gather [hbm4b:s2+s3], $0x80, v2, vm0, $0xb8;
	[tilespmem:$0x18100] =	vst v63  }
0xbe: {  	s29 =	simm.s32 $0x900  }
0xbf: {  	[tilespmem:s29], [sflag:$0x1] =	stream.indirect_vreg.gather [hbm4b:s5+s3], $0x80, v2, vm0, $0xb8;
	[tilespmem:$0x18100] =	vst v63  }
0xc0: {  	s30 =	simm.s32 $0x1100  }
0xc1: {  	[tilespmem:s30], [sflag:$0x1] =	stream.indirect_vreg.gather [hbm4b:s6+s3], $0x80, v2, vm0, $0xb8;
	[tilespmem:$0x18100] =	vst v63  }
0xc2: {  	s28 =	simm.s32 $0x1900  }
0xc3: {  	[tilespmem:s28], [sflag:$0x1] =	stream.indirect_vreg.gather [hbm4b:s7+s3], $0x80, v2, vm0, $0xb8;
	[tilespmem:$0x18100] =	vst v63  }
0xc4: {  	s4 =	simm.s32 $0x2100  }
0xc5: {  	[tilespmem:s4], [sflag:$0x1] =	stream.indirect_vreg.gather [hbm4b:s8+s3], $0x80, v2, vm0, $0xb8;
	[tilespmem:$0x18100] =	vst v63  }
0xc6: {  	s16 =	simm.s32 $0x2900  }
0xc7: {  	[tilespmem:s16], [sflag:$0x1] =	stream.indirect_vreg.gather [hbm4b:s9+s3], $0x80, v2, vm0, $0xb8;
	[tilespmem:$0x18100] =	vst v63  }
0xc8: {  	s17 =	simm.s32 $0x3100  }
0xc9: {  	[tilespmem:s17], [sflag:$0x1] =	stream.indirect_vreg.gather [hbm4b:s10+s3], $0x80, v2, vm0, $0xb8;
	[tilespmem:$0x18100] =	vst v63  }
0xca: {  	s18 =	simm.s32 $0x3900  }
0xcb: {  	[tilespmem:s18], [sflag:$0x1] =	stream.indirect_vreg.gather [hbm4b:s11+s3], $0x80, v2, vm0, $0xb8;
	[tilespmem:$0x18100] =	vst v63  }
0xcc: {  	s19 =	simm.s32 $0x4100  }
0xcd: {  	[tilespmem:s19], [sflag:$0x1] =	stream.indirect_vreg.gather [hbm4b:s12+s3], $0x80, v2, vm0, $0xb8;
	[tilespmem:$0x18100] =	vst v63  }
0xce: {  	s20 =	simm.s32 $0x4900  }
0xcf: {  	[tilespmem:s20], [sflag:$0x1] =	stream.indirect_vreg.gather [hbm4b:s13+s3], $0x80, v2, vm0, $0xb8;
	[tilespmem:$0x18100] =	vst v63  }
0xd0: {  	s21 =	simm.s32 $0x5100  }
0xd1: {  	[tilespmem:s21], [sflag:$0x1] =	stream.indirect_vreg.gather [hbm4b:s14+s3], $0x80, v2, vm0, $0xb8;
	[tilespmem:$0x18100] =	vst v63  }
0xd2: {  	s1 =	simm.s32 $0x5900  }
0xd3: {  	[tilespmem:s1], [sflag:$0x1] =	stream.indirect_vreg.gather [hbm4b:s15+s3], $0x80, v2, vm0, $0xb8;
	[tilespmem:$0x18100] =	vst v63  }
0xd4: {  	_ =	swait.ge [sflag:s23], $0x6000  }
0xd5: {  	[sflag:s23] =	ssyncset.done $0x0  }
0xd6: {  	s28 =	simm.s32 $0xC100;
	s24 =	rddreg [dreg:$0x5];
	[sflag:s23] =	ssyncadd.s32 $0xFFFFA000  }
0xd7: {  	[hbm4b:s24+s3] =	stream.linear.scatter [tilespmem:s28], [sflag:$0x2], $0x6000, $0x38;
	[tilespmem:$0x18100] =	vst v63  }
0xd8: {  	_ =	swait.ge [sflag:s22], $0x6000  }
0xd9: {  	[sflag:s22] =	ssyncset.done $0x0  }
0xda: {  	[sflag:s22] =	ssyncadd.s32 $0xFFFFA000  }
0xdb: {  	v2 =	vld.msk [tilespmem:$0x28], $0xff;
	_ =	sdelay $0x4  }
0xdc: {  	v3 =	vshrl.u32 v2, $0x3  }
0xdd: {  	v3 =	vmul.u32 $0xC0, v3  }
0xde: {  	v2 =	vand.u32 $0x7, v2  }
0xdf: {  	v2 =	vor.u32 v2, v3  }
0xe0: {  	v2 =	vperm.xlane v2, v0;
	_ =	sdelay $0x1  }
0xe1: {  	v2 =	vadd.s32 v1, v2;
	_ =	sdelay $0x4  }
0xe2: {  	[tilespmem:s0], [sflag:$0x1] =	stream.indirect_vreg.gather [hbm4b:s2+s3], $0x80, v2, vm0, $0xb8;
	[tilespmem:$0x18100] =	vst v63  }
0xe3: {  	s31 =	simm.s32 $0x6900  }
0xe4: {  	[tilespmem:s31], [sflag:$0x1] =	stream.indirect_vreg.gather [hbm4b:s5+s3], $0x80, v2, vm0, $0xb8;
	[tilespmem:$0x18100] =	vst v63  }
0xe5: {  	s31 =	simm.s32 $0x7100  }
0xe6: {  	[tilespmem:s31], [sflag:$0x1] =	stream.indirect_vreg.gather [hbm4b:s6+s3], $0x80, v2, vm0, $0xb8;
	[tilespmem:$0x18100] =	vst v63  }
0xe7: {  	s4 =	simm.s32 $0x7900  }
0xe8: {  	[tilespmem:s4], [sflag:$0x1] =	stream.indirect_vreg.gather [hbm4b:s7+s3], $0x80, v2, vm0, $0xb8;
	[tilespmem:$0x18100] =	vst v63  }
0xe9: {  	s16 =	simm.s32 $0x8100  }
0xea: {  	[tilespmem:s16], [sflag:$0x1] =	stream.indirect_vreg.gather [hbm4b:s8+s3], $0x80, v2, vm0, $0xb8;
	[tilespmem:$0x18100] =	vst v63  }
0xeb: {  	s17 =	simm.s32 $0x8900  }
0xec: {  	[tilespmem:s17], [sflag:$0x1] =	stream.indirect_vreg.gather [hbm4b:s9+s3], $0x80, v2, vm0, $0xb8;
	[tilespmem:$0x18100] =	vst v63  }
0xed: {  	s18 =	simm.s32 $0x9100  }
0xee: {  	[tilespmem:s18], [sflag:$0x1] =	stream.indirect_vreg.gather [hbm4b:s10+s3], $0x80, v2, vm0, $0xb8;
	[tilespmem:$0x18100] =	vst v63  }
0xef: {  	s19 =	simm.s32 $0x9900  }
0xf0: {  	[tilespmem:s19], [sflag:$0x1] =	stream.indirect_vreg.gather [hbm4b:s11+s3], $0x80, v2, vm0, $0xb8;
	[tilespmem:$0x18100] =	vst v63  }
0xf1: {  	s20 =	simm.s32 $0xA100  }
0xf2: {  	[tilespmem:s20], [sflag:$0x1] =	stream.indirect_vreg.gather [hbm4b:s12+s3], $0x80, v2, vm0, $0xb8;
	[tilespmem:$0x18100] =	vst v63  }
0xf3: {  	s21 =	simm.s32 $0xA900  }
0xf4: {  	[tilespmem:s21], [sflag:$0x1] =	stream.indirect_vreg.gather [hbm4b:s13+s3], $0x80, v2, vm0, $0xb8;
	[tilespmem:$0x18100] =	vst v63  }
0xf5: {  	s29 =	simm.s32 $0xB100  }
0xf6: {  	[tilespmem:s29], [sflag:$0x1] =	stream.indirect_vreg.gather [hbm4b:s14+s3], $0x80, v2, vm0, $0xb8;
	[tilespmem:$0x18100] =	vst v63  }
0xf7: {  	s30 =	simm.s32 $0xB900  }
0xf8: {  	[tilespmem:s30], [sflag:$0x1] =	stream.indirect_vreg.gather [hbm4b:s15+s3], $0x80, v2, vm0, $0xb8;
	[tilespmem:$0x18100] =	vst v63  }
0xf9: {  	_ =	swait.ge [sflag:s23], $0x6000  }
0xfa: {  	[sflag:s23] =	ssyncset.done $0x0  }
0xfb: {  	s26 =	simm.s32 $0x12100;
	s24 =	rddreg [dreg:$0x6];
	[sflag:s23] =	ssyncadd.s32 $0xFFFFA000  }
0xfc: {  	[hbm4b:s24+s3] =	stream.linear.scatter [tilespmem:s26], [sflag:$0x2], $0x6000, $0x38;
	[tilespmem:$0x18100] =	vst v63  }
0xfd: {  	_ =	swait.ge [sflag:s22], $0x6000  }
0xfe: {  	[sflag:s22] =	ssyncset.done $0x0  }
0xff: {  	[sflag:s22] =	ssyncadd.s32 $0xFFFFA000  }
0x100: {  	v2 =	vld.msk [tilespmem:$0x30], $0xff;
	_ =	sdelay $0x4  }
0x101: {  	v3 =	vshrl.u32 v2, $0x3  }
0x102: {  	v3 =	vmul.u32 $0xC0, v3  }
0x103: {  	v2 =	vand.u32 $0x7, v2  }
0x104: {  	v2 =	vor.u32 v2, v3  }
0x105: {  	v2 =	vperm.xlane v2, v0;
	_ =	sdelay $0x1  }
0x106: {  	v2 =	vadd.s32 v1, v2;
	_ =	sdelay $0x4  }
0x107: {  	[tilespmem:s28], [sflag:$0x1] =	stream.indirect_vreg.gather [hbm4b:s2+s3], $0x80, v2, vm0, $0xb8;
	[tilespmem:$0x18100] =	vst v63  }
0x108: {  	s24 =	simm.s32 $0xC900  }
0x109: {  	[tilespmem:s24], [sflag:$0x1] =	stream.indirect_vreg.gather [hbm4b:s5+s3], $0x80, v2, vm0, $0xb8;
	[tilespmem:$0x18100] =	vst v63  }
0x10a: {  	s26 =	simm.s32 $0xD100  }
0x10b: {  	[tilespmem:s26], [sflag:$0x1] =	stream.indirect_vreg.gather [hbm4b:s6+s3], $0x80, v2, vm0, $0xb8;
	[tilespmem:$0x18100] =	vst v63  }
0x10c: {  	s4 =	simm.s32 $0xD900  }
0x10d: {  	[tilespmem:s4], [sflag:$0x1] =	stream.indirect_vreg.gather [hbm4b:s7+s3], $0x80, v2, vm0, $0xb8;
	[tilespmem:$0x18100] =	vst v63  }
0x10e: {  	s16 =	simm.s32 $0xE100  }
0x10f: {  	[tilespmem:s16], [sflag:$0x1] =	stream.indirect_vreg.gather [hbm4b:s8+s3], $0x80, v2, vm0, $0xb8;
	[tilespmem:$0x18100] =	vst v63  }
0x110: {  	s17 =	simm.s32 $0xE900  }
0x111: {  	[tilespmem:s17], [sflag:$0x1] =	stream.indirect_vreg.gather [hbm4b:s9+s3], $0x80, v2, vm0, $0xb8;
	[tilespmem:$0x18100] =	vst v63  }
0x112: {  	s18 =	simm.s32 $0xF100  }
0x113: {  	[tilespmem:s18], [sflag:$0x1] =	stream.indirect_vreg.gather [hbm4b:s10+s3], $0x80, v2, vm0, $0xb8;
	[tilespmem:$0x18100] =	vst v63  }
0x114: {  	s19 =	simm.s32 $0xF900  }
0x115: {  	[tilespmem:s19], [sflag:$0x1] =	stream.indirect_vreg.gather [hbm4b:s11+s3], $0x80, v2, vm0, $0xb8;
	[tilespmem:$0x18100] =	vst v63  }
0x116: {  	s20 =	simm.s32 $0x10100  }
0x117: {  	[tilespmem:s20], [sflag:$0x1] =	stream.indirect_vreg.gather [hbm4b:s12+s3], $0x80, v2, vm0, $0xb8;
	[tilespmem:$0x18100] =	vst v63  }
0x118: {  	s21 =	simm.s32 $0x10900  }
0x119: {  	[tilespmem:s21], [sflag:$0x1] =	stream.indirect_vreg.gather [hbm4b:s13+s3], $0x80, v2, vm0, $0xb8;
	[tilespmem:$0x18100] =	vst v63  }
0x11a: {  	s28 =	simm.s32 $0x11100  }
0x11b: {  	[tilespmem:s28], [sflag:$0x1] =	stream.indirect_vreg.gather [hbm4b:s14+s3], $0x80, v2, vm0, $0xb8;
	[tilespmem:$0x18100] =	vst v63  }
0x11c: {  	s25 =	simm.s32 $0x11900  }
0x11d: {  	[tilespmem:s25], [sflag:$0x1] =	stream.indirect_vreg.gather [hbm4b:s15+s3], $0x80, v2, vm0, $0xb8;
	[tilespmem:$0x18100] =	vst v63  }
0x11e: {  	_ =	swait.ge [sflag:s23], $0x6000  }
0x11f: {  	[sflag:s23] =	ssyncset.done $0x0  }
0x120: {  	s1 =	simm.s32 $0x100;
	s25 =	rddreg [dreg:$0x7];
	[sflag:s23] =	ssyncadd.s32 $0xFFFFA000  }
0x121: {  	[hbm4b:s25+s3] =	stream.linear.scatter [tilespmem:s1], [sflag:$0x2], $0x6000, $0x38;
	[tilespmem:$0x18100] =	vst v63  }
0x122: {  	_ =	swait.ge [sflag:s22], $0x6000  }
0x123: {  	[sflag:s22] =	ssyncset.done $0x0  }
0x124: {  	[sflag:s22] =	ssyncadd.s32 $0xFFFFA000  }
0x125: {  	v2 =	vld.msk [tilespmem:$0x38], $0xff;
	_ =	sdelay $0x4  }
0x126: {  	v3 =	vshrl.u32 v2, $0x3  }
0x127: {  	v3 =	vmul.u32 $0xC0, v3  }
0x128: {  	v2 =	vand.u32 $0x7, v2  }
0x129: {  	v2 =	vor.u32 v2, v3  }
0x12a: {  	v2 =	vperm.xlane v2, v0;
	_ =	sdelay $0x1  }
0x12b: {  	v2 =	vadd.s32 v1, v2;
	_ =	sdelay $0x3  }
0x12c: {  	s0 =	simm.s32 $0x12100  }
0x12d: {  	[tilespmem:s0], [sflag:$0x1] =	stream.indirect_vreg.gather [hbm4b:s2+s3], $0x80, v2, vm0, $0xb8;
	[tilespmem:$0x18100] =	vst v63  }
0x12e: {  	s25 =	simm.s32 $0x12900  }
0x12f: {  	[tilespmem:s25], [sflag:$0x1] =	stream.indirect_vreg.gather [hbm4b:s5+s3], $0x80, v2, vm0, $0xb8;
	[tilespmem:$0x18100] =	vst v63  }
0x130: {  	s25 =	simm.s32 $0x13100  }
0x131: {  	[tilespmem:s25], [sflag:$0x1] =	stream.indirect_vreg.gather [hbm4b:s6+s3], $0x80, v2, vm0, $0xb8;
	[tilespmem:$0x18100] =	vst v63  }
0x132: {  	s25 =	simm.s32 $0x13900  }
0x133: {  	[tilespmem:s25], [sflag:$0x1] =	stream.indirect_vreg.gather [hbm4b:s7+s3], $0x80, v2, vm0, $0xb8;
	[tilespmem:$0x18100] =	vst v63  }
0x134: {  	s25 =	simm.s32 $0x14100  }
0x135: {  	[tilespmem:s25], [sflag:$0x1] =	stream.indirect_vreg.gather [hbm4b:s8+s3], $0x80, v2, vm0, $0xb8;
	[tilespmem:$0x18100] =	vst v63  }
0x136: {  	s25 =	simm.s32 $0x14900  }
0x137: {  	[tilespmem:s25], [sflag:$0x1] =	stream.indirect_vreg.gather [hbm4b:s9+s3], $0x80, v2, vm0, $0xb8;
	[tilespmem:$0x18100] =	vst v63  }
0x138: {  	s25 =	simm.s32 $0x15100  }
0x139: {  	[tilespmem:s25], [sflag:$0x1] =	stream.indirect_vreg.gather [hbm4b:s10+s3], $0x80, v2, vm0, $0xb8;
	[tilespmem:$0x18100] =	vst v63  }
0x13a: {  	s25 =	simm.s32 $0x15900  }
0x13b: {  	[tilespmem:s25], [sflag:$0x1] =	stream.indirect_vreg.gather [hbm4b:s11+s3], $0x80, v2, vm0, $0xb8;
	[tilespmem:$0x18100] =	vst v63  }
0x13c: {  	s25 =	simm.s32 $0x16100  }
0x13d: {  	[tilespmem:s25], [sflag:$0x1] =	stream.indirect_vreg.gather [hbm4b:s12+s3], $0x80, v2, vm0, $0xb8;
	[tilespmem:$0x18100] =	vst v63  }
0x13e: {  	s25 =	simm.s32 $0x16900  }
0x13f: {  	[tilespmem:s25], [sflag:$0x1] =	stream.indirect_vreg.gather [hbm4b:s13+s3], $0x80, v2, vm0, $0xb8;
	[tilespmem:$0x18100] =	vst v63  }
0x140: {  	s25 =	simm.s32 $0x17100  }
0x141: {  	[tilespmem:s25], [sflag:$0x1] =	stream.indirect_vreg.gather [hbm4b:s14+s3], $0x80, v2, vm0, $0xb8;
	[tilespmem:$0x18100] =	vst v63  }
0x142: {  	s25 =	simm.s32 $0x17900  }
0x143: {  	[tilespmem:s25], [sflag:$0x1] =	stream.indirect_vreg.gather [hbm4b:s15+s3], $0x80, v2, vm0, $0xb8;
	[tilespmem:$0x18100] =	vst v63  }
0x144: {  	_ =	swait.ge [sflag:s23], $0x6000  }
0x145: {  	[sflag:s23] =	ssyncset.done $0x0  }
0x146: {  	s0 =	simm.s32 $0x6100;
	s25 =	rddreg [dreg:$0x8];
	[sflag:s23] =	ssyncadd.s32 $0xFFFFA000  }
0x147: {  	[hbm4b:s25+s3] =	stream.linear.scatter [tilespmem:s0], [sflag:$0x2], $0x6000, $0x38;
	[tilespmem:$0x18100] =	vst v63  }
0x148: {  	_ =	swait.ge [sflag:s22], $0x6000  }
0x149: {  	[sflag:s22] =	ssyncset.done $0x0  }
0x14a: {  	[sflag:s22] =	ssyncadd.s32 $0xFFFFA000  }
0x14b: {  	v2 =	vld.msk [tilespmem:$0x40], $0xff;
	_ =	sdelay $0x4  }
0x14c: {  	v3 =	vshrl.u32 v2, $0x3  }
0x14d: {  	v3 =	vmul.u32 $0xC0, v3  }
0x14e: {  	v2 =	vand.u32 $0x7, v2  }
0x14f: {  	v2 =	vor.u32 v2, v3  }
0x150: {  	v2 =	vperm.xlane v2, v0;
	_ =	sdelay $0x1  }
0x151: {  	v2 =	vadd.s32 v1, v2;
	_ =	sdelay $0x4  }
0x152: {  	[tilespmem:s1], [sflag:$0x1] =	stream.indirect_vreg.gather [hbm4b:s2+s3], $0x80, v2, vm0, $0xb8;
	[tilespmem:$0x18100] =	vst v63  }
0x153: {  	s25 =	simm.s32 $0x900  }
0x154: {  	[tilespmem:s25], [sflag:$0x1] =	stream.indirect_vreg.gather [hbm4b:s5+s3], $0x80, v2, vm0, $0xb8;
	[tilespmem:$0x18100] =	vst v63  }
0x155: {  	s25 =	simm.s32 $0x1100  }
0x156: {  	[tilespmem:s25], [sflag:$0x1] =	stream.indirect_vreg.gather [hbm4b:s6+s3], $0x80, v2, vm0, $0xb8;
	[tilespmem:$0x18100] =	vst v63  }
0x157: {  	s25 =	simm.s32 $0x1900  }
0x158: {  	[tilespmem:s25], [sflag:$0x1] =	stream.indirect_vreg.gather [hbm4b:s7+s3], $0x80, v2, vm0, $0xb8;
	[tilespmem:$0x18100] =	vst v63  }
0x159: {  	s25 =	simm.s32 $0x2100  }
0x15a: {  	[tilespmem:s25], [sflag:$0x1] =	stream.indirect_vreg.gather [hbm4b:s8+s3], $0x80, v2, vm0, $0xb8;
	[tilespmem:$0x18100] =	vst v63  }
0x15b: {  	s25 =	simm.s32 $0x2900  }
0x15c: {  	[tilespmem:s25], [sflag:$0x1] =	stream.indirect_vreg.gather [hbm4b:s9+s3], $0x80, v2, vm0, $0xb8;
	[tilespmem:$0x18100] =	vst v63  }
0x15d: {  	s25 =	simm.s32 $0x3100  }
0x15e: {  	[tilespmem:s25], [sflag:$0x1] =	stream.indirect_vreg.gather [hbm4b:s10+s3], $0x80, v2, vm0, $0xb8;
	[tilespmem:$0x18100] =	vst v63  }
0x15f: {  	s25 =	simm.s32 $0x3900  }
0x160: {  	[tilespmem:s25], [sflag:$0x1] =	stream.indirect_vreg.gather [hbm4b:s11+s3], $0x80, v2, vm0, $0xb8;
	[tilespmem:$0x18100] =	vst v63  }
0x161: {  	s25 =	simm.s32 $0x4100  }
0x162: {  	[tilespmem:s25], [sflag:$0x1] =	stream.indirect_vreg.gather [hbm4b:s12+s3], $0x80, v2, vm0, $0xb8;
	[tilespmem:$0x18100] =	vst v63  }
0x163: {  	s25 =	simm.s32 $0x4900  }
0x164: {  	[tilespmem:s25], [sflag:$0x1] =	stream.indirect_vreg.gather [hbm4b:s13+s3], $0x80, v2, vm0, $0xb8;
	[tilespmem:$0x18100] =	vst v63  }
0x165: {  	s25 =	simm.s32 $0x5100  }
0x166: {  	[tilespmem:s25], [sflag:$0x1] =	stream.indirect_vreg.gather [hbm4b:s14+s3], $0x80, v2, vm0, $0xb8;
	[tilespmem:$0x18100] =	vst v63  }
0x167: {  	s25 =	simm.s32 $0x5900  }
0x168: {  	[tilespmem:s25], [sflag:$0x1] =	stream.indirect_vreg.gather [hbm4b:s15+s3], $0x80, v2, vm0, $0xb8;
	[tilespmem:$0x18100] =	vst v63  }
0x169: {  	_ =	swait.ge [sflag:s23], $0x6000  }
0x16a: {  	[sflag:s23] =	ssyncset.done $0x0  }
0x16b: {  	s1 =	simm.s32 $0xC100;
	s25 =	rddreg [dreg:$0x9];
	[sflag:s23] =	ssyncadd.s32 $0xFFFFA000  }
0x16c: {  	[hbm4b:s25+s3] =	stream.linear.scatter [tilespmem:s1], [sflag:$0x2], $0x6000, $0x38;
	[tilespmem:$0x18100] =	vst v63  }
0x16d: {  	_ =	swait.ge [sflag:s22], $0x6000  }
0x16e: {  	[sflag:s22] =	ssyncset.done $0x0  }
0x16f: {  	[sflag:s22] =	ssyncadd.s32 $0xFFFFA000  }
0x170: {  	v2 =	vld.msk [tilespmem:$0x48], $0xff;
	_ =	sdelay $0x4  }
0x171: {  	v3 =	vshrl.u32 v2, $0x3  }
0x172: {  	v3 =	vmul.u32 $0xC0, v3  }
0x173: {  	v2 =	vand.u32 $0x7, v2  }
0x174: {  	v2 =	vor.u32 v2, v3  }
0x175: {  	v2 =	vperm.xlane v2, v0;
	_ =	sdelay $0x1  }
0x176: {  	v2 =	vadd.s32 v1, v2;
	_ =	sdelay $0x4  }
0x177: {  	[tilespmem:s0], [sflag:$0x1] =	stream.indirect_vreg.gather [hbm4b:s2+s3], $0x80, v2, vm0, $0xb8;
	[tilespmem:$0x18100] =	vst v63  }
0x178: {  	s25 =	simm.s32 $0x6900  }
0x179: {  	[tilespmem:s25], [sflag:$0x1] =	stream.indirect_vreg.gather [hbm4b:s5+s3], $0x80, v2, vm0, $0xb8;
	[tilespmem:$0x18100] =	vst v63  }
0x17a: {  	s25 =	simm.s32 $0x7100  }
0x17b: {  	[tilespmem:s25], [sflag:$0x1] =	stream.indirect_vreg.gather [hbm4b:s6+s3], $0x80, v2, vm0, $0xb8;
	[tilespmem:$0x18100] =	vst v63  }
0x17c: {  	s31 =	simm.s32 $0x7900  }
0x17d: {  	[tilespmem:s31], [sflag:$0x1] =	stream.indirect_vreg.gather [hbm4b:s7+s3], $0x80, v2, vm0, $0xb8;
	[tilespmem:$0x18100] =	vst v63  }
0x17e: {  	s31 =	simm.s32 $0x8100  }
0x17f: {  	[tilespmem:s31], [sflag:$0x1] =	stream.indirect_vreg.gather [hbm4b:s8+s3], $0x80, v2, vm0, $0xb8;
	[tilespmem:$0x18100] =	vst v63  }
0x180: {  	s25 =	simm.s32 $0x8900  }
0x181: {  	[tilespmem:s25], [sflag:$0x1] =	stream.indirect_vreg.gather [hbm4b:s9+s3], $0x80, v2, vm0, $0xb8;
	[tilespmem:$0x18100] =	vst v63  }
0x182: {  	s31 =	simm.s32 $0x9100  }
0x183: {  	[tilespmem:s31], [sflag:$0x1] =	stream.indirect_vreg.gather [hbm4b:s10+s3], $0x80, v2, vm0, $0xb8;
	[tilespmem:$0x18100] =	vst v63  }
0x184: {  	s25 =	simm.s32 $0x9900  }
0x185: {  	[tilespmem:s25], [sflag:$0x1] =	stream.indirect_vreg.gather [hbm4b:s11+s3], $0x80, v2, vm0, $0xb8;
	[tilespmem:$0x18100] =	vst v63  }
0x186: {  	s31 =	simm.s32 $0xA100  }
0x187: {  	[tilespmem:s31], [sflag:$0x1] =	stream.indirect_vreg.gather [hbm4b:s12+s3], $0x80, v2, vm0, $0xb8;
	[tilespmem:$0x18100] =	vst v63  }
0x188: {  	s25 =	simm.s32 $0xA900  }
0x189: {  	[tilespmem:s25], [sflag:$0x1] =	stream.indirect_vreg.gather [hbm4b:s13+s3], $0x80, v2, vm0, $0xb8;
	[tilespmem:$0x18100] =	vst v63  }
0x18a: {  	_ = 	snop  }
0x18b: {  	[tilespmem:s29], [sflag:$0x1] =	stream.indirect_vreg.gather [hbm4b:s14+s3], $0x80, v2, vm0, $0xb8;
	[tilespmem:$0x18100] =	vst v63  }
0x18c: {  	_ = 	snop  }
0x18d: {  	[tilespmem:s30], [sflag:$0x1] =	stream.indirect_vreg.gather [hbm4b:s15+s3], $0x80, v2, vm0, $0xb8;
	[tilespmem:$0x18100] =	vst v63  }
0x18e: {  	_ =	swait.ge [sflag:s23], $0x6000  }
0x18f: {  	[sflag:s23] =	ssyncset.done $0x0  }
0x190: {  	s29 =	simm.s32 $0x12100;
	s31 =	rddreg [dreg:$0xa];
	[sflag:s23] =	ssyncadd.s32 $0xFFFFA000  }
0x191: {  	[hbm4b:s31+s3] =	stream.linear.scatter [tilespmem:s29], [sflag:$0x2], $0x6000, $0x38;
	[tilespmem:$0x18100] =	vst v63  }
0x192: {  	_ =	swait.ge [sflag:s22], $0x6000  }
0x193: {  	[sflag:s22] =	ssyncset.done $0x0  }
0x194: {  	[sflag:s22] =	ssyncadd.s32 $0xFFFFA000  }
0x195: {  	v2 =	vld.msk [tilespmem:$0x50], $0xff;
	_ =	sdelay $0x4  }
0x196: {  	v3 =	vshrl.u32 v2, $0x3  }
0x197: {  	v3 =	vmul.u32 $0xC0, v3  }
0x198: {  	v2 =	vand.u32 $0x7, v2  }
0x199: {  	v2 =	vor.u32 v2, v3  }
0x19a: {  	v2 =	vperm.xlane v2, v0;
	_ =	sdelay $0x1  }
0x19b: {  	v2 =	vadd.s32 v1, v2;
	_ =	sdelay $0x4  }
0x19c: {  	[tilespmem:s1], [sflag:$0x1] =	stream.indirect_vreg.gather [hbm4b:s2+s3], $0x80, v2, vm0, $0xb8;
	[tilespmem:$0x18100] =	vst v63  }
0x19d: {  	_ = 	snop  }
0x19e: {  	[tilespmem:s24], [sflag:$0x1] =	stream.indirect_vreg.gather [hbm4b:s5+s3], $0x80, v2, vm0, $0xb8;
	[tilespmem:$0x18100] =	vst v63  }
0x19f: {  	_ = 	snop  }
0x1a0: {  	[tilespmem:s26], [sflag:$0x1] =	stream.indirect_vreg.gather [hbm4b:s6+s3], $0x80, v2, vm0, $0xb8;
	[tilespmem:$0x18100] =	vst v63  }
0x1a1: {  	_ = 	snop  }
0x1a2: {  	[tilespmem:s4], [sflag:$0x1] =	stream.indirect_vreg.gather [hbm4b:s7+s3], $0x80, v2, vm0, $0xb8;
	[tilespmem:$0x18100] =	vst v63  }
0x1a3: {  	_ = 	snop  }
0x1a4: {  	[tilespmem:s16], [sflag:$0x1] =	stream.indirect_vreg.gather [hbm4b:s8+s3], $0x80, v2, vm0, $0xb8;
	[tilespmem:$0x18100] =	vst v63  }
0x1a5: {  	_ = 	snop  }
0x1a6: {  	[tilespmem:s17], [sflag:$0x1] =	stream.indirect_vreg.gather [hbm4b:s9+s3], $0x80, v2, vm0, $0xb8;
	[tilespmem:$0x18100] =	vst v63  }
0x1a7: {  	_ = 	snop  }
0x1a8: {  	[tilespmem:s18], [sflag:$0x1] =	stream.indirect_vreg.gather [hbm4b:s10+s3], $0x80, v2, vm0, $0xb8;
	[tilespmem:$0x18100] =	vst v63  }
0x1a9: {  	_ = 	snop  }
0x1aa: {  	[tilespmem:s19], [sflag:$0x1] =	stream.indirect_vreg.gather [hbm4b:s11+s3], $0x80, v2, vm0, $0xb8;
	[tilespmem:$0x18100] =	vst v63  }
0x1ab: {  	_ = 	snop  }
0x1ac: {  	[tilespmem:s20], [sflag:$0x1] =	stream.indirect_vreg.gather [hbm4b:s12+s3], $0x80, v2, vm0, $0xb8;
	[tilespmem:$0x18100] =	vst v63  }
0x1ad: {  	_ = 	snop  }
0x1ae: {  	[tilespmem:s21], [sflag:$0x1] =	stream.indirect_vreg.gather [hbm4b:s13+s3], $0x80, v2, vm0, $0xb8;
	[tilespmem:$0x18100] =	vst v63  }
0x1af: {  	_ = 	snop  }
0x1b0: {  	[tilespmem:s28], [sflag:$0x1] =	stream.indirect_vreg.gather [hbm4b:s14+s3], $0x80, v2, vm0, $0xb8;
	[tilespmem:$0x18100] =	vst v63  }
0x1b1: {  	s16 =	simm.s32 $0x11900  }
0x1b2: {  	[tilespmem:s16], [sflag:$0x1] =	stream.indirect_vreg.gather [hbm4b:s15+s3], $0x80, v2, vm0, $0xb8;
	[tilespmem:$0x18100] =	vst v63  }
0x1b3: {  	_ =	swait.ge [sflag:s23], $0x6000  }
0x1b4: {  	[sflag:s23] =	ssyncset.done $0x0  }
0x1b5: {  	s30 =	simm.s32 $0x100;
	s20 =	rddreg [dreg:$0xb];
	[sflag:s23] =	ssyncadd.s32 $0xFFFFA000  }
0x1b6: {  	[hbm4b:s20+s3] =	stream.linear.scatter [tilespmem:s30], [sflag:$0x2], $0x6000, $0x38;
	[tilespmem:$0x18100] =	vst v63  }
0x1b7: {  	_ =	swait.ge [sflag:s22], $0x6000  }
0x1b8: {  	[sflag:s22] =	ssyncset.done $0x0  }
0x1b9: {  	[sflag:s22] =	ssyncadd.s32 $0xFFFFA000  }
0x1ba: {  	v2 =	vld.msk [tilespmem:$0x58], $0xff;
	_ =	sdelay $0x4  }
0x1bb: {  	v3 =	vshrl.u32 v2, $0x3  }
0x1bc: {  	v3 =	vmul.u32 $0xC0, v3  }
0x1bd: {  	v2 =	vand.u32 $0x7, v2  }
0x1be: {  	v2 =	vor.u32 v2, v3  }
0x1bf: {  	v2 =	vperm.xlane v2, v0;
	_ =	sdelay $0x1  }
0x1c0: {  	v2 =	vadd.s32 v1, v2;
	_ =	sdelay $0x4  }
0x1c1: {  	[tilespmem:s29], [sflag:$0x1] =	stream.indirect_vreg.gather [hbm4b:s2+s3], $0x80, v2, vm0, $0xb8;
	[tilespmem:$0x18100] =	vst v63  }
0x1c2: {  	s24 =	simm.s32 $0x12900  }
0x1c3: {  	[tilespmem:s24], [sflag:$0x1] =	stream.indirect_vreg.gather [hbm4b:s5+s3], $0x80, v2, vm0, $0xb8;
	[tilespmem:$0x18100] =	vst v63  }
0x1c4: {  	s26 =	simm.s32 $0x13100  }
0x1c5: {  	[tilespmem:s26], [sflag:$0x1] =	stream.indirect_vreg.gather [hbm4b:s6+s3], $0x80, v2, vm0, $0xb8;
	[tilespmem:$0x18100] =	vst v63  }
0x1c6: {  	s28 =	simm.s32 $0x13900  }
0x1c7: {  	[tilespmem:s28], [sflag:$0x1] =	stream.indirect_vreg.gather [hbm4b:s7+s3], $0x80, v2, vm0, $0xb8;
	[tilespmem:$0x18100] =	vst v63  }
0x1c8: {  	s21 =	simm.s32 $0x14100  }
0x1c9: {  	[tilespmem:s21], [sflag:$0x1] =	stream.indirect_vreg.gather [hbm4b:s8+s3], $0x80, v2, vm0, $0xb8;
	[tilespmem:$0x18100] =	vst v63  }
0x1ca: {  	s25 =	simm.s32 $0x14900  }
0x1cb: {  	[tilespmem:s25], [sflag:$0x1] =	stream.indirect_vreg.gather [hbm4b:s9+s3], $0x80, v2, vm0, $0xb8;
	[tilespmem:$0x18100] =	vst v63  }
0x1cc: {  	s29 =	simm.s32 $0x15100  }
0x1cd: {  	[tilespmem:s29], [sflag:$0x1] =	stream.indirect_vreg.gather [hbm4b:s10+s3], $0x80, v2, vm0, $0xb8;
	[tilespmem:$0x18100] =	vst v63  }
0x1ce: {  	s17 =	simm.s32 $0x15900  }
0x1cf: {  	[tilespmem:s17], [sflag:$0x1] =	stream.indirect_vreg.gather [hbm4b:s11+s3], $0x80, v2, vm0, $0xb8;
	[tilespmem:$0x18100] =	vst v63  }
0x1d0: {  	s18 =	simm.s32 $0x16100  }
0x1d1: {  	[tilespmem:s18], [sflag:$0x1] =	stream.indirect_vreg.gather [hbm4b:s12+s3], $0x80, v2, vm0, $0xb8;
	[tilespmem:$0x18100] =	vst v63  }
0x1d2: {  	s19 =	simm.s32 $0x16900  }
0x1d3: {  	[tilespmem:s19], [sflag:$0x1] =	stream.indirect_vreg.gather [hbm4b:s13+s3], $0x80, v2, vm0, $0xb8;
	[tilespmem:$0x18100] =	vst v63  }
0x1d4: {  	s20 =	simm.s32 $0x17100  }
0x1d5: {  	[tilespmem:s20], [sflag:$0x1] =	stream.indirect_vreg.gather [hbm4b:s14+s3], $0x80, v2, vm0, $0xb8;
	[tilespmem:$0x18100] =	vst v63  }
0x1d6: {  	s21 =	simm.s32 $0x17900  }
0x1d7: {  	[tilespmem:s21], [sflag:$0x1] =	stream.indirect_vreg.gather [hbm4b:s15+s3], $0x80, v2, vm0, $0xb8;
	[tilespmem:$0x18100] =	vst v63  }
0x1d8: {  	_ =	swait.ge [sflag:s23], $0x6000  }
0x1d9: {  	[sflag:s23] =	ssyncset.done $0x0  }
0x1da: {  	s29 =	simm.s32 $0x6100;
	s4 =	rddreg [dreg:$0xc];
	[sflag:s23] =	ssyncadd.s32 $0xFFFFA000  }
0x1db: {  	[hbm4b:s4+s3] =	stream.linear.scatter [tilespmem:s29], [sflag:$0x2], $0x6000, $0x38;
	[tilespmem:$0x18100] =	vst v63  }
0x1dc: {  	_ =	swait.ge [sflag:s22], $0x6000  }
0x1dd: {  	[sflag:s22] =	ssyncset.done $0x0  }
0x1de: {  	[sflag:s22] =	ssyncadd.s32 $0xFFFFA000  }
0x1df: {  	v2 =	vld.msk [tilespmem:$0x60], $0xff;
	_ =	sdelay $0x4  }
0x1e0: {  	v3 =	vshrl.u32 v2, $0x3  }
0x1e1: {  	v3 =	vmul.u32 $0xC0, v3  }
0x1e2: {  	v2 =	vand.u32 $0x7, v2  }
0x1e3: {  	v2 =	vor.u32 v2, v3  }
0x1e4: {  	v2 =	vperm.xlane v2, v0;
	_ =	sdelay $0x1  }
0x1e5: {  	v2 =	vadd.s32 v1, v2;
	_ =	sdelay $0x4  }
0x1e6: {  	[tilespmem:s30], [sflag:$0x1] =	stream.indirect_vreg.gather [hbm4b:s2+s3], $0x80, v2, vm0, $0xb8;
	[tilespmem:$0x18100] =	vst v63  }
0x1e7: {  	s25 =	simm.s32 $0x900  }
0x1e8: {  	[tilespmem:s25], [sflag:$0x1] =	stream.indirect_vreg.gather [hbm4b:s5+s3], $0x80, v2, vm0, $0xb8;
	[tilespmem:$0x18100] =	vst v63  }
0x1e9: {  	s30 =	simm.s32 $0x1100  }
0x1ea: {  	[tilespmem:s30], [sflag:$0x1] =	stream.indirect_vreg.gather [hbm4b:s6+s3], $0x80, v2, vm0, $0xb8;
	[tilespmem:$0x18100] =	vst v63  }
0x1eb: {  	s4 =	simm.s32 $0x1900  }
0x1ec: {  	[tilespmem:s4], [sflag:$0x1] =	stream.indirect_vreg.gather [hbm4b:s7+s3], $0x80, v2, vm0, $0xb8;
	[tilespmem:$0x18100] =	vst v63  }
0x1ed: {  	s25 =	simm.s32 $0x2100  }
0x1ee: {  	[tilespmem:s25], [sflag:$0x1] =	stream.indirect_vreg.gather [hbm4b:s8+s3], $0x80, v2, vm0, $0xb8;
	[tilespmem:$0x18100] =	vst v63  }
0x1ef: {  	s30 =	simm.s32 $0x2900  }
0x1f0: {  	[tilespmem:s30], [sflag:$0x1] =	stream.indirect_vreg.gather [hbm4b:s9+s3], $0x80, v2, vm0, $0xb8;
	[tilespmem:$0x18100] =	vst v63  }
0x1f1: {  	s4 =	simm.s32 $0x3100  }
0x1f2: {  	[tilespmem:s4], [sflag:$0x1] =	stream.indirect_vreg.gather [hbm4b:s10+s3], $0x80, v2, vm0, $0xb8;
	[tilespmem:$0x18100] =	vst v63  }
0x1f3: {  	s25 =	simm.s32 $0x3900  }
0x1f4: {  	[tilespmem:s25], [sflag:$0x1] =	stream.indirect_vreg.gather [hbm4b:s11+s3], $0x80, v2, vm0, $0xb8;
	[tilespmem:$0x18100] =	vst v63  }
0x1f5: {  	s30 =	simm.s32 $0x4100  }
0x1f6: {  	[tilespmem:s30], [sflag:$0x1] =	stream.indirect_vreg.gather [hbm4b:s12+s3], $0x80, v2, vm0, $0xb8;
	[tilespmem:$0x18100] =	vst v63  }
0x1f7: {  	s4 =	simm.s32 $0x4900  }
0x1f8: {  	[tilespmem:s4], [sflag:$0x1] =	stream.indirect_vreg.gather [hbm4b:s13+s3], $0x80, v2, vm0, $0xb8;
	[tilespmem:$0x18100] =	vst v63  }
0x1f9: {  	s25 =	simm.s32 $0x5100  }
0x1fa: {  	[tilespmem:s25], [sflag:$0x1] =	stream.indirect_vreg.gather [hbm4b:s14+s3], $0x80, v2, vm0, $0xb8;
	[tilespmem:$0x18100] =	vst v63  }
0x1fb: {  	s30 =	simm.s32 $0x5900  }
0x1fc: {  	[tilespmem:s30], [sflag:$0x1] =	stream.indirect_vreg.gather [hbm4b:s15+s3], $0x80, v2, vm0, $0xb8;
	[tilespmem:$0x18100] =	vst v63  }
0x1fd: {  	_ =	swait.ge [sflag:s23], $0x6000  }
0x1fe: {  	[sflag:s23] =	ssyncset.done $0x0  }
0x1ff: {  	s31 =	simm.s32 $0xC100;
	s4 =	rddreg [dreg:$0xd];
	[sflag:s23] =	ssyncadd.s32 $0xFFFFA000  }
0x200: {  	[hbm4b:s4+s3] =	stream.linear.scatter [tilespmem:s31], [sflag:$0x2], $0x6000, $0x38;
	[tilespmem:$0x18100] =	vst v63  }
0x201: {  	_ =	swait.ge [sflag:s22], $0x6000  }
0x202: {  	[sflag:s22] =	ssyncset.done $0x0  }
0x203: {  	[sflag:s22] =	ssyncadd.s32 $0xFFFFA000  }
0x204: {  	v2 =	vld.msk [tilespmem:$0x68], $0xff;
	_ =	sdelay $0x4  }
0x205: {  	v3 =	vshrl.u32 v2, $0x3  }
0x206: {  	v3 =	vmul.u32 $0xC0, v3  }
0x207: {  	v2 =	vand.u32 $0x7, v2  }
0x208: {  	v2 =	vor.u32 v2, v3  }
0x209: {  	v2 =	vperm.xlane v2, v0;
	_ =	sdelay $0x1  }
0x20a: {  	v2 =	vadd.s32 v1, v2;
	_ =	sdelay $0x4  }
0x20b: {  	[tilespmem:s29], [sflag:$0x1] =	stream.indirect_vreg.gather [hbm4b:s2+s3], $0x80, v2, vm0, $0xb8;
	[tilespmem:$0x18100] =	vst v63  }
0x20c: {  	s29 =	simm.s32 $0x6900  }
0x20d: {  	[tilespmem:s29], [sflag:$0x1] =	stream.indirect_vreg.gather [hbm4b:s5+s3], $0x80, v2, vm0, $0xb8;
	[tilespmem:$0x18100] =	vst v63  }
0x20e: {  	s30 =	simm.s32 $0x7100  }
0x20f: {  	[tilespmem:s30], [sflag:$0x1] =	stream.indirect_vreg.gather [hbm4b:s6+s3], $0x80, v2, vm0, $0xb8;
	[tilespmem:$0x18100] =	vst v63  }
0x210: {  	s31 =	simm.s32 $0x7900  }
0x211: {  	[tilespmem:s31], [sflag:$0x1] =	stream.indirect_vreg.gather [hbm4b:s7+s3], $0x80, v2, vm0, $0xb8;
	[tilespmem:$0x18100] =	vst v63  }
0x212: {  	s25 =	simm.s32 $0x8100  }
0x213: {  	[tilespmem:s25], [sflag:$0x1] =	stream.indirect_vreg.gather [hbm4b:s8+s3], $0x80, v2, vm0, $0xb8;
	[tilespmem:$0x18100] =	vst v63  }
0x214: {  	s25 =	simm.s32 $0x8900  }
0x215: {  	[tilespmem:s25], [sflag:$0x1] =	stream.indirect_vreg.gather [hbm4b:s9+s3], $0x80, v2, vm0, $0xb8;
	[tilespmem:$0x18100] =	vst v63  }
0x216: {  	s25 =	simm.s32 $0x9100  }
0x217: {  	[tilespmem:s25], [sflag:$0x1] =	stream.indirect_vreg.gather [hbm4b:s10+s3], $0x80, v2, vm0, $0xb8;
	[tilespmem:$0x18100] =	vst v63  }
0x218: {  	s25 =	simm.s32 $0x9900  }
0x219: {  	[tilespmem:s25], [sflag:$0x1] =	stream.indirect_vreg.gather [hbm4b:s11+s3], $0x80, v2, vm0, $0xb8;
	[tilespmem:$0x18100] =	vst v63  }
0x21a: {  	s25 =	simm.s32 $0xA100  }
0x21b: {  	[tilespmem:s25], [sflag:$0x1] =	stream.indirect_vreg.gather [hbm4b:s12+s3], $0x80, v2, vm0, $0xb8;
	[tilespmem:$0x18100] =	vst v63  }
0x21c: {  	s25 =	simm.s32 $0xA900  }
0x21d: {  	[tilespmem:s25], [sflag:$0x1] =	stream.indirect_vreg.gather [hbm4b:s13+s3], $0x80, v2, vm0, $0xb8;
	[tilespmem:$0x18100] =	vst v63  }
0x21e: {  	s0 =	simm.s32 $0xB100  }
0x21f: {  	[tilespmem:s0], [sflag:$0x1] =	stream.indirect_vreg.gather [hbm4b:s14+s3], $0x80, v2, vm0, $0xb8;
	[tilespmem:$0x18100] =	vst v63  }
0x220: {  	s4 =	simm.s32 $0xB900  }
0x221: {  	[tilespmem:s4], [sflag:$0x1] =	stream.indirect_vreg.gather [hbm4b:s15+s3], $0x80, v2, vm0, $0xb8;
	[tilespmem:$0x18100] =	vst v63  }
0x222: {  	_ =	swait.ge [sflag:s23], $0x6000  }
0x223: {  	[sflag:s23] =	ssyncset.done $0x0  }
0x224: {  	s0 =	simm.s32 $0x12100;
	s25 =	rddreg [dreg:$0xe];
	[sflag:s23] =	ssyncadd.s32 $0xFFFFA000  }
0x225: {  	[hbm4b:s25+s3] =	stream.linear.scatter [tilespmem:s0], [sflag:$0x2], $0x6000, $0x38;
	[tilespmem:$0x18100] =	vst v63  }
0x226: {  	_ =	swait.ge [sflag:s22], $0x6000  }
0x227: {  	[sflag:s22] =	ssyncset.done $0x0  }
0x228: {  	[sflag:s22] =	ssyncadd.s32 $0xFFFFA000  }
0x229: {  	v2 =	vld.msk [tilespmem:$0x70], $0xff;
	_ =	sdelay $0x4  }
0x22a: {  	v3 =	vshrl.u32 v2, $0x3  }
0x22b: {  	v3 =	vmul.u32 $0xC0, v3  }
0x22c: {  	v2 =	vand.u32 $0x7, v2  }
0x22d: {  	v2 =	vor.u32 v2, v3  }
0x22e: {  	v2 =	vperm.xlane v2, v0;
	_ =	sdelay $0x1  }
0x22f: {  	v2 =	vadd.s32 v1, v2;
	_ =	sdelay $0x3  }
0x230: {  	s1 =	simm.s32 $0xC100  }
0x231: {  	[tilespmem:s1], [sflag:$0x1] =	stream.indirect_vreg.gather [hbm4b:s2+s3], $0x80, v2, vm0, $0xb8;
	[tilespmem:$0x18100] =	vst v63  }
0x232: {  	s25 =	simm.s32 $0xC900  }
0x233: {  	[tilespmem:s25], [sflag:$0x1] =	stream.indirect_vreg.gather [hbm4b:s5+s3], $0x80, v2, vm0, $0xb8;
	[tilespmem:$0x18100] =	vst v63  }
0x234: {  	s25 =	simm.s32 $0xD100  }
0x235: {  	[tilespmem:s25], [sflag:$0x1] =	stream.indirect_vreg.gather [hbm4b:s6+s3], $0x80, v2, vm0, $0xb8;
	[tilespmem:$0x18100] =	vst v63  }
0x236: {  	s25 =	simm.s32 $0xD900  }
0x237: {  	[tilespmem:s25], [sflag:$0x1] =	stream.indirect_vreg.gather [hbm4b:s7+s3], $0x80, v2, vm0, $0xb8;
	[tilespmem:$0x18100] =	vst v63  }
0x238: {  	s25 =	simm.s32 $0xE100  }
0x239: {  	[tilespmem:s25], [sflag:$0x1] =	stream.indirect_vreg.gather [hbm4b:s8+s3], $0x80, v2, vm0, $0xb8;
	[tilespmem:$0x18100] =	vst v63  }
0x23a: {  	s25 =	simm.s32 $0xE900  }
0x23b: {  	[tilespmem:s25], [sflag:$0x1] =	stream.indirect_vreg.gather [hbm4b:s9+s3], $0x80, v2, vm0, $0xb8;
	[tilespmem:$0x18100] =	vst v63  }
0x23c: {  	s25 =	simm.s32 $0xF100  }
0x23d: {  	[tilespmem:s25], [sflag:$0x1] =	stream.indirect_vreg.gather [hbm4b:s10+s3], $0x80, v2, vm0, $0xb8;
	[tilespmem:$0x18100] =	vst v63  }
0x23e: {  	s25 =	simm.s32 $0xF900  }
0x23f: {  	[tilespmem:s25], [sflag:$0x1] =	stream.indirect_vreg.gather [hbm4b:s11+s3], $0x80, v2, vm0, $0xb8;
	[tilespmem:$0x18100] =	vst v63  }
0x240: {  	s25 =	simm.s32 $0x10100  }
0x241: {  	[tilespmem:s25], [sflag:$0x1] =	stream.indirect_vreg.gather [hbm4b:s12+s3], $0x80, v2, vm0, $0xb8;
	[tilespmem:$0x18100] =	vst v63  }
0x242: {  	s25 =	simm.s32 $0x10900  }
0x243: {  	[tilespmem:s25], [sflag:$0x1] =	stream.indirect_vreg.gather [hbm4b:s13+s3], $0x80, v2, vm0, $0xb8;
	[tilespmem:$0x18100] =	vst v63  }
0x244: {  	s25 =	simm.s32 $0x11100  }
0x245: {  	[tilespmem:s25], [sflag:$0x1] =	stream.indirect_vreg.gather [hbm4b:s14+s3], $0x80, v2, vm0, $0xb8;
	[tilespmem:$0x18100] =	vst v63  }
0x246: {  	_ = 	snop  }
0x247: {  	[tilespmem:s16], [sflag:$0x1] =	stream.indirect_vreg.gather [hbm4b:s15+s3], $0x80, v2, vm0, $0xb8;
	[tilespmem:$0x18100] =	vst v63  }
0x248: {  	_ =	swait.ge [sflag:s23], $0x6000  }
0x249: {  	[sflag:s23] =	ssyncset.done $0x0  }
0x24a: {  	s1 =	simm.s32 $0x100;
	s25 =	rddreg [dreg:$0xf];
	[sflag:s23] =	ssyncadd.s32 $0xFFFFA000  }
0x24b: {  	[hbm4b:s25+s3] =	stream.linear.scatter [tilespmem:s1], [sflag:$0x2], $0x6000, $0x38;
	[tilespmem:$0x18100] =	vst v63  }
0x24c: {  	_ =	swait.ge [sflag:s22], $0x6000  }
0x24d: {  	[sflag:s22] =	ssyncset.done $0x0  }
0x24e: {  	[sflag:s22] =	ssyncadd.s32 $0xFFFFA000  }
0x24f: {  	v2 =	vld.msk [tilespmem:$0x78], $0xff;
	_ =	sdelay $0x4  }
0x250: {  	v3 =	vshrl.u32 v2, $0x3  }
0x251: {  	v3 =	vmul.u32 $0xC0, v3  }
0x252: {  	v2 =	vand.u32 $0x7, v2  }
0x253: {  	v2 =	vor.u32 v2, v3  }
0x254: {  	v2 =	vperm.xlane v2, v0;
	_ =	sdelay $0x1  }
0x255: {  	v2 =	vadd.s32 v1, v2;
	_ =	sdelay $0x4  }
0x256: {  	[tilespmem:s0], [sflag:$0x1] =	stream.indirect_vreg.gather [hbm4b:s2+s3], $0x80, v2, vm0, $0xb8;
	[tilespmem:$0x18100] =	vst v63  }
0x257: {  	_ = 	snop  }
0x258: {  	[tilespmem:s24], [sflag:$0x1] =	stream.indirect_vreg.gather [hbm4b:s5+s3], $0x80, v2, vm0, $0xb8;
	[tilespmem:$0x18100] =	vst v63  }
0x259: {  	_ = 	snop  }
0x25a: {  	[tilespmem:s26], [sflag:$0x1] =	stream.indirect_vreg.gather [hbm4b:s6+s3], $0x80, v2, vm0, $0xb8;
	[tilespmem:$0x18100] =	vst v63  }
0x25b: {  	_ = 	snop  }
0x25c: {  	[tilespmem:s28], [sflag:$0x1] =	stream.indirect_vreg.gather [hbm4b:s7+s3], $0x80, v2, vm0, $0xb8;
	[tilespmem:$0x18100] =	vst v63  }
0x25d: {  	s25 =	simm.s32 $0x14100  }
0x25e: {  	[tilespmem:s25], [sflag:$0x1] =	stream.indirect_vreg.gather [hbm4b:s8+s3], $0x80, v2, vm0, $0xb8;
	[tilespmem:$0x18100] =	vst v63  }
0x25f: {  	s26 =	simm.s32 $0x14900  }
0x260: {  	[tilespmem:s26], [sflag:$0x1] =	stream.indirect_vreg.gather [hbm4b:s9+s3], $0x80, v2, vm0, $0xb8;
	[tilespmem:$0x18100] =	vst v63  }
0x261: {  	s28 =	simm.s32 $0x15100  }
0x262: {  	[tilespmem:s28], [sflag:$0x1] =	stream.indirect_vreg.gather [hbm4b:s10+s3], $0x80, v2, vm0, $0xb8;
	[tilespmem:$0x18100] =	vst v63  }
0x263: {  	_ = 	snop  }
0x264: {  	[tilespmem:s17], [sflag:$0x1] =	stream.indirect_vreg.gather [hbm4b:s11+s3], $0x80, v2, vm0, $0xb8;
	[tilespmem:$0x18100] =	vst v63  }
0x265: {  	_ = 	snop  }
0x266: {  	[tilespmem:s18], [sflag:$0x1] =	stream.indirect_vreg.gather [hbm4b:s12+s3], $0x80, v2, vm0, $0xb8;
	[tilespmem:$0x18100] =	vst v63  }
0x267: {  	_ = 	snop  }
0x268: {  	[tilespmem:s19], [sflag:$0x1] =	stream.indirect_vreg.gather [hbm4b:s13+s3], $0x80, v2, vm0, $0xb8;
	[tilespmem:$0x18100] =	vst v63  }
0x269: {  	_ = 	snop  }
0x26a: {  	[tilespmem:s20], [sflag:$0x1] =	stream.indirect_vreg.gather [hbm4b:s14+s3], $0x80, v2, vm0, $0xb8;
	[tilespmem:$0x18100] =	vst v63  }
0x26b: {  	_ = 	snop  }
0x26c: {  	[tilespmem:s21], [sflag:$0x1] =	stream.indirect_vreg.gather [hbm4b:s15+s3], $0x80, v2, vm0, $0xb8;
	[tilespmem:$0x18100] =	vst v63  }
0x26d: {  	_ =	swait.ge [sflag:s23], $0x6000  }
0x26e: {  	[sflag:s23] =	ssyncset.done $0x0  }
0x26f: {  	s0 =	simm.s32 $0x6100;
	s21 =	rddreg [dreg:$0x10];
	[sflag:s23] =	ssyncadd.s32 $0xFFFFA000  }
0x270: {  	[hbm4b:s21+s3] =	stream.linear.scatter [tilespmem:s0], [sflag:$0x2], $0x6000, $0x38;
	[tilespmem:$0x18100] =	vst v63  }
0x271: {  	_ =	swait.ge [sflag:s22], $0x6000  }
0x272: {  	[sflag:s22] =	ssyncset.done $0x0  }
0x273: {  	[sflag:s22] =	ssyncadd.s32 $0xFFFFA000  }
0x274: {  	v2 =	vld.msk [tilespmem:$0x80], $0xff;
	_ =	sdelay $0x4  }
0x275: {  	v3 =	vshrl.u32 v2, $0x3  }
0x276: {  	v3 =	vmul.u32 $0xC0, v3  }
0x277: {  	v2 =	vand.u32 $0x7, v2  }
0x278: {  	v2 =	vor.u32 v2, v3  }
0x279: {  	v2 =	vperm.xlane v2, v0;
	_ =	sdelay $0x1  }
0x27a: {  	v2 =	vadd.s32 v1, v2;
	_ =	sdelay $0x4  }
0x27b: {  	[tilespmem:s1], [sflag:$0x1] =	stream.indirect_vreg.gather [hbm4b:s2+s3], $0x80, v2, vm0, $0xb8;
	[tilespmem:$0x18100] =	vst v63  }
0x27c: {  	s25 =	simm.s32 $0x900  }
0x27d: {  	[tilespmem:s25], [sflag:$0x1] =	stream.indirect_vreg.gather [hbm4b:s5+s3], $0x80, v2, vm0, $0xb8;
	[tilespmem:$0x18100] =	vst v63  }
0x27e: {  	s26 =	simm.s32 $0x1100  }
0x27f: {  	[tilespmem:s26], [sflag:$0x1] =	stream.indirect_vreg.gather [hbm4b:s6+s3], $0x80, v2, vm0, $0xb8;
	[tilespmem:$0x18100] =	vst v63  }
0x280: {  	s28 =	simm.s32 $0x1900  }
0x281: {  	[tilespmem:s28], [sflag:$0x1] =	stream.indirect_vreg.gather [hbm4b:s7+s3], $0x80, v2, vm0, $0xb8;
	[tilespmem:$0x18100] =	vst v63  }
0x282: {  	s18 =	simm.s32 $0x2100  }
0x283: {  	[tilespmem:s18], [sflag:$0x1] =	stream.indirect_vreg.gather [hbm4b:s8+s3], $0x80, v2, vm0, $0xb8;
	[tilespmem:$0x18100] =	vst v63  }
0x284: {  	s19 =	simm.s32 $0x2900  }
0x285: {  	[tilespmem:s19], [sflag:$0x1] =	stream.indirect_vreg.gather [hbm4b:s9+s3], $0x80, v2, vm0, $0xb8;
	[tilespmem:$0x18100] =	vst v63  }
0x286: {  	s20 =	simm.s32 $0x3100  }
0x287: {  	[tilespmem:s20], [sflag:$0x1] =	stream.indirect_vreg.gather [hbm4b:s10+s3], $0x80, v2, vm0, $0xb8;
	[tilespmem:$0x18100] =	vst v63  }
0x288: {  	s21 =	simm.s32 $0x3900  }
0x289: {  	[tilespmem:s21], [sflag:$0x1] =	stream.indirect_vreg.gather [hbm4b:s11+s3], $0x80, v2, vm0, $0xb8;
	[tilespmem:$0x18100] =	vst v63  }
0x28a: {  	s25 =	simm.s32 $0x4100  }
0x28b: {  	[tilespmem:s25], [sflag:$0x1] =	stream.indirect_vreg.gather [hbm4b:s12+s3], $0x80, v2, vm0, $0xb8;
	[tilespmem:$0x18100] =	vst v63  }
0x28c: {  	s26 =	simm.s32 $0x4900  }
0x28d: {  	[tilespmem:s26], [sflag:$0x1] =	stream.indirect_vreg.gather [hbm4b:s13+s3], $0x80, v2, vm0, $0xb8;
	[tilespmem:$0x18100] =	vst v63  }
0x28e: {  	s28 =	simm.s32 $0x5100  }
0x28f: {  	[tilespmem:s28], [sflag:$0x1] =	stream.indirect_vreg.gather [hbm4b:s14+s3], $0x80, v2, vm0, $0xb8;
	[tilespmem:$0x18100] =	vst v63  }
0x290: {  	s18 =	simm.s32 $0x5900  }
0x291: {  	[tilespmem:s18], [sflag:$0x1] =	stream.indirect_vreg.gather [hbm4b:s15+s3], $0x80, v2, vm0, $0xb8;
	[tilespmem:$0x18100] =	vst v63  }
0x292: {  	_ =	swait.ge [sflag:s23], $0x6000  }
0x293: {  	[sflag:s23] =	ssyncset.done $0x0  }
0x294: {  	s20 =	simm.s32 $0xC100;
	s19 =	rddreg [dreg:$0x11];
	[sflag:s23] =	ssyncadd.s32 $0xFFFFA000  }
0x295: {  	[hbm4b:s19+s3] =	stream.linear.scatter [tilespmem:s20], [sflag:$0x2], $0x6000, $0x38;
	[tilespmem:$0x18100] =	vst v63  }
0x296: {  	_ =	swait.ge [sflag:s22], $0x6000  }
0x297: {  	[sflag:s22] =	ssyncset.done $0x0  }
0x298: {  	[sflag:s22] =	ssyncadd.s32 $0xFFFFA000  }
0x299: {  	v2 =	vld.msk [tilespmem:$0x88], $0xff;
	_ =	sdelay $0x4  }
0x29a: {  	v3 =	vshrl.u32 v2, $0x3  }
0x29b: {  	v3 =	vmul.u32 $0xC0, v3  }
0x29c: {  	v2 =	vand.u32 $0x7, v2  }
0x29d: {  	v2 =	vor.u32 v2, v3  }
0x29e: {  	v2 =	vperm.xlane v2, v0;
	_ =	sdelay $0x1  }
0x29f: {  	v2 =	vadd.s32 v1, v2;
	_ =	sdelay $0x4  }
0x2a0: {  	[tilespmem:s0], [sflag:$0x1] =	stream.indirect_vreg.gather [hbm4b:s2+s3], $0x80, v2, vm0, $0xb8;
	[tilespmem:$0x18100] =	vst v63  }
0x2a1: {  	_ = 	snop  }
0x2a2: {  	[tilespmem:s29], [sflag:$0x1] =	stream.indirect_vreg.gather [hbm4b:s5+s3], $0x80, v2, vm0, $0xb8;
	[tilespmem:$0x18100] =	vst v63  }
0x2a3: {  	_ = 	snop  }
0x2a4: {  	[tilespmem:s30], [sflag:$0x1] =	stream.indirect_vreg.gather [hbm4b:s6+s3], $0x80, v2, vm0, $0xb8;
	[tilespmem:$0x18100] =	vst v63  }
0x2a5: {  	_ = 	snop  }
0x2a6: {  	[tilespmem:s31], [sflag:$0x1] =	stream.indirect_vreg.gather [hbm4b:s7+s3], $0x80, v2, vm0, $0xb8;
	[tilespmem:$0x18100] =	vst v63  }
0x2a7: {  	s21 =	simm.s32 $0x8100  }
0x2a8: {  	[tilespmem:s21], [sflag:$0x1] =	stream.indirect_vreg.gather [hbm4b:s8+s3], $0x80, v2, vm0, $0xb8;
	[tilespmem:$0x18100] =	vst v63  }
0x2a9: {  	s25 =	simm.s32 $0x8900  }
0x2aa: {  	[tilespmem:s25], [sflag:$0x1] =	stream.indirect_vreg.gather [hbm4b:s9+s3], $0x80, v2, vm0, $0xb8;
	[tilespmem:$0x18100] =	vst v63  }
0x2ab: {  	s26 =	simm.s32 $0x9100  }
0x2ac: {  	[tilespmem:s26], [sflag:$0x1] =	stream.indirect_vreg.gather [hbm4b:s10+s3], $0x80, v2, vm0, $0xb8;
	[tilespmem:$0x18100] =	vst v63  }
0x2ad: {  	s29 =	simm.s32 $0x9900  }
0x2ae: {  	[tilespmem:s29], [sflag:$0x1] =	stream.indirect_vreg.gather [hbm4b:s11+s3], $0x80, v2, vm0, $0xb8;
	[tilespmem:$0x18100] =	vst v63  }
0x2af: {  	s30 =	simm.s32 $0xA100  }
0x2b0: {  	[tilespmem:s30], [sflag:$0x1] =	stream.indirect_vreg.gather [hbm4b:s12+s3], $0x80, v2, vm0, $0xb8;
	[tilespmem:$0x18100] =	vst v63  }
0x2b1: {  	s31 =	simm.s32 $0xA900  }
0x2b2: {  	[tilespmem:s31], [sflag:$0x1] =	stream.indirect_vreg.gather [hbm4b:s13+s3], $0x80, v2, vm0, $0xb8;
	[tilespmem:$0x18100] =	vst v63  }
0x2b3: {  	s18 =	simm.s32 $0xB100  }
0x2b4: {  	[tilespmem:s18], [sflag:$0x1] =	stream.indirect_vreg.gather [hbm4b:s14+s3], $0x80, v2, vm0, $0xb8;
	[tilespmem:$0x18100] =	vst v63  }
0x2b5: {  	_ = 	snop  }
0x2b6: {  	[tilespmem:s4], [sflag:$0x1] =	stream.indirect_vreg.gather [hbm4b:s15+s3], $0x80, v2, vm0, $0xb8;
	[tilespmem:$0x18100] =	vst v63  }
0x2b7: {  	_ =	swait.ge [sflag:s23], $0x6000  }
0x2b8: {  	[sflag:s23] =	ssyncset.done $0x0  }
0x2b9: {  	s0 =	simm.s32 $0x12100;
	s19 =	rddreg [dreg:$0x12];
	[sflag:s23] =	ssyncadd.s32 $0xFFFFA000  }
0x2ba: {  	[hbm4b:s19+s3] =	stream.linear.scatter [tilespmem:s0], [sflag:$0x2], $0x6000, $0x38;
	[tilespmem:$0x18100] =	vst v63  }
0x2bb: {  	_ =	swait.ge [sflag:s22], $0x6000  }
0x2bc: {  	[sflag:s22] =	ssyncset.done $0x0  }
0x2bd: {  	[sflag:s22] =	ssyncadd.s32 $0xFFFFA000  }
0x2be: {  	v2 =	vld.msk [tilespmem:$0x90], $0xff;
	_ =	sdelay $0x4  }
0x2bf: {  	v3 =	vshrl.u32 v2, $0x3  }
0x2c0: {  	v3 =	vmul.u32 $0xC0, v3  }
0x2c1: {  	v2 =	vand.u32 $0x7, v2  }
0x2c2: {  	v2 =	vor.u32 v2, v3  }
0x2c3: {  	v2 =	vperm.xlane v2, v0;
	_ =	sdelay $0x1  }
0x2c4: {  	v2 =	vadd.s32 v1, v2;
	_ =	sdelay $0x4  }
0x2c5: {  	[tilespmem:s20], [sflag:$0x1] =	stream.indirect_vreg.gather [hbm4b:s2+s3], $0x80, v2, vm0, $0xb8;
	[tilespmem:$0x18100] =	vst v63  }
0x2c6: {  	s26 =	simm.s32 $0xC900  }
0x2c7: {  	[tilespmem:s26], [sflag:$0x1] =	stream.indirect_vreg.gather [hbm4b:s5+s3], $0x80, v2, vm0, $0xb8;
	[tilespmem:$0x18100] =	vst v63  }
0x2c8: {  	s20 =	simm.s32 $0xD100  }
0x2c9: {  	[tilespmem:s20], [sflag:$0x1] =	stream.indirect_vreg.gather [hbm4b:s6+s3], $0x80, v2, vm0, $0xb8;
	[tilespmem:$0x18100] =	vst v63  }
0x2ca: {  	s21 =	simm.s32 $0xD900  }
0x2cb: {  	[tilespmem:s21], [sflag:$0x1] =	stream.indirect_vreg.gather [hbm4b:s7+s3], $0x80, v2, vm0, $0xb8;
	[tilespmem:$0x18100] =	vst v63  }
0x2cc: {  	s25 =	simm.s32 $0xE100  }
0x2cd: {  	[tilespmem:s25], [sflag:$0x1] =	stream.indirect_vreg.gather [hbm4b:s8+s3], $0x80, v2, vm0, $0xb8;
	[tilespmem:$0x18100] =	vst v63  }
0x2ce: {  	s30 =	simm.s32 $0xE900  }
0x2cf: {  	[tilespmem:s30], [sflag:$0x1] =	stream.indirect_vreg.gather [hbm4b:s9+s3], $0x80, v2, vm0, $0xb8;
	[tilespmem:$0x18100] =	vst v63  }
0x2d0: {  	s31 =	simm.s32 $0xF100  }
0x2d1: {  	[tilespmem:s31], [sflag:$0x1] =	stream.indirect_vreg.gather [hbm4b:s10+s3], $0x80, v2, vm0, $0xb8;
	[tilespmem:$0x18100] =	vst v63  }
0x2d2: {  	s4 =	simm.s32 $0xF900  }
0x2d3: {  	[tilespmem:s4], [sflag:$0x1] =	stream.indirect_vreg.gather [hbm4b:s11+s3], $0x80, v2, vm0, $0xb8;
	[tilespmem:$0x18100] =	vst v63  }
0x2d4: {  	s18 =	simm.s32 $0x10100  }
0x2d5: {  	[tilespmem:s18], [sflag:$0x1] =	stream.indirect_vreg.gather [hbm4b:s12+s3], $0x80, v2, vm0, $0xb8;
	[tilespmem:$0x18100] =	vst v63  }
0x2d6: {  	s19 =	simm.s32 $0x10900  }
0x2d7: {  	[tilespmem:s19], [sflag:$0x1] =	stream.indirect_vreg.gather [hbm4b:s13+s3], $0x80, v2, vm0, $0xb8;
	[tilespmem:$0x18100] =	vst v63  }
0x2d8: {  	s20 =	simm.s32 $0x11100  }
0x2d9: {  	[tilespmem:s20], [sflag:$0x1] =	stream.indirect_vreg.gather [hbm4b:s14+s3], $0x80, v2, vm0, $0xb8;
	[tilespmem:$0x18100] =	vst v63  }
0x2da: {  	s16 =	simm.s32 $0x11900  }
0x2db: {  	[tilespmem:s16], [sflag:$0x1] =	stream.indirect_vreg.gather [hbm4b:s15+s3], $0x80, v2, vm0, $0xb8;
	[tilespmem:$0x18100] =	vst v63  }
0x2dc: {  	_ =	swait.ge [sflag:s23], $0x6000  }
0x2dd: {  	[sflag:s23] =	ssyncset.done $0x0  }
0x2de: {  	s17 =	simm.s32 $0x100;
	s21 =	rddreg [dreg:$0x13];
	[sflag:s23] =	ssyncadd.s32 $0xFFFFA000  }
0x2df: {  	[hbm4b:s21+s3] =	stream.linear.scatter [tilespmem:s17], [sflag:$0x2], $0x6000, $0x38;
	[tilespmem:$0x18100] =	vst v63  }
0x2e0: {  	_ =	swait.ge [sflag:s22], $0x6000  }
0x2e1: {  	[sflag:s22] =	ssyncset.done $0x0  }
0x2e2: {  	[sflag:s22] =	ssyncadd.s32 $0xFFFFA000  }
0x2e3: {  	v2 =	vld.msk [tilespmem:$0x98], $0xff;
	_ =	sdelay $0x4  }
0x2e4: {  	v3 =	vshrl.u32 v2, $0x3  }
0x2e5: {  	v3 =	vmul.u32 $0xC0, v3  }
0x2e6: {  	v2 =	vand.u32 $0x7, v2  }
0x2e7: {  	v2 =	vor.u32 v2, v3  }
0x2e8: {  	v2 =	vperm.xlane v2, v0;
	_ =	sdelay $0x1  }
0x2e9: {  	v2 =	vadd.s32 v1, v2;
	_ =	sdelay $0x4  }
0x2ea: {  	[tilespmem:s0], [sflag:$0x1] =	stream.indirect_vreg.gather [hbm4b:s2+s3], $0x80, v2, vm0, $0xb8;
	[tilespmem:$0x18100] =	vst v63  }
0x2eb: {  	s0 =	simm.s32 $0x12900  }
0x2ec: {  	[tilespmem:s0], [sflag:$0x1] =	stream.indirect_vreg.gather [hbm4b:s5+s3], $0x80, v2, vm0, $0xb8;
	[tilespmem:$0x18100] =	vst v63  }
0x2ed: {  	s31 =	simm.s32 $0x13100  }
0x2ee: {  	[tilespmem:s31], [sflag:$0x1] =	stream.indirect_vreg.gather [hbm4b:s6+s3], $0x80, v2, vm0, $0xb8;
	[tilespmem:$0x18100] =	vst v63  }
0x2ef: {  	s25 =	simm.s32 $0x13900  }
0x2f0: {  	[tilespmem:s25], [sflag:$0x1] =	stream.indirect_vreg.gather [hbm4b:s7+s3], $0x80, v2, vm0, $0xb8;
	[tilespmem:$0x18100] =	vst v63  }
0x2f1: {  	s30 =	simm.s32 $0x14100  }
0x2f2: {  	[tilespmem:s30], [sflag:$0x1] =	stream.indirect_vreg.gather [hbm4b:s8+s3], $0x80, v2, vm0, $0xb8;
	[tilespmem:$0x18100] =	vst v63  }
0x2f3: {  	s24 =	simm.s32 $0x14900  }
0x2f4: {  	[tilespmem:s24], [sflag:$0x1] =	stream.indirect_vreg.gather [hbm4b:s9+s3], $0x80, v2, vm0, $0xb8;
	[tilespmem:$0x18100] =	vst v63  }
0x2f5: {  	s17 =	simm.s32 $0x15100  }
0x2f6: {  	[tilespmem:s17], [sflag:$0x1] =	stream.indirect_vreg.gather [hbm4b:s10+s3], $0x80, v2, vm0, $0xb8;
	[tilespmem:$0x18100] =	vst v63  }
0x2f7: {  	s4 =	simm.s32 $0x15900  }
0x2f8: {  	[tilespmem:s4], [sflag:$0x1] =	stream.indirect_vreg.gather [hbm4b:s11+s3], $0x80, v2, vm0, $0xb8;
	[tilespmem:$0x18100] =	vst v63  }
0x2f9: {  	s19 =	simm.s32 $0x16100  }
0x2fa: {  	[tilespmem:s19], [sflag:$0x1] =	stream.indirect_vreg.gather [hbm4b:s12+s3], $0x80, v2, vm0, $0xb8;
	[tilespmem:$0x18100] =	vst v63  }
0x2fb: {  	s20 =	simm.s32 $0x16900  }
0x2fc: {  	[tilespmem:s20], [sflag:$0x1] =	stream.indirect_vreg.gather [hbm4b:s13+s3], $0x80, v2, vm0, $0xb8;
	[tilespmem:$0x18100] =	vst v63  }
0x2fd: {  	s21 =	simm.s32 $0x17100  }
0x2fe: {  	[tilespmem:s21], [sflag:$0x1] =	stream.indirect_vreg.gather [hbm4b:s14+s3], $0x80, v2, vm0, $0xb8;
	[tilespmem:$0x18100] =	vst v63  }
0x2ff: {  	s24 =	simm.s32 $0x17900  }
0x300: {  	[tilespmem:s24], [sflag:$0x1] =	stream.indirect_vreg.gather [hbm4b:s15+s3], $0x80, v2, vm0, $0xb8;
	[tilespmem:$0x18100] =	vst v63  }
0x301: {  	_ =	swait.ge [sflag:s23], $0x6000  }
0x302: {  	[sflag:s23] =	ssyncset.done $0x0  }
0x303: {  	s28 =	simm.s32 $0x6100;
	s18 =	rddreg [dreg:$0x14];
	[sflag:s23] =	ssyncadd.s32 $0xFFFFA000  }
0x304: {  	[hbm4b:s18+s3] =	stream.linear.scatter [tilespmem:s28], [sflag:$0x2], $0x6000, $0x38;
	[tilespmem:$0x18100] =	vst v63  }
0x305: {  	_ =	swait.ge [sflag:s22], $0x6000  }
0x306: {  	[sflag:s22] =	ssyncset.done $0x0  }
0x307: {  	[sflag:s22] =	ssyncadd.s32 $0xFFFFA000  }
0x308: {  	v2 =	vld.msk [tilespmem:$0xA0], $0xff;
	_ =	sdelay $0x4  }
0x309: {  	v3 =	vshrl.u32 v2, $0x3  }
0x30a: {  	v3 =	vmul.u32 $0xC0, v3  }
0x30b: {  	v2 =	vand.u32 $0x7, v2  }
0x30c: {  	v2 =	vor.u32 v2, v3  }
0x30d: {  	v2 =	vperm.xlane v2, v0;
	_ =	sdelay $0x1  }
0x30e: {  	v2 =	vadd.s32 v1, v2;
	_ =	sdelay $0x3  }
0x30f: {  	s16 =	simm.s32 $0x100  }
0x310: {  	[tilespmem:s16], [sflag:$0x1] =	stream.indirect_vreg.gather [hbm4b:s2+s3], $0x80, v2, vm0, $0xb8;
	[tilespmem:$0x18100] =	vst v63  }
0x311: {  	s25 =	simm.s32 $0x900  }
0x312: {  	[tilespmem:s25], [sflag:$0x1] =	stream.indirect_vreg.gather [hbm4b:s5+s3], $0x80, v2, vm0, $0xb8;
	[tilespmem:$0x18100] =	vst v63  }
0x313: {  	s28 =	simm.s32 $0x1100  }
0x314: {  	[tilespmem:s28], [sflag:$0x1] =	stream.indirect_vreg.gather [hbm4b:s6+s3], $0x80, v2, vm0, $0xb8;
	[tilespmem:$0x18100] =	vst v63  }
0x315: {  	s30 =	simm.s32 $0x1900  }
0x316: {  	[tilespmem:s30], [sflag:$0x1] =	stream.indirect_vreg.gather [hbm4b:s7+s3], $0x80, v2, vm0, $0xb8;
	[tilespmem:$0x18100] =	vst v63  }
0x317: {  	s18 =	simm.s32 $0x2100  }
0x318: {  	[tilespmem:s18], [sflag:$0x1] =	stream.indirect_vreg.gather [hbm4b:s8+s3], $0x80, v2, vm0, $0xb8;
	[tilespmem:$0x18100] =	vst v63  }
0x319: {  	s25 =	simm.s32 $0x2900  }
0x31a: {  	[tilespmem:s25], [sflag:$0x1] =	stream.indirect_vreg.gather [hbm4b:s9+s3], $0x80, v2, vm0, $0xb8;
	[tilespmem:$0x18100] =	vst v63  }
0x31b: {  	s28 =	simm.s32 $0x3100  }
0x31c: {  	[tilespmem:s28], [sflag:$0x1] =	stream.indirect_vreg.gather [hbm4b:s10+s3], $0x80, v2, vm0, $0xb8;
	[tilespmem:$0x18100] =	vst v63  }
0x31d: {  	s30 =	simm.s32 $0x3900  }
0x31e: {  	[tilespmem:s30], [sflag:$0x1] =	stream.indirect_vreg.gather [hbm4b:s11+s3], $0x80, v2, vm0, $0xb8;
	[tilespmem:$0x18100] =	vst v63  }
0x31f: {  	s18 =	simm.s32 $0x4100  }
0x320: {  	[tilespmem:s18], [sflag:$0x1] =	stream.indirect_vreg.gather [hbm4b:s12+s3], $0x80, v2, vm0, $0xb8;
	[tilespmem:$0x18100] =	vst v63  }
0x321: {  	s25 =	simm.s32 $0x4900  }
0x322: {  	[tilespmem:s25], [sflag:$0x1] =	stream.indirect_vreg.gather [hbm4b:s13+s3], $0x80, v2, vm0, $0xb8;
	[tilespmem:$0x18100] =	vst v63  }
0x323: {  	s28 =	simm.s32 $0x5100  }
0x324: {  	[tilespmem:s28], [sflag:$0x1] =	stream.indirect_vreg.gather [hbm4b:s14+s3], $0x80, v2, vm0, $0xb8;
	[tilespmem:$0x18100] =	vst v63  }
0x325: {  	s30 =	simm.s32 $0x5900  }
0x326: {  	[tilespmem:s30], [sflag:$0x1] =	stream.indirect_vreg.gather [hbm4b:s15+s3], $0x80, v2, vm0, $0xb8;
	[tilespmem:$0x18100] =	vst v63  }
0x327: {  	_ =	swait.ge [sflag:s23], $0x6000  }
0x328: {  	[sflag:s23] =	ssyncset.done $0x0  }
0x329: {  	s29 =	simm.s32 $0xC100;
	s18 =	rddreg [dreg:$0x15];
	[sflag:s23] =	ssyncadd.s32 $0xFFFFA000  }
0x32a: {  	[hbm4b:s18+s3] =	stream.linear.scatter [tilespmem:s29], [sflag:$0x2], $0x6000, $0x38;
	[tilespmem:$0x18100] =	vst v63  }
0x32b: {  	_ =	swait.ge [sflag:s22], $0x6000  }
0x32c: {  	[sflag:s22] =	ssyncset.done $0x0  }
0x32d: {  	[sflag:s22] =	ssyncadd.s32 $0xFFFFA000  }
0x32e: {  	v2 =	vld.msk [tilespmem:$0xA8], $0xff;
	_ =	sdelay $0x4  }
0x32f: {  	v3 =	vshrl.u32 v2, $0x3  }
0x330: {  	v3 =	vmul.u32 $0xC0, v3  }
0x331: {  	v2 =	vand.u32 $0x7, v2  }
0x332: {  	v2 =	vor.u32 v2, v3  }
0x333: {  	v2 =	vperm.xlane v2, v0;
	_ =	sdelay $0x1  }
0x334: {  	v2 =	vadd.s32 v1, v2;
	_ =	sdelay $0x3  }
0x335: {  	s1 =	simm.s32 $0x6100  }
0x336: {  	[tilespmem:s1], [sflag:$0x1] =	stream.indirect_vreg.gather [hbm4b:s2+s3], $0x80, v2, vm0, $0xb8;
	[tilespmem:$0x18100] =	vst v63  }
0x337: {  	s29 =	simm.s32 $0x6900  }
0x338: {  	[tilespmem:s29], [sflag:$0x1] =	stream.indirect_vreg.gather [hbm4b:s5+s3], $0x80, v2, vm0, $0xb8;
	[tilespmem:$0x18100] =	vst v63  }
0x339: {  	s30 =	simm.s32 $0x7100  }
0x33a: {  	[tilespmem:s30], [sflag:$0x1] =	stream.indirect_vreg.gather [hbm4b:s6+s3], $0x80, v2, vm0, $0xb8;
	[tilespmem:$0x18100] =	vst v63  }
0x33b: {  	s28 =	simm.s32 $0x7900  }
0x33c: {  	[tilespmem:s28], [sflag:$0x1] =	stream.indirect_vreg.gather [hbm4b:s7+s3], $0x80, v2, vm0, $0xb8;
	[tilespmem:$0x18100] =	vst v63  }
0x33d: {  	s25 =	simm.s32 $0x8100  }
0x33e: {  	[tilespmem:s25], [sflag:$0x1] =	stream.indirect_vreg.gather [hbm4b:s8+s3], $0x80, v2, vm0, $0xb8;
	[tilespmem:$0x18100] =	vst v63  }
0x33f: {  	s28 =	simm.s32 $0x8900  }
0x340: {  	[tilespmem:s28], [sflag:$0x1] =	stream.indirect_vreg.gather [hbm4b:s9+s3], $0x80, v2, vm0, $0xb8;
	[tilespmem:$0x18100] =	vst v63  }
0x341: {  	s25 =	simm.s32 $0x9100  }
0x342: {  	[tilespmem:s25], [sflag:$0x1] =	stream.indirect_vreg.gather [hbm4b:s10+s3], $0x80, v2, vm0, $0xb8;
	[tilespmem:$0x18100] =	vst v63  }
0x343: {  	s28 =	simm.s32 $0x9900  }
0x344: {  	[tilespmem:s28], [sflag:$0x1] =	stream.indirect_vreg.gather [hbm4b:s11+s3], $0x80, v2, vm0, $0xb8;
	[tilespmem:$0x18100] =	vst v63  }
0x345: {  	s25 =	simm.s32 $0xA100  }
0x346: {  	[tilespmem:s25], [sflag:$0x1] =	stream.indirect_vreg.gather [hbm4b:s12+s3], $0x80, v2, vm0, $0xb8;
	[tilespmem:$0x18100] =	vst v63  }
0x347: {  	s28 =	simm.s32 $0xA900  }
0x348: {  	[tilespmem:s28], [sflag:$0x1] =	stream.indirect_vreg.gather [hbm4b:s13+s3], $0x80, v2, vm0, $0xb8;
	[tilespmem:$0x18100] =	vst v63  }
0x349: {  	s28 =	simm.s32 $0xB100  }
0x34a: {  	[tilespmem:s28], [sflag:$0x1] =	stream.indirect_vreg.gather [hbm4b:s14+s3], $0x80, v2, vm0, $0xb8;
	[tilespmem:$0x18100] =	vst v63  }
0x34b: {  	s25 =	simm.s32 $0xB900  }
0x34c: {  	[tilespmem:s25], [sflag:$0x1] =	stream.indirect_vreg.gather [hbm4b:s15+s3], $0x80, v2, vm0, $0xb8;
	[tilespmem:$0x18100] =	vst v63  }
0x34d: {  	_ =	swait.ge [sflag:s23], $0x6000  }
0x34e: {  	[sflag:s23] =	ssyncset.done $0x0  }
0x34f: {  	s4 =	simm.s32 $0x12100;
	s25 =	rddreg [dreg:$0x16];
	[sflag:s23] =	ssyncadd.s32 $0xFFFFA000  }
0x350: {  	[hbm4b:s25+s3] =	stream.linear.scatter [tilespmem:s4], [sflag:$0x2], $0x6000, $0x38;
	[tilespmem:$0x18100] =	vst v63  }
0x351: {  	_ =	swait.ge [sflag:s22], $0x6000  }
0x352: {  	[sflag:s22] =	ssyncset.done $0x0  }
0x353: {  	[sflag:s22] =	ssyncadd.s32 $0xFFFFA000  }
0x354: {  	v2 =	vld.msk [tilespmem:$0xB0], $0xff;
	_ =	sdelay $0x4  }
0x355: {  	v3 =	vshrl.u32 v2, $0x3  }
0x356: {  	v3 =	vmul.u32 $0xC0, v3  }
0x357: {  	v2 =	vand.u32 $0x7, v2  }
0x358: {  	v2 =	vor.u32 v2, v3  }
0x359: {  	v2 =	vperm.xlane v2, v0;
	_ =	sdelay $0x1  }
0x35a: {  	v2 =	vadd.s32 v1, v2;
	_ =	sdelay $0x3  }
0x35b: {  	s18 =	simm.s32 $0xC100  }
0x35c: {  	[tilespmem:s18], [sflag:$0x1] =	stream.indirect_vreg.gather [hbm4b:s2+s3], $0x80, v2, vm0, $0xb8;
	[tilespmem:$0x18100] =	vst v63  }
0x35d: {  	_ = 	snop  }
0x35e: {  	[tilespmem:s26], [sflag:$0x1] =	stream.indirect_vreg.gather [hbm4b:s5+s3], $0x80, v2, vm0, $0xb8;
	[tilespmem:$0x18100] =	vst v63  }
0x35f: {  	s26 =	simm.s32 $0xD100  }
0x360: {  	[tilespmem:s26], [sflag:$0x1] =	stream.indirect_vreg.gather [hbm4b:s6+s3], $0x80, v2, vm0, $0xb8;
	[tilespmem:$0x18100] =	vst v63  }
0x361: {  	s25 =	simm.s32 $0xD900  }
0x362: {  	[tilespmem:s25], [sflag:$0x1] =	stream.indirect_vreg.gather [hbm4b:s7+s3], $0x80, v2, vm0, $0xb8;
	[tilespmem:$0x18100] =	vst v63  }
0x363: {  	s26 =	simm.s32 $0xE100  }
0x364: {  	[tilespmem:s26], [sflag:$0x1] =	stream.indirect_vreg.gather [hbm4b:s8+s3], $0x80, v2, vm0, $0xb8;
	[tilespmem:$0x18100] =	vst v63  }
0x365: {  	s25 =	simm.s32 $0xE900  }
0x366: {  	[tilespmem:s25], [sflag:$0x1] =	stream.indirect_vreg.gather [hbm4b:s9+s3], $0x80, v2, vm0, $0xb8;
	[tilespmem:$0x18100] =	vst v63  }
0x367: {  	s26 =	simm.s32 $0xF100  }
0x368: {  	[tilespmem:s26], [sflag:$0x1] =	stream.indirect_vreg.gather [hbm4b:s10+s3], $0x80, v2, vm0, $0xb8;
	[tilespmem:$0x18100] =	vst v63  }
0x369: {  	s25 =	simm.s32 $0xF900  }
0x36a: {  	[tilespmem:s25], [sflag:$0x1] =	stream.indirect_vreg.gather [hbm4b:s11+s3], $0x80, v2, vm0, $0xb8;
	[tilespmem:$0x18100] =	vst v63  }
0x36b: {  	s26 =	simm.s32 $0x10100  }
0x36c: {  	[tilespmem:s26], [sflag:$0x1] =	stream.indirect_vreg.gather [hbm4b:s12+s3], $0x80, v2, vm0, $0xb8;
	[tilespmem:$0x18100] =	vst v63  }
0x36d: {  	s25 =	simm.s32 $0x10900  }
0x36e: {  	[tilespmem:s25], [sflag:$0x1] =	stream.indirect_vreg.gather [hbm4b:s13+s3], $0x80, v2, vm0, $0xb8;
	[tilespmem:$0x18100] =	vst v63  }
0x36f: {  	s26 =	simm.s32 $0x11100  }
0x370: {  	[tilespmem:s26], [sflag:$0x1] =	stream.indirect_vreg.gather [hbm4b:s14+s3], $0x80, v2, vm0, $0xb8;
	[tilespmem:$0x18100] =	vst v63  }
0x371: {  	s25 =	simm.s32 $0x11900  }
0x372: {  	[tilespmem:s25], [sflag:$0x1] =	stream.indirect_vreg.gather [hbm4b:s15+s3], $0x80, v2, vm0, $0xb8;
	[tilespmem:$0x18100] =	vst v63  }
0x373: {  	_ =	swait.ge [sflag:s23], $0x6000  }
0x374: {  	[sflag:s23] =	ssyncset.done $0x0  }
0x375: {  	s26 =	rddreg [dreg:$0x17];
	[sflag:s23] =	ssyncadd.s32 $0xFFFFA000  }
0x376: {  	[hbm4b:s26+s3] =	stream.linear.scatter [tilespmem:s16], [sflag:$0x2], $0x6000, $0x38;
	[tilespmem:$0x18100] =	vst v63  }
0x377: {  	_ =	swait.ge [sflag:s22], $0x6000  }
0x378: {  	[sflag:s22] =	ssyncset.done $0x0  }
0x379: {  	[sflag:s22] =	ssyncadd.s32 $0xFFFFA000  }
0x37a: {  	v2 =	vld.msk [tilespmem:$0xB8], $0xff;
	_ =	sdelay $0x4  }
0x37b: {  	v3 =	vshrl.u32 v2, $0x3  }
0x37c: {  	v3 =	vmul.u32 $0xC0, v3  }
0x37d: {  	v2 =	vand.u32 $0x7, v2  }
0x37e: {  	v2 =	vor.u32 v2, v3  }
0x37f: {  	v2 =	vperm.xlane v2, v0;
	_ =	sdelay $0x1  }
0x380: {  	v2 =	vadd.s32 v1, v2;
	_ =	sdelay $0x4  }
0x381: {  	[tilespmem:s4], [sflag:$0x1] =	stream.indirect_vreg.gather [hbm4b:s2+s3], $0x80, v2, vm0, $0xb8;
	[tilespmem:$0x18100] =	vst v63  }
0x382: {  	_ = 	snop  }
0x383: {  	[tilespmem:s0], [sflag:$0x1] =	stream.indirect_vreg.gather [hbm4b:s5+s3], $0x80, v2, vm0, $0xb8;
	[tilespmem:$0x18100] =	vst v63  }
0x384: {  	_ = 	snop  }
0x385: {  	[tilespmem:s31], [sflag:$0x1] =	stream.indirect_vreg.gather [hbm4b:s6+s3], $0x80, v2, vm0, $0xb8;
	[tilespmem:$0x18100] =	vst v63  }
0x386: {  	s31 =	simm.s32 $0x13900  }
0x387: {  	[tilespmem:s31], [sflag:$0x1] =	stream.indirect_vreg.gather [hbm4b:s7+s3], $0x80, v2, vm0, $0xb8;
	[tilespmem:$0x18100] =	vst v63  }
0x388: {  	s18 =	simm.s32 $0x14100  }
0x389: {  	[tilespmem:s18], [sflag:$0x1] =	stream.indirect_vreg.gather [hbm4b:s8+s3], $0x80, v2, vm0, $0xb8;
	[tilespmem:$0x18100] =	vst v63  }
0x38a: {  	s18 =	simm.s32 $0x14900  }
0x38b: {  	[tilespmem:s18], [sflag:$0x1] =	stream.indirect_vreg.gather [hbm4b:s9+s3], $0x80, v2, vm0, $0xb8;
	[tilespmem:$0x18100] =	vst v63  }
0x38c: {  	_ = 	snop  }
0x38d: {  	[tilespmem:s17], [sflag:$0x1] =	stream.indirect_vreg.gather [hbm4b:s10+s3], $0x80, v2, vm0, $0xb8;
	[tilespmem:$0x18100] =	vst v63  }
0x38e: {  	s25 =	simm.s32 $0x15900  }
0x38f: {  	[tilespmem:s25], [sflag:$0x1] =	stream.indirect_vreg.gather [hbm4b:s11+s3], $0x80, v2, vm0, $0xb8;
	[tilespmem:$0x18100] =	vst v63  }
0x390: {  	_ = 	snop  }
0x391: {  	[tilespmem:s19], [sflag:$0x1] =	stream.indirect_vreg.gather [hbm4b:s12+s3], $0x80, v2, vm0, $0xb8;
	[tilespmem:$0x18100] =	vst v63  }
0x392: {  	_ = 	snop  }
0x393: {  	[tilespmem:s20], [sflag:$0x1] =	stream.indirect_vreg.gather [hbm4b:s13+s3], $0x80, v2, vm0, $0xb8;
	[tilespmem:$0x18100] =	vst v63  }
0x394: {  	_ = 	snop  }
0x395: {  	[tilespmem:s21], [sflag:$0x1] =	stream.indirect_vreg.gather [hbm4b:s14+s3], $0x80, v2, vm0, $0xb8;
	[tilespmem:$0x18100] =	vst v63  }
0x396: {  	_ = 	snop  }
0x397: {  	[tilespmem:s24], [sflag:$0x1] =	stream.indirect_vreg.gather [hbm4b:s15+s3], $0x80, v2, vm0, $0xb8;
	[tilespmem:$0x18100] =	vst v63  }
0x398: {  	_ =	swait.ge [sflag:s23], $0x6000  }
0x399: {  	[sflag:s23] =	ssyncset.done $0x0  }
0x39a: {  	s26 =	rddreg [dreg:$0x18];
	[sflag:s23] =	ssyncadd.s32 $0xFFFFA000  }
0x39b: {  	[hbm4b:s26+s3] =	stream.linear.scatter [tilespmem:s1], [sflag:$0x2], $0x6000, $0x38;
	[tilespmem:$0x18100] =	vst v63  }
0x39c: {  	_ =	swait.ge [sflag:s22], $0x6000  }
0x39d: {  	[sflag:s22] =	ssyncset.done $0x0  }
0x39e: {  	[sflag:s22] =	ssyncadd.s32 $0xFFFFA000  }
0x39f: {  	v2 =	vld.msk [tilespmem:$0xC0], $0xff;
	_ =	sdelay $0x4  }
0x3a0: {  	v3 =	vshrl.u32 v2, $0x3  }
0x3a1: {  	v3 =	vmul.u32 $0xC0, v3  }
0x3a2: {  	v2 =	vand.u32 $0x7, v2  }
0x3a3: {  	v2 =	vor.u32 v2, v3  }
0x3a4: {  	v2 =	vperm.xlane v2, v0;
	_ =	sdelay $0x1  }
0x3a5: {  	v2 =	vadd.s32 v1, v2;
	_ =	sdelay $0x4  }
0x3a6: {  	[tilespmem:s16], [sflag:$0x1] =	stream.indirect_vreg.gather [hbm4b:s2+s3], $0x80, v2, vm0, $0xb8;
	[tilespmem:$0x18100] =	vst v63  }
0x3a7: {  	s31 =	simm.s32 $0x900  }
0x3a8: {  	[tilespmem:s31], [sflag:$0x1] =	stream.indirect_vreg.gather [hbm4b:s5+s3], $0x80, v2, vm0, $0xb8;
	[tilespmem:$0x18100] =	vst v63  }
0x3a9: {  	s16 =	simm.s32 $0x1100  }
0x3aa: {  	[tilespmem:s16], [sflag:$0x1] =	stream.indirect_vreg.gather [hbm4b:s6+s3], $0x80, v2, vm0, $0xb8;
	[tilespmem:$0x18100] =	vst v63  }
0x3ab: {  	s17 =	simm.s32 $0x1900  }
0x3ac: {  	[tilespmem:s17], [sflag:$0x1] =	stream.indirect_vreg.gather [hbm4b:s7+s3], $0x80, v2, vm0, $0xb8;
	[tilespmem:$0x18100] =	vst v63  }
0x3ad: {  	s19 =	simm.s32 $0x2100  }
0x3ae: {  	[tilespmem:s19], [sflag:$0x1] =	stream.indirect_vreg.gather [hbm4b:s8+s3], $0x80, v2, vm0, $0xb8;
	[tilespmem:$0x18100] =	vst v63  }
0x3af: {  	s20 =	simm.s32 $0x2900  }
0x3b0: {  	[tilespmem:s20], [sflag:$0x1] =	stream.indirect_vreg.gather [hbm4b:s9+s3], $0x80, v2, vm0, $0xb8;
	[tilespmem:$0x18100] =	vst v63  }
0x3b1: {  	s21 =	simm.s32 $0x3100  }
0x3b2: {  	[tilespmem:s21], [sflag:$0x1] =	stream.indirect_vreg.gather [hbm4b:s10+s3], $0x80, v2, vm0, $0xb8;
	[tilespmem:$0x18100] =	vst v63  }
0x3b3: {  	s24 =	simm.s32 $0x3900  }
0x3b4: {  	[tilespmem:s24], [sflag:$0x1] =	stream.indirect_vreg.gather [hbm4b:s11+s3], $0x80, v2, vm0, $0xb8;
	[tilespmem:$0x18100] =	vst v63  }
0x3b5: {  	s25 =	simm.s32 $0x4100  }
0x3b6: {  	[tilespmem:s25], [sflag:$0x1] =	stream.indirect_vreg.gather [hbm4b:s12+s3], $0x80, v2, vm0, $0xb8;
	[tilespmem:$0x18100] =	vst v63  }
0x3b7: {  	s26 =	simm.s32 $0x4900  }
0x3b8: {  	[tilespmem:s26], [sflag:$0x1] =	stream.indirect_vreg.gather [hbm4b:s13+s3], $0x80, v2, vm0, $0xb8;
	[tilespmem:$0x18100] =	vst v63  }
0x3b9: {  	s31 =	simm.s32 $0x5100  }
0x3ba: {  	[tilespmem:s31], [sflag:$0x1] =	stream.indirect_vreg.gather [hbm4b:s14+s3], $0x80, v2, vm0, $0xb8;
	[tilespmem:$0x18100] =	vst v63  }
0x3bb: {  	s16 =	simm.s32 $0x5900  }
0x3bc: {  	[tilespmem:s16], [sflag:$0x1] =	stream.indirect_vreg.gather [hbm4b:s15+s3], $0x80, v2, vm0, $0xb8;
	[tilespmem:$0x18100] =	vst v63  }
0x3bd: {  	_ =	swait.ge [sflag:s23], $0x6000  }
0x3be: {  	[sflag:s23] =	ssyncset.done $0x0  }
0x3bf: {  	s19 =	simm.s32 $0xC100;
	s17 =	rddreg [dreg:$0x19];
	[sflag:s23] =	ssyncadd.s32 $0xFFFFA000  }
0x3c0: {  	[hbm4b:s17+s3] =	stream.linear.scatter [tilespmem:s19], [sflag:$0x2], $0x6000, $0x38;
	[tilespmem:$0x18100] =	vst v63  }
0x3c1: {  	_ =	swait.ge [sflag:s22], $0x6000  }
0x3c2: {  	[sflag:s22] =	ssyncset.done $0x0  }
0x3c3: {  	[sflag:s22] =	ssyncadd.s32 $0xFFFFA000  }
0x3c4: {  	v2 =	vld.msk [tilespmem:$0xC8], $0xff;
	_ =	sdelay $0x4  }
0x3c5: {  	v3 =	vshrl.u32 v2, $0x3  }
0x3c6: {  	v3 =	vmul.u32 $0xC0, v3  }
0x3c7: {  	v2 =	vand.u32 $0x7, v2  }
0x3c8: {  	v2 =	vor.u32 v2, v3  }
0x3c9: {  	v2 =	vperm.xlane v2, v0;
	_ =	sdelay $0x1  }
0x3ca: {  	v2 =	vadd.s32 v1, v2;
	_ =	sdelay $0x4  }
0x3cb: {  	[tilespmem:s1], [sflag:$0x1] =	stream.indirect_vreg.gather [hbm4b:s2+s3], $0x80, v2, vm0, $0xb8;
	[tilespmem:$0x18100] =	vst v63  }
0x3cc: {  	_ = 	snop  }
0x3cd: {  	[tilespmem:s29], [sflag:$0x1] =	stream.indirect_vreg.gather [hbm4b:s5+s3], $0x80, v2, vm0, $0xb8;
	[tilespmem:$0x18100] =	vst v63  }
0x3ce: {  	_ = 	snop  }
0x3cf: {  	[tilespmem:s30], [sflag:$0x1] =	stream.indirect_vreg.gather [hbm4b:s6+s3], $0x80, v2, vm0, $0xb8;
	[tilespmem:$0x18100] =	vst v63  }
0x3d0: {  	s20 =	simm.s32 $0x7900  }
0x3d1: {  	[tilespmem:s20], [sflag:$0x1] =	stream.indirect_vreg.gather [hbm4b:s7+s3], $0x80, v2, vm0, $0xb8;
	[tilespmem:$0x18100] =	vst v63  }
0x3d2: {  	s21 =	simm.s32 $0x8100  }
0x3d3: {  	[tilespmem:s21], [sflag:$0x1] =	stream.indirect_vreg.gather [hbm4b:s8+s3], $0x80, v2, vm0, $0xb8;
	[tilespmem:$0x18100] =	vst v63  }
0x3d4: {  	s24 =	simm.s32 $0x8900  }
0x3d5: {  	[tilespmem:s24], [sflag:$0x1] =	stream.indirect_vreg.gather [hbm4b:s9+s3], $0x80, v2, vm0, $0xb8;
	[tilespmem:$0x18100] =	vst v63  }
0x3d6: {  	s17 =	simm.s32 $0x9100  }
0x3d7: {  	[tilespmem:s17], [sflag:$0x1] =	stream.indirect_vreg.gather [hbm4b:s10+s3], $0x80, v2, vm0, $0xb8;
	[tilespmem:$0x18100] =	vst v63  }
0x3d8: {  	s30 =	simm.s32 $0x9900  }
0x3d9: {  	[tilespmem:s30], [sflag:$0x1] =	stream.indirect_vreg.gather [hbm4b:s11+s3], $0x80, v2, vm0, $0xb8;
	[tilespmem:$0x18100] =	vst v63  }
0x3da: {  	s26 =	simm.s32 $0xA100  }
0x3db: {  	[tilespmem:s26], [sflag:$0x1] =	stream.indirect_vreg.gather [hbm4b:s12+s3], $0x80, v2, vm0, $0xb8;
	[tilespmem:$0x18100] =	vst v63  }
0x3dc: {  	s31 =	simm.s32 $0xA900  }
0x3dd: {  	[tilespmem:s31], [sflag:$0x1] =	stream.indirect_vreg.gather [hbm4b:s13+s3], $0x80, v2, vm0, $0xb8;
	[tilespmem:$0x18100] =	vst v63  }
0x3de: {  	_ = 	snop  }
0x3df: {  	[tilespmem:s28], [sflag:$0x1] =	stream.indirect_vreg.gather [hbm4b:s14+s3], $0x80, v2, vm0, $0xb8;
	[tilespmem:$0x18100] =	vst v63  }
0x3e0: {  	s25 =	simm.s32 $0xB900  }
0x3e1: {  	[tilespmem:s25], [sflag:$0x1] =	stream.indirect_vreg.gather [hbm4b:s15+s3], $0x80, v2, vm0, $0xb8;
	[tilespmem:$0x18100] =	vst v63  }
0x3e2: {  	_ =	swait.ge [sflag:s23], $0x6000  }
0x3e3: {  	[sflag:s23] =	ssyncset.done $0x0  }
0x3e4: {  	s4 =	simm.s32 $0x12100;
	s28 =	rddreg [dreg:$0x1a];
	[sflag:s23] =	ssyncadd.s32 $0xFFFFA000  }
0x3e5: {  	[hbm4b:s28+s3] =	stream.linear.scatter [tilespmem:s4], [sflag:$0x2], $0x6000, $0x38;
	[tilespmem:$0x18100] =	vst v63  }
0x3e6: {  	_ =	swait.ge [sflag:s22], $0x6000  }
0x3e7: {  	[sflag:s22] =	ssyncset.done $0x0  }
0x3e8: {  	[sflag:s22] =	ssyncadd.s32 $0xFFFFA000  }
0x3e9: {  	v2 =	vld.msk [tilespmem:$0xD0], $0xff;
	_ =	sdelay $0x4  }
0x3ea: {  	v3 =	vshrl.u32 v2, $0x3  }
0x3eb: {  	v3 =	vmul.u32 $0xC0, v3  }
0x3ec: {  	v2 =	vand.u32 $0x7, v2  }
0x3ed: {  	v2 =	vor.u32 v2, v3  }
0x3ee: {  	v2 =	vperm.xlane v2, v0;
	_ =	sdelay $0x1  }
0x3ef: {  	v2 =	vadd.s32 v1, v2;
	_ =	sdelay $0x3  }
0x3f0: {  	s1 =	simm.s32 $0xC100  }
0x3f1: {  	[tilespmem:s1], [sflag:$0x1] =	stream.indirect_vreg.gather [hbm4b:s2+s3], $0x80, v2, vm0, $0xb8;
	[tilespmem:$0x18100] =	vst v63  }
0x3f2: {  	s29 =	simm.s32 $0xC900  }
0x3f3: {  	[tilespmem:s29], [sflag:$0x1] =	stream.indirect_vreg.gather [hbm4b:s5+s3], $0x80, v2, vm0, $0xb8;
	[tilespmem:$0x18100] =	vst v63  }
0x3f4: {  	s28 =	simm.s32 $0xD100  }
0x3f5: {  	[tilespmem:s28], [sflag:$0x1] =	stream.indirect_vreg.gather [hbm4b:s6+s3], $0x80, v2, vm0, $0xb8;
	[tilespmem:$0x18100] =	vst v63  }
0x3f6: {  	s29 =	simm.s32 $0xD900  }
0x3f7: {  	[tilespmem:s29], [sflag:$0x1] =	stream.indirect_vreg.gather [hbm4b:s7+s3], $0x80, v2, vm0, $0xb8;
	[tilespmem:$0x18100] =	vst v63  }
0x3f8: {  	s19 =	simm.s32 $0xE100  }
0x3f9: {  	[tilespmem:s19], [sflag:$0x1] =	stream.indirect_vreg.gather [hbm4b:s8+s3], $0x80, v2, vm0, $0xb8;
	[tilespmem:$0x18100] =	vst v63  }
0x3fa: {  	s20 =	simm.s32 $0xE900  }
0x3fb: {  	[tilespmem:s20], [sflag:$0x1] =	stream.indirect_vreg.gather [hbm4b:s9+s3], $0x80, v2, vm0, $0xb8;
	[tilespmem:$0x18100] =	vst v63  }
0x3fc: {  	s21 =	simm.s32 $0xF100  }
0x3fd: {  	[tilespmem:s21], [sflag:$0x1] =	stream.indirect_vreg.gather [hbm4b:s10+s3], $0x80, v2, vm0, $0xb8;
	[tilespmem:$0x18100] =	vst v63  }
0x3fe: {  	s24 =	simm.s32 $0xF900  }
0x3ff: {  	[tilespmem:s24], [sflag:$0x1] =	stream.indirect_vreg.gather [hbm4b:s11+s3], $0x80, v2, vm0, $0xb8;
	[tilespmem:$0x18100] =	vst v63  }
0x400: {  	s16 =	simm.s32 $0x10100  }
0x401: {  	[tilespmem:s16], [sflag:$0x1] =	stream.indirect_vreg.gather [hbm4b:s12+s3], $0x80, v2, vm0, $0xb8;
	[tilespmem:$0x18100] =	vst v63  }
0x402: {  	s25 =	simm.s32 $0x10900  }
0x403: {  	[tilespmem:s25], [sflag:$0x1] =	stream.indirect_vreg.gather [hbm4b:s13+s3], $0x80, v2, vm0, $0xb8;
	[tilespmem:$0x18100] =	vst v63  }
0x404: {  	s16 =	simm.s32 $0x11100  }
0x405: {  	[tilespmem:s16], [sflag:$0x1] =	stream.indirect_vreg.gather [hbm4b:s14+s3], $0x80, v2, vm0, $0xb8;
	[tilespmem:$0x18100] =	vst v63  }
0x406: {  	s25 =	simm.s32 $0x11900  }
0x407: {  	[tilespmem:s25], [sflag:$0x1] =	stream.indirect_vreg.gather [hbm4b:s15+s3], $0x80, v2, vm0, $0xb8;
	[tilespmem:$0x18100] =	vst v63  }
0x408: {  	_ =	swait.ge [sflag:s23], $0x6000  }
0x409: {  	[sflag:s23] =	ssyncset.done $0x0  }
0x40a: {  	s0 =	simm.s32 $0x100;
	s16 =	rddreg [dreg:$0x1b];
	[sflag:s23] =	ssyncadd.s32 $0xFFFFA000  }
0x40b: {  	[hbm4b:s16+s3] =	stream.linear.scatter [tilespmem:s0], [sflag:$0x2], $0x6000, $0x38;
	[tilespmem:$0x18100] =	vst v63  }
0x40c: {  	_ =	swait.ge [sflag:s22], $0x6000  }
0x40d: {  	[sflag:s22] =	ssyncset.done $0x0  }
0x40e: {  	[sflag:s22] =	ssyncadd.s32 $0xFFFFA000  }
0x40f: {  	v2 =	vld.msk [tilespmem:$0xD8], $0xff;
	_ =	sdelay $0x4  }
0x410: {  	v3 =	vshrl.u32 v2, $0x3  }
0x411: {  	v3 =	vmul.u32 $0xC0, v3  }
0x412: {  	v2 =	vand.u32 $0x7, v2  }
0x413: {  	v2 =	vor.u32 v2, v3  }
0x414: {  	v2 =	vperm.xlane v2, v0;
	_ =	sdelay $0x1  }
0x415: {  	v2 =	vadd.s32 v1, v2;
	_ =	sdelay $0x4  }
0x416: {  	[tilespmem:s4], [sflag:$0x1] =	stream.indirect_vreg.gather [hbm4b:s2+s3], $0x80, v2, vm0, $0xb8;
	[tilespmem:$0x18100] =	vst v63  }
0x417: {  	s25 =	simm.s32 $0x12900  }
0x418: {  	[tilespmem:s25], [sflag:$0x1] =	stream.indirect_vreg.gather [hbm4b:s5+s3], $0x80, v2, vm0, $0xb8;
	[tilespmem:$0x18100] =	vst v63  }
0x419: {  	s25 =	simm.s32 $0x13100  }
0x41a: {  	[tilespmem:s25], [sflag:$0x1] =	stream.indirect_vreg.gather [hbm4b:s6+s3], $0x80, v2, vm0, $0xb8;
	[tilespmem:$0x18100] =	vst v63  }
0x41b: {  	s25 =	simm.s32 $0x13900  }
0x41c: {  	[tilespmem:s25], [sflag:$0x1] =	stream.indirect_vreg.gather [hbm4b:s7+s3], $0x80, v2, vm0, $0xb8;
	[tilespmem:$0x18100] =	vst v63  }
0x41d: {  	s25 =	simm.s32 $0x14100  }
0x41e: {  	[tilespmem:s25], [sflag:$0x1] =	stream.indirect_vreg.gather [hbm4b:s8+s3], $0x80, v2, vm0, $0xb8;
	[tilespmem:$0x18100] =	vst v63  }
0x41f: {  	_ = 	snop  }
0x420: {  	[tilespmem:s18], [sflag:$0x1] =	stream.indirect_vreg.gather [hbm4b:s9+s3], $0x80, v2, vm0, $0xb8;
	[tilespmem:$0x18100] =	vst v63  }
0x421: {  	s18 =	simm.s32 $0x15100  }
0x422: {  	[tilespmem:s18], [sflag:$0x1] =	stream.indirect_vreg.gather [hbm4b:s10+s3], $0x80, v2, vm0, $0xb8;
	[tilespmem:$0x18100] =	vst v63  }
0x423: {  	s25 =	simm.s32 $0x15900  }
0x424: {  	[tilespmem:s25], [sflag:$0x1] =	stream.indirect_vreg.gather [hbm4b:s11+s3], $0x80, v2, vm0, $0xb8;
	[tilespmem:$0x18100] =	vst v63  }
0x425: {  	s18 =	simm.s32 $0x16100  }
0x426: {  	[tilespmem:s18], [sflag:$0x1] =	stream.indirect_vreg.gather [hbm4b:s12+s3], $0x80, v2, vm0, $0xb8;
	[tilespmem:$0x18100] =	vst v63  }
0x427: {  	s25 =	simm.s32 $0x16900  }
0x428: {  	[tilespmem:s25], [sflag:$0x1] =	stream.indirect_vreg.gather [hbm4b:s13+s3], $0x80, v2, vm0, $0xb8;
	[tilespmem:$0x18100] =	vst v63  }
0x429: {  	s18 =	simm.s32 $0x17100  }
0x42a: {  	[tilespmem:s18], [sflag:$0x1] =	stream.indirect_vreg.gather [hbm4b:s14+s3], $0x80, v2, vm0, $0xb8;
	[tilespmem:$0x18100] =	vst v63  }
0x42b: {  	s25 =	simm.s32 $0x17900  }
0x42c: {  	[tilespmem:s25], [sflag:$0x1] =	stream.indirect_vreg.gather [hbm4b:s15+s3], $0x80, v2, vm0, $0xb8;
	[tilespmem:$0x18100] =	vst v63  }
0x42d: {  	_ =	swait.ge [sflag:s23], $0x6000  }
0x42e: {  	[sflag:s23] =	ssyncset.done $0x0  }
0x42f: {  	s16 =	simm.s32 $0x6100;
	s18 =	rddreg [dreg:$0x1c];
	[sflag:s23] =	ssyncadd.s32 $0xFFFFA000  }
0x430: {  	[hbm4b:s18+s3] =	stream.linear.scatter [tilespmem:s16], [sflag:$0x2], $0x6000, $0x38;
	[tilespmem:$0x18100] =	vst v63  }
0x431: {  	_ =	swait.ge [sflag:s22], $0x6000  }
0x432: {  	[sflag:s22] =	ssyncset.done $0x0  }
0x433: {  	[sflag:s22] =	ssyncadd.s32 $0xFFFFA000  }
0x434: {  	v2 =	vld.msk [tilespmem:$0xE0], $0xff;
	_ =	sdelay $0x4  }
0x435: {  	v3 =	vshrl.u32 v2, $0x3  }
0x436: {  	v3 =	vmul.u32 $0xC0, v3  }
0x437: {  	v2 =	vand.u32 $0x7, v2  }
0x438: {  	v2 =	vor.u32 v2, v3  }
0x439: {  	v2 =	vperm.xlane v2, v0;
	_ =	sdelay $0x1  }
0x43a: {  	v2 =	vadd.s32 v1, v2;
	_ =	sdelay $0x4  }
0x43b: {  	[tilespmem:s0], [sflag:$0x1] =	stream.indirect_vreg.gather [hbm4b:s2+s3], $0x80, v2, vm0, $0xb8;
	[tilespmem:$0x18100] =	vst v63  }
0x43c: {  	s25 =	simm.s32 $0x900  }
0x43d: {  	[tilespmem:s25], [sflag:$0x1] =	stream.indirect_vreg.gather [hbm4b:s5+s3], $0x80, v2, vm0, $0xb8;
	[tilespmem:$0x18100] =	vst v63  }
0x43e: {  	s25 =	simm.s32 $0x1100  }
0x43f: {  	[tilespmem:s25], [sflag:$0x1] =	stream.indirect_vreg.gather [hbm4b:s6+s3], $0x80, v2, vm0, $0xb8;
	[tilespmem:$0x18100] =	vst v63  }
0x440: {  	s25 =	simm.s32 $0x1900  }
0x441: {  	[tilespmem:s25], [sflag:$0x1] =	stream.indirect_vreg.gather [hbm4b:s7+s3], $0x80, v2, vm0, $0xb8;
	[tilespmem:$0x18100] =	vst v63  }
0x442: {  	s25 =	simm.s32 $0x2100  }
0x443: {  	[tilespmem:s25], [sflag:$0x1] =	stream.indirect_vreg.gather [hbm4b:s8+s3], $0x80, v2, vm0, $0xb8;
	[tilespmem:$0x18100] =	vst v63  }
0x444: {  	s25 =	simm.s32 $0x2900  }
0x445: {  	[tilespmem:s25], [sflag:$0x1] =	stream.indirect_vreg.gather [hbm4b:s9+s3], $0x80, v2, vm0, $0xb8;
	[tilespmem:$0x18100] =	vst v63  }
0x446: {  	s25 =	simm.s32 $0x3100  }
0x447: {  	[tilespmem:s25], [sflag:$0x1] =	stream.indirect_vreg.gather [hbm4b:s10+s3], $0x80, v2, vm0, $0xb8;
	[tilespmem:$0x18100] =	vst v63  }
0x448: {  	s25 =	simm.s32 $0x3900  }
0x449: {  	[tilespmem:s25], [sflag:$0x1] =	stream.indirect_vreg.gather [hbm4b:s11+s3], $0x80, v2, vm0, $0xb8;
	[tilespmem:$0x18100] =	vst v63  }
0x44a: {  	s25 =	simm.s32 $0x4100  }
0x44b: {  	[tilespmem:s25], [sflag:$0x1] =	stream.indirect_vreg.gather [hbm4b:s12+s3], $0x80, v2, vm0, $0xb8;
	[tilespmem:$0x18100] =	vst v63  }
0x44c: {  	s25 =	simm.s32 $0x4900  }
0x44d: {  	[tilespmem:s25], [sflag:$0x1] =	stream.indirect_vreg.gather [hbm4b:s13+s3], $0x80, v2, vm0, $0xb8;
	[tilespmem:$0x18100] =	vst v63  }
0x44e: {  	s25 =	simm.s32 $0x5100  }
0x44f: {  	[tilespmem:s25], [sflag:$0x1] =	stream.indirect_vreg.gather [hbm4b:s14+s3], $0x80, v2, vm0, $0xb8;
	[tilespmem:$0x18100] =	vst v63  }
0x450: {  	s25 =	simm.s32 $0x5900  }
0x451: {  	[tilespmem:s25], [sflag:$0x1] =	stream.indirect_vreg.gather [hbm4b:s15+s3], $0x80, v2, vm0, $0xb8;
	[tilespmem:$0x18100] =	vst v63  }
0x452: {  	_ =	swait.ge [sflag:s23], $0x6000  }
0x453: {  	[sflag:s23] =	ssyncset.done $0x0  }
0x454: {  	s18 =	rddreg [dreg:$0x1d];
	[sflag:s23] =	ssyncadd.s32 $0xFFFFA000  }
0x455: {  	[hbm4b:s18+s3] =	stream.linear.scatter [tilespmem:s1], [sflag:$0x2], $0x6000, $0x38;
	[tilespmem:$0x18100] =	vst v63  }
0x456: {  	_ =	swait.ge [sflag:s22], $0x6000  }
0x457: {  	[sflag:s22] =	ssyncset.done $0x0  }
0x458: {  	[sflag:s22] =	ssyncadd.s32 $0xFFFFA000  }
0x459: {  	v2 =	vld.msk [tilespmem:$0xE8], $0xff;
	_ =	sdelay $0x4  }
0x45a: {  	v3 =	vshrl.u32 v2, $0x3  }
0x45b: {  	v3 =	vmul.u32 $0xC0, v3  }
0x45c: {  	v2 =	vand.u32 $0x7, v2  }
0x45d: {  	v2 =	vor.u32 v2, v3  }
0x45e: {  	v2 =	vperm.xlane v2, v0;
	_ =	sdelay $0x1  }
0x45f: {  	v2 =	vadd.s32 v1, v2;
	_ =	sdelay $0x4  }
0x460: {  	[tilespmem:s16], [sflag:$0x1] =	stream.indirect_vreg.gather [hbm4b:s2+s3], $0x80, v2, vm0, $0xb8;
	[tilespmem:$0x18100] =	vst v63  }
0x461: {  	s25 =	simm.s32 $0x6900  }
0x462: {  	[tilespmem:s25], [sflag:$0x1] =	stream.indirect_vreg.gather [hbm4b:s5+s3], $0x80, v2, vm0, $0xb8;
	[tilespmem:$0x18100] =	vst v63  }
0x463: {  	s25 =	simm.s32 $0x7100  }
0x464: {  	[tilespmem:s25], [sflag:$0x1] =	stream.indirect_vreg.gather [hbm4b:s6+s3], $0x80, v2, vm0, $0xb8;
	[tilespmem:$0x18100] =	vst v63  }
0x465: {  	s25 =	simm.s32 $0x7900  }
0x466: {  	[tilespmem:s25], [sflag:$0x1] =	stream.indirect_vreg.gather [hbm4b:s7+s3], $0x80, v2, vm0, $0xb8;
	[tilespmem:$0x18100] =	vst v63  }
0x467: {  	s25 =	simm.s32 $0x8100  }
0x468: {  	[tilespmem:s25], [sflag:$0x1] =	stream.indirect_vreg.gather [hbm4b:s8+s3], $0x80, v2, vm0, $0xb8;
	[tilespmem:$0x18100] =	vst v63  }
0x469: {  	s25 =	simm.s32 $0x8900  }
0x46a: {  	[tilespmem:s25], [sflag:$0x1] =	stream.indirect_vreg.gather [hbm4b:s9+s3], $0x80, v2, vm0, $0xb8;
	[tilespmem:$0x18100] =	vst v63  }
0x46b: {  	_ = 	snop  }
0x46c: {  	[tilespmem:s17], [sflag:$0x1] =	stream.indirect_vreg.gather [hbm4b:s10+s3], $0x80, v2, vm0, $0xb8;
	[tilespmem:$0x18100] =	vst v63  }
0x46d: {  	_ = 	snop  }
0x46e: {  	[tilespmem:s30], [sflag:$0x1] =	stream.indirect_vreg.gather [hbm4b:s11+s3], $0x80, v2, vm0, $0xb8;
	[tilespmem:$0x18100] =	vst v63  }
0x46f: {  	_ = 	snop  }
0x470: {  	[tilespmem:s26], [sflag:$0x1] =	stream.indirect_vreg.gather [hbm4b:s12+s3], $0x80, v2, vm0, $0xb8;
	[tilespmem:$0x18100] =	vst v63  }
0x471: {  	_ = 	snop  }
0x472: {  	[tilespmem:s31], [sflag:$0x1] =	stream.indirect_vreg.gather [hbm4b:s13+s3], $0x80, v2, vm0, $0xb8;
	[tilespmem:$0x18100] =	vst v63  }
0x473: {  	s30 =	simm.s32 $0xB100  }
0x474: {  	[tilespmem:s30], [sflag:$0x1] =	stream.indirect_vreg.gather [hbm4b:s14+s3], $0x80, v2, vm0, $0xb8;
	[tilespmem:$0x18100] =	vst v63  }
0x475: {  	s31 =	simm.s32 $0xB900  }
0x476: {  	[tilespmem:s31], [sflag:$0x1] =	stream.indirect_vreg.gather [hbm4b:s15+s3], $0x80, v2, vm0, $0xb8;
	[tilespmem:$0x18100] =	vst v63  }
0x477: {  	_ =	swait.ge [sflag:s23], $0x6000  }
0x478: {  	[sflag:s23] =	ssyncset.done $0x0  }
0x479: {  	s1 =	rddreg [dreg:$0x1e];
	[sflag:s23] =	ssyncadd.s32 $0xFFFFA000  }
0x47a: {  	[hbm4b:s1+s3] =	stream.linear.scatter [tilespmem:s4], [sflag:$0x2], $0x6000, $0x38;
	[tilespmem:$0x18100] =	vst v63  }
0x47b: {  	_ =	swait.ge [sflag:s22], $0x6000  }
0x47c: {  	[sflag:s22] =	ssyncset.done $0x0  }
0x47d: {  	[sflag:s22] =	ssyncadd.s32 $0xFFFFA000  }
0x47e: {  	v2 =	vld.msk [tilespmem:$0xF0], $0xff;
	_ =	sdelay $0x4  }
0x47f: {  	v3 =	vshrl.u32 v2, $0x3  }
0x480: {  	v3 =	vmul.u32 $0xC0, v3  }
0x481: {  	v2 =	vand.u32 $0x7, v2  }
0x482: {  	v2 =	vor.u32 v2, v3  }
0x483: {  	v2 =	vperm.xlane v2, v0;
	_ =	sdelay $0x1  }
0x484: {  	v2 =	vadd.s32 v1, v2;
	_ =	sdelay $0x3  }
0x485: {  	s18 =	simm.s32 $0xC100  }
0x486: {  	[tilespmem:s18], [sflag:$0x1] =	stream.indirect_vreg.gather [hbm4b:s2+s3], $0x80, v2, vm0, $0xb8;
	[tilespmem:$0x18100] =	vst v63  }
0x487: {  	s17 =	simm.s32 $0xC900  }
0x488: {  	[tilespmem:s17], [sflag:$0x1] =	stream.indirect_vreg.gather [hbm4b:s5+s3], $0x80, v2, vm0, $0xb8;
	[tilespmem:$0x18100] =	vst v63  }
0x489: {  	_ = 	snop  }
0x48a: {  	[tilespmem:s28], [sflag:$0x1] =	stream.indirect_vreg.gather [hbm4b:s6+s3], $0x80, v2, vm0, $0xb8;
	[tilespmem:$0x18100] =	vst v63  }
0x48b: {  	_ = 	snop  }
0x48c: {  	[tilespmem:s29], [sflag:$0x1] =	stream.indirect_vreg.gather [hbm4b:s7+s3], $0x80, v2, vm0, $0xb8;
	[tilespmem:$0x18100] =	vst v63  }
0x48d: {  	_ = 	snop  }
0x48e: {  	[tilespmem:s19], [sflag:$0x1] =	stream.indirect_vreg.gather [hbm4b:s8+s3], $0x80, v2, vm0, $0xb8;
	[tilespmem:$0x18100] =	vst v63  }
0x48f: {  	_ = 	snop  }
0x490: {  	[tilespmem:s20], [sflag:$0x1] =	stream.indirect_vreg.gather [hbm4b:s9+s3], $0x80, v2, vm0, $0xb8;
	[tilespmem:$0x18100] =	vst v63  }
0x491: {  	_ = 	snop  }
0x492: {  	[tilespmem:s21], [sflag:$0x1] =	stream.indirect_vreg.gather [hbm4b:s10+s3], $0x80, v2, vm0, $0xb8;
	[tilespmem:$0x18100] =	vst v63  }
0x493: {  	_ = 	snop  }
0x494: {  	[tilespmem:s24], [sflag:$0x1] =	stream.indirect_vreg.gather [hbm4b:s11+s3], $0x80, v2, vm0, $0xb8;
	[tilespmem:$0x18100] =	vst v63  }
0x495: {  	s21 =	simm.s32 $0x10100  }
0x496: {  	[tilespmem:s21], [sflag:$0x1] =	stream.indirect_vreg.gather [hbm4b:s12+s3], $0x80, v2, vm0, $0xb8;
	[tilespmem:$0x18100] =	vst v63  }
0x497: {  	s24 =	simm.s32 $0x10900  }
0x498: {  	[tilespmem:s24], [sflag:$0x1] =	stream.indirect_vreg.gather [hbm4b:s13+s3], $0x80, v2, vm0, $0xb8;
	[tilespmem:$0x18100] =	vst v63  }
0x499: {  	s25 =	simm.s32 $0x11100  }
0x49a: {  	[tilespmem:s25], [sflag:$0x1] =	stream.indirect_vreg.gather [hbm4b:s14+s3], $0x80, v2, vm0, $0xb8;
	[tilespmem:$0x18100] =	vst v63  }
0x49b: {  	s26 =	simm.s32 $0x11900  }
0x49c: {  	[tilespmem:s26], [sflag:$0x1] =	stream.indirect_vreg.gather [hbm4b:s15+s3], $0x80, v2, vm0, $0xb8;
	[tilespmem:$0x18100] =	vst v63  }
0x49d: {  	_ =	swait.ge [sflag:s23], $0x6000  }
0x49e: {  	[sflag:s23] =	ssyncset.done $0x0  }
0x49f: {  	s0 =	simm.s32 $0x100;
	s28 =	rddreg [dreg:$0x1f];
	[sflag:s23] =	ssyncadd.s32 $0xFFFFA000  }
0x4a0: {  	[hbm4b:s28+s3] =	stream.linear.scatter [tilespmem:s0], [sflag:$0x2], $0x6000, $0x38;
	[tilespmem:$0x18100] =	vst v63  }
0x4a1: {  	_ =	swait.ge [sflag:s22], $0x6000  }
0x4a2: {  	[sflag:s22] =	ssyncset.done $0x0  }
0x4a3: {  	[sflag:s22] =	ssyncadd.s32 $0xFFFFA000  }
0x4a4: {  	v2 =	vld.msk [tilespmem:$0xF8], $0xff;
	_ =	sdelay $0x4  }
0x4a5: {  	v3 =	vshrl.u32 v2, $0x3  }
0x4a6: {  	v3 =	vmul.u32 $0xC0, v3  }
0x4a7: {  	v2 =	vand.u32 $0x7, v2  }
0x4a8: {  	v2 =	vor.u32 v2, v3  }
0x4a9: {  	v2 =	vperm.xlane v2, v0;
	_ =	sdelay $0x1  }
0x4aa: {  	v2 =	vadd.s32 v1, v2;
	_ =	sdelay $0x4  }
0x4ab: {  	[tilespmem:s4], [sflag:$0x1] =	stream.indirect_vreg.gather [hbm4b:s2+s3], $0x80, v2, vm0, $0xb8;
	[tilespmem:$0x18100] =	vst v63  }
0x4ac: {  	s29 =	simm.s32 $0x12900  }
0x4ad: {  	[tilespmem:s29], [sflag:$0x1] =	stream.indirect_vreg.gather [hbm4b:s5+s3], $0x80, v2, vm0, $0xb8;
	[tilespmem:$0x18100] =	vst v63  }
0x4ae: {  	s30 =	simm.s32 $0x13100  }
0x4af: {  	[tilespmem:s30], [sflag:$0x1] =	stream.indirect_vreg.gather [hbm4b:s6+s3], $0x80, v2, vm0, $0xb8;
	[tilespmem:$0x18100] =	vst v63  }
0x4b0: {  	s31 =	simm.s32 $0x13900  }
0x4b1: {  	[tilespmem:s31], [sflag:$0x1] =	stream.indirect_vreg.gather [hbm4b:s7+s3], $0x80, v2, vm0, $0xb8;
	[tilespmem:$0x18100] =	vst v63  }
0x4b2: {  	s17 =	simm.s32 $0x14100  }
0x4b3: {  	[tilespmem:s17], [sflag:$0x1] =	stream.indirect_vreg.gather [hbm4b:s8+s3], $0x80, v2, vm0, $0xb8;
	[tilespmem:$0x18100] =	vst v63  }
0x4b4: {  	s19 =	simm.s32 $0x14900  }
0x4b5: {  	[tilespmem:s19], [sflag:$0x1] =	stream.indirect_vreg.gather [hbm4b:s9+s3], $0x80, v2, vm0, $0xb8;
	[tilespmem:$0x18100] =	vst v63  }
0x4b6: {  	s20 =	simm.s32 $0x15100  }
0x4b7: {  	[tilespmem:s20], [sflag:$0x1] =	stream.indirect_vreg.gather [hbm4b:s10+s3], $0x80, v2, vm0, $0xb8;
	[tilespmem:$0x18100] =	vst v63  }
0x4b8: {  	s21 =	simm.s32 $0x15900  }
0x4b9: {  	[tilespmem:s21], [sflag:$0x1] =	stream.indirect_vreg.gather [hbm4b:s11+s3], $0x80, v2, vm0, $0xb8;
	[tilespmem:$0x18100] =	vst v63  }
0x4ba: {  	s24 =	simm.s32 $0x16100  }
0x4bb: {  	[tilespmem:s24], [sflag:$0x1] =	stream.indirect_vreg.gather [hbm4b:s12+s3], $0x80, v2, vm0, $0xb8;
	[tilespmem:$0x18100] =	vst v63  }
0x4bc: {  	s25 =	simm.s32 $0x16900  }
0x4bd: {  	[tilespmem:s25], [sflag:$0x1] =	stream.indirect_vreg.gather [hbm4b:s13+s3], $0x80, v2, vm0, $0xb8;
	[tilespmem:$0x18100] =	vst v63  }
0x4be: {  	s26 =	simm.s32 $0x17100  }
0x4bf: {  	[tilespmem:s26], [sflag:$0x1] =	stream.indirect_vreg.gather [hbm4b:s14+s3], $0x80, v2, vm0, $0xb8;
	[tilespmem:$0x18100] =	vst v63  }
0x4c0: {  	s28 =	simm.s32 $0x17900  }
0x4c1: {  	[tilespmem:s28], [sflag:$0x1] =	stream.indirect_vreg.gather [hbm4b:s15+s3], $0x80, v2, vm0, $0xb8;
	[tilespmem:$0x18100] =	vst v63  }
0x4c2: {  	s0 =	sld [smem:$0x7F9];
	_ =	swait.ge [sflag:s23], $0x6000  }
0x4c3: {  	s29 =	sld [smem:$0x7FB]  }
0x4c4: {  	[sflag:s23] =	ssyncset.done $0x0  }
0x4c5: {  	s16 =	simm.s32 $0x6100;
	[sflag:s23] =	ssyncadd.s32 $0xFFFFA000  }
0x4c6: {  	[hbm4b:s29+s3] =	stream.linear.scatter [tilespmem:s16], [sflag:$0x2], $0x6000, $0x38;
	[tilespmem:$0x18100] =	vst v63  }
0x4c7: {  	_ =	swait.ge [sflag:s23], $0x6000  }
0x4c8: {  	s30 =	sld [smem:$0x7FC]  }
0x4c9: {  	[sflag:s23] =	ssyncset.done $0x0  }
0x4ca: {  	[sflag:s23] =	ssyncadd.s32 $0xFFFFA000  }
0x4cb: {  	[hbm4b:s30+s3] =	stream.linear.scatter [tilespmem:s18], [sflag:$0x2], $0x6000, $0x38;
	[tilespmem:$0x18100] =	vst v63  }
0x4cc: {  	_ =	swait.ge [sflag:s23], $0x6000  }
0x4cd: {  	s31 =	sld [smem:$0x7FD]  }
0x4ce: {  	[sflag:s23] =	ssyncset.done $0x0  }
0x4cf: {  	[sflag:s23] =	ssyncadd.s32 $0xFFFFA000  }
0x4d0: {  	[hbm4b:s31+s3] =	stream.linear.scatter [tilespmem:s4], [sflag:$0x2], $0x6000, $0x38;
	[tilespmem:$0x18100] =	vst v63  }
0x4d1: {  	_ =	swait.ge [sflag:s22], $0x6000  }
0x4d2: {  	[sflag:s22] =	ssyncset.done $0x0  }
0x4d3: {  	[sflag:s22] =	ssyncadd.s32 $0xFFFFA000  }
0x4d4: {  	_ =	swait.ge [sflag:s22], $0x6000  }
0x4d5: {  	[sflag:s22] =	ssyncset.done $0x0  }
0x4d6: {  	[sflag:s22] =	ssyncadd.s32 $0xFFFFA000  }
0x4d7: {  	p0 =	sne.s32 s0, $0x1;
	_ =	swait.ge [sflag:s22], $0x6000  }
.Ltmp0:
0x4d8: {  	[sflag:s22] =	ssyncset.done $0x0;
	(pc) =	sbr.rel @p0 .LBB2_1-.Ltmp0, $4  }
0x4d9: {  	[sflag:s22] =	ssyncadd.s32 $0xFFFFA000  }
0x4da: {  	_ =	swait.ge [sflag:s22], $0x6000  }
0x4db: {  	[sflag:s22] =	ssyncset.done $0x0  }
0x4dc: {  	s0 =	sadd.s32 $0xFFFFFFFF, s0;
	[sflag:s22] =	ssyncadd.s32 $0xFFFFA000  }
0x4dd: {  	_ =	sfence.sel $0x180000  }
0x4de: {  	[bflag:$0x0] =	sbarrier.arrive $0xFFFF  }
0x4df: {  	_ =	strace $0x9000004A  }
0x4e0: {  	s0 =	stileid.u32;
	[bflag:$0x2] =	sbarrier.arrive $0xFFFF  }
0x4e1: {  	p0 =	sne.s32 s0, $0x0;
	s0 =	rddreg [dreg:$0x2]  }
0x4e2: {  	s0 =	sadd.s32 @!p0 $0x100000, s0  }
0x4e3: {  	[sflag:s0] =	ssyncadd.tile.s32 @!p0 $0x1;
	_ =	shalt  }
.Lfunc_end2:
_tile_overlayer_lowered:
.L_overlay_start_2:
0x4e4: {  	(tag) =	ssettag $0x2  }
0x4e5: {  	s0 =	rddreg [dreg:$0x0];
	s2 =	stileid.u32  }
0x4e6: {  	s1 =	rddreg [dreg:$0x1];
	p0 =	sne.s32 s2, $0x0  }
0x4e7: {  	s3 =	rddreg [dreg:$0x2];
	[bflag:$0x3] =	sbarrier.arrive $0xFFFF;
	s2 =	simm.s32 @!p0 $0x1C03  }
0x4e8: {  	[timem:s3], [sflag:s2] =	dma.local @!p0 [hbm:s0], s1  }
0x4e9: {  	s0 =	simm.s32 @!p0 $0x3  }
0x4ea: {  	_ =	swait.ge @!p0 [sflag:s0], s1  }
0x4eb: {  	s1 =	ssub.s32 @!p0 $0x0, s1;
	[sflag:s0] =	ssyncset.done @!p0 $0x0  }
0x4ec: {  	[sflag:s0] =	ssyncadd.s32 @!p0 s1  }
0x4ed: {  	[bflag:$0x3] =	sbarrier.arrive $0xFFFF  }
0x4ee: {  	_ =	shalt  }

</sc_bundles>
